<compile_context>
chip_gen: v7x
topology: tpu7x:2x2x1
jax: 0.10.2.dev20260603
libtpu: 0.0.44.dev20260713+nightly
codegen_flags: <defaults>
</compile_context>

<pallas_src>
import functools

import jax
import jax.numpy as jnp
from jax import lax
from jax.experimental import pallas as pl
from jax.experimental.pallas import tpu as pltpu
from jax.experimental.pallas import tpu_sc as plsc

D = 64
L = 16
MAX_NORM = 1.0
EPS = 1e-7
NC = 2
NS = 16
NW = NC * NS
BLK = 128
NBUF = 2


@functools.lru_cache(maxsize=None)
def _build(NB, T):
    assert NB == NW * BLK and T % NBUF == 0 and D % L == 0

    mesh = plsc.VectorSubcoreMesh(core_axis_name="c", subcore_axis_name="s")

    @functools.partial(
        pl.kernel,
        mesh=mesh,
        compiler_params=pltpu.CompilerParams(use_tc_tiling_on_sc=False,
                                             needs_layout_passes=False),
        out_type=jax.ShapeDtypeStruct((T, D // 8, NB // BLK, 8, BLK),
                                      jnp.float32),
        scratch_types=[
            pltpu.VMEM((T, BLK), jnp.int32),
            pltpu.VMEM((NBUF, BLK, D), jnp.float32),
            pltpu.VMEM((NBUF, D, BLK + 1), jnp.float32),
            pltpu.SemaphoreType.DMA((NBUF,)),
            pltpu.SemaphoreType.DMA((NBUF,)),
        ],
    )
    def k(table_hbm, idxt_hbm, out_hbm, idx_v, gbuf, obuf, gsem, osem):
        wid = lax.axis_index("s") * NC + lax.axis_index("c")
        pltpu.sync_copy(idxt_hbm.at[:, pl.ds(wid * BLK, BLK)], idx_v)

        lanes = lax.iota(jnp.int32, L)
        perms = [lanes ^ p for p in (1, 2, 4, 8)]
        kvecs = [lanes + m * L for m in range(D // L)]

        def gather(c, b):
            return pltpu.make_async_copy(
                table_hbm.at[idx_v.at[c]], gbuf.at[b], gsem.at[b])

        def putbacks(c, b):
            return [
                pltpu.make_async_copy(
                    obuf.at[b, pl.ds(g * 8, 8), pl.ds(0, BLK)],
                    out_hbm.at[c, g, wid], osem.at[b])
                for g in range(D // 8)
            ]

        for b in range(NBUF):
            gather(b, b).start()

        @pl.loop(0, T, step=NBUF)
        def _(c0):
            for b in range(NBUF):
                c = c0 + b
                gather(c, b).wait()

                @pl.when(c0 > 0)
                def _():
                    for p in putbacks(c - NBUF, b):
                        p.wait()

                gb = gbuf.at[b]
                ob = obuf.at[b]

                @plsc.parallel_loop(0, BLK, unroll=16)
                def _(r):
                    a = [gb[r, pl.ds(m * L, L)] for m in range(D // L)]
                    n = jnp.abs(a[0]) + jnp.abs(a[1])
                    for m in range(2, D // L):
                        n = n + jnp.abs(a[m])
                    for p in perms:
                        n = n + n.at[p].get(mode="promise_in_bounds")
                    s = jnp.where(n > MAX_NORM, MAX_NORM / (n + EPS),
                                  jnp.float32(1.0))
                    rvec = jnp.full((L,), r, dtype=jnp.int32)
                    for m in range(D // L):
                        plsc.store_scatter(ob, [kvecs[m], rvec], a[m] * s)

                @pl.when(c + NBUF < T)
                def _():
                    gather(c + NBUF, b).start()

                for p in putbacks(c, b):
                    p.start()

        for b in range(NBUF):
            for p in putbacks(T - NBUF + b, b):
                p.wait()

    return k


def kernel(x, table):
    NB, T = x.shape
    out5 = _build(NB, T)(table, x.T)
    return out5.transpose(2, 4, 0, 1, 3).reshape(NB, T, D)

# --- scband reference (transcript-rebuilt; emitter-appended) ---
"""Pipeline reference for scband-linear-model-7224134992003 (READ-ONLY COPY).

The authoritative reference and input builder live on the scoring server;
editing this copy changes nothing except your own understanding.
"""

import jax, jax.numpy as jnp
import numpy as np

NUM_EMBEDDINGS = 100000
EMBED_DIM = 64
MAX_NORM = 1.0


def setup_inputs(seed: int = 0) -> dict:
    key = jax.random.key(seed)
    k1, k2 = jax.random.split(key)
    x = jax.random.randint(k1, (4096, 200), 0, NUM_EMBEDDINGS, dtype=jnp.int32)
    table = jax.random.normal(k2, (NUM_EMBEDDINGS, EMBED_DIM), dtype=jnp.float32)
    return {"x": x, "table": table}


def reference(x, table):
    # Embedding lookup (gather)
    emb = jnp.take(table, x, axis=0)
    # Faithful emulation of torch nn.Embedding(max_norm=1, norm_type=1):
    # looked-up rows with L1 norm > max_norm are rescaled to max_norm.
    norms = jnp.sum(jnp.abs(emb), axis=-1, keepdims=True)
    scale = jnp.where(norms > MAX_NORM, MAX_NORM / (norms + 1e-7), 1.0)
    return emb * scale

if __name__ == "__main__":
    import jax
    _d = setup_inputs()
    print(jax.jit(kernel)(*tuple(_d.values())))

</pallas_src>

<mosaic_0001>
#map = affine_map<(d0, d1) -> (0, 0)>
#map1 = affine_map<(d0, d1) -> (0, 0, 0, 0, 0)>
module attributes {stable_mosaic.version = 14 : i64} {
  func.func @k(%arg0: i32, %arg1: i32, %arg2: memref<100000x64xf32, #tpu.memory_space<hbm>>, %arg3: memref<200x4096xi32, #tpu.memory_space<hbm>>, %arg4: memref<200x8x32x8x128xf32, #tpu.memory_space<hbm>>, %arg5: memref<200x128xi32, #tpu.memory_space<vmem>>, %arg6: memref<2x128x64xf32, #tpu.memory_space<vmem>>, %arg7: memref<2x64x129xf32, #tpu.memory_space<vmem>>, %arg8: memref<2x!tpu.dma_semaphore, #tpu.memory_space<semaphore_mem>>, %arg9: memref<2x!tpu.dma_semaphore, #tpu.memory_space<semaphore_mem>>) attributes {dimension_semantics = [#tpu.dimension_semantics<core_parallel>, #tpu.dimension_semantics<subcore_parallel>], iteration_bounds = array<i64: 2, 16>, scalar_prefetch = 0 : i64, scratch_operands = 5 : i64, tpu.core_type = #tpu.core_type<sc_vector_subcore>, window_params = [{transform_indices = #map}, {transform_indices = #map}, {transform_indices = #map1}]} {
    %mul3A = arith.constant 2 : i32
    %mul3A_0 = arith.muli %arg1, %mul3A : i32
    %add3A = arith.addi %mul3A_0, %arg0 : i32
    %mul3A_1 = arith.constant 128 : i32
    %mul3A_2 = arith.muli %add3A, %mul3A_1 : i32
    "tpu.region"() ({
      %run_scoped3A = tpu.sem_alloc : memref<!tpu.dma_semaphore, #tpu.memory_space<semaphore_mem>>
      %dma_start3A_410 = arith.constant 0 : i32
      %dma_start3A_411 = tpu.memref_slice %arg3[%dma_start3A_410, %mul3A_2] : memref<200x4096xi32, #tpu.memory_space<hbm>> -> memref<200x128xi32, #tpu.memory_space<hbm>>
      %dma_start3A_412 = arith.constant 0 : i32
      %dma_start3A_413 = tpu.memref_slice %arg3[%dma_start3A_412, %mul3A_2] : memref<200x4096xi32, #tpu.memory_space<hbm>> -> memref<200x128xi32, #tpu.memory_space<hbm>>
      tpu.enqueue_dma source(%dma_start3A_413 : memref<200x128xi32, #tpu.memory_space<hbm>>) target(%arg5 : memref<200x128xi32, #tpu.memory_space<vmem>>) target_semaphore(%run_scoped3A : memref<!tpu.dma_semaphore, #tpu.memory_space<semaphore_mem>>)
      %dma_wait3A_414 = arith.constant 0 : i32
      %dma_wait3A_415 = tpu.memref_slice %arg3[%dma_wait3A_414, %mul3A_2] : memref<200x4096xi32, #tpu.memory_space<hbm>> -> memref<200x128xi32, #tpu.memory_space<hbm>>
      %dma_wait3A_416 = arith.constant 0 : i32
      %dma_wait3A_417 = tpu.memref_slice %arg3[%dma_wait3A_416, %mul3A_2] : memref<200x4096xi32, #tpu.memory_space<hbm>> -> memref<200x128xi32, #tpu.memory_space<hbm>>
      tpu.wait_dma2 semaphore(%run_scoped3A : memref<!tpu.dma_semaphore, #tpu.memory_space<semaphore_mem>>) src(%dma_wait3A_417 : memref<200x128xi32, #tpu.memory_space<hbm>>) dst(%arg5 : memref<200x128xi32, #tpu.memory_space<vmem>>)
      tpu.yield
    }) : () -> ()
    %iota3A = tpu.iota {dimensions = array<i32: 0>} : vector<16xi32>
    %xor3A = arith.constant 1 : i32
    %xor3A_3 = vector.broadcast %xor3A : i32 to vector<16xi32>
    %xor3A_4 = arith.xori %iota3A, %xor3A_3 : vector<16xi32>
    %xor3A_5 = arith.constant 2 : i32
    %xor3A_6 = vector.broadcast %xor3A_5 : i32 to vector<16xi32>
    %xor3A_7 = arith.xori %iota3A, %xor3A_6 : vector<16xi32>
    %xor3A_8 = arith.constant 4 : i32
    %xor3A_9 = vector.broadcast %xor3A_8 : i32 to vector<16xi32>
    %xor3A_10 = arith.xori %iota3A, %xor3A_9 : vector<16xi32>
    %xor3A_11 = arith.constant 8 : i32
    %xor3A_12 = vector.broadcast %xor3A_11 : i32 to vector<16xi32>
    %xor3A_13 = arith.xori %iota3A, %xor3A_12 : vector<16xi32>
    %add3A_14 = arith.constant 0 : i32
    %add3A_15 = vector.broadcast %add3A_14 : i32 to vector<16xi32>
    %add3A_16 = arith.addi %iota3A, %add3A_15 : vector<16xi32>
    %add3A_17 = arith.constant 16 : i32
    %add3A_18 = vector.broadcast %add3A_17 : i32 to vector<16xi32>
    %add3A_19 = arith.addi %iota3A, %add3A_18 : vector<16xi32>
    %add3A_20 = arith.constant 32 : i32
    %add3A_21 = vector.broadcast %add3A_20 : i32 to vector<16xi32>
    %add3A_22 = arith.addi %iota3A, %add3A_21 : vector<16xi32>
    %add3A_23 = arith.constant 48 : i32
    %add3A_24 = vector.broadcast %add3A_23 : i32 to vector<16xi32>
    %add3A_25 = arith.addi %iota3A, %add3A_24 : vector<16xi32>
    %dma_start3A = arith.constant 0 : i32
    %dma_start3A_26 = arith.constant 0 : i32
    %dma_start3A_27 = arith.constant 0 : i32
    %dma_start3A_28 = arith.constant 0 : i32
    %dma_start3A_29 = arith.constant 0 : i32
    %dma_start3A_30 = tpu.memref_slice %arg6[%dma_start3A_26, %dma_start3A_28, %dma_start3A_29] : memref<2x128x64xf32, #tpu.memory_space<vmem>> -> memref<1x128x64xf32, #tpu.memory_space<vmem>>
    %dma_start3A_31 = tpu.memref_squeeze %dma_start3A_30 : memref<1x128x64xf32, #tpu.memory_space<vmem>> -> memref<128x64xf32, #tpu.memory_space<vmem>>
    %dma_start3A_32 = arith.constant 0 : i32
    %dma_start3A_33 = tpu.memref_slice %arg5[%dma_start3A, %dma_start3A_32] : memref<200x128xi32, #tpu.memory_space<vmem>> -> memref<1x128xi32, #tpu.memory_space<vmem>>
    %dma_start3A_34 = tpu.memref_squeeze %dma_start3A_33 : memref<1x128xi32, #tpu.memory_space<vmem>> -> memref<128xi32, #tpu.memory_space<vmem>>
    %dma_start3A_35 = arith.constant 0 : i32
    %dma_start3A_36 = arith.constant 0 : i32
    %dma_start3A_37 = tpu.memref_slice %arg2[%dma_start3A_35, %dma_start3A_36] : memref<100000x64xf32, #tpu.memory_space<hbm>> -> memref<100000x64xf32, #tpu.memory_space<hbm>>
    %dma_start3A_38 = tpu.memref_slice %arg8[%dma_start3A_27] : memref<2x!tpu.dma_semaphore, #tpu.memory_space<semaphore_mem>> -> memref<1x!tpu.dma_semaphore, #tpu.memory_space<semaphore_mem>>
    %dma_start3A_39 = tpu.memref_squeeze %dma_start3A_38 : memref<1x!tpu.dma_semaphore, #tpu.memory_space<semaphore_mem>> -> memref<!tpu.dma_semaphore, #tpu.memory_space<semaphore_mem>>
    tpu.enqueue_indirect_dma source(%dma_start3A_37 : memref<100000x64xf32, #tpu.memory_space<hbm>>) target(%dma_start3A_31 : memref<128x64xf32, #tpu.memory_space<vmem>>) offsets(%dma_start3A_34 : memref<128xi32, #tpu.memory_space<vmem>>) semaphore(%dma_start3A_39 : memref<!tpu.dma_semaphore, #tpu.memory_space<semaphore_mem>>)
    %dma_start3A_40 = arith.constant 1 : i32
    %dma_start3A_41 = arith.constant 1 : i32
    %dma_start3A_42 = arith.constant 1 : i32
    %dma_start3A_43 = arith.constant 0 : i32
    %dma_start3A_44 = arith.constant 0 : i32
    %dma_start3A_45 = tpu.memref_slice %arg6[%dma_start3A_41, %dma_start3A_43, %dma_start3A_44] : memref<2x128x64xf32, #tpu.memory_space<vmem>> -> memref<1x128x64xf32, #tpu.memory_space<vmem>>
    %dma_start3A_46 = tpu.memref_squeeze %dma_start3A_45 : memref<1x128x64xf32, #tpu.memory_space<vmem>> -> memref<128x64xf32, #tpu.memory_space<vmem>>
    %dma_start3A_47 = arith.constant 0 : i32
    %dma_start3A_48 = tpu.memref_slice %arg5[%dma_start3A_40, %dma_start3A_47] : memref<200x128xi32, #tpu.memory_space<vmem>> -> memref<1x128xi32, #tpu.memory_space<vmem>>
    %dma_start3A_49 = tpu.memref_squeeze %dma_start3A_48 : memref<1x128xi32, #tpu.memory_space<vmem>> -> memref<128xi32, #tpu.memory_space<vmem>>
    %dma_start3A_50 = arith.constant 0 : i32
    %dma_start3A_51 = arith.constant 0 : i32
    %dma_start3A_52 = tpu.memref_slice %arg2[%dma_start3A_50, %dma_start3A_51] : memref<100000x64xf32, #tpu.memory_space<hbm>> -> memref<100000x64xf32, #tpu.memory_space<hbm>>
    %dma_start3A_53 = tpu.memref_slice %arg8[%dma_start3A_42] : memref<2x!tpu.dma_semaphore, #tpu.memory_space<semaphore_mem>> -> memref<1x!tpu.dma_semaphore, #tpu.memory_space<semaphore_mem>>
    %dma_start3A_54 = tpu.memref_squeeze %dma_start3A_53 : memref<1x!tpu.dma_semaphore, #tpu.memory_space<semaphore_mem>> -> memref<!tpu.dma_semaphore, #tpu.memory_space<semaphore_mem>>
    tpu.enqueue_indirect_dma source(%dma_start3A_52 : memref<100000x64xf32, #tpu.memory_space<hbm>>) target(%dma_start3A_46 : memref<128x64xf32, #tpu.memory_space<vmem>>) offsets(%dma_start3A_49 : memref<128xi32, #tpu.memory_space<vmem>>) semaphore(%dma_start3A_54 : memref<!tpu.dma_semaphore, #tpu.memory_space<semaphore_mem>>)
    %scan3A = arith.constant 0 : i32
    %scan3A_55 = arith.constant 100 : i32
    %scan3A_56 = arith.addi %scan3A, %scan3A_55 : i32
    %scan3A_57 = arith.constant 1 : i32
    scf.for %scan3A_410 = %scan3A to %scan3A_56 step %scan3A_57  : i32 {
      %mul3A_411 = arith.constant 2 : i32
      %mul3A_412 = arith.muli %scan3A_410, %mul3A_411 : i32
      %add3A_413 = arith.constant 0 : i32
      %add3A_414 = arith.addi %add3A_413, %mul3A_412 : i32
      %add3A_415 = arith.constant 0 : i32
      %add3A_416 = arith.addi %add3A_414, %add3A_415 : i32
      %dma_wait3A_417 = arith.constant 0 : i32
      %dma_wait3A_418 = arith.constant 0 : i32
      %dma_wait3A_419 = arith.constant 0 : i32
      %dma_wait3A_420 = arith.constant 0 : i32
      %dma_wait3A_421 = tpu.memref_slice %arg6[%dma_wait3A_417, %dma_wait3A_419, %dma_wait3A_420] : memref<2x128x64xf32, #tpu.memory_space<vmem>> -> memref<1x128x64xf32, #tpu.memory_space<vmem>>
      %dma_wait3A_422 = tpu.memref_squeeze %dma_wait3A_421 : memref<1x128x64xf32, #tpu.memory_space<vmem>> -> memref<128x64xf32, #tpu.memory_space<vmem>>
      %dma_wait3A_423 = arith.constant 0 : i32
      %dma_wait3A_424 = tpu.memref_slice %arg5[%add3A_416, %dma_wait3A_423] : memref<200x128xi32, #tpu.memory_space<vmem>> -> memref<1x128xi32, #tpu.memory_space<vmem>>
      %dma_wait3A_425 = tpu.memref_squeeze %dma_wait3A_424 : memref<1x128xi32, #tpu.memory_space<vmem>> -> memref<128xi32, #tpu.memory_space<vmem>>
      %dma_wait3A_426 = arith.constant 0 : i32
      %dma_wait3A_427 = arith.constant 0 : i32
      %dma_wait3A_428 = tpu.memref_slice %arg2[%dma_wait3A_426, %dma_wait3A_427] : memref<100000x64xf32, #tpu.memory_space<hbm>> -> memref<100000x64xf32, #tpu.memory_space<hbm>>
      %dma_wait3A_429 = tpu.memref_slice %arg8[%dma_wait3A_418] : memref<2x!tpu.dma_semaphore, #tpu.memory_space<semaphore_mem>> -> memref<1x!tpu.dma_semaphore, #tpu.memory_space<semaphore_mem>>
      %dma_wait3A_430 = tpu.memref_squeeze %dma_wait3A_429 : memref<1x!tpu.dma_semaphore, #tpu.memory_space<semaphore_mem>> -> memref<!tpu.dma_semaphore, #tpu.memory_space<semaphore_mem>>
      tpu.wait_indirect_dma semaphore(%dma_wait3A_430 : memref<!tpu.dma_semaphore, #tpu.memory_space<semaphore_mem>>) src(%dma_wait3A_428 : memref<100000x64xf32, #tpu.memory_space<hbm>>) dst(%dma_wait3A_422 : memref<128x64xf32, #tpu.memory_space<vmem>>)
      %gt3A = arith.constant 0 : i32
      %gt3A_431 = arith.cmpi sgt, %add3A_414, %gt3A : i32
      %convert_element_type3A = arith.extui %gt3A_431 : i1 to i32
      %cond3A = arith.constant 0 : i32
      %cond3A_432 = arith.cmpi ne, %convert_element_type3A, %cond3A : i32
      scf.if %cond3A_432 {
        %sub3A = arith.constant 2 : i32
        %sub3A_812 = arith.subi %add3A_416, %sub3A : i32
        %dma_wait3A_813 = arith.constant 0 : i32
        %dma_wait3A_814 = arith.constant 0 : i32
        %dma_wait3A_815 = arith.constant 0 : i32
        %dma_wait3A_816 = arith.constant 0 : i32
        %dma_wait3A_817 = arith.constant 0 : i32
        %dma_wait3A_818 = tpu.memref_slice %arg7[%dma_wait3A_813, %dma_wait3A_816, %dma_wait3A_817] : memref<2x64x129xf32, #tpu.memory_space<vmem>> -> memref<1x8x128xf32, #tpu.memory_space<vmem>>
        %dma_wait3A_819 = tpu.memref_squeeze %dma_wait3A_818 : memref<1x8x128xf32, #tpu.memory_space<vmem>> -> memref<8x128xf32, #tpu.memory_space<vmem>>
        %dma_wait3A_820 = arith.constant 0 : i32
        %dma_wait3A_821 = arith.constant 0 : i32
        %dma_wait3A_822 = tpu.memref_slice %arg4[%sub3A_812, %dma_wait3A_814, %add3A, %dma_wait3A_820, %dma_wait3A_821] : memref<200x8x32x8x128xf32, #tpu.memory_space<hbm>> -> memref<1x1x1x8x128xf32, #tpu.memory_space<hbm>>
        %dma_wait3A_823 = tpu.memref_squeeze %dma_wait3A_822 : memref<1x1x1x8x128xf32, #tpu.memory_space<hbm>> -> memref<8x128xf32, #tpu.memory_space<hbm>>
        %dma_wait3A_824 = tpu.memref_slice %arg9[%dma_wait3A_815] : memref<2x!tpu.dma_semaphore, #tpu.memory_space<semaphore_mem>> -> memref<1x!tpu.dma_semaphore, #tpu.memory_space<semaphore_mem>>
        %dma_wait3A_825 = tpu.memref_squeeze %dma_wait3A_824 : memref<1x!tpu.dma_semaphore, #tpu.memory_space<semaphore_mem>> -> memref<!tpu.dma_semaphore, #tpu.memory_space<semaphore_mem>>
        %dma_wait3A_826 = arith.constant 0 : i32
        %dma_wait3A_827 = arith.constant 0 : i32
        %dma_wait3A_828 = tpu.memref_slice %arg4[%sub3A_812, %dma_wait3A_814, %add3A, %dma_wait3A_826, %dma_wait3A_827] : memref<200x8x32x8x128xf32, #tpu.memory_space<hbm>> -> memref<1x1x1x8x128xf32, #tpu.memory_space<hbm>>
        %dma_wait3A_829 = tpu.memref_squeeze %dma_wait3A_828 : memref<1x1x1x8x128xf32, #tpu.memory_space<hbm>> -> memref<8x128xf32, #tpu.memory_space<hbm>>
        %dma_wait3A_830 = arith.constant 0 : i32
        %dma_wait3A_831 = arith.constant 0 : i32
        %dma_wait3A_832 = tpu.memref_slice %arg7[%dma_wait3A_813, %dma_wait3A_830, %dma_wait3A_831] : memref<2x64x129xf32, #tpu.memory_space<vmem>> -> memref<1x8x128xf32, #tpu.memory_space<vmem>>
        %dma_wait3A_833 = tpu.memref_squeeze %dma_wait3A_832 : memref<1x8x128xf32, #tpu.memory_space<vmem>> -> memref<8x128xf32, #tpu.memory_space<vmem>>
        tpu.wait_dma2 semaphore(%dma_wait3A_825 : memref<!tpu.dma_semaphore, #tpu.memory_space<semaphore_mem>>) src(%dma_wait3A_833 : memref<8x128xf32, #tpu.memory_space<vmem>>) dst(%dma_wait3A_829 : memref<8x128xf32, #tpu.memory_space<hbm>>)
        %dma_wait3A_834 = arith.constant 0 : i32
        %dma_wait3A_835 = arith.constant 1 : i32
        %dma_wait3A_836 = arith.constant 0 : i32
        %dma_wait3A_837 = arith.constant 8 : i32
        %dma_wait3A_838 = arith.constant 0 : i32
        %dma_wait3A_839 = tpu.memref_slice %arg7[%dma_wait3A_834, %dma_wait3A_837, %dma_wait3A_838] : memref<2x64x129xf32, #tpu.memory_space<vmem>> -> memref<1x8x128xf32, #tpu.memory_space<vmem>>
        %dma_wait3A_840 = tpu.memref_squeeze %dma_wait3A_839 : memref<1x8x128xf32, #tpu.memory_space<vmem>> -> memref<8x128xf32, #tpu.memory_space<vmem>>
        %dma_wait3A_841 = arith.constant 0 : i32
        %dma_wait3A_842 = arith.constant 0 : i32
        %dma_wait3A_843 = tpu.memref_slice %arg4[%sub3A_812, %dma_wait3A_835, %add3A, %dma_wait3A_841, %dma_wait3A_842] : memref<200x8x32x8x128xf32, #tpu.memory_space<hbm>> -> memref<1x1x1x8x128xf32, #tpu.memory_space<hbm>>
        %dma_wait3A_844 = tpu.memref_squeeze %dma_wait3A_843 : memref<1x1x1x8x128xf32, #tpu.memory_space<hbm>> -> memref<8x128xf32, #tpu.memory_space<hbm>>
        %dma_wait3A_845 = tpu.memref_slice %arg9[%dma_wait3A_836] : memref<2x!tpu.dma_semaphore, #tpu.memory_space<semaphore_mem>> -> memref<1x!tpu.dma_semaphore, #tpu.memory_space<semaphore_mem>>
        %dma_wait3A_846 = tpu.memref_squeeze %dma_wait3A_845 : memref<1x!tpu.dma_semaphore, #tpu.memory_space<semaphore_mem>> -> memref<!tpu.dma_semaphore, #tpu.memory_space<semaphore_mem>>
        %dma_wait3A_847 = arith.constant 0 : i32
        %dma_wait3A_848 = arith.constant 0 : i32
        %dma_wait3A_849 = tpu.memref_slice %arg4[%sub3A_812, %dma_wait3A_835, %add3A, %dma_wait3A_847, %dma_wait3A_848] : memref<200x8x32x8x128xf32, #tpu.memory_space<hbm>> -> memref<1x1x1x8x128xf32, #tpu.memory_space<hbm>>
        %dma_wait3A_850 = tpu.memref_squeeze %dma_wait3A_849 : memref<1x1x1x8x128xf32, #tpu.memory_space<hbm>> -> memref<8x128xf32, #tpu.memory_space<hbm>>
        %dma_wait3A_851 = arith.constant 8 : i32
        %dma_wait3A_852 = arith.constant 0 : i32
        %dma_wait3A_853 = tpu.memref_slice %arg7[%dma_wait3A_834, %dma_wait3A_851, %dma_wait3A_852] : memref<2x64x129xf32, #tpu.memory_space<vmem>> -> memref<1x8x128xf32, #tpu.memory_space<vmem>>
        %dma_wait3A_854 = tpu.memref_squeeze %dma_wait3A_853 : memref<1x8x128xf32, #tpu.memory_space<vmem>> -> memref<8x128xf32, #tpu.memory_space<vmem>>
        tpu.wait_dma2 semaphore(%dma_wait3A_846 : memref<!tpu.dma_semaphore, #tpu.memory_space<semaphore_mem>>) src(%dma_wait3A_854 : memref<8x128xf32, #tpu.memory_space<vmem>>) dst(%dma_wait3A_850 : memref<8x128xf32, #tpu.memory_space<hbm>>)
        %dma_wait3A_855 = arith.constant 0 : i32
        %dma_wait3A_856 = arith.constant 2 : i32
        %dma_wait3A_857 = arith.constant 0 : i32
        %dma_wait3A_858 = arith.constant 16 : i32
        %dma_wait3A_859 = arith.constant 0 : i32
        %dma_wait3A_860 = tpu.memref_slice %arg7[%dma_wait3A_855, %dma_wait3A_858, %dma_wait3A_859] : memref<2x64x129xf32, #tpu.memory_space<vmem>> -> memref<1x8x128xf32, #tpu.memory_space<vmem>>
        %dma_wait3A_861 = tpu.memref_squeeze %dma_wait3A_860 : memref<1x8x128xf32, #tpu.memory_space<vmem>> -> memref<8x128xf32, #tpu.memory_space<vmem>>
        %dma_wait3A_862 = arith.constant 0 : i32
        %dma_wait3A_863 = arith.constant 0 : i32
        %dma_wait3A_864 = tpu.memref_slice %arg4[%sub3A_812, %dma_wait3A_856, %add3A, %dma_wait3A_862, %dma_wait3A_863] : memref<200x8x32x8x128xf32, #tpu.memory_space<hbm>> -> memref<1x1x1x8x128xf32, #tpu.memory_space<hbm>>
        %dma_wait3A_865 = tpu.memref_squeeze %dma_wait3A_864 : memref<1x1x1x8x128xf32, #tpu.memory_space<hbm>> -> memref<8x128xf32, #tpu.memory_space<hbm>>
        %dma_wait3A_866 = tpu.memref_slice %arg9[%dma_wait3A_857] : memref<2x!tpu.dma_semaphore, #tpu.memory_space<semaphore_mem>> -> memref<1x!tpu.dma_semaphore, #tpu.memory_space<semaphore_mem>>
        %dma_wait3A_867 = tpu.memref_squeeze %dma_wait3A_866 : memref<1x!tpu.dma_semaphore, #tpu.memory_space<semaphore_mem>> -> memref<!tpu.dma_semaphore, #tpu.memory_space<semaphore_mem>>
        %dma_wait3A_868 = arith.constant 0 : i32
        %dma_wait3A_869 = arith.constant 0 : i32
        %dma_wait3A_870 = tpu.memref_slice %arg4[%sub3A_812, %dma_wait3A_856, %add3A, %dma_wait3A_868, %dma_wait3A_869] : memref<200x8x32x8x128xf32, #tpu.memory_space<hbm>> -> memref<1x1x1x8x128xf32, #tpu.memory_space<hbm>>
        %dma_wait3A_871 = tpu.memref_squeeze %dma_wait3A_870 : memref<1x1x1x8x128xf32, #tpu.memory_space<hbm>> -> memref<8x128xf32, #tpu.memory_space<hbm>>
        %dma_wait3A_872 = arith.constant 16 : i32
        %dma_wait3A_873 = arith.constant 0 : i32
        %dma_wait3A_874 = tpu.memref_slice %arg7[%dma_wait3A_855, %dma_wait3A_872, %dma_wait3A_873] : memref<2x64x129xf32, #tpu.memory_space<vmem>> -> memref<1x8x128xf32, #tpu.memory_space<vmem>>
        %dma_wait3A_875 = tpu.memref_squeeze %dma_wait3A_874 : memref<1x8x128xf32, #tpu.memory_space<vmem>> -> memref<8x128xf32, #tpu.memory_space<vmem>>
        tpu.wait_dma2 semaphore(%dma_wait3A_867 : memref<!tpu.dma_semaphore, #tpu.memory_space<semaphore_mem>>) src(%dma_wait3A_875 : memref<8x128xf32, #tpu.memory_space<vmem>>) dst(%dma_wait3A_871 : memref<8x128xf32, #tpu.memory_space<hbm>>)
        %dma_wait3A_876 = arith.constant 0 : i32
        %dma_wait3A_877 = arith.constant 3 : i32
        %dma_wait3A_878 = arith.constant 0 : i32
        %dma_wait3A_879 = arith.constant 24 : i32
        %dma_wait3A_880 = arith.constant 0 : i32
        %dma_wait3A_881 = tpu.memref_slice %arg7[%dma_wait3A_876, %dma_wait3A_879, %dma_wait3A_880] : memref<2x64x129xf32, #tpu.memory_space<vmem>> -> memref<1x8x128xf32, #tpu.memory_space<vmem>>
        %dma_wait3A_882 = tpu.memref_squeeze %dma_wait3A_881 : memref<1x8x128xf32, #tpu.memory_space<vmem>> -> memref<8x128xf32, #tpu.memory_space<vmem>>
        %dma_wait3A_883 = arith.constant 0 : i32
        %dma_wait3A_884 = arith.constant 0 : i32
        %dma_wait3A_885 = tpu.memref_slice %arg4[%sub3A_812, %dma_wait3A_877, %add3A, %dma_wait3A_883, %dma_wait3A_884] : memref<200x8x32x8x128xf32, #tpu.memory_space<hbm>> -> memref<1x1x1x8x128xf32, #tpu.memory_space<hbm>>
        %dma_wait3A_886 = tpu.memref_squeeze %dma_wait3A_885 : memref<1x1x1x8x128xf32, #tpu.memory_space<hbm>> -> memref<8x128xf32, #tpu.memory_space<hbm>>
        %dma_wait3A_887 = tpu.memref_slice %arg9[%dma_wait3A_878] : memref<2x!tpu.dma_semaphore, #tpu.memory_space<semaphore_mem>> -> memref<1x!tpu.dma_semaphore, #tpu.memory_space<semaphore_mem>>
        %dma_wait3A_888 = tpu.memref_squeeze %dma_wait3A_887 : memref<1x!tpu.dma_semaphore, #tpu.memory_space<semaphore_mem>> -> memref<!tpu.dma_semaphore, #tpu.memory_space<semaphore_mem>>
        %dma_wait3A_889 = arith.constant 0 : i32
        %dma_wait3A_890 = arith.constant 0 : i32
        %dma_wait3A_891 = tpu.memref_slice %arg4[%sub3A_812, %dma_wait3A_877, %add3A, %dma_wait3A_889, %dma_wait3A_890] : memref<200x8x32x8x128xf32, #tpu.memory_space<hbm>> -> memref<1x1x1x8x128xf32, #tpu.memory_space<hbm>>
        %dma_wait3A_892 = tpu.memref_squeeze %dma_wait3A_891 : memref<1x1x1x8x128xf32, #tpu.memory_space<hbm>> -> memref<8x128xf32, #tpu.memory_space<hbm>>
        %dma_wait3A_893 = arith.constant 24 : i32
        %dma_wait3A_894 = arith.constant 0 : i32
        %dma_wait3A_895 = tpu.memref_slice %arg7[%dma_wait3A_876, %dma_wait3A_893, %dma_wait3A_894] : memref<2x64x129xf32, #tpu.memory_space<vmem>> -> memref<1x8x128xf32, #tpu.memory_space<vmem>>
        %dma_wait3A_896 = tpu.memref_squeeze %dma_wait3A_895 : memref<1x8x128xf32, #tpu.memory_space<vmem>> -> memref<8x128xf32, #tpu.memory_space<vmem>>
        tpu.wait_dma2 semaphore(%dma_wait3A_888 : memref<!tpu.dma_semaphore, #tpu.memory_space<semaphore_mem>>) src(%dma_wait3A_896 : memref<8x128xf32, #tpu.memory_space<vmem>>) dst(%dma_wait3A_892 : memref<8x128xf32, #tpu.memory_space<hbm>>)
        %dma_wait3A_897 = arith.constant 0 : i32
        %dma_wait3A_898 = arith.constant 4 : i32
        %dma_wait3A_899 = arith.constant 0 : i32
        %dma_wait3A_900 = arith.constant 32 : i32
        %dma_wait3A_901 = arith.constant 0 : i32
        %dma_wait3A_902 = tpu.memref_slice %arg7[%dma_wait3A_897, %dma_wait3A_900, %dma_wait3A_901] : memref<2x64x129xf32, #tpu.memory_space<vmem>> -> memref<1x8x128xf32, #tpu.memory_space<vmem>>
        %dma_wait3A_903 = tpu.memref_squeeze %dma_wait3A_902 : memref<1x8x128xf32, #tpu.memory_space<vmem>> -> memref<8x128xf32, #tpu.memory_space<vmem>>
        %dma_wait3A_904 = arith.constant 0 : i32
        %dma_wait3A_905 = arith.constant 0 : i32
        %dma_wait3A_906 = tpu.memref_slice %arg4[%sub3A_812, %dma_wait3A_898, %add3A, %dma_wait3A_904, %dma_wait3A_905] : memref<200x8x32x8x128xf32, #tpu.memory_space<hbm>> -> memref<1x1x1x8x128xf32, #tpu.memory_space<hbm>>
        %dma_wait3A_907 = tpu.memref_squeeze %dma_wait3A_906 : memref<1x1x1x8x128xf32, #tpu.memory_space<hbm>> -> memref<8x128xf32, #tpu.memory_space<hbm>>
        %dma_wait3A_908 = tpu.memref_slice %arg9[%dma_wait3A_899] : memref<2x!tpu.dma_semaphore, #tpu.memory_space<semaphore_mem>> -> memref<1x!tpu.dma_semaphore, #tpu.memory_space<semaphore_mem>>
        %dma_wait3A_909 = tpu.memref_squeeze %dma_wait3A_908 : memref<1x!tpu.dma_semaphore, #tpu.memory_space<semaphore_mem>> -> memref<!tpu.dma_semaphore, #tpu.memory_space<semaphore_mem>>
        %dma_wait3A_910 = arith.constant 0 : i32
        %dma_wait3A_911 = arith.constant 0 : i32
        %dma_wait3A_912 = tpu.memref_slice %arg4[%sub3A_812, %dma_wait3A_898, %add3A, %dma_wait3A_910, %dma_wait3A_911] : memref<200x8x32x8x128xf32, #tpu.memory_space<hbm>> -> memref<1x1x1x8x128xf32, #tpu.memory_space<hbm>>
        %dma_wait3A_913 = tpu.memref_squeeze %dma_wait3A_912 : memref<1x1x1x8x128xf32, #tpu.memory_space<hbm>> -> memref<8x128xf32, #tpu.memory_space<hbm>>
        %dma_wait3A_914 = arith.constant 32 : i32
        %dma_wait3A_915 = arith.constant 0 : i32
        %dma_wait3A_916 = tpu.memref_slice %arg7[%dma_wait3A_897, %dma_wait3A_914, %dma_wait3A_915] : memref<2x64x129xf32, #tpu.memory_space<vmem>> -> memref<1x8x128xf32, #tpu.memory_space<vmem>>
        %dma_wait3A_917 = tpu.memref_squeeze %dma_wait3A_916 : memref<1x8x128xf32, #tpu.memory_space<vmem>> -> memref<8x128xf32, #tpu.memory_space<vmem>>
        tpu.wait_dma2 semaphore(%dma_wait3A_909 : memref<!tpu.dma_semaphore, #tpu.memory_space<semaphore_mem>>) src(%dma_wait3A_917 : memref<8x128xf32, #tpu.memory_space<vmem>>) dst(%dma_wait3A_913 : memref<8x128xf32, #tpu.memory_space<hbm>>)
        %dma_wait3A_918 = arith.constant 0 : i32
        %dma_wait3A_919 = arith.constant 5 : i32
        %dma_wait3A_920 = arith.constant 0 : i32
        %dma_wait3A_921 = arith.constant 40 : i32
        %dma_wait3A_922 = arith.constant 0 : i32
        %dma_wait3A_923 = tpu.memref_slice %arg7[%dma_wait3A_918, %dma_wait3A_921, %dma_wait3A_922] : memref<2x64x129xf32, #tpu.memory_space<vmem>> -> memref<1x8x128xf32, #tpu.memory_space<vmem>>
        %dma_wait3A_924 = tpu.memref_squeeze %dma_wait3A_923 : memref<1x8x128xf32, #tpu.memory_space<vmem>> -> memref<8x128xf32, #tpu.memory_space<vmem>>
        %dma_wait3A_925 = arith.constant 0 : i32
        %dma_wait3A_926 = arith.constant 0 : i32
        %dma_wait3A_927 = tpu.memref_slice %arg4[%sub3A_812, %dma_wait3A_919, %add3A, %dma_wait3A_925, %dma_wait3A_926] : memref<200x8x32x8x128xf32, #tpu.memory_space<hbm>> -> memref<1x1x1x8x128xf32, #tpu.memory_space<hbm>>
        %dma_wait3A_928 = tpu.memref_squeeze %dma_wait3A_927 : memref<1x1x1x8x128xf32, #tpu.memory_space<hbm>> -> memref<8x128xf32, #tpu.memory_space<hbm>>
        %dma_wait3A_929 = tpu.memref_slice %arg9[%dma_wait3A_920] : memref<2x!tpu.dma_semaphore, #tpu.memory_space<semaphore_mem>> -> memref<1x!tpu.dma_semaphore, #tpu.memory_space<semaphore_mem>>
        %dma_wait3A_930 = tpu.memref_squeeze %dma_wait3A_929 : memref<1x!tpu.dma_semaphore, #tpu.memory_space<semaphore_mem>> -> memref<!tpu.dma_semaphore, #tpu.memory_space<semaphore_mem>>
        %dma_wait3A_931 = arith.constant 0 : i32
        %dma_wait3A_932 = arith.constant 0 : i32
        %dma_wait3A_933 = tpu.memref_slice %arg4[%sub3A_812, %dma_wait3A_919, %add3A, %dma_wait3A_931, %dma_wait3A_932] : memref<200x8x32x8x128xf32, #tpu.memory_space<hbm>> -> memref<1x1x1x8x128xf32, #tpu.memory_space<hbm>>
        %dma_wait3A_934 = tpu.memref_squeeze %dma_wait3A_933 : memref<1x1x1x8x128xf32, #tpu.memory_space<hbm>> -> memref<8x128xf32, #tpu.memory_space<hbm>>
        %dma_wait3A_935 = arith.constant 40 : i32
        %dma_wait3A_936 = arith.constant 0 : i32
        %dma_wait3A_937 = tpu.memref_slice %arg7[%dma_wait3A_918, %dma_wait3A_935, %dma_wait3A_936] : memref<2x64x129xf32, #tpu.memory_space<vmem>> -> memref<1x8x128xf32, #tpu.memory_space<vmem>>
        %dma_wait3A_938 = tpu.memref_squeeze %dma_wait3A_937 : memref<1x8x128xf32, #tpu.memory_space<vmem>> -> memref<8x128xf32, #tpu.memory_space<vmem>>
        tpu.wait_dma2 semaphore(%dma_wait3A_930 : memref<!tpu.dma_semaphore, #tpu.memory_space<semaphore_mem>>) src(%dma_wait3A_938 : memref<8x128xf32, #tpu.memory_space<vmem>>) dst(%dma_wait3A_934 : memref<8x128xf32, #tpu.memory_space<hbm>>)
        %dma_wait3A_939 = arith.constant 0 : i32
        %dma_wait3A_940 = arith.constant 6 : i32
        %dma_wait3A_941 = arith.constant 0 : i32
        %dma_wait3A_942 = arith.constant 48 : i32
        %dma_wait3A_943 = arith.constant 0 : i32
        %dma_wait3A_944 = tpu.memref_slice %arg7[%dma_wait3A_939, %dma_wait3A_942, %dma_wait3A_943] : memref<2x64x129xf32, #tpu.memory_space<vmem>> -> memref<1x8x128xf32, #tpu.memory_space<vmem>>
        %dma_wait3A_945 = tpu.memref_squeeze %dma_wait3A_944 : memref<1x8x128xf32, #tpu.memory_space<vmem>> -> memref<8x128xf32, #tpu.memory_space<vmem>>
        %dma_wait3A_946 = arith.constant 0 : i32
        %dma_wait3A_947 = arith.constant 0 : i32
        %dma_wait3A_948 = tpu.memref_slice %arg4[%sub3A_812, %dma_wait3A_940, %add3A, %dma_wait3A_946, %dma_wait3A_947] : memref<200x8x32x8x128xf32, #tpu.memory_space<hbm>> -> memref<1x1x1x8x128xf32, #tpu.memory_space<hbm>>
        %dma_wait3A_949 = tpu.memref_squeeze %dma_wait3A_948 : memref<1x1x1x8x128xf32, #tpu.memory_space<hbm>> -> memref<8x128xf32, #tpu.memory_space<hbm>>
        %dma_wait3A_950 = tpu.memref_slice %arg9[%dma_wait3A_941] : memref<2x!tpu.dma_semaphore, #tpu.memory_space<semaphore_mem>> -> memref<1x!tpu.dma_semaphore, #tpu.memory_space<semaphore_mem>>
        %dma_wait3A_951 = tpu.memref_squeeze %dma_wait3A_950 : memref<1x!tpu.dma_semaphore, #tpu.memory_space<semaphore_mem>> -> memref<!tpu.dma_semaphore, #tpu.memory_space<semaphore_mem>>
        %dma_wait3A_952 = arith.constant 0 : i32
        %dma_wait3A_953 = arith.constant 0 : i32
        %dma_wait3A_954 = tpu.memref_slice %arg4[%sub3A_812, %dma_wait3A_940, %add3A, %dma_wait3A_952, %dma_wait3A_953] : memref<200x8x32x8x128xf32, #tpu.memory_space<hbm>> -> memref<1x1x1x8x128xf32, #tpu.memory_space<hbm>>
        %dma_wait3A_955 = tpu.memref_squeeze %dma_wait3A_954 : memref<1x1x1x8x128xf32, #tpu.memory_space<hbm>> -> memref<8x128xf32, #tpu.memory_space<hbm>>
        %dma_wait3A_956 = arith.constant 48 : i32
        %dma_wait3A_957 = arith.constant 0 : i32
        %dma_wait3A_958 = tpu.memref_slice %arg7[%dma_wait3A_939, %dma_wait3A_956, %dma_wait3A_957] : memref<2x64x129xf32, #tpu.memory_space<vmem>> -> memref<1x8x128xf32, #tpu.memory_space<vmem>>
        %dma_wait3A_959 = tpu.memref_squeeze %dma_wait3A_958 : memref<1x8x128xf32, #tpu.memory_space<vmem>> -> memref<8x128xf32, #tpu.memory_space<vmem>>
        tpu.wait_dma2 semaphore(%dma_wait3A_951 : memref<!tpu.dma_semaphore, #tpu.memory_space<semaphore_mem>>) src(%dma_wait3A_959 : memref<8x128xf32, #tpu.memory_space<vmem>>) dst(%dma_wait3A_955 : memref<8x128xf32, #tpu.memory_space<hbm>>)
        %dma_wait3A_960 = arith.constant 0 : i32
        %dma_wait3A_961 = arith.constant 7 : i32
        %dma_wait3A_962 = arith.constant 0 : i32
        %dma_wait3A_963 = arith.constant 56 : i32
        %dma_wait3A_964 = arith.constant 0 : i32
        %dma_wait3A_965 = tpu.memref_slice %arg7[%dma_wait3A_960, %dma_wait3A_963, %dma_wait3A_964] : memref<2x64x129xf32, #tpu.memory_space<vmem>> -> memref<1x8x128xf32, #tpu.memory_space<vmem>>
        %dma_wait3A_966 = tpu.memref_squeeze %dma_wait3A_965 : memref<1x8x128xf32, #tpu.memory_space<vmem>> -> memref<8x128xf32, #tpu.memory_space<vmem>>
        %dma_wait3A_967 = arith.constant 0 : i32
        %dma_wait3A_968 = arith.constant 0 : i32
        %dma_wait3A_969 = tpu.memref_slice %arg4[%sub3A_812, %dma_wait3A_961, %add3A, %dma_wait3A_967, %dma_wait3A_968] : memref<200x8x32x8x128xf32, #tpu.memory_space<hbm>> -> memref<1x1x1x8x128xf32, #tpu.memory_space<hbm>>
        %dma_wait3A_970 = tpu.memref_squeeze %dma_wait3A_969 : memref<1x1x1x8x128xf32, #tpu.memory_space<hbm>> -> memref<8x128xf32, #tpu.memory_space<hbm>>
        %dma_wait3A_971 = tpu.memref_slice %arg9[%dma_wait3A_962] : memref<2x!tpu.dma_semaphore, #tpu.memory_space<semaphore_mem>> -> memref<1x!tpu.dma_semaphore, #tpu.memory_space<semaphore_mem>>
        %dma_wait3A_972 = tpu.memref_squeeze %dma_wait3A_971 : memref<1x!tpu.dma_semaphore, #tpu.memory_space<semaphore_mem>> -> memref<!tpu.dma_semaphore, #tpu.memory_space<semaphore_mem>>
        %dma_wait3A_973 = arith.constant 0 : i32
        %dma_wait3A_974 = arith.constant 0 : i32
        %dma_wait3A_975 = tpu.memref_slice %arg4[%sub3A_812, %dma_wait3A_961, %add3A, %dma_wait3A_973, %dma_wait3A_974] : memref<200x8x32x8x128xf32, #tpu.memory_space<hbm>> -> memref<1x1x1x8x128xf32, #tpu.memory_space<hbm>>
        %dma_wait3A_976 = tpu.memref_squeeze %dma_wait3A_975 : memref<1x1x1x8x128xf32, #tpu.memory_space<hbm>> -> memref<8x128xf32, #tpu.memory_space<hbm>>
        %dma_wait3A_977 = arith.constant 56 : i32
        %dma_wait3A_978 = arith.constant 0 : i32
        %dma_wait3A_979 = tpu.memref_slice %arg7[%dma_wait3A_960, %dma_wait3A_977, %dma_wait3A_978] : memref<2x64x129xf32, #tpu.memory_space<vmem>> -> memref<1x8x128xf32, #tpu.memory_space<vmem>>
        %dma_wait3A_980 = tpu.memref_squeeze %dma_wait3A_979 : memref<1x8x128xf32, #tpu.memory_space<vmem>> -> memref<8x128xf32, #tpu.memory_space<vmem>>
        tpu.wait_dma2 semaphore(%dma_wait3A_972 : memref<!tpu.dma_semaphore, #tpu.memory_space<semaphore_mem>>) src(%dma_wait3A_980 : memref<8x128xf32, #tpu.memory_space<vmem>>) dst(%dma_wait3A_976 : memref<8x128xf32, #tpu.memory_space<hbm>>)
      } else {
      }
      %parallel_loop3A = arith.constant 0 : i32
      %parallel_loop3A_433 = arith.constant 128 : i32
      %parallel_loop3A_434 = arith.constant 1 : i32
      %parallel_loop3A_435 = arith.constant 0 : i32
      %parallel_loop3A_436 = arith.constant 0 : i32
      scf.for %parallel_loop3A_812 = %parallel_loop3A to %parallel_loop3A_433 step %parallel_loop3A_434  : i32 {
        %parallel_loop3A_813 = arith.constant 0 : i32
        %parallel_loop3A_814 = arith.constant 0 : i32
        %parallel_loop3A_815 = tpu.memref_slice %arg6[%parallel_loop3A_435, %parallel_loop3A_813, %parallel_loop3A_814] : memref<2x128x64xf32, #tpu.memory_space<vmem>> -> memref<1x128x64xf32, #tpu.memory_space<vmem>>
        %parallel_loop3A_816 = tpu.memref_squeeze %parallel_loop3A_815 : memref<1x128x64xf32, #tpu.memory_space<vmem>> -> memref<128x64xf32, #tpu.memory_space<vmem>>
        %parallel_loop3A_817 = arith.index_cast %parallel_loop3A_812 : i32 to index
        %parallel_loop3A_818 = arith.constant 0 : index
        %parallel_loop3A_819 = tpu.vector_load %parallel_loop3A_816[%parallel_loop3A_817, %parallel_loop3A_818] {strides = array<i32>} : memref<128x64xf32, #tpu.memory_space<vmem>>, vector<16xf32>,
        %parallel_loop3A_820 = arith.constant 0 : i32
        %parallel_loop3A_821 = arith.constant 0 : i32
        %parallel_loop3A_822 = tpu.memref_slice %arg6[%parallel_loop3A_435, %parallel_loop3A_820, %parallel_loop3A_821] : memref<2x128x64xf32, #tpu.memory_space<vmem>> -> memref<1x128x64xf32, #tpu.memory_space<vmem>>
        %parallel_loop3A_823 = tpu.memref_squeeze %parallel_loop3A_822 : memref<1x128x64xf32, #tpu.memory_space<vmem>> -> memref<128x64xf32, #tpu.memory_space<vmem>>
        %parallel_loop3A_824 = arith.index_cast %parallel_loop3A_812 : i32 to index
        %parallel_loop3A_825 = arith.constant 16 : index
        %parallel_loop3A_826 = tpu.vector_load %parallel_loop3A_823[%parallel_loop3A_824, %parallel_loop3A_825] {strides = array<i32>} : memref<128x64xf32, #tpu.memory_space<vmem>>, vector<16xf32>,
        %parallel_loop3A_827 = arith.constant 0 : i32
        %parallel_loop3A_828 = arith.constant 0 : i32
        %parallel_loop3A_829 = tpu.memref_slice %arg6[%parallel_loop3A_435, %parallel_loop3A_827, %parallel_loop3A_828] : memref<2x128x64xf32, #tpu.memory_space<vmem>> -> memref<1x128x64xf32, #tpu.memory_space<vmem>>
        %parallel_loop3A_830 = tpu.memref_squeeze %parallel_loop3A_829 : memref<1x128x64xf32, #tpu.memory_space<vmem>> -> memref<128x64xf32, #tpu.memory_space<vmem>>
        %parallel_loop3A_831 = arith.index_cast %parallel_loop3A_812 : i32 to index
        %parallel_loop3A_832 = arith.constant 32 : index
        %parallel_loop3A_833 = tpu.vector_load %parallel_loop3A_830[%parallel_loop3A_831, %parallel_loop3A_832] {strides = array<i32>} : memref<128x64xf32, #tpu.memory_space<vmem>>, vector<16xf32>,
        %parallel_loop3A_834 = arith.constant 0 : i32
        %parallel_loop3A_835 = arith.constant 0 : i32
        %parallel_loop3A_836 = tpu.memref_slice %arg6[%parallel_loop3A_435, %parallel_loop3A_834, %parallel_loop3A_835] : memref<2x128x64xf32, #tpu.memory_space<vmem>> -> memref<1x128x64xf32, #tpu.memory_space<vmem>>
        %parallel_loop3A_837 = tpu.memref_squeeze %parallel_loop3A_836 : memref<1x128x64xf32, #tpu.memory_space<vmem>> -> memref<128x64xf32, #tpu.memory_space<vmem>>
        %parallel_loop3A_838 = arith.index_cast %parallel_loop3A_812 : i32 to index
        %parallel_loop3A_839 = arith.constant 48 : index
        %parallel_loop3A_840 = tpu.vector_load %parallel_loop3A_837[%parallel_loop3A_838, %parallel_loop3A_839] {strides = array<i32>} : memref<128x64xf32, #tpu.memory_space<vmem>>, vector<16xf32>,
        %parallel_loop3A_841 = math.absf %parallel_loop3A_819 : vector<16xf32>
        %parallel_loop3A_842 = math.absf %parallel_loop3A_826 : vector<16xf32>
        %parallel_loop3A_843 = arith.addf %parallel_loop3A_841, %parallel_loop3A_842 : vector<16xf32>
        %parallel_loop3A_844 = math.absf %parallel_loop3A_833 : vector<16xf32>
        %parallel_loop3A_845 = arith.addf %parallel_loop3A_843, %parallel_loop3A_844 : vector<16xf32>
        %parallel_loop3A_846 = math.absf %parallel_loop3A_840 : vector<16xf32>
        %parallel_loop3A_847 = arith.addf %parallel_loop3A_845, %parallel_loop3A_846 : vector<16xf32>
        %parallel_loop3A_848 = arith.constant 0 : i32
        %parallel_loop3A_849 = vector.broadcast %parallel_loop3A_848 : i32 to vector<16xi32>
        %parallel_loop3A_850 = arith.cmpi slt, %xor3A_4, %parallel_loop3A_849 : vector<16xi32>
        %parallel_loop3A_851 = arith.constant 16 : i32
        %parallel_loop3A_852 = vector.broadcast %parallel_loop3A_851 : i32 to vector<16xi32>
        %parallel_loop3A_853 = arith.addi %xor3A_4, %parallel_loop3A_852 : vector<16xi32>
        %parallel_loop3A_854 = arith.select %parallel_loop3A_850, %parallel_loop3A_853, %xor3A_4 : vector<16xi1>, vector<16xi32>
        %parallel_loop3A_855 = vector.shape_cast %parallel_loop3A_854 : vector<16xi32> to vector<16x1xi32>
        %parallel_loop3A_856 = vector.shape_cast %parallel_loop3A_855 : vector<16x1xi32> to vector<16xi32>
        %parallel_loop3A_857 = tpu.dynamic_gather %parallel_loop3A_847[%parallel_loop3A_856] in [0] : vector<16xf32>, vector<16xi32> -> vector<16xf32>
        %parallel_loop3A_858 = arith.addf %parallel_loop3A_847, %parallel_loop3A_857 : vector<16xf32>
        %parallel_loop3A_859 = arith.constant 0 : i32
        %parallel_loop3A_860 = vector.broadcast %parallel_loop3A_859 : i32 to vector<16xi32>
        %parallel_loop3A_861 = arith.cmpi slt, %xor3A_7, %parallel_loop3A_860 : vector<16xi32>
        %parallel_loop3A_862 = arith.constant 16 : i32
        %parallel_loop3A_863 = vector.broadcast %parallel_loop3A_862 : i32 to vector<16xi32>
        %parallel_loop3A_864 = arith.addi %xor3A_7, %parallel_loop3A_863 : vector<16xi32>
        %parallel_loop3A_865 = arith.select %parallel_loop3A_861, %parallel_loop3A_864, %xor3A_7 : vector<16xi1>, vector<16xi32>
        %parallel_loop3A_866 = vector.shape_cast %parallel_loop3A_865 : vector<16xi32> to vector<16x1xi32>
        %parallel_loop3A_867 = vector.shape_cast %parallel_loop3A_866 : vector<16x1xi32> to vector<16xi32>
        %parallel_loop3A_868 = tpu.dynamic_gather %parallel_loop3A_858[%parallel_loop3A_867] in [0] : vector<16xf32>, vector<16xi32> -> vector<16xf32>
        %parallel_loop3A_869 = arith.addf %parallel_loop3A_858, %parallel_loop3A_868 : vector<16xf32>
        %parallel_loop3A_870 = arith.constant 0 : i32
        %parallel_loop3A_871 = vector.broadcast %parallel_loop3A_870 : i32 to vector<16xi32>
        %parallel_loop3A_872 = arith.cmpi slt, %xor3A_10, %parallel_loop3A_871 : vector<16xi32>
        %parallel_loop3A_873 = arith.constant 16 : i32
        %parallel_loop3A_874 = vector.broadcast %parallel_loop3A_873 : i32 to vector<16xi32>
        %parallel_loop3A_875 = arith.addi %xor3A_10, %parallel_loop3A_874 : vector<16xi32>
        %parallel_loop3A_876 = arith.select %parallel_loop3A_872, %parallel_loop3A_875, %xor3A_10 : vector<16xi1>, vector<16xi32>
        %parallel_loop3A_877 = vector.shape_cast %parallel_loop3A_876 : vector<16xi32> to vector<16x1xi32>
        %parallel_loop3A_878 = vector.shape_cast %parallel_loop3A_877 : vector<16x1xi32> to vector<16xi32>
        %parallel_loop3A_879 = tpu.dynamic_gather %parallel_loop3A_869[%parallel_loop3A_878] in [0] : vector<16xf32>, vector<16xi32> -> vector<16xf32>
        %parallel_loop3A_880 = arith.addf %parallel_loop3A_869, %parallel_loop3A_879 : vector<16xf32>
        %parallel_loop3A_881 = arith.constant 0 : i32
        %parallel_loop3A_882 = vector.broadcast %parallel_loop3A_881 : i32 to vector<16xi32>
        %parallel_loop3A_883 = arith.cmpi slt, %xor3A_13, %parallel_loop3A_882 : vector<16xi32>
        %parallel_loop3A_884 = arith.constant 16 : i32
        %parallel_loop3A_885 = vector.broadcast %parallel_loop3A_884 : i32 to vector<16xi32>
        %parallel_loop3A_886 = arith.addi %xor3A_13, %parallel_loop3A_885 : vector<16xi32>
        %parallel_loop3A_887 = arith.select %parallel_loop3A_883, %parallel_loop3A_886, %xor3A_13 : vector<16xi1>, vector<16xi32>
        %parallel_loop3A_888 = vector.shape_cast %parallel_loop3A_887 : vector<16xi32> to vector<16x1xi32>
        %parallel_loop3A_889 = vector.shape_cast %parallel_loop3A_888 : vector<16x1xi32> to vector<16xi32>
        %parallel_loop3A_890 = tpu.dynamic_gather %parallel_loop3A_880[%parallel_loop3A_889] in [0] : vector<16xf32>, vector<16xi32> -> vector<16xf32>
        %parallel_loop3A_891 = arith.addf %parallel_loop3A_880, %parallel_loop3A_890 : vector<16xf32>
        %parallel_loop3A_892 = arith.constant 1.000000e+00 : f32
        %parallel_loop3A_893 = vector.broadcast %parallel_loop3A_892 : f32 to vector<16xf32>
        %parallel_loop3A_894 = arith.cmpf ogt, %parallel_loop3A_891, %parallel_loop3A_893 : vector<16xf32>
        %parallel_loop3A_895 = arith.constant 1.000000e-07 : f32
        %parallel_loop3A_896 = vector.broadcast %parallel_loop3A_895 : f32 to vector<16xf32>
        %parallel_loop3A_897 = arith.addf %parallel_loop3A_891, %parallel_loop3A_896 : vector<16xf32>
        %parallel_loop3A_898 = arith.constant 1.000000e+00 : f32
        %parallel_loop3A_899 = vector.broadcast %parallel_loop3A_898 : f32 to vector<16xf32>
        %parallel_loop3A_900 = arith.divf %parallel_loop3A_899, %parallel_loop3A_897 : vector<16xf32>
        %parallel_loop3A_901 = arith.constant 1.000000e+00 : f32
        %parallel_loop3A_902 = vector.broadcast %parallel_loop3A_901 : f32 to vector<16xf32>
        %parallel_loop3A_903 = arith.select %parallel_loop3A_894, %parallel_loop3A_900, %parallel_loop3A_902 : vector<16xi1>, vector<16xf32>
        %parallel_loop3A_904 = vector.broadcast %parallel_loop3A_812 : i32 to vector<16xi32>
        %parallel_loop3A_905 = arith.mulf %parallel_loop3A_819, %parallel_loop3A_903 : vector<16xf32>
        %parallel_loop3A_906 = arith.constant 0 : i32
        %parallel_loop3A_907 = arith.constant 0 : i32
        %parallel_loop3A_908 = tpu.memref_slice %arg7[%parallel_loop3A_436, %parallel_loop3A_906, %parallel_loop3A_907] : memref<2x64x129xf32, #tpu.memory_space<vmem>> -> memref<1x64x129xf32, #tpu.memory_space<vmem>>
        %parallel_loop3A_909 = tpu.memref_squeeze %parallel_loop3A_908 : memref<1x64x129xf32, #tpu.memory_space<vmem>> -> memref<64x129xf32, #tpu.memory_space<vmem>>
        tpu.vector_store_idx %parallel_loop3A_909[%add3A_16, %parallel_loop3A_904], %parallel_loop3A_905 : memref<64x129xf32, #tpu.memory_space<vmem>>[vector<16xi32>, vector<16xi32>], vector<16xf32>,
        %parallel_loop3A_910 = arith.mulf %parallel_loop3A_826, %parallel_loop3A_903 : vector<16xf32>
        %parallel_loop3A_911 = arith.constant 0 : i32
        %parallel_loop3A_912 = arith.constant 0 : i32
        %parallel_loop3A_913 = tpu.memref_slice %arg7[%parallel_loop3A_436, %parallel_loop3A_911, %parallel_loop3A_912] : memref<2x64x129xf32, #tpu.memory_space<vmem>> -> memref<1x64x129xf32, #tpu.memory_space<vmem>>
        %parallel_loop3A_914 = tpu.memref_squeeze %parallel_loop3A_913 : memref<1x64x129xf32, #tpu.memory_space<vmem>> -> memref<64x129xf32, #tpu.memory_space<vmem>>
        tpu.vector_store_idx %parallel_loop3A_914[%add3A_19, %parallel_loop3A_904], %parallel_loop3A_910 : memref<64x129xf32, #tpu.memory_space<vmem>>[vector<16xi32>, vector<16xi32>], vector<16xf32>,
        %parallel_loop3A_915 = arith.mulf %parallel_loop3A_833, %parallel_loop3A_903 : vector<16xf32>
        %parallel_loop3A_916 = arith.constant 0 : i32
        %parallel_loop3A_917 = arith.constant 0 : i32
        %parallel_loop3A_918 = tpu.memref_slice %arg7[%parallel_loop3A_436, %parallel_loop3A_916, %parallel_loop3A_917] : memref<2x64x129xf32, #tpu.memory_space<vmem>> -> memref<1x64x129xf32, #tpu.memory_space<vmem>>
        %parallel_loop3A_919 = tpu.memref_squeeze %parallel_loop3A_918 : memref<1x64x129xf32, #tpu.memory_space<vmem>> -> memref<64x129xf32, #tpu.memory_space<vmem>>
        tpu.vector_store_idx %parallel_loop3A_919[%add3A_22, %parallel_loop3A_904], %parallel_loop3A_915 : memref<64x129xf32, #tpu.memory_space<vmem>>[vector<16xi32>, vector<16xi32>], vector<16xf32>,
        %parallel_loop3A_920 = arith.mulf %parallel_loop3A_840, %parallel_loop3A_903 : vector<16xf32>
        %parallel_loop3A_921 = arith.constant 0 : i32
        %parallel_loop3A_922 = arith.constant 0 : i32
        %parallel_loop3A_923 = tpu.memref_slice %arg7[%parallel_loop3A_436, %parallel_loop3A_921, %parallel_loop3A_922] : memref<2x64x129xf32, #tpu.memory_space<vmem>> -> memref<1x64x129xf32, #tpu.memory_space<vmem>>
        %parallel_loop3A_924 = tpu.memref_squeeze %parallel_loop3A_923 : memref<1x64x129xf32, #tpu.memory_space<vmem>> -> memref<64x129xf32, #tpu.memory_space<vmem>>
        tpu.vector_store_idx %parallel_loop3A_924[%add3A_25, %parallel_loop3A_904], %parallel_loop3A_920 : memref<64x129xf32, #tpu.memory_space<vmem>>[vector<16xi32>, vector<16xi32>], vector<16xf32>,
      } {sc.loop_unroll_factor = 16 : i64, sc.parallel_access}
      %add3A_437 = arith.constant 2 : i32
      %add3A_438 = arith.addi %add3A_416, %add3A_437 : i32
      %lt3A = arith.constant 200 : i32
      %lt3A_439 = arith.cmpi slt, %add3A_438, %lt3A : i32
      %convert_element_type3A_440 = arith.extui %lt3A_439 : i1 to i32
      %cond3A_441 = arith.constant 0 : i32
      %cond3A_442 = arith.cmpi ne, %convert_element_type3A_440, %cond3A_441 : i32
      scf.if %cond3A_442 {
        %add3A_812 = arith.constant 2 : i32
        %add3A_813 = arith.addi %add3A_416, %add3A_812 : i32
        %dma_start3A_814 = arith.constant 0 : i32
        %dma_start3A_815 = arith.constant 0 : i32
        %dma_start3A_816 = arith.constant 0 : i32
        %dma_start3A_817 = arith.constant 0 : i32
        %dma_start3A_818 = tpu.memref_slice %arg6[%dma_start3A_814, %dma_start3A_816, %dma_start3A_817] : memref<2x128x64xf32, #tpu.memory_space<vmem>> -> memref<1x128x64xf32, #tpu.memory_space<vmem>>
        %dma_start3A_819 = tpu.memref_squeeze %dma_start3A_818 : memref<1x128x64xf32, #tpu.memory_space<vmem>> -> memref<128x64xf32, #tpu.memory_space<vmem>>
        %dma_start3A_820 = arith.constant 0 : i32
        %dma_start3A_821 = tpu.memref_slice %arg5[%add3A_813, %dma_start3A_820] : memref<200x128xi32, #tpu.memory_space<vmem>> -> memref<1x128xi32, #tpu.memory_space<vmem>>
        %dma_start3A_822 = tpu.memref_squeeze %dma_start3A_821 : memref<1x128xi32, #tpu.memory_space<vmem>> -> memref<128xi32, #tpu.memory_space<vmem>>
        %dma_start3A_823 = arith.constant 0 : i32
        %dma_start3A_824 = arith.constant 0 : i32
        %dma_start3A_825 = tpu.memref_slice %arg2[%dma_start3A_823, %dma_start3A_824] : memref<100000x64xf32, #tpu.memory_space<hbm>> -> memref<100000x64xf32, #tpu.memory_space<hbm>>
        %dma_start3A_826 = tpu.memref_slice %arg8[%dma_start3A_815] : memref<2x!tpu.dma_semaphore, #tpu.memory_space<semaphore_mem>> -> memref<1x!tpu.dma_semaphore, #tpu.memory_space<semaphore_mem>>
        %dma_start3A_827 = tpu.memref_squeeze %dma_start3A_826 : memref<1x!tpu.dma_semaphore, #tpu.memory_space<semaphore_mem>> -> memref<!tpu.dma_semaphore, #tpu.memory_space<semaphore_mem>>
        tpu.enqueue_indirect_dma source(%dma_start3A_825 : memref<100000x64xf32, #tpu.memory_space<hbm>>) target(%dma_start3A_819 : memref<128x64xf32, #tpu.memory_space<vmem>>) offsets(%dma_start3A_822 : memref<128xi32, #tpu.memory_space<vmem>>) semaphore(%dma_start3A_827 : memref<!tpu.dma_semaphore, #tpu.memory_space<semaphore_mem>>)
      } else {
      }
      %dma_start3A_443 = arith.constant 0 : i32
      %dma_start3A_444 = arith.constant 0 : i32
      %dma_start3A_445 = arith.constant 0 : i32
      %dma_start3A_446 = arith.constant 0 : i32
      %dma_start3A_447 = arith.constant 0 : i32
      %dma_start3A_448 = tpu.memref_slice %arg7[%dma_start3A_443, %dma_start3A_446, %dma_start3A_447] : memref<2x64x129xf32, #tpu.memory_space<vmem>> -> memref<1x8x128xf32, #tpu.memory_space<vmem>>
      %dma_start3A_449 = tpu.memref_squeeze %dma_start3A_448 : memref<1x8x128xf32, #tpu.memory_space<vmem>> -> memref<8x128xf32, #tpu.memory_space<vmem>>
      %dma_start3A_450 = arith.constant 0 : i32
      %dma_start3A_451 = arith.constant 0 : i32
      %dma_start3A_452 = tpu.memref_slice %arg4[%add3A_416, %dma_start3A_444, %add3A, %dma_start3A_450, %dma_start3A_451] : memref<200x8x32x8x128xf32, #tpu.memory_space<hbm>> -> memref<1x1x1x8x128xf32, #tpu.memory_space<hbm>>
      %dma_start3A_453 = tpu.memref_squeeze %dma_start3A_452 : memref<1x1x1x8x128xf32, #tpu.memory_space<hbm>> -> memref<8x128xf32, #tpu.memory_space<hbm>>
      %dma_start3A_454 = tpu.memref_slice %arg9[%dma_start3A_445] : memref<2x!tpu.dma_semaphore, #tpu.memory_space<semaphore_mem>> -> memref<1x!tpu.dma_semaphore, #tpu.memory_space<semaphore_mem>>
      %dma_start3A_455 = tpu.memref_squeeze %dma_start3A_454 : memref<1x!tpu.dma_semaphore, #tpu.memory_space<semaphore_mem>> -> memref<!tpu.dma_semaphore, #tpu.memory_space<semaphore_mem>>
      %dma_start3A_456 = arith.constant 0 : i32
      %dma_start3A_457 = arith.constant 0 : i32
      %dma_start3A_458 = tpu.memref_slice %arg4[%add3A_416, %dma_start3A_444, %add3A, %dma_start3A_456, %dma_start3A_457] : memref<200x8x32x8x128xf32, #tpu.memory_space<hbm>> -> memref<1x1x1x8x128xf32, #tpu.memory_space<hbm>>
      %dma_start3A_459 = tpu.memref_squeeze %dma_start3A_458 : memref<1x1x1x8x128xf32, #tpu.memory_space<hbm>> -> memref<8x128xf32, #tpu.memory_space<hbm>>
      %dma_start3A_460 = arith.constant 0 : i32
      %dma_start3A_461 = arith.constant 0 : i32
      %dma_start3A_462 = tpu.memref_slice %arg7[%dma_start3A_443, %dma_start3A_460, %dma_start3A_461] : memref<2x64x129xf32, #tpu.memory_space<vmem>> -> memref<1x8x128xf32, #tpu.memory_space<vmem>>
      %dma_start3A_463 = tpu.memref_squeeze %dma_start3A_462 : memref<1x8x128xf32, #tpu.memory_space<vmem>> -> memref<8x128xf32, #tpu.memory_space<vmem>>
      tpu.enqueue_dma source(%dma_start3A_463 : memref<8x128xf32, #tpu.memory_space<vmem>>) target(%dma_start3A_459 : memref<8x128xf32, #tpu.memory_space<hbm>>) target_semaphore(%dma_start3A_455 : memref<!tpu.dma_semaphore, #tpu.memory_space<semaphore_mem>>)
      %dma_start3A_464 = arith.constant 0 : i32
      %dma_start3A_465 = arith.constant 1 : i32
      %dma_start3A_466 = arith.constant 0 : i32
      %dma_start3A_467 = arith.constant 8 : i32
      %dma_start3A_468 = arith.constant 0 : i32
      %dma_start3A_469 = tpu.memref_slice %arg7[%dma_start3A_464, %dma_start3A_467, %dma_start3A_468] : memref<2x64x129xf32, #tpu.memory_space<vmem>> -> memref<1x8x128xf32, #tpu.memory_space<vmem>>
      %dma_start3A_470 = tpu.memref_squeeze %dma_start3A_469 : memref<1x8x128xf32, #tpu.memory_space<vmem>> -> memref<8x128xf32, #tpu.memory_space<vmem>>
      %dma_start3A_471 = arith.constant 0 : i32
      %dma_start3A_472 = arith.constant 0 : i32
      %dma_start3A_473 = tpu.memref_slice %arg4[%add3A_416, %dma_start3A_465, %add3A, %dma_start3A_471, %dma_start3A_472] : memref<200x8x32x8x128xf32, #tpu.memory_space<hbm>> -> memref<1x1x1x8x128xf32, #tpu.memory_space<hbm>>
      %dma_start3A_474 = tpu.memref_squeeze %dma_start3A_473 : memref<1x1x1x8x128xf32, #tpu.memory_space<hbm>> -> memref<8x128xf32, #tpu.memory_space<hbm>>
      %dma_start3A_475 = tpu.memref_slice %arg9[%dma_start3A_466] : memref<2x!tpu.dma_semaphore, #tpu.memory_space<semaphore_mem>> -> memref<1x!tpu.dma_semaphore, #tpu.memory_space<semaphore_mem>>
      %dma_start3A_476 = tpu.memref_squeeze %dma_start3A_475 : memref<1x!tpu.dma_semaphore, #tpu.memory_space<semaphore_mem>> -> memref<!tpu.dma_semaphore, #tpu.memory_space<semaphore_mem>>
      %dma_start3A_477 = arith.constant 0 : i32
      %dma_start3A_478 = arith.constant 0 : i32
      %dma_start3A_479 = tpu.memref_slice %arg4[%add3A_416, %dma_start3A_465, %add3A, %dma_start3A_477, %dma_start3A_478] : memref<200x8x32x8x128xf32, #tpu.memory_space<hbm>> -> memref<1x1x1x8x128xf32, #tpu.memory_space<hbm>>
      %dma_start3A_480 = tpu.memref_squeeze %dma_start3A_479 : memref<1x1x1x8x128xf32, #tpu.memory_space<hbm>> -> memref<8x128xf32, #tpu.memory_space<hbm>>
      %dma_start3A_481 = arith.constant 8 : i32
      %dma_start3A_482 = arith.constant 0 : i32
      %dma_start3A_483 = tpu.memref_slice %arg7[%dma_start3A_464, %dma_start3A_481, %dma_start3A_482] : memref<2x64x129xf32, #tpu.memory_space<vmem>> -> memref<1x8x128xf32, #tpu.memory_space<vmem>>
      %dma_start3A_484 = tpu.memref_squeeze %dma_start3A_483 : memref<1x8x128xf32, #tpu.memory_space<vmem>> -> memref<8x128xf32, #tpu.memory_space<vmem>>
      tpu.enqueue_dma source(%dma_start3A_484 : memref<8x128xf32, #tpu.memory_space<vmem>>) target(%dma_start3A_480 : memref<8x128xf32, #tpu.memory_space<hbm>>) target_semaphore(%dma_start3A_476 : memref<!tpu.dma_semaphore, #tpu.memory_space<semaphore_mem>>)
      %dma_start3A_485 = arith.constant 0 : i32
      %dma_start3A_486 = arith.constant 2 : i32
      %dma_start3A_487 = arith.constant 0 : i32
      %dma_start3A_488 = arith.constant 16 : i32
      %dma_start3A_489 = arith.constant 0 : i32
      %dma_start3A_490 = tpu.memref_slice %arg7[%dma_start3A_485, %dma_start3A_488, %dma_start3A_489] : memref<2x64x129xf32, #tpu.memory_space<vmem>> -> memref<1x8x128xf32, #tpu.memory_space<vmem>>
      %dma_start3A_491 = tpu.memref_squeeze %dma_start3A_490 : memref<1x8x128xf32, #tpu.memory_space<vmem>> -> memref<8x128xf32, #tpu.memory_space<vmem>>
      %dma_start3A_492 = arith.constant 0 : i32
      %dma_start3A_493 = arith.constant 0 : i32
      %dma_start3A_494 = tpu.memref_slice %arg4[%add3A_416, %dma_start3A_486, %add3A, %dma_start3A_492, %dma_start3A_493] : memref<200x8x32x8x128xf32, #tpu.memory_space<hbm>> -> memref<1x1x1x8x128xf32, #tpu.memory_space<hbm>>
      %dma_start3A_495 = tpu.memref_squeeze %dma_start3A_494 : memref<1x1x1x8x128xf32, #tpu.memory_space<hbm>> -> memref<8x128xf32, #tpu.memory_space<hbm>>
      %dma_start3A_496 = tpu.memref_slice %arg9[%dma_start3A_487] : memref<2x!tpu.dma_semaphore, #tpu.memory_space<semaphore_mem>> -> memref<1x!tpu.dma_semaphore, #tpu.memory_space<semaphore_mem>>
      %dma_start3A_497 = tpu.memref_squeeze %dma_start3A_496 : memref<1x!tpu.dma_semaphore, #tpu.memory_space<semaphore_mem>> -> memref<!tpu.dma_semaphore, #tpu.memory_space<semaphore_mem>>
      %dma_start3A_498 = arith.constant 0 : i32
      %dma_start3A_499 = arith.constant 0 : i32
      %dma_start3A_500 = tpu.memref_slice %arg4[%add3A_416, %dma_start3A_486, %add3A, %dma_start3A_498, %dma_start3A_499] : memref<200x8x32x8x128xf32, #tpu.memory_space<hbm>> -> memref<1x1x1x8x128xf32, #tpu.memory_space<hbm>>
      %dma_start3A_501 = tpu.memref_squeeze %dma_start3A_500 : memref<1x1x1x8x128xf32, #tpu.memory_space<hbm>> -> memref<8x128xf32, #tpu.memory_space<hbm>>
      %dma_start3A_502 = arith.constant 16 : i32
      %dma_start3A_503 = arith.constant 0 : i32
      %dma_start3A_504 = tpu.memref_slice %arg7[%dma_start3A_485, %dma_start3A_502, %dma_start3A_503] : memref<2x64x129xf32, #tpu.memory_space<vmem>> -> memref<1x8x128xf32, #tpu.memory_space<vmem>>
      %dma_start3A_505 = tpu.memref_squeeze %dma_start3A_504 : memref<1x8x128xf32, #tpu.memory_space<vmem>> -> memref<8x128xf32, #tpu.memory_space<vmem>>
      tpu.enqueue_dma source(%dma_start3A_505 : memref<8x128xf32, #tpu.memory_space<vmem>>) target(%dma_start3A_501 : memref<8x128xf32, #tpu.memory_space<hbm>>) target_semaphore(%dma_start3A_497 : memref<!tpu.dma_semaphore, #tpu.memory_space<semaphore_mem>>)
      %dma_start3A_506 = arith.constant 0 : i32
      %dma_start3A_507 = arith.constant 3 : i32
      %dma_start3A_508 = arith.constant 0 : i32
      %dma_start3A_509 = arith.constant 24 : i32
      %dma_start3A_510 = arith.constant 0 : i32
      %dma_start3A_511 = tpu.memref_slice %arg7[%dma_start3A_506, %dma_start3A_509, %dma_start3A_510] : memref<2x64x129xf32, #tpu.memory_space<vmem>> -> memref<1x8x128xf32, #tpu.memory_space<vmem>>
      %dma_start3A_512 = tpu.memref_squeeze %dma_start3A_511 : memref<1x8x128xf32, #tpu.memory_space<vmem>> -> memref<8x128xf32, #tpu.memory_space<vmem>>
      %dma_start3A_513 = arith.constant 0 : i32
      %dma_start3A_514 = arith.constant 0 : i32
      %dma_start3A_515 = tpu.memref_slice %arg4[%add3A_416, %dma_start3A_507, %add3A, %dma_start3A_513, %dma_start3A_514] : memref<200x8x32x8x128xf32, #tpu.memory_space<hbm>> -> memref<1x1x1x8x128xf32, #tpu.memory_space<hbm>>
      %dma_start3A_516 = tpu.memref_squeeze %dma_start3A_515 : memref<1x1x1x8x128xf32, #tpu.memory_space<hbm>> -> memref<8x128xf32, #tpu.memory_space<hbm>>
      %dma_start3A_517 = tpu.memref_slice %arg9[%dma_start3A_508] : memref<2x!tpu.dma_semaphore, #tpu.memory_space<semaphore_mem>> -> memref<1x!tpu.dma_semaphore, #tpu.memory_space<semaphore_mem>>
      %dma_start3A_518 = tpu.memref_squeeze %dma_start3A_517 : memref<1x!tpu.dma_semaphore, #tpu.memory_space<semaphore_mem>> -> memref<!tpu.dma_semaphore, #tpu.memory_space<semaphore_mem>>
      %dma_start3A_519 = arith.constant 0 : i32
      %dma_start3A_520 = arith.constant 0 : i32
      %dma_start3A_521 = tpu.memref_slice %arg4[%add3A_416, %dma_start3A_507, %add3A, %dma_start3A_519, %dma_start3A_520] : memref<200x8x32x8x128xf32, #tpu.memory_space<hbm>> -> memref<1x1x1x8x128xf32, #tpu.memory_space<hbm>>
      %dma_start3A_522 = tpu.memref_squeeze %dma_start3A_521 : memref<1x1x1x8x128xf32, #tpu.memory_space<hbm>> -> memref<8x128xf32, #tpu.memory_space<hbm>>
      %dma_start3A_523 = arith.constant 24 : i32
      %dma_start3A_524 = arith.constant 0 : i32
      %dma_start3A_525 = tpu.memref_slice %arg7[%dma_start3A_506, %dma_start3A_523, %dma_start3A_524] : memref<2x64x129xf32, #tpu.memory_space<vmem>> -> memref<1x8x128xf32, #tpu.memory_space<vmem>>
      %dma_start3A_526 = tpu.memref_squeeze %dma_start3A_525 : memref<1x8x128xf32, #tpu.memory_space<vmem>> -> memref<8x128xf32, #tpu.memory_space<vmem>>
      tpu.enqueue_dma source(%dma_start3A_526 : memref<8x128xf32, #tpu.memory_space<vmem>>) target(%dma_start3A_522 : memref<8x128xf32, #tpu.memory_space<hbm>>) target_semaphore(%dma_start3A_518 : memref<!tpu.dma_semaphore, #tpu.memory_space<semaphore_mem>>)
      %dma_start3A_527 = arith.constant 0 : i32
      %dma_start3A_528 = arith.constant 4 : i32
      %dma_start3A_529 = arith.constant 0 : i32
      %dma_start3A_530 = arith.constant 32 : i32
      %dma_start3A_531 = arith.constant 0 : i32
      %dma_start3A_532 = tpu.memref_slice %arg7[%dma_start3A_527, %dma_start3A_530, %dma_start3A_531] : memref<2x64x129xf32, #tpu.memory_space<vmem>> -> memref<1x8x128xf32, #tpu.memory_space<vmem>>
      %dma_start3A_533 = tpu.memref_squeeze %dma_start3A_532 : memref<1x8x128xf32, #tpu.memory_space<vmem>> -> memref<8x128xf32, #tpu.memory_space<vmem>>
      %dma_start3A_534 = arith.constant 0 : i32
      %dma_start3A_535 = arith.constant 0 : i32
      %dma_start3A_536 = tpu.memref_slice %arg4[%add3A_416, %dma_start3A_528, %add3A, %dma_start3A_534, %dma_start3A_535] : memref<200x8x32x8x128xf32, #tpu.memory_space<hbm>> -> memref<1x1x1x8x128xf32, #tpu.memory_space<hbm>>
      %dma_start3A_537 = tpu.memref_squeeze %dma_start3A_536 : memref<1x1x1x8x128xf32, #tpu.memory_space<hbm>> -> memref<8x128xf32, #tpu.memory_space<hbm>>
      %dma_start3A_538 = tpu.memref_slice %arg9[%dma_start3A_529] : memref<2x!tpu.dma_semaphore, #tpu.memory_space<semaphore_mem>> -> memref<1x!tpu.dma_semaphore, #tpu.memory_space<semaphore_mem>>
      %dma_start3A_539 = tpu.memref_squeeze %dma_start3A_538 : memref<1x!tpu.dma_semaphore, #tpu.memory_space<semaphore_mem>> -> memref<!tpu.dma_semaphore, #tpu.memory_space<semaphore_mem>>
      %dma_start3A_540 = arith.constant 0 : i32
      %dma_start3A_541 = arith.constant 0 : i32
      %dma_start3A_542 = tpu.memref_slice %arg4[%add3A_416, %dma_start3A_528, %add3A, %dma_start3A_540, %dma_start3A_541] : memref<200x8x32x8x128xf32, #tpu.memory_space<hbm>> -> memref<1x1x1x8x128xf32, #tpu.memory_space<hbm>>
      %dma_start3A_543 = tpu.memref_squeeze %dma_start3A_542 : memref<1x1x1x8x128xf32, #tpu.memory_space<hbm>> -> memref<8x128xf32, #tpu.memory_space<hbm>>
      %dma_start3A_544 = arith.constant 32 : i32
      %dma_start3A_545 = arith.constant 0 : i32
      %dma_start3A_546 = tpu.memref_slice %arg7[%dma_start3A_527, %dma_start3A_544, %dma_start3A_545] : memref<2x64x129xf32, #tpu.memory_space<vmem>> -> memref<1x8x128xf32, #tpu.memory_space<vmem>>
      %dma_start3A_547 = tpu.memref_squeeze %dma_start3A_546 : memref<1x8x128xf32, #tpu.memory_space<vmem>> -> memref<8x128xf32, #tpu.memory_space<vmem>>
      tpu.enqueue_dma source(%dma_start3A_547 : memref<8x128xf32, #tpu.memory_space<vmem>>) target(%dma_start3A_543 : memref<8x128xf32, #tpu.memory_space<hbm>>) target_semaphore(%dma_start3A_539 : memref<!tpu.dma_semaphore, #tpu.memory_space<semaphore_mem>>)
      %dma_start3A_548 = arith.constant 0 : i32
      %dma_start3A_549 = arith.constant 5 : i32
      %dma_start3A_550 = arith.constant 0 : i32
      %dma_start3A_551 = arith.constant 40 : i32
      %dma_start3A_552 = arith.constant 0 : i32
      %dma_start3A_553 = tpu.memref_slice %arg7[%dma_start3A_548, %dma_start3A_551, %dma_start3A_552] : memref<2x64x129xf32, #tpu.memory_space<vmem>> -> memref<1x8x128xf32, #tpu.memory_space<vmem>>
      %dma_start3A_554 = tpu.memref_squeeze %dma_start3A_553 : memref<1x8x128xf32, #tpu.memory_space<vmem>> -> memref<8x128xf32, #tpu.memory_space<vmem>>
      %dma_start3A_555 = arith.constant 0 : i32
      %dma_start3A_556 = arith.constant 0 : i32
      %dma_start3A_557 = tpu.memref_slice %arg4[%add3A_416, %dma_start3A_549, %add3A, %dma_start3A_555, %dma_start3A_556] : memref<200x8x32x8x128xf32, #tpu.memory_space<hbm>> -> memref<1x1x1x8x128xf32, #tpu.memory_space<hbm>>
      %dma_start3A_558 = tpu.memref_squeeze %dma_start3A_557 : memref<1x1x1x8x128xf32, #tpu.memory_space<hbm>> -> memref<8x128xf32, #tpu.memory_space<hbm>>
      %dma_start3A_559 = tpu.memref_slice %arg9[%dma_start3A_550] : memref<2x!tpu.dma_semaphore, #tpu.memory_space<semaphore_mem>> -> memref<1x!tpu.dma_semaphore, #tpu.memory_space<semaphore_mem>>
      %dma_start3A_560 = tpu.memref_squeeze %dma_start3A_559 : memref<1x!tpu.dma_semaphore, #tpu.memory_space<semaphore_mem>> -> memref<!tpu.dma_semaphore, #tpu.memory_space<semaphore_mem>>
      %dma_start3A_561 = arith.constant 0 : i32
      %dma_start3A_562 = arith.constant 0 : i32
      %dma_start3A_563 = tpu.memref_slice %arg4[%add3A_416, %dma_start3A_549, %add3A, %dma_start3A_561, %dma_start3A_562] : memref<200x8x32x8x128xf32, #tpu.memory_space<hbm>> -> memref<1x1x1x8x128xf32, #tpu.memory_space<hbm>>
      %dma_start3A_564 = tpu.memref_squeeze %dma_start3A_563 : memref<1x1x1x8x128xf32, #tpu.memory_space<hbm>> -> memref<8x128xf32, #tpu.memory_space<hbm>>
      %dma_start3A_565 = arith.constant 40 : i32
      %dma_start3A_566 = arith.constant 0 : i32
      %dma_start3A_567 = tpu.memref_slice %arg7[%dma_start3A_548, %dma_start3A_565, %dma_start3A_566] : memref<2x64x129xf32, #tpu.memory_space<vmem>> -> memref<1x8x128xf32, #tpu.memory_space<vmem>>
      %dma_start3A_568 = tpu.memref_squeeze %dma_start3A_567 : memref<1x8x128xf32, #tpu.memory_space<vmem>> -> memref<8x128xf32, #tpu.memory_space<vmem>>
      tpu.enqueue_dma source(%dma_start3A_568 : memref<8x128xf32, #tpu.memory_space<vmem>>) target(%dma_start3A_564 : memref<8x128xf32, #tpu.memory_space<hbm>>) target_semaphore(%dma_start3A_560 : memref<!tpu.dma_semaphore, #tpu.memory_space<semaphore_mem>>)
      %dma_start3A_569 = arith.constant 0 : i32
      %dma_start3A_570 = arith.constant 6 : i32
      %dma_start3A_571 = arith.constant 0 : i32
      %dma_start3A_572 = arith.constant 48 : i32
      %dma_start3A_573 = arith.constant 0 : i32
      %dma_start3A_574 = tpu.memref_slice %arg7[%dma_start3A_569, %dma_start3A_572, %dma_start3A_573] : memref<2x64x129xf32, #tpu.memory_space<vmem>> -> memref<1x8x128xf32, #tpu.memory_space<vmem>>
      %dma_start3A_575 = tpu.memref_squeeze %dma_start3A_574 : memref<1x8x128xf32, #tpu.memory_space<vmem>> -> memref<8x128xf32, #tpu.memory_space<vmem>>
      %dma_start3A_576 = arith.constant 0 : i32
      %dma_start3A_577 = arith.constant 0 : i32
      %dma_start3A_578 = tpu.memref_slice %arg4[%add3A_416, %dma_start3A_570, %add3A, %dma_start3A_576, %dma_start3A_577] : memref<200x8x32x8x128xf32, #tpu.memory_space<hbm>> -> memref<1x1x1x8x128xf32, #tpu.memory_space<hbm>>
      %dma_start3A_579 = tpu.memref_squeeze %dma_start3A_578 : memref<1x1x1x8x128xf32, #tpu.memory_space<hbm>> -> memref<8x128xf32, #tpu.memory_space<hbm>>
      %dma_start3A_580 = tpu.memref_slice %arg9[%dma_start3A_571] : memref<2x!tpu.dma_semaphore, #tpu.memory_space<semaphore_mem>> -> memref<1x!tpu.dma_semaphore, #tpu.memory_space<semaphore_mem>>
      %dma_start3A_581 = tpu.memref_squeeze %dma_start3A_580 : memref<1x!tpu.dma_semaphore, #tpu.memory_space<semaphore_mem>> -> memref<!tpu.dma_semaphore, #tpu.memory_space<semaphore_mem>>
      %dma_start3A_582 = arith.constant 0 : i32
      %dma_start3A_583 = arith.constant 0 : i32
      %dma_start3A_584 = tpu.memref_slice %arg4[%add3A_416, %dma_start3A_570, %add3A, %dma_start3A_582, %dma_start3A_583] : memref<200x8x32x8x128xf32, #tpu.memory_space<hbm>> -> memref<1x1x1x8x128xf32, #tpu.memory_space<hbm>>
      %dma_start3A_585 = tpu.memref_squeeze %dma_start3A_584 : memref<1x1x1x8x128xf32, #tpu.memory_space<hbm>> -> memref<8x128xf32, #tpu.memory_space<hbm>>
      %dma_start3A_586 = arith.constant 48 : i32
      %dma_start3A_587 = arith.constant 0 : i32
      %dma_start3A_588 = tpu.memref_slice %arg7[%dma_start3A_569, %dma_start3A_586, %dma_start3A_587] : memref<2x64x129xf32, #tpu.memory_space<vmem>> -> memref<1x8x128xf32, #tpu.memory_space<vmem>>
      %dma_start3A_589 = tpu.memref_squeeze %dma_start3A_588 : memref<1x8x128xf32, #tpu.memory_space<vmem>> -> memref<8x128xf32, #tpu.memory_space<vmem>>
      tpu.enqueue_dma source(%dma_start3A_589 : memref<8x128xf32, #tpu.memory_space<vmem>>) target(%dma_start3A_585 : memref<8x128xf32, #tpu.memory_space<hbm>>) target_semaphore(%dma_start3A_581 : memref<!tpu.dma_semaphore, #tpu.memory_space<semaphore_mem>>)
      %dma_start3A_590 = arith.constant 0 : i32
      %dma_start3A_591 = arith.constant 7 : i32
      %dma_start3A_592 = arith.constant 0 : i32
      %dma_start3A_593 = arith.constant 56 : i32
      %dma_start3A_594 = arith.constant 0 : i32
      %dma_start3A_595 = tpu.memref_slice %arg7[%dma_start3A_590, %dma_start3A_593, %dma_start3A_594] : memref<2x64x129xf32, #tpu.memory_space<vmem>> -> memref<1x8x128xf32, #tpu.memory_space<vmem>>
      %dma_start3A_596 = tpu.memref_squeeze %dma_start3A_595 : memref<1x8x128xf32, #tpu.memory_space<vmem>> -> memref<8x128xf32, #tpu.memory_space<vmem>>
      %dma_start3A_597 = arith.constant 0 : i32
      %dma_start3A_598 = arith.constant 0 : i32
      %dma_start3A_599 = tpu.memref_slice %arg4[%add3A_416, %dma_start3A_591, %add3A, %dma_start3A_597, %dma_start3A_598] : memref<200x8x32x8x128xf32, #tpu.memory_space<hbm>> -> memref<1x1x1x8x128xf32, #tpu.memory_space<hbm>>
      %dma_start3A_600 = tpu.memref_squeeze %dma_start3A_599 : memref<1x1x1x8x128xf32, #tpu.memory_space<hbm>> -> memref<8x128xf32, #tpu.memory_space<hbm>>
      %dma_start3A_601 = tpu.memref_slice %arg9[%dma_start3A_592] : memref<2x!tpu.dma_semaphore, #tpu.memory_space<semaphore_mem>> -> memref<1x!tpu.dma_semaphore, #tpu.memory_space<semaphore_mem>>
      %dma_start3A_602 = tpu.memref_squeeze %dma_start3A_601 : memref<1x!tpu.dma_semaphore, #tpu.memory_space<semaphore_mem>> -> memref<!tpu.dma_semaphore, #tpu.memory_space<semaphore_mem>>
      %dma_start3A_603 = arith.constant 0 : i32
      %dma_start3A_604 = arith.constant 0 : i32
      %dma_start3A_605 = tpu.memref_slice %arg4[%add3A_416, %dma_start3A_591, %add3A, %dma_start3A_603, %dma_start3A_604] : memref<200x8x32x8x128xf32, #tpu.memory_space<hbm>> -> memref<1x1x1x8x128xf32, #tpu.memory_space<hbm>>
      %dma_start3A_606 = tpu.memref_squeeze %dma_start3A_605 : memref<1x1x1x8x128xf32, #tpu.memory_space<hbm>> -> memref<8x128xf32, #tpu.memory_space<hbm>>
      %dma_start3A_607 = arith.constant 56 : i32
      %dma_start3A_608 = arith.constant 0 : i32
      %dma_start3A_609 = tpu.memref_slice %arg7[%dma_start3A_590, %dma_start3A_607, %dma_start3A_608] : memref<2x64x129xf32, #tpu.memory_space<vmem>> -> memref<1x8x128xf32, #tpu.memory_space<vmem>>
      %dma_start3A_610 = tpu.memref_squeeze %dma_start3A_609 : memref<1x8x128xf32, #tpu.memory_space<vmem>> -> memref<8x128xf32, #tpu.memory_space<vmem>>
      tpu.enqueue_dma source(%dma_start3A_610 : memref<8x128xf32, #tpu.memory_space<vmem>>) target(%dma_start3A_606 : memref<8x128xf32, #tpu.memory_space<hbm>>) target_semaphore(%dma_start3A_602 : memref<!tpu.dma_semaphore, #tpu.memory_space<semaphore_mem>>)
      %add3A_611 = arith.constant 1 : i32
      %add3A_612 = arith.addi %add3A_414, %add3A_611 : i32
      %dma_wait3A_613 = arith.constant 1 : i32
      %dma_wait3A_614 = arith.constant 1 : i32
      %dma_wait3A_615 = arith.constant 0 : i32
      %dma_wait3A_616 = arith.constant 0 : i32
      %dma_wait3A_617 = tpu.memref_slice %arg6[%dma_wait3A_613, %dma_wait3A_615, %dma_wait3A_616] : memref<2x128x64xf32, #tpu.memory_space<vmem>> -> memref<1x128x64xf32, #tpu.memory_space<vmem>>
      %dma_wait3A_618 = tpu.memref_squeeze %dma_wait3A_617 : memref<1x128x64xf32, #tpu.memory_space<vmem>> -> memref<128x64xf32, #tpu.memory_space<vmem>>
      %dma_wait3A_619 = arith.constant 0 : i32
      %dma_wait3A_620 = tpu.memref_slice %arg5[%add3A_612, %dma_wait3A_619] : memref<200x128xi32, #tpu.memory_space<vmem>> -> memref<1x128xi32, #tpu.memory_space<vmem>>
      %dma_wait3A_621 = tpu.memref_squeeze %dma_wait3A_620 : memref<1x128xi32, #tpu.memory_space<vmem>> -> memref<128xi32, #tpu.memory_space<vmem>>
      %dma_wait3A_622 = arith.constant 0 : i32
      %dma_wait3A_623 = arith.constant 0 : i32
      %dma_wait3A_624 = tpu.memref_slice %arg2[%dma_wait3A_622, %dma_wait3A_623] : memref<100000x64xf32, #tpu.memory_space<hbm>> -> memref<100000x64xf32, #tpu.memory_space<hbm>>
      %dma_wait3A_625 = tpu.memref_slice %arg8[%dma_wait3A_614] : memref<2x!tpu.dma_semaphore, #tpu.memory_space<semaphore_mem>> -> memref<1x!tpu.dma_semaphore, #tpu.memory_space<semaphore_mem>>
      %dma_wait3A_626 = tpu.memref_squeeze %dma_wait3A_625 : memref<1x!tpu.dma_semaphore, #tpu.memory_space<semaphore_mem>> -> memref<!tpu.dma_semaphore, #tpu.memory_space<semaphore_mem>>
      tpu.wait_indirect_dma semaphore(%dma_wait3A_626 : memref<!tpu.dma_semaphore, #tpu.memory_space<semaphore_mem>>) src(%dma_wait3A_624 : memref<100000x64xf32, #tpu.memory_space<hbm>>) dst(%dma_wait3A_618 : memref<128x64xf32, #tpu.memory_space<vmem>>)
      %gt3A_627 = arith.constant 0 : i32
      %gt3A_628 = arith.cmpi sgt, %add3A_414, %gt3A_627 : i32
      %convert_element_type3A_629 = arith.extui %gt3A_628 : i1 to i32
      %cond3A_630 = arith.constant 0 : i32
      %cond3A_631 = arith.cmpi ne, %convert_element_type3A_629, %cond3A_630 : i32
      scf.if %cond3A_631 {
        %sub3A = arith.constant 2 : i32
        %sub3A_812 = arith.subi %add3A_612, %sub3A : i32
        %dma_wait3A_813 = arith.constant 1 : i32
        %dma_wait3A_814 = arith.constant 0 : i32
        %dma_wait3A_815 = arith.constant 1 : i32
        %dma_wait3A_816 = arith.constant 0 : i32
        %dma_wait3A_817 = arith.constant 0 : i32
        %dma_wait3A_818 = tpu.memref_slice %arg7[%dma_wait3A_813, %dma_wait3A_816, %dma_wait3A_817] : memref<2x64x129xf32, #tpu.memory_space<vmem>> -> memref<1x8x128xf32, #tpu.memory_space<vmem>>
        %dma_wait3A_819 = tpu.memref_squeeze %dma_wait3A_818 : memref<1x8x128xf32, #tpu.memory_space<vmem>> -> memref<8x128xf32, #tpu.memory_space<vmem>>
        %dma_wait3A_820 = arith.constant 0 : i32
        %dma_wait3A_821 = arith.constant 0 : i32
        %dma_wait3A_822 = tpu.memref_slice %arg4[%sub3A_812, %dma_wait3A_814, %add3A, %dma_wait3A_820, %dma_wait3A_821] : memref<200x8x32x8x128xf32, #tpu.memory_space<hbm>> -> memref<1x1x1x8x128xf32, #tpu.memory_space<hbm>>
        %dma_wait3A_823 = tpu.memref_squeeze %dma_wait3A_822 : memref<1x1x1x8x128xf32, #tpu.memory_space<hbm>> -> memref<8x128xf32, #tpu.memory_space<hbm>>
        %dma_wait3A_824 = tpu.memref_slice %arg9[%dma_wait3A_815] : memref<2x!tpu.dma_semaphore, #tpu.memory_space<semaphore_mem>> -> memref<1x!tpu.dma_semaphore, #tpu.memory_space<semaphore_mem>>
        %dma_wait3A_825 = tpu.memref_squeeze %dma_wait3A_824 : memref<1x!tpu.dma_semaphore, #tpu.memory_space<semaphore_mem>> -> memref<!tpu.dma_semaphore, #tpu.memory_space<semaphore_mem>>
        %dma_wait3A_826 = arith.constant 0 : i32
        %dma_wait3A_827 = arith.constant 0 : i32
        %dma_wait3A_828 = tpu.memref_slice %arg4[%sub3A_812, %dma_wait3A_814, %add3A, %dma_wait3A_826, %dma_wait3A_827] : memref<200x8x32x8x128xf32, #tpu.memory_space<hbm>> -> memref<1x1x1x8x128xf32, #tpu.memory_space<hbm>>
        %dma_wait3A_829 = tpu.memref_squeeze %dma_wait3A_828 : memref<1x1x1x8x128xf32, #tpu.memory_space<hbm>> -> memref<8x128xf32, #tpu.memory_space<hbm>>
        %dma_wait3A_830 = arith.constant 0 : i32
        %dma_wait3A_831 = arith.constant 0 : i32
        %dma_wait3A_832 = tpu.memref_slice %arg7[%dma_wait3A_813, %dma_wait3A_830, %dma_wait3A_831] : memref<2x64x129xf32, #tpu.memory_space<vmem>> -> memref<1x8x128xf32, #tpu.memory_space<vmem>>
        %dma_wait3A_833 = tpu.memref_squeeze %dma_wait3A_832 : memref<1x8x128xf32, #tpu.memory_space<vmem>> -> memref<8x128xf32, #tpu.memory_space<vmem>>
        tpu.wait_dma2 semaphore(%dma_wait3A_825 : memref<!tpu.dma_semaphore, #tpu.memory_space<semaphore_mem>>) src(%dma_wait3A_833 : memref<8x128xf32, #tpu.memory_space<vmem>>) dst(%dma_wait3A_829 : memref<8x128xf32, #tpu.memory_space<hbm>>)
        %dma_wait3A_834 = arith.constant 1 : i32
        %dma_wait3A_835 = arith.constant 1 : i32
        %dma_wait3A_836 = arith.constant 1 : i32
        %dma_wait3A_837 = arith.constant 8 : i32
        %dma_wait3A_838 = arith.constant 0 : i32
        %dma_wait3A_839 = tpu.memref_slice %arg7[%dma_wait3A_834, %dma_wait3A_837, %dma_wait3A_838] : memref<2x64x129xf32, #tpu.memory_space<vmem>> -> memref<1x8x128xf32, #tpu.memory_space<vmem>>
        %dma_wait3A_840 = tpu.memref_squeeze %dma_wait3A_839 : memref<1x8x128xf32, #tpu.memory_space<vmem>> -> memref<8x128xf32, #tpu.memory_space<vmem>>
        %dma_wait3A_841 = arith.constant 0 : i32
        %dma_wait3A_842 = arith.constant 0 : i32
        %dma_wait3A_843 = tpu.memref_slice %arg4[%sub3A_812, %dma_wait3A_835, %add3A, %dma_wait3A_841, %dma_wait3A_842] : memref<200x8x32x8x128xf32, #tpu.memory_space<hbm>> -> memref<1x1x1x8x128xf32, #tpu.memory_space<hbm>>
        %dma_wait3A_844 = tpu.memref_squeeze %dma_wait3A_843 : memref<1x1x1x8x128xf32, #tpu.memory_space<hbm>> -> memref<8x128xf32, #tpu.memory_space<hbm>>
        %dma_wait3A_845 = tpu.memref_slice %arg9[%dma_wait3A_836] : memref<2x!tpu.dma_semaphore, #tpu.memory_space<semaphore_mem>> -> memref<1x!tpu.dma_semaphore, #tpu.memory_space<semaphore_mem>>
        %dma_wait3A_846 = tpu.memref_squeeze %dma_wait3A_845 : memref<1x!tpu.dma_semaphore, #tpu.memory_space<semaphore_mem>> -> memref<!tpu.dma_semaphore, #tpu.memory_space<semaphore_mem>>
        %dma_wait3A_847 = arith.constant 0 : i32
        %dma_wait3A_848 = arith.constant 0 : i32
        %dma_wait3A_849 = tpu.memref_slice %arg4[%sub3A_812, %dma_wait3A_835, %add3A, %dma_wait3A_847, %dma_wait3A_848] : memref<200x8x32x8x128xf32, #tpu.memory_space<hbm>> -> memref<1x1x1x8x128xf32, #tpu.memory_space<hbm>>
        %dma_wait3A_850 = tpu.memref_squeeze %dma_wait3A_849 : memref<1x1x1x8x128xf32, #tpu.memory_space<hbm>> -> memref<8x128xf32, #tpu.memory_space<hbm>>
        %dma_wait3A_851 = arith.constant 8 : i32
        %dma_wait3A_852 = arith.constant 0 : i32
        %dma_wait3A_853 = tpu.memref_slice %arg7[%dma_wait3A_834, %dma_wait3A_851, %dma_wait3A_852] : memref<2x64x129xf32, #tpu.memory_space<vmem>> -> memref<1x8x128xf32, #tpu.memory_space<vmem>>
        %dma_wait3A_854 = tpu.memref_squeeze %dma_wait3A_853 : memref<1x8x128xf32, #tpu.memory_space<vmem>> -> memref<8x128xf32, #tpu.memory_space<vmem>>
        tpu.wait_dma2 semaphore(%dma_wait3A_846 : memref<!tpu.dma_semaphore, #tpu.memory_space<semaphore_mem>>) src(%dma_wait3A_854 : memref<8x128xf32, #tpu.memory_space<vmem>>) dst(%dma_wait3A_850 : memref<8x128xf32, #tpu.memory_space<hbm>>)
        %dma_wait3A_855 = arith.constant 1 : i32
        %dma_wait3A_856 = arith.constant 2 : i32
        %dma_wait3A_857 = arith.constant 1 : i32
        %dma_wait3A_858 = arith.constant 16 : i32
        %dma_wait3A_859 = arith.constant 0 : i32
        %dma_wait3A_860 = tpu.memref_slice %arg7[%dma_wait3A_855, %dma_wait3A_858, %dma_wait3A_859] : memref<2x64x129xf32, #tpu.memory_space<vmem>> -> memref<1x8x128xf32, #tpu.memory_space<vmem>>
        %dma_wait3A_861 = tpu.memref_squeeze %dma_wait3A_860 : memref<1x8x128xf32, #tpu.memory_space<vmem>> -> memref<8x128xf32, #tpu.memory_space<vmem>>
        %dma_wait3A_862 = arith.constant 0 : i32
        %dma_wait3A_863 = arith.constant 0 : i32
        %dma_wait3A_864 = tpu.memref_slice %arg4[%sub3A_812, %dma_wait3A_856, %add3A, %dma_wait3A_862, %dma_wait3A_863] : memref<200x8x32x8x128xf32, #tpu.memory_space<hbm>> -> memref<1x1x1x8x128xf32, #tpu.memory_space<hbm>>
        %dma_wait3A_865 = tpu.memref_squeeze %dma_wait3A_864 : memref<1x1x1x8x128xf32, #tpu.memory_space<hbm>> -> memref<8x128xf32, #tpu.memory_space<hbm>>
        %dma_wait3A_866 = tpu.memref_slice %arg9[%dma_wait3A_857] : memref<2x!tpu.dma_semaphore, #tpu.memory_space<semaphore_mem>> -> memref<1x!tpu.dma_semaphore, #tpu.memory_space<semaphore_mem>>
        %dma_wait3A_867 = tpu.memref_squeeze %dma_wait3A_866 : memref<1x!tpu.dma_semaphore, #tpu.memory_space<semaphore_mem>> -> memref<!tpu.dma_semaphore, #tpu.memory_space<semaphore_mem>>
        %dma_wait3A_868 = arith.constant 0 : i32
        %dma_wait3A_869 = arith.constant 0 : i32
        %dma_wait3A_870 = tpu.memref_slice %arg4[%sub3A_812, %dma_wait3A_856, %add3A, %dma_wait3A_868, %dma_wait3A_869] : memref<200x8x32x8x128xf32, #tpu.memory_space<hbm>> -> memref<1x1x1x8x128xf32, #tpu.memory_space<hbm>>
        %dma_wait3A_871 = tpu.memref_squeeze %dma_wait3A_870 : memref<1x1x1x8x128xf32, #tpu.memory_space<hbm>> -> memref<8x128xf32, #tpu.memory_space<hbm>>
        %dma_wait3A_872 = arith.constant 16 : i32
        %dma_wait3A_873 = arith.constant 0 : i32
        %dma_wait3A_874 = tpu.memref_slice %arg7[%dma_wait3A_855, %dma_wait3A_872, %dma_wait3A_873] : memref<2x64x129xf32, #tpu.memory_space<vmem>> -> memref<1x8x128xf32, #tpu.memory_space<vmem>>
        %dma_wait3A_875 = tpu.memref_squeeze %dma_wait3A_874 : memref<1x8x128xf32, #tpu.memory_space<vmem>> -> memref<8x128xf32, #tpu.memory_space<vmem>>
        tpu.wait_dma2 semaphore(%dma_wait3A_867 : memref<!tpu.dma_semaphore, #tpu.memory_space<semaphore_mem>>) src(%dma_wait3A_875 : memref<8x128xf32, #tpu.memory_space<vmem>>) dst(%dma_wait3A_871 : memref<8x128xf32, #tpu.memory_space<hbm>>)
        %dma_wait3A_876 = arith.constant 1 : i32
        %dma_wait3A_877 = arith.constant 3 : i32
        %dma_wait3A_878 = arith.constant 1 : i32
        %dma_wait3A_879 = arith.constant 24 : i32
        %dma_wait3A_880 = arith.constant 0 : i32
        %dma_wait3A_881 = tpu.memref_slice %arg7[%dma_wait3A_876, %dma_wait3A_879, %dma_wait3A_880] : memref<2x64x129xf32, #tpu.memory_space<vmem>> -> memref<1x8x128xf32, #tpu.memory_space<vmem>>
        %dma_wait3A_882 = tpu.memref_squeeze %dma_wait3A_881 : memref<1x8x128xf32, #tpu.memory_space<vmem>> -> memref<8x128xf32, #tpu.memory_space<vmem>>
        %dma_wait3A_883 = arith.constant 0 : i32
        %dma_wait3A_884 = arith.constant 0 : i32
        %dma_wait3A_885 = tpu.memref_slice %arg4[%sub3A_812, %dma_wait3A_877, %add3A, %dma_wait3A_883, %dma_wait3A_884] : memref<200x8x32x8x128xf32, #tpu.memory_space<hbm>> -> memref<1x1x1x8x128xf32, #tpu.memory_space<hbm>>
        %dma_wait3A_886 = tpu.memref_squeeze %dma_wait3A_885 : memref<1x1x1x8x128xf32, #tpu.memory_space<hbm>> -> memref<8x128xf32, #tpu.memory_space<hbm>>
        %dma_wait3A_887 = tpu.memref_slice %arg9[%dma_wait3A_878] : memref<2x!tpu.dma_semaphore, #tpu.memory_space<semaphore_mem>> -> memref<1x!tpu.dma_semaphore, #tpu.memory_space<semaphore_mem>>
        %dma_wait3A_888 = tpu.memref_squeeze %dma_wait3A_887 : memref<1x!tpu.dma_semaphore, #tpu.memory_space<semaphore_mem>> -> memref<!tpu.dma_semaphore, #tpu.memory_space<semaphore_mem>>
        %dma_wait3A_889 = arith.constant 0 : i32
        %dma_wait3A_890 = arith.constant 0 : i32
        %dma_wait3A_891 = tpu.memref_slice %arg4[%sub3A_812, %dma_wait3A_877, %add3A, %dma_wait3A_889, %dma_wait3A_890] : memref<200x8x32x8x128xf32, #tpu.memory_space<hbm>> -> memref<1x1x1x8x128xf32, #tpu.memory_space<hbm>>
        %dma_wait3A_892 = tpu.memref_squeeze %dma_wait3A_891 : memref<1x1x1x8x128xf32, #tpu.memory_space<hbm>> -> memref<8x128xf32, #tpu.memory_space<hbm>>
        %dma_wait3A_893 = arith.constant 24 : i32
        %dma_wait3A_894 = arith.constant 0 : i32
        %dma_wait3A_895 = tpu.memref_slice %arg7[%dma_wait3A_876, %dma_wait3A_893, %dma_wait3A_894] : memref<2x64x129xf32, #tpu.memory_space<vmem>> -> memref<1x8x128xf32, #tpu.memory_space<vmem>>
        %dma_wait3A_896 = tpu.memref_squeeze %dma_wait3A_895 : memref<1x8x128xf32, #tpu.memory_space<vmem>> -> memref<8x128xf32, #tpu.memory_space<vmem>>
        tpu.wait_dma2 semaphore(%dma_wait3A_888 : memref<!tpu.dma_semaphore, #tpu.memory_space<semaphore_mem>>) src(%dma_wait3A_896 : memref<8x128xf32, #tpu.memory_space<vmem>>) dst(%dma_wait3A_892 : memref<8x128xf32, #tpu.memory_space<hbm>>)
        %dma_wait3A_897 = arith.constant 1 : i32
        %dma_wait3A_898 = arith.constant 4 : i32
        %dma_wait3A_899 = arith.constant 1 : i32
        %dma_wait3A_900 = arith.constant 32 : i32
        %dma_wait3A_901 = arith.constant 0 : i32
        %dma_wait3A_902 = tpu.memref_slice %arg7[%dma_wait3A_897, %dma_wait3A_900, %dma_wait3A_901] : memref<2x64x129xf32, #tpu.memory_space<vmem>> -> memref<1x8x128xf32, #tpu.memory_space<vmem>>
        %dma_wait3A_903 = tpu.memref_squeeze %dma_wait3A_902 : memref<1x8x128xf32, #tpu.memory_space<vmem>> -> memref<8x128xf32, #tpu.memory_space<vmem>>
        %dma_wait3A_904 = arith.constant 0 : i32
        %dma_wait3A_905 = arith.constant 0 : i32
        %dma_wait3A_906 = tpu.memref_slice %arg4[%sub3A_812, %dma_wait3A_898, %add3A, %dma_wait3A_904, %dma_wait3A_905] : memref<200x8x32x8x128xf32, #tpu.memory_space<hbm>> -> memref<1x1x1x8x128xf32, #tpu.memory_space<hbm>>
        %dma_wait3A_907 = tpu.memref_squeeze %dma_wait3A_906 : memref<1x1x1x8x128xf32, #tpu.memory_space<hbm>> -> memref<8x128xf32, #tpu.memory_space<hbm>>
        %dma_wait3A_908 = tpu.memref_slice %arg9[%dma_wait3A_899] : memref<2x!tpu.dma_semaphore, #tpu.memory_space<semaphore_mem>> -> memref<1x!tpu.dma_semaphore, #tpu.memory_space<semaphore_mem>>
        %dma_wait3A_909 = tpu.memref_squeeze %dma_wait3A_908 : memref<1x!tpu.dma_semaphore, #tpu.memory_space<semaphore_mem>> -> memref<!tpu.dma_semaphore, #tpu.memory_space<semaphore_mem>>
        %dma_wait3A_910 = arith.constant 0 : i32
        %dma_wait3A_911 = arith.constant 0 : i32
        %dma_wait3A_912 = tpu.memref_slice %arg4[%sub3A_812, %dma_wait3A_898, %add3A, %dma_wait3A_910, %dma_wait3A_911] : memref<200x8x32x8x128xf32, #tpu.memory_space<hbm>> -> memref<1x1x1x8x128xf32, #tpu.memory_space<hbm>>
        %dma_wait3A_913 = tpu.memref_squeeze %dma_wait3A_912 : memref<1x1x1x8x128xf32, #tpu.memory_space<hbm>> -> memref<8x128xf32, #tpu.memory_space<hbm>>
        %dma_wait3A_914 = arith.constant 32 : i32
        %dma_wait3A_915 = arith.constant 0 : i32
        %dma_wait3A_916 = tpu.memref_slice %arg7[%dma_wait3A_897, %dma_wait3A_914, %dma_wait3A_915] : memref<2x64x129xf32, #tpu.memory_space<vmem>> -> memref<1x8x128xf32, #tpu.memory_space<vmem>>
        %dma_wait3A_917 = tpu.memref_squeeze %dma_wait3A_916 : memref<1x8x128xf32, #tpu.memory_space<vmem>> -> memref<8x128xf32, #tpu.memory_space<vmem>>
        tpu.wait_dma2 semaphore(%dma_wait3A_909 : memref<!tpu.dma_semaphore, #tpu.memory_space<semaphore_mem>>) src(%dma_wait3A_917 : memref<8x128xf32, #tpu.memory_space<vmem>>) dst(%dma_wait3A_913 : memref<8x128xf32, #tpu.memory_space<hbm>>)
        %dma_wait3A_918 = arith.constant 1 : i32
        %dma_wait3A_919 = arith.constant 5 : i32
        %dma_wait3A_920 = arith.constant 1 : i32
        %dma_wait3A_921 = arith.constant 40 : i32
        %dma_wait3A_922 = arith.constant 0 : i32
        %dma_wait3A_923 = tpu.memref_slice %arg7[%dma_wait3A_918, %dma_wait3A_921, %dma_wait3A_922] : memref<2x64x129xf32, #tpu.memory_space<vmem>> -> memref<1x8x128xf32, #tpu.memory_space<vmem>>
        %dma_wait3A_924 = tpu.memref_squeeze %dma_wait3A_923 : memref<1x8x128xf32, #tpu.memory_space<vmem>> -> memref<8x128xf32, #tpu.memory_space<vmem>>
        %dma_wait3A_925 = arith.constant 0 : i32
        %dma_wait3A_926 = arith.constant 0 : i32
        %dma_wait3A_927 = tpu.memref_slice %arg4[%sub3A_812, %dma_wait3A_919, %add3A, %dma_wait3A_925, %dma_wait3A_926] : memref<200x8x32x8x128xf32, #tpu.memory_space<hbm>> -> memref<1x1x1x8x128xf32, #tpu.memory_space<hbm>>
        %dma_wait3A_928 = tpu.memref_squeeze %dma_wait3A_927 : memref<1x1x1x8x128xf32, #tpu.memory_space<hbm>> -> memref<8x128xf32, #tpu.memory_space<hbm>>
        %dma_wait3A_929 = tpu.memref_slice %arg9[%dma_wait3A_920] : memref<2x!tpu.dma_semaphore, #tpu.memory_space<semaphore_mem>> -> memref<1x!tpu.dma_semaphore, #tpu.memory_space<semaphore_mem>>
        %dma_wait3A_930 = tpu.memref_squeeze %dma_wait3A_929 : memref<1x!tpu.dma_semaphore, #tpu.memory_space<semaphore_mem>> -> memref<!tpu.dma_semaphore, #tpu.memory_space<semaphore_mem>>
        %dma_wait3A_931 = arith.constant 0 : i32
        %dma_wait3A_932 = arith.constant 0 : i32
        %dma_wait3A_933 = tpu.memref_slice %arg4[%sub3A_812, %dma_wait3A_919, %add3A, %dma_wait3A_931, %dma_wait3A_932] : memref<200x8x32x8x128xf32, #tpu.memory_space<hbm>> -> memref<1x1x1x8x128xf32, #tpu.memory_space<hbm>>
        %dma_wait3A_934 = tpu.memref_squeeze %dma_wait3A_933 : memref<1x1x1x8x128xf32, #tpu.memory_space<hbm>> -> memref<8x128xf32, #tpu.memory_space<hbm>>
        %dma_wait3A_935 = arith.constant 40 : i32
        %dma_wait3A_936 = arith.constant 0 : i32
        %dma_wait3A_937 = tpu.memref_slice %arg7[%dma_wait3A_918, %dma_wait3A_935, %dma_wait3A_936] : memref<2x64x129xf32, #tpu.memory_space<vmem>> -> memref<1x8x128xf32, #tpu.memory_space<vmem>>
        %dma_wait3A_938 = tpu.memref_squeeze %dma_wait3A_937 : memref<1x8x128xf32, #tpu.memory_space<vmem>> -> memref<8x128xf32, #tpu.memory_space<vmem>>
        tpu.wait_dma2 semaphore(%dma_wait3A_930 : memref<!tpu.dma_semaphore, #tpu.memory_space<semaphore_mem>>) src(%dma_wait3A_938 : memref<8x128xf32, #tpu.memory_space<vmem>>) dst(%dma_wait3A_934 : memref<8x128xf32, #tpu.memory_space<hbm>>)
        %dma_wait3A_939 = arith.constant 1 : i32
        %dma_wait3A_940 = arith.constant 6 : i32
        %dma_wait3A_941 = arith.constant 1 : i32
        %dma_wait3A_942 = arith.constant 48 : i32
        %dma_wait3A_943 = arith.constant 0 : i32
        %dma_wait3A_944 = tpu.memref_slice %arg7[%dma_wait3A_939, %dma_wait3A_942, %dma_wait3A_943] : memref<2x64x129xf32, #tpu.memory_space<vmem>> -> memref<1x8x128xf32, #tpu.memory_space<vmem>>
        %dma_wait3A_945 = tpu.memref_squeeze %dma_wait3A_944 : memref<1x8x128xf32, #tpu.memory_space<vmem>> -> memref<8x128xf32, #tpu.memory_space<vmem>>
        %dma_wait3A_946 = arith.constant 0 : i32
        %dma_wait3A_947 = arith.constant 0 : i32
        %dma_wait3A_948 = tpu.memref_slice %arg4[%sub3A_812, %dma_wait3A_940, %add3A, %dma_wait3A_946, %dma_wait3A_947] : memref<200x8x32x8x128xf32, #tpu.memory_space<hbm>> -> memref<1x1x1x8x128xf32, #tpu.memory_space<hbm>>
        %dma_wait3A_949 = tpu.memref_squeeze %dma_wait3A_948 : memref<1x1x1x8x128xf32, #tpu.memory_space<hbm>> -> memref<8x128xf32, #tpu.memory_space<hbm>>
        %dma_wait3A_950 = tpu.memref_slice %arg9[%dma_wait3A_941] : memref<2x!tpu.dma_semaphore, #tpu.memory_space<semaphore_mem>> -> memref<1x!tpu.dma_semaphore, #tpu.memory_space<semaphore_mem>>
        %dma_wait3A_951 = tpu.memref_squeeze %dma_wait3A_950 : memref<1x!tpu.dma_semaphore, #tpu.memory_space<semaphore_mem>> -> memref<!tpu.dma_semaphore, #tpu.memory_space<semaphore_mem>>
        %dma_wait3A_952 = arith.constant 0 : i32
        %dma_wait3A_953 = arith.constant 0 : i32
        %dma_wait3A_954 = tpu.memref_slice %arg4[%sub3A_812, %dma_wait3A_940, %add3A, %dma_wait3A_952, %dma_wait3A_953] : memref<200x8x32x8x128xf32, #tpu.memory_space<hbm>> -> memref<1x1x1x8x128xf32, #tpu.memory_space<hbm>>
        %dma_wait3A_955 = tpu.memref_squeeze %dma_wait3A_954 : memref<1x1x1x8x128xf32, #tpu.memory_space<hbm>> -> memref<8x128xf32, #tpu.memory_space<hbm>>
        %dma_wait3A_956 = arith.constant 48 : i32
        %dma_wait3A_957 = arith.constant 0 : i32
        %dma_wait3A_958 = tpu.memref_slice %arg7[%dma_wait3A_939, %dma_wait3A_956, %dma_wait3A_957] : memref<2x64x129xf32, #tpu.memory_space<vmem>> -> memref<1x8x128xf32, #tpu.memory_space<vmem>>
        %dma_wait3A_959 = tpu.memref_squeeze %dma_wait3A_958 : memref<1x8x128xf32, #tpu.memory_space<vmem>> -> memref<8x128xf32, #tpu.memory_space<vmem>>
        tpu.wait_dma2 semaphore(%dma_wait3A_951 : memref<!tpu.dma_semaphore, #tpu.memory_space<semaphore_mem>>) src(%dma_wait3A_959 : memref<8x128xf32, #tpu.memory_space<vmem>>) dst(%dma_wait3A_955 : memref<8x128xf32, #tpu.memory_space<hbm>>)
        %dma_wait3A_960 = arith.constant 1 : i32
        %dma_wait3A_961 = arith.constant 7 : i32
        %dma_wait3A_962 = arith.constant 1 : i32
        %dma_wait3A_963 = arith.constant 56 : i32
        %dma_wait3A_964 = arith.constant 0 : i32
        %dma_wait3A_965 = tpu.memref_slice %arg7[%dma_wait3A_960, %dma_wait3A_963, %dma_wait3A_964] : memref<2x64x129xf32, #tpu.memory_space<vmem>> -> memref<1x8x128xf32, #tpu.memory_space<vmem>>
        %dma_wait3A_966 = tpu.memref_squeeze %dma_wait3A_965 : memref<1x8x128xf32, #tpu.memory_space<vmem>> -> memref<8x128xf32, #tpu.memory_space<vmem>>
        %dma_wait3A_967 = arith.constant 0 : i32
        %dma_wait3A_968 = arith.constant 0 : i32
        %dma_wait3A_969 = tpu.memref_slice %arg4[%sub3A_812, %dma_wait3A_961, %add3A, %dma_wait3A_967, %dma_wait3A_968] : memref<200x8x32x8x128xf32, #tpu.memory_space<hbm>> -> memref<1x1x1x8x128xf32, #tpu.memory_space<hbm>>
        %dma_wait3A_970 = tpu.memref_squeeze %dma_wait3A_969 : memref<1x1x1x8x128xf32, #tpu.memory_space<hbm>> -> memref<8x128xf32, #tpu.memory_space<hbm>>
        %dma_wait3A_971 = tpu.memref_slice %arg9[%dma_wait3A_962] : memref<2x!tpu.dma_semaphore, #tpu.memory_space<semaphore_mem>> -> memref<1x!tpu.dma_semaphore, #tpu.memory_space<semaphore_mem>>
        %dma_wait3A_972 = tpu.memref_squeeze %dma_wait3A_971 : memref<1x!tpu.dma_semaphore, #tpu.memory_space<semaphore_mem>> -> memref<!tpu.dma_semaphore, #tpu.memory_space<semaphore_mem>>
        %dma_wait3A_973 = arith.constant 0 : i32
        %dma_wait3A_974 = arith.constant 0 : i32
        %dma_wait3A_975 = tpu.memref_slice %arg4[%sub3A_812, %dma_wait3A_961, %add3A, %dma_wait3A_973, %dma_wait3A_974] : memref<200x8x32x8x128xf32, #tpu.memory_space<hbm>> -> memref<1x1x1x8x128xf32, #tpu.memory_space<hbm>>
        %dma_wait3A_976 = tpu.memref_squeeze %dma_wait3A_975 : memref<1x1x1x8x128xf32, #tpu.memory_space<hbm>> -> memref<8x128xf32, #tpu.memory_space<hbm>>
        %dma_wait3A_977 = arith.constant 56 : i32
        %dma_wait3A_978 = arith.constant 0 : i32
        %dma_wait3A_979 = tpu.memref_slice %arg7[%dma_wait3A_960, %dma_wait3A_977, %dma_wait3A_978] : memref<2x64x129xf32, #tpu.memory_space<vmem>> -> memref<1x8x128xf32, #tpu.memory_space<vmem>>
        %dma_wait3A_980 = tpu.memref_squeeze %dma_wait3A_979 : memref<1x8x128xf32, #tpu.memory_space<vmem>> -> memref<8x128xf32, #tpu.memory_space<vmem>>
        tpu.wait_dma2 semaphore(%dma_wait3A_972 : memref<!tpu.dma_semaphore, #tpu.memory_space<semaphore_mem>>) src(%dma_wait3A_980 : memref<8x128xf32, #tpu.memory_space<vmem>>) dst(%dma_wait3A_976 : memref<8x128xf32, #tpu.memory_space<hbm>>)
      } else {
      }
      %parallel_loop3A_632 = arith.constant 0 : i32
      %parallel_loop3A_633 = arith.constant 128 : i32
      %parallel_loop3A_634 = arith.constant 1 : i32
      %parallel_loop3A_635 = arith.constant 1 : i32
      %parallel_loop3A_636 = arith.constant 1 : i32
      scf.for %parallel_loop3A_812 = %parallel_loop3A_632 to %parallel_loop3A_633 step %parallel_loop3A_634  : i32 {
        %parallel_loop3A_813 = arith.constant 0 : i32
        %parallel_loop3A_814 = arith.constant 0 : i32
        %parallel_loop3A_815 = tpu.memref_slice %arg6[%parallel_loop3A_635, %parallel_loop3A_813, %parallel_loop3A_814] : memref<2x128x64xf32, #tpu.memory_space<vmem>> -> memref<1x128x64xf32, #tpu.memory_space<vmem>>
        %parallel_loop3A_816 = tpu.memref_squeeze %parallel_loop3A_815 : memref<1x128x64xf32, #tpu.memory_space<vmem>> -> memref<128x64xf32, #tpu.memory_space<vmem>>
        %parallel_loop3A_817 = arith.index_cast %parallel_loop3A_812 : i32 to index
        %parallel_loop3A_818 = arith.constant 0 : index
        %parallel_loop3A_819 = tpu.vector_load %parallel_loop3A_816[%parallel_loop3A_817, %parallel_loop3A_818] {strides = array<i32>} : memref<128x64xf32, #tpu.memory_space<vmem>>, vector<16xf32>,
        %parallel_loop3A_820 = arith.constant 0 : i32
        %parallel_loop3A_821 = arith.constant 0 : i32
        %parallel_loop3A_822 = tpu.memref_slice %arg6[%parallel_loop3A_635, %parallel_loop3A_820, %parallel_loop3A_821] : memref<2x128x64xf32, #tpu.memory_space<vmem>> -> memref<1x128x64xf32, #tpu.memory_space<vmem>>
        %parallel_loop3A_823 = tpu.memref_squeeze %parallel_loop3A_822 : memref<1x128x64xf32, #tpu.memory_space<vmem>> -> memref<128x64xf32, #tpu.memory_space<vmem>>
        %parallel_loop3A_824 = arith.index_cast %parallel_loop3A_812 : i32 to index
        %parallel_loop3A_825 = arith.constant 16 : index
        %parallel_loop3A_826 = tpu.vector_load %parallel_loop3A_823[%parallel_loop3A_824, %parallel_loop3A_825] {strides = array<i32>} : memref<128x64xf32, #tpu.memory_space<vmem>>, vector<16xf32>,
        %parallel_loop3A_827 = arith.constant 0 : i32
        %parallel_loop3A_828 = arith.constant 0 : i32
        %parallel_loop3A_829 = tpu.memref_slice %arg6[%parallel_loop3A_635, %parallel_loop3A_827, %parallel_loop3A_828] : memref<2x128x64xf32, #tpu.memory_space<vmem>> -> memref<1x128x64xf32, #tpu.memory_space<vmem>>
        %parallel_loop3A_830 = tpu.memref_squeeze %parallel_loop3A_829 : memref<1x128x64xf32, #tpu.memory_space<vmem>> -> memref<128x64xf32, #tpu.memory_space<vmem>>
        %parallel_loop3A_831 = arith.index_cast %parallel_loop3A_812 : i32 to index
        %parallel_loop3A_832 = arith.constant 32 : index
        %parallel_loop3A_833 = tpu.vector_load %parallel_loop3A_830[%parallel_loop3A_831, %parallel_loop3A_832] {strides = array<i32>} : memref<128x64xf32, #tpu.memory_space<vmem>>, vector<16xf32>,
        %parallel_loop3A_834 = arith.constant 0 : i32
        %parallel_loop3A_835 = arith.constant 0 : i32
        %parallel_loop3A_836 = tpu.memref_slice %arg6[%parallel_loop3A_635, %parallel_loop3A_834, %parallel_loop3A_835] : memref<2x128x64xf32, #tpu.memory_space<vmem>> -> memref<1x128x64xf32, #tpu.memory_space<vmem>>
        %parallel_loop3A_837 = tpu.memref_squeeze %parallel_loop3A_836 : memref<1x128x64xf32, #tpu.memory_space<vmem>> -> memref<128x64xf32, #tpu.memory_space<vmem>>
        %parallel_loop3A_838 = arith.index_cast %parallel_loop3A_812 : i32 to index
        %parallel_loop3A_839 = arith.constant 48 : index
        %parallel_loop3A_840 = tpu.vector_load %parallel_loop3A_837[%parallel_loop3A_838, %parallel_loop3A_839] {strides = array<i32>} : memref<128x64xf32, #tpu.memory_space<vmem>>, vector<16xf32>,
        %parallel_loop3A_841 = math.absf %parallel_loop3A_819 : vector<16xf32>
        %parallel_loop3A_842 = math.absf %parallel_loop3A_826 : vector<16xf32>
        %parallel_loop3A_843 = arith.addf %parallel_loop3A_841, %parallel_loop3A_842 : vector<16xf32>
        %parallel_loop3A_844 = math.absf %parallel_loop3A_833 : vector<16xf32>
        %parallel_loop3A_845 = arith.addf %parallel_loop3A_843, %parallel_loop3A_844 : vector<16xf32>
        %parallel_loop3A_846 = math.absf %parallel_loop3A_840 : vector<16xf32>
        %parallel_loop3A_847 = arith.addf %parallel_loop3A_845, %parallel_loop3A_846 : vector<16xf32>
        %parallel_loop3A_848 = arith.constant 0 : i32
        %parallel_loop3A_849 = vector.broadcast %parallel_loop3A_848 : i32 to vector<16xi32>
        %parallel_loop3A_850 = arith.cmpi slt, %xor3A_4, %parallel_loop3A_849 : vector<16xi32>
        %parallel_loop3A_851 = arith.constant 16 : i32
        %parallel_loop3A_852 = vector.broadcast %parallel_loop3A_851 : i32 to vector<16xi32>
        %parallel_loop3A_853 = arith.addi %xor3A_4, %parallel_loop3A_852 : vector<16xi32>
        %parallel_loop3A_854 = arith.select %parallel_loop3A_850, %parallel_loop3A_853, %xor3A_4 : vector<16xi1>, vector<16xi32>
        %parallel_loop3A_855 = vector.shape_cast %parallel_loop3A_854 : vector<16xi32> to vector<16x1xi32>
        %parallel_loop3A_856 = vector.shape_cast %parallel_loop3A_855 : vector<16x1xi32> to vector<16xi32>
        %parallel_loop3A_857 = tpu.dynamic_gather %parallel_loop3A_847[%parallel_loop3A_856] in [0] : vector<16xf32>, vector<16xi32> -> vector<16xf32>
        %parallel_loop3A_858 = arith.addf %parallel_loop3A_847, %parallel_loop3A_857 : vector<16xf32>
        %parallel_loop3A_859 = arith.constant 0 : i32
        %parallel_loop3A_860 = vector.broadcast %parallel_loop3A_859 : i32 to vector<16xi32>
        %parallel_loop3A_861 = arith.cmpi slt, %xor3A_7, %parallel_loop3A_860 : vector<16xi32>
        %parallel_loop3A_862 = arith.constant 16 : i32
        %parallel_loop3A_863 = vector.broadcast %parallel_loop3A_862 : i32 to vector<16xi32>
        %parallel_loop3A_864 = arith.addi %xor3A_7, %parallel_loop3A_863 : vector<16xi32>
        %parallel_loop3A_865 = arith.select %parallel_loop3A_861, %parallel_loop3A_864, %xor3A_7 : vector<16xi1>, vector<16xi32>
        %parallel_loop3A_866 = vector.shape_cast %parallel_loop3A_865 : vector<16xi32> to vector<16x1xi32>
        %parallel_loop3A_867 = vector.shape_cast %parallel_loop3A_866 : vector<16x1xi32> to vector<16xi32>
        %parallel_loop3A_868 = tpu.dynamic_gather %parallel_loop3A_858[%parallel_loop3A_867] in [0] : vector<16xf32>, vector<16xi32> -> vector<16xf32>
        %parallel_loop3A_869 = arith.addf %parallel_loop3A_858, %parallel_loop3A_868 : vector<16xf32>
        %parallel_loop3A_870 = arith.constant 0 : i32
        %parallel_loop3A_871 = vector.broadcast %parallel_loop3A_870 : i32 to vector<16xi32>
        %parallel_loop3A_872 = arith.cmpi slt, %xor3A_10, %parallel_loop3A_871 : vector<16xi32>
        %parallel_loop3A_873 = arith.constant 16 : i32
        %parallel_loop3A_874 = vector.broadcast %parallel_loop3A_873 : i32 to vector<16xi32>
        %parallel_loop3A_875 = arith.addi %xor3A_10, %parallel_loop3A_874 : vector<16xi32>
        %parallel_loop3A_876 = arith.select %parallel_loop3A_872, %parallel_loop3A_875, %xor3A_10 : vector<16xi1>, vector<16xi32>
        %parallel_loop3A_877 = vector.shape_cast %parallel_loop3A_876 : vector<16xi32> to vector<16x1xi32>
        %parallel_loop3A_878 = vector.shape_cast %parallel_loop3A_877 : vector<16x1xi32> to vector<16xi32>
        %parallel_loop3A_879 = tpu.dynamic_gather %parallel_loop3A_869[%parallel_loop3A_878] in [0] : vector<16xf32>, vector<16xi32> -> vector<16xf32>
        %parallel_loop3A_880 = arith.addf %parallel_loop3A_869, %parallel_loop3A_879 : vector<16xf32>
        %parallel_loop3A_881 = arith.constant 0 : i32
        %parallel_loop3A_882 = vector.broadcast %parallel_loop3A_881 : i32 to vector<16xi32>
        %parallel_loop3A_883 = arith.cmpi slt, %xor3A_13, %parallel_loop3A_882 : vector<16xi32>
        %parallel_loop3A_884 = arith.constant 16 : i32
        %parallel_loop3A_885 = vector.broadcast %parallel_loop3A_884 : i32 to vector<16xi32>
        %parallel_loop3A_886 = arith.addi %xor3A_13, %parallel_loop3A_885 : vector<16xi32>
        %parallel_loop3A_887 = arith.select %parallel_loop3A_883, %parallel_loop3A_886, %xor3A_13 : vector<16xi1>, vector<16xi32>
        %parallel_loop3A_888 = vector.shape_cast %parallel_loop3A_887 : vector<16xi32> to vector<16x1xi32>
        %parallel_loop3A_889 = vector.shape_cast %parallel_loop3A_888 : vector<16x1xi32> to vector<16xi32>
        %parallel_loop3A_890 = tpu.dynamic_gather %parallel_loop3A_880[%parallel_loop3A_889] in [0] : vector<16xf32>, vector<16xi32> -> vector<16xf32>
        %parallel_loop3A_891 = arith.addf %parallel_loop3A_880, %parallel_loop3A_890 : vector<16xf32>
        %parallel_loop3A_892 = arith.constant 1.000000e+00 : f32
        %parallel_loop3A_893 = vector.broadcast %parallel_loop3A_892 : f32 to vector<16xf32>
        %parallel_loop3A_894 = arith.cmpf ogt, %parallel_loop3A_891, %parallel_loop3A_893 : vector<16xf32>
        %parallel_loop3A_895 = arith.constant 1.000000e-07 : f32
        %parallel_loop3A_896 = vector.broadcast %parallel_loop3A_895 : f32 to vector<16xf32>
        %parallel_loop3A_897 = arith.addf %parallel_loop3A_891, %parallel_loop3A_896 : vector<16xf32>
        %parallel_loop3A_898 = arith.constant 1.000000e+00 : f32
        %parallel_loop3A_899 = vector.broadcast %parallel_loop3A_898 : f32 to vector<16xf32>
        %parallel_loop3A_900 = arith.divf %parallel_loop3A_899, %parallel_loop3A_897 : vector<16xf32>
        %parallel_loop3A_901 = arith.constant 1.000000e+00 : f32
        %parallel_loop3A_902 = vector.broadcast %parallel_loop3A_901 : f32 to vector<16xf32>
        %parallel_loop3A_903 = arith.select %parallel_loop3A_894, %parallel_loop3A_900, %parallel_loop3A_902 : vector<16xi1>, vector<16xf32>
        %parallel_loop3A_904 = vector.broadcast %parallel_loop3A_812 : i32 to vector<16xi32>
        %parallel_loop3A_905 = arith.mulf %parallel_loop3A_819, %parallel_loop3A_903 : vector<16xf32>
        %parallel_loop3A_906 = arith.constant 0 : i32
        %parallel_loop3A_907 = arith.constant 0 : i32
        %parallel_loop3A_908 = tpu.memref_slice %arg7[%parallel_loop3A_636, %parallel_loop3A_906, %parallel_loop3A_907] : memref<2x64x129xf32, #tpu.memory_space<vmem>> -> memref<1x64x129xf32, #tpu.memory_space<vmem>>
        %parallel_loop3A_909 = tpu.memref_squeeze %parallel_loop3A_908 : memref<1x64x129xf32, #tpu.memory_space<vmem>> -> memref<64x129xf32, #tpu.memory_space<vmem>>
        tpu.vector_store_idx %parallel_loop3A_909[%add3A_16, %parallel_loop3A_904], %parallel_loop3A_905 : memref<64x129xf32, #tpu.memory_space<vmem>>[vector<16xi32>, vector<16xi32>], vector<16xf32>,
        %parallel_loop3A_910 = arith.mulf %parallel_loop3A_826, %parallel_loop3A_903 : vector<16xf32>
        %parallel_loop3A_911 = arith.constant 0 : i32
        %parallel_loop3A_912 = arith.constant 0 : i32
        %parallel_loop3A_913 = tpu.memref_slice %arg7[%parallel_loop3A_636, %parallel_loop3A_911, %parallel_loop3A_912] : memref<2x64x129xf32, #tpu.memory_space<vmem>> -> memref<1x64x129xf32, #tpu.memory_space<vmem>>
        %parallel_loop3A_914 = tpu.memref_squeeze %parallel_loop3A_913 : memref<1x64x129xf32, #tpu.memory_space<vmem>> -> memref<64x129xf32, #tpu.memory_space<vmem>>
        tpu.vector_store_idx %parallel_loop3A_914[%add3A_19, %parallel_loop3A_904], %parallel_loop3A_910 : memref<64x129xf32, #tpu.memory_space<vmem>>[vector<16xi32>, vector<16xi32>], vector<16xf32>,
        %parallel_loop3A_915 = arith.mulf %parallel_loop3A_833, %parallel_loop3A_903 : vector<16xf32>
        %parallel_loop3A_916 = arith.constant 0 : i32
        %parallel_loop3A_917 = arith.constant 0 : i32
        %parallel_loop3A_918 = tpu.memref_slice %arg7[%parallel_loop3A_636, %parallel_loop3A_916, %parallel_loop3A_917] : memref<2x64x129xf32, #tpu.memory_space<vmem>> -> memref<1x64x129xf32, #tpu.memory_space<vmem>>
        %parallel_loop3A_919 = tpu.memref_squeeze %parallel_loop3A_918 : memref<1x64x129xf32, #tpu.memory_space<vmem>> -> memref<64x129xf32, #tpu.memory_space<vmem>>
        tpu.vector_store_idx %parallel_loop3A_919[%add3A_22, %parallel_loop3A_904], %parallel_loop3A_915 : memref<64x129xf32, #tpu.memory_space<vmem>>[vector<16xi32>, vector<16xi32>], vector<16xf32>,
        %parallel_loop3A_920 = arith.mulf %parallel_loop3A_840, %parallel_loop3A_903 : vector<16xf32>
        %parallel_loop3A_921 = arith.constant 0 : i32
        %parallel_loop3A_922 = arith.constant 0 : i32
        %parallel_loop3A_923 = tpu.memref_slice %arg7[%parallel_loop3A_636, %parallel_loop3A_921, %parallel_loop3A_922] : memref<2x64x129xf32, #tpu.memory_space<vmem>> -> memref<1x64x129xf32, #tpu.memory_space<vmem>>
        %parallel_loop3A_924 = tpu.memref_squeeze %parallel_loop3A_923 : memref<1x64x129xf32, #tpu.memory_space<vmem>> -> memref<64x129xf32, #tpu.memory_space<vmem>>
        tpu.vector_store_idx %parallel_loop3A_924[%add3A_25, %parallel_loop3A_904], %parallel_loop3A_920 : memref<64x129xf32, #tpu.memory_space<vmem>>[vector<16xi32>, vector<16xi32>], vector<16xf32>,
      } {sc.loop_unroll_factor = 16 : i64, sc.parallel_access}
      %add3A_637 = arith.constant 2 : i32
      %add3A_638 = arith.addi %add3A_612, %add3A_637 : i32
      %lt3A_639 = arith.constant 200 : i32
      %lt3A_640 = arith.cmpi slt, %add3A_638, %lt3A_639 : i32
      %convert_element_type3A_641 = arith.extui %lt3A_640 : i1 to i32
      %cond3A_642 = arith.constant 0 : i32
      %cond3A_643 = arith.cmpi ne, %convert_element_type3A_641, %cond3A_642 : i32
      scf.if %cond3A_643 {
        %add3A_812 = arith.constant 2 : i32
        %add3A_813 = arith.addi %add3A_612, %add3A_812 : i32
        %dma_start3A_814 = arith.constant 1 : i32
        %dma_start3A_815 = arith.constant 1 : i32
        %dma_start3A_816 = arith.constant 0 : i32
        %dma_start3A_817 = arith.constant 0 : i32
        %dma_start3A_818 = tpu.memref_slice %arg6[%dma_start3A_814, %dma_start3A_816, %dma_start3A_817] : memref<2x128x64xf32, #tpu.memory_space<vmem>> -> memref<1x128x64xf32, #tpu.memory_space<vmem>>
        %dma_start3A_819 = tpu.memref_squeeze %dma_start3A_818 : memref<1x128x64xf32, #tpu.memory_space<vmem>> -> memref<128x64xf32, #tpu.memory_space<vmem>>
        %dma_start3A_820 = arith.constant 0 : i32
        %dma_start3A_821 = tpu.memref_slice %arg5[%add3A_813, %dma_start3A_820] : memref<200x128xi32, #tpu.memory_space<vmem>> -> memref<1x128xi32, #tpu.memory_space<vmem>>
        %dma_start3A_822 = tpu.memref_squeeze %dma_start3A_821 : memref<1x128xi32, #tpu.memory_space<vmem>> -> memref<128xi32, #tpu.memory_space<vmem>>
        %dma_start3A_823 = arith.constant 0 : i32
        %dma_start3A_824 = arith.constant 0 : i32
        %dma_start3A_825 = tpu.memref_slice %arg2[%dma_start3A_823, %dma_start3A_824] : memref<100000x64xf32, #tpu.memory_space<hbm>> -> memref<100000x64xf32, #tpu.memory_space<hbm>>
        %dma_start3A_826 = tpu.memref_slice %arg8[%dma_start3A_815] : memref<2x!tpu.dma_semaphore, #tpu.memory_space<semaphore_mem>> -> memref<1x!tpu.dma_semaphore, #tpu.memory_space<semaphore_mem>>
        %dma_start3A_827 = tpu.memref_squeeze %dma_start3A_826 : memref<1x!tpu.dma_semaphore, #tpu.memory_space<semaphore_mem>> -> memref<!tpu.dma_semaphore, #tpu.memory_space<semaphore_mem>>
        tpu.enqueue_indirect_dma source(%dma_start3A_825 : memref<100000x64xf32, #tpu.memory_space<hbm>>) target(%dma_start3A_819 : memref<128x64xf32, #tpu.memory_space<vmem>>) offsets(%dma_start3A_822 : memref<128xi32, #tpu.memory_space<vmem>>) semaphore(%dma_start3A_827 : memref<!tpu.dma_semaphore, #tpu.memory_space<semaphore_mem>>)
      } else {
      }
      %dma_start3A_644 = arith.constant 1 : i32
      %dma_start3A_645 = arith.constant 0 : i32
      %dma_start3A_646 = arith.constant 1 : i32
      %dma_start3A_647 = arith.constant 0 : i32
      %dma_start3A_648 = arith.constant 0 : i32
      %dma_start3A_649 = tpu.memref_slice %arg7[%dma_start3A_644, %dma_start3A_647, %dma_start3A_648] : memref<2x64x129xf32, #tpu.memory_space<vmem>> -> memref<1x8x128xf32, #tpu.memory_space<vmem>>
      %dma_start3A_650 = tpu.memref_squeeze %dma_start3A_649 : memref<1x8x128xf32, #tpu.memory_space<vmem>> -> memref<8x128xf32, #tpu.memory_space<vmem>>
      %dma_start3A_651 = arith.constant 0 : i32
      %dma_start3A_652 = arith.constant 0 : i32
      %dma_start3A_653 = tpu.memref_slice %arg4[%add3A_612, %dma_start3A_645, %add3A, %dma_start3A_651, %dma_start3A_652] : memref<200x8x32x8x128xf32, #tpu.memory_space<hbm>> -> memref<1x1x1x8x128xf32, #tpu.memory_space<hbm>>
      %dma_start3A_654 = tpu.memref_squeeze %dma_start3A_653 : memref<1x1x1x8x128xf32, #tpu.memory_space<hbm>> -> memref<8x128xf32, #tpu.memory_space<hbm>>
      %dma_start3A_655 = tpu.memref_slice %arg9[%dma_start3A_646] : memref<2x!tpu.dma_semaphore, #tpu.memory_space<semaphore_mem>> -> memref<1x!tpu.dma_semaphore, #tpu.memory_space<semaphore_mem>>
      %dma_start3A_656 = tpu.memref_squeeze %dma_start3A_655 : memref<1x!tpu.dma_semaphore, #tpu.memory_space<semaphore_mem>> -> memref<!tpu.dma_semaphore, #tpu.memory_space<semaphore_mem>>
      %dma_start3A_657 = arith.constant 0 : i32
      %dma_start3A_658 = arith.constant 0 : i32
      %dma_start3A_659 = tpu.memref_slice %arg4[%add3A_612, %dma_start3A_645, %add3A, %dma_start3A_657, %dma_start3A_658] : memref<200x8x32x8x128xf32, #tpu.memory_space<hbm>> -> memref<1x1x1x8x128xf32, #tpu.memory_space<hbm>>
      %dma_start3A_660 = tpu.memref_squeeze %dma_start3A_659 : memref<1x1x1x8x128xf32, #tpu.memory_space<hbm>> -> memref<8x128xf32, #tpu.memory_space<hbm>>
      %dma_start3A_661 = arith.constant 0 : i32
      %dma_start3A_662 = arith.constant 0 : i32
      %dma_start3A_663 = tpu.memref_slice %arg7[%dma_start3A_644, %dma_start3A_661, %dma_start3A_662] : memref<2x64x129xf32, #tpu.memory_space<vmem>> -> memref<1x8x128xf32, #tpu.memory_space<vmem>>
      %dma_start3A_664 = tpu.memref_squeeze %dma_start3A_663 : memref<1x8x128xf32, #tpu.memory_space<vmem>> -> memref<8x128xf32, #tpu.memory_space<vmem>>
      tpu.enqueue_dma source(%dma_start3A_664 : memref<8x128xf32, #tpu.memory_space<vmem>>) target(%dma_start3A_660 : memref<8x128xf32, #tpu.memory_space<hbm>>) target_semaphore(%dma_start3A_656 : memref<!tpu.dma_semaphore, #tpu.memory_space<semaphore_mem>>)
      %dma_start3A_665 = arith.constant 1 : i32
      %dma_start3A_666 = arith.constant 1 : i32
      %dma_start3A_667 = arith.constant 1 : i32
      %dma_start3A_668 = arith.constant 8 : i32
      %dma_start3A_669 = arith.constant 0 : i32
      %dma_start3A_670 = tpu.memref_slice %arg7[%dma_start3A_665, %dma_start3A_668, %dma_start3A_669] : memref<2x64x129xf32, #tpu.memory_space<vmem>> -> memref<1x8x128xf32, #tpu.memory_space<vmem>>
      %dma_start3A_671 = tpu.memref_squeeze %dma_start3A_670 : memref<1x8x128xf32, #tpu.memory_space<vmem>> -> memref<8x128xf32, #tpu.memory_space<vmem>>
      %dma_start3A_672 = arith.constant 0 : i32
      %dma_start3A_673 = arith.constant 0 : i32
      %dma_start3A_674 = tpu.memref_slice %arg4[%add3A_612, %dma_start3A_666, %add3A, %dma_start3A_672, %dma_start3A_673] : memref<200x8x32x8x128xf32, #tpu.memory_space<hbm>> -> memref<1x1x1x8x128xf32, #tpu.memory_space<hbm>>
      %dma_start3A_675 = tpu.memref_squeeze %dma_start3A_674 : memref<1x1x1x8x128xf32, #tpu.memory_space<hbm>> -> memref<8x128xf32, #tpu.memory_space<hbm>>
      %dma_start3A_676 = tpu.memref_slice %arg9[%dma_start3A_667] : memref<2x!tpu.dma_semaphore, #tpu.memory_space<semaphore_mem>> -> memref<1x!tpu.dma_semaphore, #tpu.memory_space<semaphore_mem>>
      %dma_start3A_677 = tpu.memref_squeeze %dma_start3A_676 : memref<1x!tpu.dma_semaphore, #tpu.memory_space<semaphore_mem>> -> memref<!tpu.dma_semaphore, #tpu.memory_space<semaphore_mem>>
      %dma_start3A_678 = arith.constant 0 : i32
      %dma_start3A_679 = arith.constant 0 : i32
      %dma_start3A_680 = tpu.memref_slice %arg4[%add3A_612, %dma_start3A_666, %add3A, %dma_start3A_678, %dma_start3A_679] : memref<200x8x32x8x128xf32, #tpu.memory_space<hbm>> -> memref<1x1x1x8x128xf32, #tpu.memory_space<hbm>>
      %dma_start3A_681 = tpu.memref_squeeze %dma_start3A_680 : memref<1x1x1x8x128xf32, #tpu.memory_space<hbm>> -> memref<8x128xf32, #tpu.memory_space<hbm>>
      %dma_start3A_682 = arith.constant 8 : i32
      %dma_start3A_683 = arith.constant 0 : i32
      %dma_start3A_684 = tpu.memref_slice %arg7[%dma_start3A_665, %dma_start3A_682, %dma_start3A_683] : memref<2x64x129xf32, #tpu.memory_space<vmem>> -> memref<1x8x128xf32, #tpu.memory_space<vmem>>
      %dma_start3A_685 = tpu.memref_squeeze %dma_start3A_684 : memref<1x8x128xf32, #tpu.memory_space<vmem>> -> memref<8x128xf32, #tpu.memory_space<vmem>>
      tpu.enqueue_dma source(%dma_start3A_685 : memref<8x128xf32, #tpu.memory_space<vmem>>) target(%dma_start3A_681 : memref<8x128xf32, #tpu.memory_space<hbm>>) target_semaphore(%dma_start3A_677 : memref<!tpu.dma_semaphore, #tpu.memory_space<semaphore_mem>>)
      %dma_start3A_686 = arith.constant 1 : i32
      %dma_start3A_687 = arith.constant 2 : i32
      %dma_start3A_688 = arith.constant 1 : i32
      %dma_start3A_689 = arith.constant 16 : i32
      %dma_start3A_690 = arith.constant 0 : i32
      %dma_start3A_691 = tpu.memref_slice %arg7[%dma_start3A_686, %dma_start3A_689, %dma_start3A_690] : memref<2x64x129xf32, #tpu.memory_space<vmem>> -> memref<1x8x128xf32, #tpu.memory_space<vmem>>
      %dma_start3A_692 = tpu.memref_squeeze %dma_start3A_691 : memref<1x8x128xf32, #tpu.memory_space<vmem>> -> memref<8x128xf32, #tpu.memory_space<vmem>>
      %dma_start3A_693 = arith.constant 0 : i32
      %dma_start3A_694 = arith.constant 0 : i32
      %dma_start3A_695 = tpu.memref_slice %arg4[%add3A_612, %dma_start3A_687, %add3A, %dma_start3A_693, %dma_start3A_694] : memref<200x8x32x8x128xf32, #tpu.memory_space<hbm>> -> memref<1x1x1x8x128xf32, #tpu.memory_space<hbm>>
      %dma_start3A_696 = tpu.memref_squeeze %dma_start3A_695 : memref<1x1x1x8x128xf32, #tpu.memory_space<hbm>> -> memref<8x128xf32, #tpu.memory_space<hbm>>
      %dma_start3A_697 = tpu.memref_slice %arg9[%dma_start3A_688] : memref<2x!tpu.dma_semaphore, #tpu.memory_space<semaphore_mem>> -> memref<1x!tpu.dma_semaphore, #tpu.memory_space<semaphore_mem>>
      %dma_start3A_698 = tpu.memref_squeeze %dma_start3A_697 : memref<1x!tpu.dma_semaphore, #tpu.memory_space<semaphore_mem>> -> memref<!tpu.dma_semaphore, #tpu.memory_space<semaphore_mem>>
      %dma_start3A_699 = arith.constant 0 : i32
      %dma_start3A_700 = arith.constant 0 : i32
      %dma_start3A_701 = tpu.memref_slice %arg4[%add3A_612, %dma_start3A_687, %add3A, %dma_start3A_699, %dma_start3A_700] : memref<200x8x32x8x128xf32, #tpu.memory_space<hbm>> -> memref<1x1x1x8x128xf32, #tpu.memory_space<hbm>>
      %dma_start3A_702 = tpu.memref_squeeze %dma_start3A_701 : memref<1x1x1x8x128xf32, #tpu.memory_space<hbm>> -> memref<8x128xf32, #tpu.memory_space<hbm>>
      %dma_start3A_703 = arith.constant 16 : i32
      %dma_start3A_704 = arith.constant 0 : i32
      %dma_start3A_705 = tpu.memref_slice %arg7[%dma_start3A_686, %dma_start3A_703, %dma_start3A_704] : memref<2x64x129xf32, #tpu.memory_space<vmem>> -> memref<1x8x128xf32, #tpu.memory_space<vmem>>
      %dma_start3A_706 = tpu.memref_squeeze %dma_start3A_705 : memref<1x8x128xf32, #tpu.memory_space<vmem>> -> memref<8x128xf32, #tpu.memory_space<vmem>>
      tpu.enqueue_dma source(%dma_start3A_706 : memref<8x128xf32, #tpu.memory_space<vmem>>) target(%dma_start3A_702 : memref<8x128xf32, #tpu.memory_space<hbm>>) target_semaphore(%dma_start3A_698 : memref<!tpu.dma_semaphore, #tpu.memory_space<semaphore_mem>>)
      %dma_start3A_707 = arith.constant 1 : i32
      %dma_start3A_708 = arith.constant 3 : i32
      %dma_start3A_709 = arith.constant 1 : i32
      %dma_start3A_710 = arith.constant 24 : i32
      %dma_start3A_711 = arith.constant 0 : i32
      %dma_start3A_712 = tpu.memref_slice %arg7[%dma_start3A_707, %dma_start3A_710, %dma_start3A_711] : memref<2x64x129xf32, #tpu.memory_space<vmem>> -> memref<1x8x128xf32, #tpu.memory_space<vmem>>
      %dma_start3A_713 = tpu.memref_squeeze %dma_start3A_712 : memref<1x8x128xf32, #tpu.memory_space<vmem>> -> memref<8x128xf32, #tpu.memory_space<vmem>>
      %dma_start3A_714 = arith.constant 0 : i32
      %dma_start3A_715 = arith.constant 0 : i32
      %dma_start3A_716 = tpu.memref_slice %arg4[%add3A_612, %dma_start3A_708, %add3A, %dma_start3A_714, %dma_start3A_715] : memref<200x8x32x8x128xf32, #tpu.memory_space<hbm>> -> memref<1x1x1x8x128xf32, #tpu.memory_space<hbm>>
      %dma_start3A_717 = tpu.memref_squeeze %dma_start3A_716 : memref<1x1x1x8x128xf32, #tpu.memory_space<hbm>> -> memref<8x128xf32, #tpu.memory_space<hbm>>
      %dma_start3A_718 = tpu.memref_slice %arg9[%dma_start3A_709] : memref<2x!tpu.dma_semaphore, #tpu.memory_space<semaphore_mem>> -> memref<1x!tpu.dma_semaphore, #tpu.memory_space<semaphore_mem>>
      %dma_start3A_719 = tpu.memref_squeeze %dma_start3A_718 : memref<1x!tpu.dma_semaphore, #tpu.memory_space<semaphore_mem>> -> memref<!tpu.dma_semaphore, #tpu.memory_space<semaphore_mem>>
      %dma_start3A_720 = arith.constant 0 : i32
      %dma_start3A_721 = arith.constant 0 : i32
      %dma_start3A_722 = tpu.memref_slice %arg4[%add3A_612, %dma_start3A_708, %add3A, %dma_start3A_720, %dma_start3A_721] : memref<200x8x32x8x128xf32, #tpu.memory_space<hbm>> -> memref<1x1x1x8x128xf32, #tpu.memory_space<hbm>>
      %dma_start3A_723 = tpu.memref_squeeze %dma_start3A_722 : memref<1x1x1x8x128xf32, #tpu.memory_space<hbm>> -> memref<8x128xf32, #tpu.memory_space<hbm>>
      %dma_start3A_724 = arith.constant 24 : i32
      %dma_start3A_725 = arith.constant 0 : i32
      %dma_start3A_726 = tpu.memref_slice %arg7[%dma_start3A_707, %dma_start3A_724, %dma_start3A_725] : memref<2x64x129xf32, #tpu.memory_space<vmem>> -> memref<1x8x128xf32, #tpu.memory_space<vmem>>
      %dma_start3A_727 = tpu.memref_squeeze %dma_start3A_726 : memref<1x8x128xf32, #tpu.memory_space<vmem>> -> memref<8x128xf32, #tpu.memory_space<vmem>>
      tpu.enqueue_dma source(%dma_start3A_727 : memref<8x128xf32, #tpu.memory_space<vmem>>) target(%dma_start3A_723 : memref<8x128xf32, #tpu.memory_space<hbm>>) target_semaphore(%dma_start3A_719 : memref<!tpu.dma_semaphore, #tpu.memory_space<semaphore_mem>>)
      %dma_start3A_728 = arith.constant 1 : i32
      %dma_start3A_729 = arith.constant 4 : i32
      %dma_start3A_730 = arith.constant 1 : i32
      %dma_start3A_731 = arith.constant 32 : i32
      %dma_start3A_732 = arith.constant 0 : i32
      %dma_start3A_733 = tpu.memref_slice %arg7[%dma_start3A_728, %dma_start3A_731, %dma_start3A_732] : memref<2x64x129xf32, #tpu.memory_space<vmem>> -> memref<1x8x128xf32, #tpu.memory_space<vmem>>
      %dma_start3A_734 = tpu.memref_squeeze %dma_start3A_733 : memref<1x8x128xf32, #tpu.memory_space<vmem>> -> memref<8x128xf32, #tpu.memory_space<vmem>>
      %dma_start3A_735 = arith.constant 0 : i32
      %dma_start3A_736 = arith.constant 0 : i32
      %dma_start3A_737 = tpu.memref_slice %arg4[%add3A_612, %dma_start3A_729, %add3A, %dma_start3A_735, %dma_start3A_736] : memref<200x8x32x8x128xf32, #tpu.memory_space<hbm>> -> memref<1x1x1x8x128xf32, #tpu.memory_space<hbm>>
      %dma_start3A_738 = tpu.memref_squeeze %dma_start3A_737 : memref<1x1x1x8x128xf32, #tpu.memory_space<hbm>> -> memref<8x128xf32, #tpu.memory_space<hbm>>
      %dma_start3A_739 = tpu.memref_slice %arg9[%dma_start3A_730] : memref<2x!tpu.dma_semaphore, #tpu.memory_space<semaphore_mem>> -> memref<1x!tpu.dma_semaphore, #tpu.memory_space<semaphore_mem>>
      %dma_start3A_740 = tpu.memref_squeeze %dma_start3A_739 : memref<1x!tpu.dma_semaphore, #tpu.memory_space<semaphore_mem>> -> memref<!tpu.dma_semaphore, #tpu.memory_space<semaphore_mem>>
      %dma_start3A_741 = arith.constant 0 : i32
      %dma_start3A_742 = arith.constant 0 : i32
      %dma_start3A_743 = tpu.memref_slice %arg4[%add3A_612, %dma_start3A_729, %add3A, %dma_start3A_741, %dma_start3A_742] : memref<200x8x32x8x128xf32, #tpu.memory_space<hbm>> -> memref<1x1x1x8x128xf32, #tpu.memory_space<hbm>>
      %dma_start3A_744 = tpu.memref_squeeze %dma_start3A_743 : memref<1x1x1x8x128xf32, #tpu.memory_space<hbm>> -> memref<8x128xf32, #tpu.memory_space<hbm>>
      %dma_start3A_745 = arith.constant 32 : i32
      %dma_start3A_746 = arith.constant 0 : i32
      %dma_start3A_747 = tpu.memref_slice %arg7[%dma_start3A_728, %dma_start3A_745, %dma_start3A_746] : memref<2x64x129xf32, #tpu.memory_space<vmem>> -> memref<1x8x128xf32, #tpu.memory_space<vmem>>
      %dma_start3A_748 = tpu.memref_squeeze %dma_start3A_747 : memref<1x8x128xf32, #tpu.memory_space<vmem>> -> memref<8x128xf32, #tpu.memory_space<vmem>>
      tpu.enqueue_dma source(%dma_start3A_748 : memref<8x128xf32, #tpu.memory_space<vmem>>) target(%dma_start3A_744 : memref<8x128xf32, #tpu.memory_space<hbm>>) target_semaphore(%dma_start3A_740 : memref<!tpu.dma_semaphore, #tpu.memory_space<semaphore_mem>>)
      %dma_start3A_749 = arith.constant 1 : i32
      %dma_start3A_750 = arith.constant 5 : i32
      %dma_start3A_751 = arith.constant 1 : i32
      %dma_start3A_752 = arith.constant 40 : i32
      %dma_start3A_753 = arith.constant 0 : i32
      %dma_start3A_754 = tpu.memref_slice %arg7[%dma_start3A_749, %dma_start3A_752, %dma_start3A_753] : memref<2x64x129xf32, #tpu.memory_space<vmem>> -> memref<1x8x128xf32, #tpu.memory_space<vmem>>
      %dma_start3A_755 = tpu.memref_squeeze %dma_start3A_754 : memref<1x8x128xf32, #tpu.memory_space<vmem>> -> memref<8x128xf32, #tpu.memory_space<vmem>>
      %dma_start3A_756 = arith.constant 0 : i32
      %dma_start3A_757 = arith.constant 0 : i32
      %dma_start3A_758 = tpu.memref_slice %arg4[%add3A_612, %dma_start3A_750, %add3A, %dma_start3A_756, %dma_start3A_757] : memref<200x8x32x8x128xf32, #tpu.memory_space<hbm>> -> memref<1x1x1x8x128xf32, #tpu.memory_space<hbm>>
      %dma_start3A_759 = tpu.memref_squeeze %dma_start3A_758 : memref<1x1x1x8x128xf32, #tpu.memory_space<hbm>> -> memref<8x128xf32, #tpu.memory_space<hbm>>
      %dma_start3A_760 = tpu.memref_slice %arg9[%dma_start3A_751] : memref<2x!tpu.dma_semaphore, #tpu.memory_space<semaphore_mem>> -> memref<1x!tpu.dma_semaphore, #tpu.memory_space<semaphore_mem>>
      %dma_start3A_761 = tpu.memref_squeeze %dma_start3A_760 : memref<1x!tpu.dma_semaphore, #tpu.memory_space<semaphore_mem>> -> memref<!tpu.dma_semaphore, #tpu.memory_space<semaphore_mem>>
      %dma_start3A_762 = arith.constant 0 : i32
      %dma_start3A_763 = arith.constant 0 : i32
      %dma_start3A_764 = tpu.memref_slice %arg4[%add3A_612, %dma_start3A_750, %add3A, %dma_start3A_762, %dma_start3A_763] : memref<200x8x32x8x128xf32, #tpu.memory_space<hbm>> -> memref<1x1x1x8x128xf32, #tpu.memory_space<hbm>>
      %dma_start3A_765 = tpu.memref_squeeze %dma_start3A_764 : memref<1x1x1x8x128xf32, #tpu.memory_space<hbm>> -> memref<8x128xf32, #tpu.memory_space<hbm>>
      %dma_start3A_766 = arith.constant 40 : i32
      %dma_start3A_767 = arith.constant 0 : i32
      %dma_start3A_768 = tpu.memref_slice %arg7[%dma_start3A_749, %dma_start3A_766, %dma_start3A_767] : memref<2x64x129xf32, #tpu.memory_space<vmem>> -> memref<1x8x128xf32, #tpu.memory_space<vmem>>
      %dma_start3A_769 = tpu.memref_squeeze %dma_start3A_768 : memref<1x8x128xf32, #tpu.memory_space<vmem>> -> memref<8x128xf32, #tpu.memory_space<vmem>>
      tpu.enqueue_dma source(%dma_start3A_769 : memref<8x128xf32, #tpu.memory_space<vmem>>) target(%dma_start3A_765 : memref<8x128xf32, #tpu.memory_space<hbm>>) target_semaphore(%dma_start3A_761 : memref<!tpu.dma_semaphore, #tpu.memory_space<semaphore_mem>>)
      %dma_start3A_770 = arith.constant 1 : i32
      %dma_start3A_771 = arith.constant 6 : i32
      %dma_start3A_772 = arith.constant 1 : i32
      %dma_start3A_773 = arith.constant 48 : i32
      %dma_start3A_774 = arith.constant 0 : i32
      %dma_start3A_775 = tpu.memref_slice %arg7[%dma_start3A_770, %dma_start3A_773, %dma_start3A_774] : memref<2x64x129xf32, #tpu.memory_space<vmem>> -> memref<1x8x128xf32, #tpu.memory_space<vmem>>
      %dma_start3A_776 = tpu.memref_squeeze %dma_start3A_775 : memref<1x8x128xf32, #tpu.memory_space<vmem>> -> memref<8x128xf32, #tpu.memory_space<vmem>>
      %dma_start3A_777 = arith.constant 0 : i32
      %dma_start3A_778 = arith.constant 0 : i32
      %dma_start3A_779 = tpu.memref_slice %arg4[%add3A_612, %dma_start3A_771, %add3A, %dma_start3A_777, %dma_start3A_778] : memref<200x8x32x8x128xf32, #tpu.memory_space<hbm>> -> memref<1x1x1x8x128xf32, #tpu.memory_space<hbm>>
      %dma_start3A_780 = tpu.memref_squeeze %dma_start3A_779 : memref<1x1x1x8x128xf32, #tpu.memory_space<hbm>> -> memref<8x128xf32, #tpu.memory_space<hbm>>
      %dma_start3A_781 = tpu.memref_slice %arg9[%dma_start3A_772] : memref<2x!tpu.dma_semaphore, #tpu.memory_space<semaphore_mem>> -> memref<1x!tpu.dma_semaphore, #tpu.memory_space<semaphore_mem>>
      %dma_start3A_782 = tpu.memref_squeeze %dma_start3A_781 : memref<1x!tpu.dma_semaphore, #tpu.memory_space<semaphore_mem>> -> memref<!tpu.dma_semaphore, #tpu.memory_space<semaphore_mem>>
      %dma_start3A_783 = arith.constant 0 : i32
      %dma_start3A_784 = arith.constant 0 : i32
      %dma_start3A_785 = tpu.memref_slice %arg4[%add3A_612, %dma_start3A_771, %add3A, %dma_start3A_783, %dma_start3A_784] : memref<200x8x32x8x128xf32, #tpu.memory_space<hbm>> -> memref<1x1x1x8x128xf32, #tpu.memory_space<hbm>>
      %dma_start3A_786 = tpu.memref_squeeze %dma_start3A_785 : memref<1x1x1x8x128xf32, #tpu.memory_space<hbm>> -> memref<8x128xf32, #tpu.memory_space<hbm>>
      %dma_start3A_787 = arith.constant 48 : i32
      %dma_start3A_788 = arith.constant 0 : i32
      %dma_start3A_789 = tpu.memref_slice %arg7[%dma_start3A_770, %dma_start3A_787, %dma_start3A_788] : memref<2x64x129xf32, #tpu.memory_space<vmem>> -> memref<1x8x128xf32, #tpu.memory_space<vmem>>
      %dma_start3A_790 = tpu.memref_squeeze %dma_start3A_789 : memref<1x8x128xf32, #tpu.memory_space<vmem>> -> memref<8x128xf32, #tpu.memory_space<vmem>>
      tpu.enqueue_dma source(%dma_start3A_790 : memref<8x128xf32, #tpu.memory_space<vmem>>) target(%dma_start3A_786 : memref<8x128xf32, #tpu.memory_space<hbm>>) target_semaphore(%dma_start3A_782 : memref<!tpu.dma_semaphore, #tpu.memory_space<semaphore_mem>>)
      %dma_start3A_791 = arith.constant 1 : i32
      %dma_start3A_792 = arith.constant 7 : i32
      %dma_start3A_793 = arith.constant 1 : i32
      %dma_start3A_794 = arith.constant 56 : i32
      %dma_start3A_795 = arith.constant 0 : i32
      %dma_start3A_796 = tpu.memref_slice %arg7[%dma_start3A_791, %dma_start3A_794, %dma_start3A_795] : memref<2x64x129xf32, #tpu.memory_space<vmem>> -> memref<1x8x128xf32, #tpu.memory_space<vmem>>
      %dma_start3A_797 = tpu.memref_squeeze %dma_start3A_796 : memref<1x8x128xf32, #tpu.memory_space<vmem>> -> memref<8x128xf32, #tpu.memory_space<vmem>>
      %dma_start3A_798 = arith.constant 0 : i32
      %dma_start3A_799 = arith.constant 0 : i32
      %dma_start3A_800 = tpu.memref_slice %arg4[%add3A_612, %dma_start3A_792, %add3A, %dma_start3A_798, %dma_start3A_799] : memref<200x8x32x8x128xf32, #tpu.memory_space<hbm>> -> memref<1x1x1x8x128xf32, #tpu.memory_space<hbm>>
      %dma_start3A_801 = tpu.memref_squeeze %dma_start3A_800 : memref<1x1x1x8x128xf32, #tpu.memory_space<hbm>> -> memref<8x128xf32, #tpu.memory_space<hbm>>
      %dma_start3A_802 = tpu.memref_slice %arg9[%dma_start3A_793] : memref<2x!tpu.dma_semaphore, #tpu.memory_space<semaphore_mem>> -> memref<1x!tpu.dma_semaphore, #tpu.memory_space<semaphore_mem>>
      %dma_start3A_803 = tpu.memref_squeeze %dma_start3A_802 : memref<1x!tpu.dma_semaphore, #tpu.memory_space<semaphore_mem>> -> memref<!tpu.dma_semaphore, #tpu.memory_space<semaphore_mem>>
      %dma_start3A_804 = arith.constant 0 : i32
      %dma_start3A_805 = arith.constant 0 : i32
      %dma_start3A_806 = tpu.memref_slice %arg4[%add3A_612, %dma_start3A_792, %add3A, %dma_start3A_804, %dma_start3A_805] : memref<200x8x32x8x128xf32, #tpu.memory_space<hbm>> -> memref<1x1x1x8x128xf32, #tpu.memory_space<hbm>>
      %dma_start3A_807 = tpu.memref_squeeze %dma_start3A_806 : memref<1x1x1x8x128xf32, #tpu.memory_space<hbm>> -> memref<8x128xf32, #tpu.memory_space<hbm>>
      %dma_start3A_808 = arith.constant 56 : i32
      %dma_start3A_809 = arith.constant 0 : i32
      %dma_start3A_810 = tpu.memref_slice %arg7[%dma_start3A_791, %dma_start3A_808, %dma_start3A_809] : memref<2x64x129xf32, #tpu.memory_space<vmem>> -> memref<1x8x128xf32, #tpu.memory_space<vmem>>
      %dma_start3A_811 = tpu.memref_squeeze %dma_start3A_810 : memref<1x8x128xf32, #tpu.memory_space<vmem>> -> memref<8x128xf32, #tpu.memory_space<vmem>>
      tpu.enqueue_dma source(%dma_start3A_811 : memref<8x128xf32, #tpu.memory_space<vmem>>) target(%dma_start3A_807 : memref<8x128xf32, #tpu.memory_space<hbm>>) target_semaphore(%dma_start3A_803 : memref<!tpu.dma_semaphore, #tpu.memory_space<semaphore_mem>>)
    }
    %scan3A_58 = arith.constant 100 : i32
    %dma_wait3A = arith.constant 0 : i32
    %dma_wait3A_59 = arith.constant 198 : i32
    %dma_wait3A_60 = arith.constant 0 : i32
    %dma_wait3A_61 = arith.constant 0 : i32
    %dma_wait3A_62 = arith.constant 0 : i32
    %dma_wait3A_63 = arith.constant 0 : i32
    %dma_wait3A_64 = tpu.memref_slice %arg7[%dma_wait3A, %dma_wait3A_62, %dma_wait3A_63] : memref<2x64x129xf32, #tpu.memory_space<vmem>> -> memref<1x8x128xf32, #tpu.memory_space<vmem>>
    %dma_wait3A_65 = tpu.memref_squeeze %dma_wait3A_64 : memref<1x8x128xf32, #tpu.memory_space<vmem>> -> memref<8x128xf32, #tpu.memory_space<vmem>>
    %dma_wait3A_66 = arith.constant 0 : i32
    %dma_wait3A_67 = arith.constant 0 : i32
    %dma_wait3A_68 = tpu.memref_slice %arg4[%dma_wait3A_59, %dma_wait3A_60, %add3A, %dma_wait3A_66, %dma_wait3A_67] : memref<200x8x32x8x128xf32, #tpu.memory_space<hbm>> -> memref<1x1x1x8x128xf32, #tpu.memory_space<hbm>>
    %dma_wait3A_69 = tpu.memref_squeeze %dma_wait3A_68 : memref<1x1x1x8x128xf32, #tpu.memory_space<hbm>> -> memref<8x128xf32, #tpu.memory_space<hbm>>
    %dma_wait3A_70 = tpu.memref_slice %arg9[%dma_wait3A_61] : memref<2x!tpu.dma_semaphore, #tpu.memory_space<semaphore_mem>> -> memref<1x!tpu.dma_semaphore, #tpu.memory_space<semaphore_mem>>
    %dma_wait3A_71 = tpu.memref_squeeze %dma_wait3A_70 : memref<1x!tpu.dma_semaphore, #tpu.memory_space<semaphore_mem>> -> memref<!tpu.dma_semaphore, #tpu.memory_space<semaphore_mem>>
    %dma_wait3A_72 = arith.constant 0 : i32
    %dma_wait3A_73 = arith.constant 0 : i32
    %dma_wait3A_74 = tpu.memref_slice %arg4[%dma_wait3A_59, %dma_wait3A_60, %add3A, %dma_wait3A_72, %dma_wait3A_73] : memref<200x8x32x8x128xf32, #tpu.memory_space<hbm>> -> memref<1x1x1x8x128xf32, #tpu.memory_space<hbm>>
    %dma_wait3A_75 = tpu.memref_squeeze %dma_wait3A_74 : memref<1x1x1x8x128xf32, #tpu.memory_space<hbm>> -> memref<8x128xf32, #tpu.memory_space<hbm>>
    %dma_wait3A_76 = arith.constant 0 : i32
    %dma_wait3A_77 = arith.constant 0 : i32
    %dma_wait3A_78 = tpu.memref_slice %arg7[%dma_wait3A, %dma_wait3A_76, %dma_wait3A_77] : memref<2x64x129xf32, #tpu.memory_space<vmem>> -> memref<1x8x128xf32, #tpu.memory_space<vmem>>
    %dma_wait3A_79 = tpu.memref_squeeze %dma_wait3A_78 : memref<1x8x128xf32, #tpu.memory_space<vmem>> -> memref<8x128xf32, #tpu.memory_space<vmem>>
    tpu.wait_dma2 semaphore(%dma_wait3A_71 : memref<!tpu.dma_semaphore, #tpu.memory_space<semaphore_mem>>) src(%dma_wait3A_79 : memref<8x128xf32, #tpu.memory_space<vmem>>) dst(%dma_wait3A_75 : memref<8x128xf32, #tpu.memory_space<hbm>>)
    %dma_wait3A_80 = arith.constant 0 : i32
    %dma_wait3A_81 = arith.constant 198 : i32
    %dma_wait3A_82 = arith.constant 1 : i32
    %dma_wait3A_83 = arith.constant 0 : i32
    %dma_wait3A_84 = arith.constant 8 : i32
    %dma_wait3A_85 = arith.constant 0 : i32
    %dma_wait3A_86 = tpu.memref_slice %arg7[%dma_wait3A_80, %dma_wait3A_84, %dma_wait3A_85] : memref<2x64x129xf32, #tpu.memory_space<vmem>> -> memref<1x8x128xf32, #tpu.memory_space<vmem>>
    %dma_wait3A_87 = tpu.memref_squeeze %dma_wait3A_86 : memref<1x8x128xf32, #tpu.memory_space<vmem>> -> memref<8x128xf32, #tpu.memory_space<vmem>>
    %dma_wait3A_88 = arith.constant 0 : i32
    %dma_wait3A_89 = arith.constant 0 : i32
    %dma_wait3A_90 = tpu.memref_slice %arg4[%dma_wait3A_81, %dma_wait3A_82, %add3A, %dma_wait3A_88, %dma_wait3A_89] : memref<200x8x32x8x128xf32, #tpu.memory_space<hbm>> -> memref<1x1x1x8x128xf32, #tpu.memory_space<hbm>>
    %dma_wait3A_91 = tpu.memref_squeeze %dma_wait3A_90 : memref<1x1x1x8x128xf32, #tpu.memory_space<hbm>> -> memref<8x128xf32, #tpu.memory_space<hbm>>
    %dma_wait3A_92 = tpu.memref_slice %arg9[%dma_wait3A_83] : memref<2x!tpu.dma_semaphore, #tpu.memory_space<semaphore_mem>> -> memref<1x!tpu.dma_semaphore, #tpu.memory_space<semaphore_mem>>
    %dma_wait3A_93 = tpu.memref_squeeze %dma_wait3A_92 : memref<1x!tpu.dma_semaphore, #tpu.memory_space<semaphore_mem>> -> memref<!tpu.dma_semaphore, #tpu.memory_space<semaphore_mem>>
    %dma_wait3A_94 = arith.constant 0 : i32
    %dma_wait3A_95 = arith.constant 0 : i32
    %dma_wait3A_96 = tpu.memref_slice %arg4[%dma_wait3A_81, %dma_wait3A_82, %add3A, %dma_wait3A_94, %dma_wait3A_95] : memref<200x8x32x8x128xf32, #tpu.memory_space<hbm>> -> memref<1x1x1x8x128xf32, #tpu.memory_space<hbm>>
    %dma_wait3A_97 = tpu.memref_squeeze %dma_wait3A_96 : memref<1x1x1x8x128xf32, #tpu.memory_space<hbm>> -> memref<8x128xf32, #tpu.memory_space<hbm>>
    %dma_wait3A_98 = arith.constant 8 : i32
    %dma_wait3A_99 = arith.constant 0 : i32
    %dma_wait3A_100 = tpu.memref_slice %arg7[%dma_wait3A_80, %dma_wait3A_98, %dma_wait3A_99] : memref<2x64x129xf32, #tpu.memory_space<vmem>> -> memref<1x8x128xf32, #tpu.memory_space<vmem>>
    %dma_wait3A_101 = tpu.memref_squeeze %dma_wait3A_100 : memref<1x8x128xf32, #tpu.memory_space<vmem>> -> memref<8x128xf32, #tpu.memory_space<vmem>>
    tpu.wait_dma2 semaphore(%dma_wait3A_93 : memref<!tpu.dma_semaphore, #tpu.memory_space<semaphore_mem>>) src(%dma_wait3A_101 : memref<8x128xf32, #tpu.memory_space<vmem>>) dst(%dma_wait3A_97 : memref<8x128xf32, #tpu.memory_space<hbm>>)
    %dma_wait3A_102 = arith.constant 0 : i32
    %dma_wait3A_103 = arith.constant 198 : i32
    %dma_wait3A_104 = arith.constant 2 : i32
    %dma_wait3A_105 = arith.constant 0 : i32
    %dma_wait3A_106 = arith.constant 16 : i32
    %dma_wait3A_107 = arith.constant 0 : i32
    %dma_wait3A_108 = tpu.memref_slice %arg7[%dma_wait3A_102, %dma_wait3A_106, %dma_wait3A_107] : memref<2x64x129xf32, #tpu.memory_space<vmem>> -> memref<1x8x128xf32, #tpu.memory_space<vmem>>
    %dma_wait3A_109 = tpu.memref_squeeze %dma_wait3A_108 : memref<1x8x128xf32, #tpu.memory_space<vmem>> -> memref<8x128xf32, #tpu.memory_space<vmem>>
    %dma_wait3A_110 = arith.constant 0 : i32
    %dma_wait3A_111 = arith.constant 0 : i32
    %dma_wait3A_112 = tpu.memref_slice %arg4[%dma_wait3A_103, %dma_wait3A_104, %add3A, %dma_wait3A_110, %dma_wait3A_111] : memref<200x8x32x8x128xf32, #tpu.memory_space<hbm>> -> memref<1x1x1x8x128xf32, #tpu.memory_space<hbm>>
    %dma_wait3A_113 = tpu.memref_squeeze %dma_wait3A_112 : memref<1x1x1x8x128xf32, #tpu.memory_space<hbm>> -> memref<8x128xf32, #tpu.memory_space<hbm>>
    %dma_wait3A_114 = tpu.memref_slice %arg9[%dma_wait3A_105] : memref<2x!tpu.dma_semaphore, #tpu.memory_space<semaphore_mem>> -> memref<1x!tpu.dma_semaphore, #tpu.memory_space<semaphore_mem>>
    %dma_wait3A_115 = tpu.memref_squeeze %dma_wait3A_114 : memref<1x!tpu.dma_semaphore, #tpu.memory_space<semaphore_mem>> -> memref<!tpu.dma_semaphore, #tpu.memory_space<semaphore_mem>>
    %dma_wait3A_116 = arith.constant 0 : i32
    %dma_wait3A_117 = arith.constant 0 : i32
    %dma_wait3A_118 = tpu.memref_slice %arg4[%dma_wait3A_103, %dma_wait3A_104, %add3A, %dma_wait3A_116, %dma_wait3A_117] : memref<200x8x32x8x128xf32, #tpu.memory_space<hbm>> -> memref<1x1x1x8x128xf32, #tpu.memory_space<hbm>>
    %dma_wait3A_119 = tpu.memref_squeeze %dma_wait3A_118 : memref<1x1x1x8x128xf32, #tpu.memory_space<hbm>> -> memref<8x128xf32, #tpu.memory_space<hbm>>
    %dma_wait3A_120 = arith.constant 16 : i32
    %dma_wait3A_121 = arith.constant 0 : i32
    %dma_wait3A_122 = tpu.memref_slice %arg7[%dma_wait3A_102, %dma_wait3A_120, %dma_wait3A_121] : memref<2x64x129xf32, #tpu.memory_space<vmem>> -> memref<1x8x128xf32, #tpu.memory_space<vmem>>
    %dma_wait3A_123 = tpu.memref_squeeze %dma_wait3A_122 : memref<1x8x128xf32, #tpu.memory_space<vmem>> -> memref<8x128xf32, #tpu.memory_space<vmem>>
    tpu.wait_dma2 semaphore(%dma_wait3A_115 : memref<!tpu.dma_semaphore, #tpu.memory_space<semaphore_mem>>) src(%dma_wait3A_123 : memref<8x128xf32, #tpu.memory_space<vmem>>) dst(%dma_wait3A_119 : memref<8x128xf32, #tpu.memory_space<hbm>>)
    %dma_wait3A_124 = arith.constant 0 : i32
    %dma_wait3A_125 = arith.constant 198 : i32
    %dma_wait3A_126 = arith.constant 3 : i32
    %dma_wait3A_127 = arith.constant 0 : i32
    %dma_wait3A_128 = arith.constant 24 : i32
    %dma_wait3A_129 = arith.constant 0 : i32
    %dma_wait3A_130 = tpu.memref_slice %arg7[%dma_wait3A_124, %dma_wait3A_128, %dma_wait3A_129] : memref<2x64x129xf32, #tpu.memory_space<vmem>> -> memref<1x8x128xf32, #tpu.memory_space<vmem>>
    %dma_wait3A_131 = tpu.memref_squeeze %dma_wait3A_130 : memref<1x8x128xf32, #tpu.memory_space<vmem>> -> memref<8x128xf32, #tpu.memory_space<vmem>>
    %dma_wait3A_132 = arith.constant 0 : i32
    %dma_wait3A_133 = arith.constant 0 : i32
    %dma_wait3A_134 = tpu.memref_slice %arg4[%dma_wait3A_125, %dma_wait3A_126, %add3A, %dma_wait3A_132, %dma_wait3A_133] : memref<200x8x32x8x128xf32, #tpu.memory_space<hbm>> -> memref<1x1x1x8x128xf32, #tpu.memory_space<hbm>>
    %dma_wait3A_135 = tpu.memref_squeeze %dma_wait3A_134 : memref<1x1x1x8x128xf32, #tpu.memory_space<hbm>> -> memref<8x128xf32, #tpu.memory_space<hbm>>
    %dma_wait3A_136 = tpu.memref_slice %arg9[%dma_wait3A_127] : memref<2x!tpu.dma_semaphore, #tpu.memory_space<semaphore_mem>> -> memref<1x!tpu.dma_semaphore, #tpu.memory_space<semaphore_mem>>
    %dma_wait3A_137 = tpu.memref_squeeze %dma_wait3A_136 : memref<1x!tpu.dma_semaphore, #tpu.memory_space<semaphore_mem>> -> memref<!tpu.dma_semaphore, #tpu.memory_space<semaphore_mem>>
    %dma_wait3A_138 = arith.constant 0 : i32
    %dma_wait3A_139 = arith.constant 0 : i32
    %dma_wait3A_140 = tpu.memref_slice %arg4[%dma_wait3A_125, %dma_wait3A_126, %add3A, %dma_wait3A_138, %dma_wait3A_139] : memref<200x8x32x8x128xf32, #tpu.memory_space<hbm>> -> memref<1x1x1x8x128xf32, #tpu.memory_space<hbm>>
    %dma_wait3A_141 = tpu.memref_squeeze %dma_wait3A_140 : memref<1x1x1x8x128xf32, #tpu.memory_space<hbm>> -> memref<8x128xf32, #tpu.memory_space<hbm>>
    %dma_wait3A_142 = arith.constant 24 : i32
    %dma_wait3A_143 = arith.constant 0 : i32
    %dma_wait3A_144 = tpu.memref_slice %arg7[%dma_wait3A_124, %dma_wait3A_142, %dma_wait3A_143] : memref<2x64x129xf32, #tpu.memory_space<vmem>> -> memref<1x8x128xf32, #tpu.memory_space<vmem>>
    %dma_wait3A_145 = tpu.memref_squeeze %dma_wait3A_144 : memref<1x8x128xf32, #tpu.memory_space<vmem>> -> memref<8x128xf32, #tpu.memory_space<vmem>>
    tpu.wait_dma2 semaphore(%dma_wait3A_137 : memref<!tpu.dma_semaphore, #tpu.memory_space<semaphore_mem>>) src(%dma_wait3A_145 : memref<8x128xf32, #tpu.memory_space<vmem>>) dst(%dma_wait3A_141 : memref<8x128xf32, #tpu.memory_space<hbm>>)
    %dma_wait3A_146 = arith.constant 0 : i32
    %dma_wait3A_147 = arith.constant 198 : i32
    %dma_wait3A_148 = arith.constant 4 : i32
    %dma_wait3A_149 = arith.constant 0 : i32
    %dma_wait3A_150 = arith.constant 32 : i32
    %dma_wait3A_151 = arith.constant 0 : i32
    %dma_wait3A_152 = tpu.memref_slice %arg7[%dma_wait3A_146, %dma_wait3A_150, %dma_wait3A_151] : memref<2x64x129xf32, #tpu.memory_space<vmem>> -> memref<1x8x128xf32, #tpu.memory_space<vmem>>
    %dma_wait3A_153 = tpu.memref_squeeze %dma_wait3A_152 : memref<1x8x128xf32, #tpu.memory_space<vmem>> -> memref<8x128xf32, #tpu.memory_space<vmem>>
    %dma_wait3A_154 = arith.constant 0 : i32
    %dma_wait3A_155 = arith.constant 0 : i32
    %dma_wait3A_156 = tpu.memref_slice %arg4[%dma_wait3A_147, %dma_wait3A_148, %add3A, %dma_wait3A_154, %dma_wait3A_155] : memref<200x8x32x8x128xf32, #tpu.memory_space<hbm>> -> memref<1x1x1x8x128xf32, #tpu.memory_space<hbm>>
    %dma_wait3A_157 = tpu.memref_squeeze %dma_wait3A_156 : memref<1x1x1x8x128xf32, #tpu.memory_space<hbm>> -> memref<8x128xf32, #tpu.memory_space<hbm>>
    %dma_wait3A_158 = tpu.memref_slice %arg9[%dma_wait3A_149] : memref<2x!tpu.dma_semaphore, #tpu.memory_space<semaphore_mem>> -> memref<1x!tpu.dma_semaphore, #tpu.memory_space<semaphore_mem>>
    %dma_wait3A_159 = tpu.memref_squeeze %dma_wait3A_158 : memref<1x!tpu.dma_semaphore, #tpu.memory_space<semaphore_mem>> -> memref<!tpu.dma_semaphore, #tpu.memory_space<semaphore_mem>>
    %dma_wait3A_160 = arith.constant 0 : i32
    %dma_wait3A_161 = arith.constant 0 : i32
    %dma_wait3A_162 = tpu.memref_slice %arg4[%dma_wait3A_147, %dma_wait3A_148, %add3A, %dma_wait3A_160, %dma_wait3A_161] : memref<200x8x32x8x128xf32, #tpu.memory_space<hbm>> -> memref<1x1x1x8x128xf32, #tpu.memory_space<hbm>>
    %dma_wait3A_163 = tpu.memref_squeeze %dma_wait3A_162 : memref<1x1x1x8x128xf32, #tpu.memory_space<hbm>> -> memref<8x128xf32, #tpu.memory_space<hbm>>
    %dma_wait3A_164 = arith.constant 32 : i32
    %dma_wait3A_165 = arith.constant 0 : i32
    %dma_wait3A_166 = tpu.memref_slice %arg7[%dma_wait3A_146, %dma_wait3A_164, %dma_wait3A_165] : memref<2x64x129xf32, #tpu.memory_space<vmem>> -> memref<1x8x128xf32, #tpu.memory_space<vmem>>
    %dma_wait3A_167 = tpu.memref_squeeze %dma_wait3A_166 : memref<1x8x128xf32, #tpu.memory_space<vmem>> -> memref<8x128xf32, #tpu.memory_space<vmem>>
    tpu.wait_dma2 semaphore(%dma_wait3A_159 : memref<!tpu.dma_semaphore, #tpu.memory_space<semaphore_mem>>) src(%dma_wait3A_167 : memref<8x128xf32, #tpu.memory_space<vmem>>) dst(%dma_wait3A_163 : memref<8x128xf32, #tpu.memory_space<hbm>>)
    %dma_wait3A_168 = arith.constant 0 : i32
    %dma_wait3A_169 = arith.constant 198 : i32
    %dma_wait3A_170 = arith.constant 5 : i32
    %dma_wait3A_171 = arith.constant 0 : i32
    %dma_wait3A_172 = arith.constant 40 : i32
    %dma_wait3A_173 = arith.constant 0 : i32
    %dma_wait3A_174 = tpu.memref_slice %arg7[%dma_wait3A_168, %dma_wait3A_172, %dma_wait3A_173] : memref<2x64x129xf32, #tpu.memory_space<vmem>> -> memref<1x8x128xf32, #tpu.memory_space<vmem>>
    %dma_wait3A_175 = tpu.memref_squeeze %dma_wait3A_174 : memref<1x8x128xf32, #tpu.memory_space<vmem>> -> memref<8x128xf32, #tpu.memory_space<vmem>>
    %dma_wait3A_176 = arith.constant 0 : i32
    %dma_wait3A_177 = arith.constant 0 : i32
    %dma_wait3A_178 = tpu.memref_slice %arg4[%dma_wait3A_169, %dma_wait3A_170, %add3A, %dma_wait3A_176, %dma_wait3A_177] : memref<200x8x32x8x128xf32, #tpu.memory_space<hbm>> -> memref<1x1x1x8x128xf32, #tpu.memory_space<hbm>>
    %dma_wait3A_179 = tpu.memref_squeeze %dma_wait3A_178 : memref<1x1x1x8x128xf32, #tpu.memory_space<hbm>> -> memref<8x128xf32, #tpu.memory_space<hbm>>
    %dma_wait3A_180 = tpu.memref_slice %arg9[%dma_wait3A_171] : memref<2x!tpu.dma_semaphore, #tpu.memory_space<semaphore_mem>> -> memref<1x!tpu.dma_semaphore, #tpu.memory_space<semaphore_mem>>
    %dma_wait3A_181 = tpu.memref_squeeze %dma_wait3A_180 : memref<1x!tpu.dma_semaphore, #tpu.memory_space<semaphore_mem>> -> memref<!tpu.dma_semaphore, #tpu.memory_space<semaphore_mem>>
    %dma_wait3A_182 = arith.constant 0 : i32
    %dma_wait3A_183 = arith.constant 0 : i32
    %dma_wait3A_184 = tpu.memref_slice %arg4[%dma_wait3A_169, %dma_wait3A_170, %add3A, %dma_wait3A_182, %dma_wait3A_183] : memref<200x8x32x8x128xf32, #tpu.memory_space<hbm>> -> memref<1x1x1x8x128xf32, #tpu.memory_space<hbm>>
    %dma_wait3A_185 = tpu.memref_squeeze %dma_wait3A_184 : memref<1x1x1x8x128xf32, #tpu.memory_space<hbm>> -> memref<8x128xf32, #tpu.memory_space<hbm>>
    %dma_wait3A_186 = arith.constant 40 : i32
    %dma_wait3A_187 = arith.constant 0 : i32
    %dma_wait3A_188 = tpu.memref_slice %arg7[%dma_wait3A_168, %dma_wait3A_186, %dma_wait3A_187] : memref<2x64x129xf32, #tpu.memory_space<vmem>> -> memref<1x8x128xf32, #tpu.memory_space<vmem>>
    %dma_wait3A_189 = tpu.memref_squeeze %dma_wait3A_188 : memref<1x8x128xf32, #tpu.memory_space<vmem>> -> memref<8x128xf32, #tpu.memory_space<vmem>>
    tpu.wait_dma2 semaphore(%dma_wait3A_181 : memref<!tpu.dma_semaphore, #tpu.memory_space<semaphore_mem>>) src(%dma_wait3A_189 : memref<8x128xf32, #tpu.memory_space<vmem>>) dst(%dma_wait3A_185 : memref<8x128xf32, #tpu.memory_space<hbm>>)
    %dma_wait3A_190 = arith.constant 0 : i32
    %dma_wait3A_191 = arith.constant 198 : i32
    %dma_wait3A_192 = arith.constant 6 : i32
    %dma_wait3A_193 = arith.constant 0 : i32
    %dma_wait3A_194 = arith.constant 48 : i32
    %dma_wait3A_195 = arith.constant 0 : i32
    %dma_wait3A_196 = tpu.memref_slice %arg7[%dma_wait3A_190, %dma_wait3A_194, %dma_wait3A_195] : memref<2x64x129xf32, #tpu.memory_space<vmem>> -> memref<1x8x128xf32, #tpu.memory_space<vmem>>
    %dma_wait3A_197 = tpu.memref_squeeze %dma_wait3A_196 : memref<1x8x128xf32, #tpu.memory_space<vmem>> -> memref<8x128xf32, #tpu.memory_space<vmem>>
    %dma_wait3A_198 = arith.constant 0 : i32
    %dma_wait3A_199 = arith.constant 0 : i32
    %dma_wait3A_200 = tpu.memref_slice %arg4[%dma_wait3A_191, %dma_wait3A_192, %add3A, %dma_wait3A_198, %dma_wait3A_199] : memref<200x8x32x8x128xf32, #tpu.memory_space<hbm>> -> memref<1x1x1x8x128xf32, #tpu.memory_space<hbm>>
    %dma_wait3A_201 = tpu.memref_squeeze %dma_wait3A_200 : memref<1x1x1x8x128xf32, #tpu.memory_space<hbm>> -> memref<8x128xf32, #tpu.memory_space<hbm>>
    %dma_wait3A_202 = tpu.memref_slice %arg9[%dma_wait3A_193] : memref<2x!tpu.dma_semaphore, #tpu.memory_space<semaphore_mem>> -> memref<1x!tpu.dma_semaphore, #tpu.memory_space<semaphore_mem>>
    %dma_wait3A_203 = tpu.memref_squeeze %dma_wait3A_202 : memref<1x!tpu.dma_semaphore, #tpu.memory_space<semaphore_mem>> -> memref<!tpu.dma_semaphore, #tpu.memory_space<semaphore_mem>>
    %dma_wait3A_204 = arith.constant 0 : i32
    %dma_wait3A_205 = arith.constant 0 : i32
    %dma_wait3A_206 = tpu.memref_slice %arg4[%dma_wait3A_191, %dma_wait3A_192, %add3A, %dma_wait3A_204, %dma_wait3A_205] : memref<200x8x32x8x128xf32, #tpu.memory_space<hbm>> -> memref<1x1x1x8x128xf32, #tpu.memory_space<hbm>>
    %dma_wait3A_207 = tpu.memref_squeeze %dma_wait3A_206 : memref<1x1x1x8x128xf32, #tpu.memory_space<hbm>> -> memref<8x128xf32, #tpu.memory_space<hbm>>
    %dma_wait3A_208 = arith.constant 48 : i32
    %dma_wait3A_209 = arith.constant 0 : i32
    %dma_wait3A_210 = tpu.memref_slice %arg7[%dma_wait3A_190, %dma_wait3A_208, %dma_wait3A_209] : memref<2x64x129xf32, #tpu.memory_space<vmem>> -> memref<1x8x128xf32, #tpu.memory_space<vmem>>
    %dma_wait3A_211 = tpu.memref_squeeze %dma_wait3A_210 : memref<1x8x128xf32, #tpu.memory_space<vmem>> -> memref<8x128xf32, #tpu.memory_space<vmem>>
    tpu.wait_dma2 semaphore(%dma_wait3A_203 : memref<!tpu.dma_semaphore, #tpu.memory_space<semaphore_mem>>) src(%dma_wait3A_211 : memref<8x128xf32, #tpu.memory_space<vmem>>) dst(%dma_wait3A_207 : memref<8x128xf32, #tpu.memory_space<hbm>>)
    %dma_wait3A_212 = arith.constant 0 : i32
    %dma_wait3A_213 = arith.constant 198 : i32
    %dma_wait3A_214 = arith.constant 7 : i32
    %dma_wait3A_215 = arith.constant 0 : i32
    %dma_wait3A_216 = arith.constant 56 : i32
    %dma_wait3A_217 = arith.constant 0 : i32
    %dma_wait3A_218 = tpu.memref_slice %arg7[%dma_wait3A_212, %dma_wait3A_216, %dma_wait3A_217] : memref<2x64x129xf32, #tpu.memory_space<vmem>> -> memref<1x8x128xf32, #tpu.memory_space<vmem>>
    %dma_wait3A_219 = tpu.memref_squeeze %dma_wait3A_218 : memref<1x8x128xf32, #tpu.memory_space<vmem>> -> memref<8x128xf32, #tpu.memory_space<vmem>>
    %dma_wait3A_220 = arith.constant 0 : i32
    %dma_wait3A_221 = arith.constant 0 : i32
    %dma_wait3A_222 = tpu.memref_slice %arg4[%dma_wait3A_213, %dma_wait3A_214, %add3A, %dma_wait3A_220, %dma_wait3A_221] : memref<200x8x32x8x128xf32, #tpu.memory_space<hbm>> -> memref<1x1x1x8x128xf32, #tpu.memory_space<hbm>>
    %dma_wait3A_223 = tpu.memref_squeeze %dma_wait3A_222 : memref<1x1x1x8x128xf32, #tpu.memory_space<hbm>> -> memref<8x128xf32, #tpu.memory_space<hbm>>
    %dma_wait3A_224 = tpu.memref_slice %arg9[%dma_wait3A_215] : memref<2x!tpu.dma_semaphore, #tpu.memory_space<semaphore_mem>> -> memref<1x!tpu.dma_semaphore, #tpu.memory_space<semaphore_mem>>
    %dma_wait3A_225 = tpu.memref_squeeze %dma_wait3A_224 : memref<1x!tpu.dma_semaphore, #tpu.memory_space<semaphore_mem>> -> memref<!tpu.dma_semaphore, #tpu.memory_space<semaphore_mem>>
    %dma_wait3A_226 = arith.constant 0 : i32
    %dma_wait3A_227 = arith.constant 0 : i32
    %dma_wait3A_228 = tpu.memref_slice %arg4[%dma_wait3A_213, %dma_wait3A_214, %add3A, %dma_wait3A_226, %dma_wait3A_227] : memref<200x8x32x8x128xf32, #tpu.memory_space<hbm>> -> memref<1x1x1x8x128xf32, #tpu.memory_space<hbm>>
    %dma_wait3A_229 = tpu.memref_squeeze %dma_wait3A_228 : memref<1x1x1x8x128xf32, #tpu.memory_space<hbm>> -> memref<8x128xf32, #tpu.memory_space<hbm>>
    %dma_wait3A_230 = arith.constant 56 : i32
    %dma_wait3A_231 = arith.constant 0 : i32
    %dma_wait3A_232 = tpu.memref_slice %arg7[%dma_wait3A_212, %dma_wait3A_230, %dma_wait3A_231] : memref<2x64x129xf32, #tpu.memory_space<vmem>> -> memref<1x8x128xf32, #tpu.memory_space<vmem>>
    %dma_wait3A_233 = tpu.memref_squeeze %dma_wait3A_232 : memref<1x8x128xf32, #tpu.memory_space<vmem>> -> memref<8x128xf32, #tpu.memory_space<vmem>>
    tpu.wait_dma2 semaphore(%dma_wait3A_225 : memref<!tpu.dma_semaphore, #tpu.memory_space<semaphore_mem>>) src(%dma_wait3A_233 : memref<8x128xf32, #tpu.memory_space<vmem>>) dst(%dma_wait3A_229 : memref<8x128xf32, #tpu.memory_space<hbm>>)
    %dma_wait3A_234 = arith.constant 1 : i32
    %dma_wait3A_235 = arith.constant 199 : i32
    %dma_wait3A_236 = arith.constant 0 : i32
    %dma_wait3A_237 = arith.constant 1 : i32
    %dma_wait3A_238 = arith.constant 0 : i32
    %dma_wait3A_239 = arith.constant 0 : i32
    %dma_wait3A_240 = tpu.memref_slice %arg7[%dma_wait3A_234, %dma_wait3A_238, %dma_wait3A_239] : memref<2x64x129xf32, #tpu.memory_space<vmem>> -> memref<1x8x128xf32, #tpu.memory_space<vmem>>
    %dma_wait3A_241 = tpu.memref_squeeze %dma_wait3A_240 : memref<1x8x128xf32, #tpu.memory_space<vmem>> -> memref<8x128xf32, #tpu.memory_space<vmem>>
    %dma_wait3A_242 = arith.constant 0 : i32
    %dma_wait3A_243 = arith.constant 0 : i32
    %dma_wait3A_244 = tpu.memref_slice %arg4[%dma_wait3A_235, %dma_wait3A_236, %add3A, %dma_wait3A_242, %dma_wait3A_243] : memref<200x8x32x8x128xf32, #tpu.memory_space<hbm>> -> memref<1x1x1x8x128xf32, #tpu.memory_space<hbm>>
    %dma_wait3A_245 = tpu.memref_squeeze %dma_wait3A_244 : memref<1x1x1x8x128xf32, #tpu.memory_space<hbm>> -> memref<8x128xf32, #tpu.memory_space<hbm>>
    %dma_wait3A_246 = tpu.memref_slice %arg9[%dma_wait3A_237] : memref<2x!tpu.dma_semaphore, #tpu.memory_space<semaphore_mem>> -> memref<1x!tpu.dma_semaphore, #tpu.memory_space<semaphore_mem>>
    %dma_wait3A_247 = tpu.memref_squeeze %dma_wait3A_246 : memref<1x!tpu.dma_semaphore, #tpu.memory_space<semaphore_mem>> -> memref<!tpu.dma_semaphore, #tpu.memory_space<semaphore_mem>>
    %dma_wait3A_248 = arith.constant 0 : i32
    %dma_wait3A_249 = arith.constant 0 : i32
    %dma_wait3A_250 = tpu.memref_slice %arg4[%dma_wait3A_235, %dma_wait3A_236, %add3A, %dma_wait3A_248, %dma_wait3A_249] : memref<200x8x32x8x128xf32, #tpu.memory_space<hbm>> -> memref<1x1x1x8x128xf32, #tpu.memory_space<hbm>>
    %dma_wait3A_251 = tpu.memref_squeeze %dma_wait3A_250 : memref<1x1x1x8x128xf32, #tpu.memory_space<hbm>> -> memref<8x128xf32, #tpu.memory_space<hbm>>
    %dma_wait3A_252 = arith.constant 0 : i32
    %dma_wait3A_253 = arith.constant 0 : i32
    %dma_wait3A_254 = tpu.memref_slice %arg7[%dma_wait3A_234, %dma_wait3A_252, %dma_wait3A_253] : memref<2x64x129xf32, #tpu.memory_space<vmem>> -> memref<1x8x128xf32, #tpu.memory_space<vmem>>
    %dma_wait3A_255 = tpu.memref_squeeze %dma_wait3A_254 : memref<1x8x128xf32, #tpu.memory_space<vmem>> -> memref<8x128xf32, #tpu.memory_space<vmem>>
    tpu.wait_dma2 semaphore(%dma_wait3A_247 : memref<!tpu.dma_semaphore, #tpu.memory_space<semaphore_mem>>) src(%dma_wait3A_255 : memref<8x128xf32, #tpu.memory_space<vmem>>) dst(%dma_wait3A_251 : memref<8x128xf32, #tpu.memory_space<hbm>>)
    %dma_wait3A_256 = arith.constant 1 : i32
    %dma_wait3A_257 = arith.constant 199 : i32
    %dma_wait3A_258 = arith.constant 1 : i32
    %dma_wait3A_259 = arith.constant 1 : i32
    %dma_wait3A_260 = arith.constant 8 : i32
    %dma_wait3A_261 = arith.constant 0 : i32
    %dma_wait3A_262 = tpu.memref_slice %arg7[%dma_wait3A_256, %dma_wait3A_260, %dma_wait3A_261] : memref<2x64x129xf32, #tpu.memory_space<vmem>> -> memref<1x8x128xf32, #tpu.memory_space<vmem>>
    %dma_wait3A_263 = tpu.memref_squeeze %dma_wait3A_262 : memref<1x8x128xf32, #tpu.memory_space<vmem>> -> memref<8x128xf32, #tpu.memory_space<vmem>>
    %dma_wait3A_264 = arith.constant 0 : i32
    %dma_wait3A_265 = arith.constant 0 : i32
    %dma_wait3A_266 = tpu.memref_slice %arg4[%dma_wait3A_257, %dma_wait3A_258, %add3A, %dma_wait3A_264, %dma_wait3A_265] : memref<200x8x32x8x128xf32, #tpu.memory_space<hbm>> -> memref<1x1x1x8x128xf32, #tpu.memory_space<hbm>>
    %dma_wait3A_267 = tpu.memref_squeeze %dma_wait3A_266 : memref<1x1x1x8x128xf32, #tpu.memory_space<hbm>> -> memref<8x128xf32, #tpu.memory_space<hbm>>
    %dma_wait3A_268 = tpu.memref_slice %arg9[%dma_wait3A_259] : memref<2x!tpu.dma_semaphore, #tpu.memory_space<semaphore_mem>> -> memref<1x!tpu.dma_semaphore, #tpu.memory_space<semaphore_mem>>
    %dma_wait3A_269 = tpu.memref_squeeze %dma_wait3A_268 : memref<1x!tpu.dma_semaphore, #tpu.memory_space<semaphore_mem>> -> memref<!tpu.dma_semaphore, #tpu.memory_space<semaphore_mem>>
    %dma_wait3A_270 = arith.constant 0 : i32
    %dma_wait3A_271 = arith.constant 0 : i32
    %dma_wait3A_272 = tpu.memref_slice %arg4[%dma_wait3A_257, %dma_wait3A_258, %add3A, %dma_wait3A_270, %dma_wait3A_271] : memref<200x8x32x8x128xf32, #tpu.memory_space<hbm>> -> memref<1x1x1x8x128xf32, #tpu.memory_space<hbm>>
    %dma_wait3A_273 = tpu.memref_squeeze %dma_wait3A_272 : memref<1x1x1x8x128xf32, #tpu.memory_space<hbm>> -> memref<8x128xf32, #tpu.memory_space<hbm>>
    %dma_wait3A_274 = arith.constant 8 : i32
    %dma_wait3A_275 = arith.constant 0 : i32
    %dma_wait3A_276 = tpu.memref_slice %arg7[%dma_wait3A_256, %dma_wait3A_274, %dma_wait3A_275] : memref<2x64x129xf32, #tpu.memory_space<vmem>> -> memref<1x8x128xf32, #tpu.memory_space<vmem>>
    %dma_wait3A_277 = tpu.memref_squeeze %dma_wait3A_276 : memref<1x8x128xf32, #tpu.memory_space<vmem>> -> memref<8x128xf32, #tpu.memory_space<vmem>>
    tpu.wait_dma2 semaphore(%dma_wait3A_269 : memref<!tpu.dma_semaphore, #tpu.memory_space<semaphore_mem>>) src(%dma_wait3A_277 : memref<8x128xf32, #tpu.memory_space<vmem>>) dst(%dma_wait3A_273 : memref<8x128xf32, #tpu.memory_space<hbm>>)
    %dma_wait3A_278 = arith.constant 1 : i32
    %dma_wait3A_279 = arith.constant 199 : i32
    %dma_wait3A_280 = arith.constant 2 : i32
    %dma_wait3A_281 = arith.constant 1 : i32
    %dma_wait3A_282 = arith.constant 16 : i32
    %dma_wait3A_283 = arith.constant 0 : i32
    %dma_wait3A_284 = tpu.memref_slice %arg7[%dma_wait3A_278, %dma_wait3A_282, %dma_wait3A_283] : memref<2x64x129xf32, #tpu.memory_space<vmem>> -> memref<1x8x128xf32, #tpu.memory_space<vmem>>
    %dma_wait3A_285 = tpu.memref_squeeze %dma_wait3A_284 : memref<1x8x128xf32, #tpu.memory_space<vmem>> -> memref<8x128xf32, #tpu.memory_space<vmem>>
    %dma_wait3A_286 = arith.constant 0 : i32
    %dma_wait3A_287 = arith.constant 0 : i32
    %dma_wait3A_288 = tpu.memref_slice %arg4[%dma_wait3A_279, %dma_wait3A_280, %add3A, %dma_wait3A_286, %dma_wait3A_287] : memref<200x8x32x8x128xf32, #tpu.memory_space<hbm>> -> memref<1x1x1x8x128xf32, #tpu.memory_space<hbm>>
    %dma_wait3A_289 = tpu.memref_squeeze %dma_wait3A_288 : memref<1x1x1x8x128xf32, #tpu.memory_space<hbm>> -> memref<8x128xf32, #tpu.memory_space<hbm>>
    %dma_wait3A_290 = tpu.memref_slice %arg9[%dma_wait3A_281] : memref<2x!tpu.dma_semaphore, #tpu.memory_space<semaphore_mem>> -> memref<1x!tpu.dma_semaphore, #tpu.memory_space<semaphore_mem>>
    %dma_wait3A_291 = tpu.memref_squeeze %dma_wait3A_290 : memref<1x!tpu.dma_semaphore, #tpu.memory_space<semaphore_mem>> -> memref<!tpu.dma_semaphore, #tpu.memory_space<semaphore_mem>>
    %dma_wait3A_292 = arith.constant 0 : i32
    %dma_wait3A_293 = arith.constant 0 : i32
    %dma_wait3A_294 = tpu.memref_slice %arg4[%dma_wait3A_279, %dma_wait3A_280, %add3A, %dma_wait3A_292, %dma_wait3A_293] : memref<200x8x32x8x128xf32, #tpu.memory_space<hbm>> -> memref<1x1x1x8x128xf32, #tpu.memory_space<hbm>>
    %dma_wait3A_295 = tpu.memref_squeeze %dma_wait3A_294 : memref<1x1x1x8x128xf32, #tpu.memory_space<hbm>> -> memref<8x128xf32, #tpu.memory_space<hbm>>
    %dma_wait3A_296 = arith.constant 16 : i32
    %dma_wait3A_297 = arith.constant 0 : i32
    %dma_wait3A_298 = tpu.memref_slice %arg7[%dma_wait3A_278, %dma_wait3A_296, %dma_wait3A_297] : memref<2x64x129xf32, #tpu.memory_space<vmem>> -> memref<1x8x128xf32, #tpu.memory_space<vmem>>
    %dma_wait3A_299 = tpu.memref_squeeze %dma_wait3A_298 : memref<1x8x128xf32, #tpu.memory_space<vmem>> -> memref<8x128xf32, #tpu.memory_space<vmem>>
    tpu.wait_dma2 semaphore(%dma_wait3A_291 : memref<!tpu.dma_semaphore, #tpu.memory_space<semaphore_mem>>) src(%dma_wait3A_299 : memref<8x128xf32, #tpu.memory_space<vmem>>) dst(%dma_wait3A_295 : memref<8x128xf32, #tpu.memory_space<hbm>>)
    %dma_wait3A_300 = arith.constant 1 : i32
    %dma_wait3A_301 = arith.constant 199 : i32
    %dma_wait3A_302 = arith.constant 3 : i32
    %dma_wait3A_303 = arith.constant 1 : i32
    %dma_wait3A_304 = arith.constant 24 : i32
    %dma_wait3A_305 = arith.constant 0 : i32
    %dma_wait3A_306 = tpu.memref_slice %arg7[%dma_wait3A_300, %dma_wait3A_304, %dma_wait3A_305] : memref<2x64x129xf32, #tpu.memory_space<vmem>> -> memref<1x8x128xf32, #tpu.memory_space<vmem>>
    %dma_wait3A_307 = tpu.memref_squeeze %dma_wait3A_306 : memref<1x8x128xf32, #tpu.memory_space<vmem>> -> memref<8x128xf32, #tpu.memory_space<vmem>>
    %dma_wait3A_308 = arith.constant 0 : i32
    %dma_wait3A_309 = arith.constant 0 : i32
    %dma_wait3A_310 = tpu.memref_slice %arg4[%dma_wait3A_301, %dma_wait3A_302, %add3A, %dma_wait3A_308, %dma_wait3A_309] : memref<200x8x32x8x128xf32, #tpu.memory_space<hbm>> -> memref<1x1x1x8x128xf32, #tpu.memory_space<hbm>>
    %dma_wait3A_311 = tpu.memref_squeeze %dma_wait3A_310 : memref<1x1x1x8x128xf32, #tpu.memory_space<hbm>> -> memref<8x128xf32, #tpu.memory_space<hbm>>
    %dma_wait3A_312 = tpu.memref_slice %arg9[%dma_wait3A_303] : memref<2x!tpu.dma_semaphore, #tpu.memory_space<semaphore_mem>> -> memref<1x!tpu.dma_semaphore, #tpu.memory_space<semaphore_mem>>
    %dma_wait3A_313 = tpu.memref_squeeze %dma_wait3A_312 : memref<1x!tpu.dma_semaphore, #tpu.memory_space<semaphore_mem>> -> memref<!tpu.dma_semaphore, #tpu.memory_space<semaphore_mem>>
    %dma_wait3A_314 = arith.constant 0 : i32
    %dma_wait3A_315 = arith.constant 0 : i32
    %dma_wait3A_316 = tpu.memref_slice %arg4[%dma_wait3A_301, %dma_wait3A_302, %add3A, %dma_wait3A_314, %dma_wait3A_315] : memref<200x8x32x8x128xf32, #tpu.memory_space<hbm>> -> memref<1x1x1x8x128xf32, #tpu.memory_space<hbm>>
    %dma_wait3A_317 = tpu.memref_squeeze %dma_wait3A_316 : memref<1x1x1x8x128xf32, #tpu.memory_space<hbm>> -> memref<8x128xf32, #tpu.memory_space<hbm>>
    %dma_wait3A_318 = arith.constant 24 : i32
    %dma_wait3A_319 = arith.constant 0 : i32
    %dma_wait3A_320 = tpu.memref_slice %arg7[%dma_wait3A_300, %dma_wait3A_318, %dma_wait3A_319] : memref<2x64x129xf32, #tpu.memory_space<vmem>> -> memref<1x8x128xf32, #tpu.memory_space<vmem>>
    %dma_wait3A_321 = tpu.memref_squeeze %dma_wait3A_320 : memref<1x8x128xf32, #tpu.memory_space<vmem>> -> memref<8x128xf32, #tpu.memory_space<vmem>>
    tpu.wait_dma2 semaphore(%dma_wait3A_313 : memref<!tpu.dma_semaphore, #tpu.memory_space<semaphore_mem>>) src(%dma_wait3A_321 : memref<8x128xf32, #tpu.memory_space<vmem>>) dst(%dma_wait3A_317 : memref<8x128xf32, #tpu.memory_space<hbm>>)
    %dma_wait3A_322 = arith.constant 1 : i32
    %dma_wait3A_323 = arith.constant 199 : i32
    %dma_wait3A_324 = arith.constant 4 : i32
    %dma_wait3A_325 = arith.constant 1 : i32
    %dma_wait3A_326 = arith.constant 32 : i32
    %dma_wait3A_327 = arith.constant 0 : i32
    %dma_wait3A_328 = tpu.memref_slice %arg7[%dma_wait3A_322, %dma_wait3A_326, %dma_wait3A_327] : memref<2x64x129xf32, #tpu.memory_space<vmem>> -> memref<1x8x128xf32, #tpu.memory_space<vmem>>
    %dma_wait3A_329 = tpu.memref_squeeze %dma_wait3A_328 : memref<1x8x128xf32, #tpu.memory_space<vmem>> -> memref<8x128xf32, #tpu.memory_space<vmem>>
    %dma_wait3A_330 = arith.constant 0 : i32
    %dma_wait3A_331 = arith.constant 0 : i32
    %dma_wait3A_332 = tpu.memref_slice %arg4[%dma_wait3A_323, %dma_wait3A_324, %add3A, %dma_wait3A_330, %dma_wait3A_331] : memref<200x8x32x8x128xf32, #tpu.memory_space<hbm>> -> memref<1x1x1x8x128xf32, #tpu.memory_space<hbm>>
    %dma_wait3A_333 = tpu.memref_squeeze %dma_wait3A_332 : memref<1x1x1x8x128xf32, #tpu.memory_space<hbm>> -> memref<8x128xf32, #tpu.memory_space<hbm>>
    %dma_wait3A_334 = tpu.memref_slice %arg9[%dma_wait3A_325] : memref<2x!tpu.dma_semaphore, #tpu.memory_space<semaphore_mem>> -> memref<1x!tpu.dma_semaphore, #tpu.memory_space<semaphore_mem>>
    %dma_wait3A_335 = tpu.memref_squeeze %dma_wait3A_334 : memref<1x!tpu.dma_semaphore, #tpu.memory_space<semaphore_mem>> -> memref<!tpu.dma_semaphore, #tpu.memory_space<semaphore_mem>>
    %dma_wait3A_336 = arith.constant 0 : i32
    %dma_wait3A_337 = arith.constant 0 : i32
    %dma_wait3A_338 = tpu.memref_slice %arg4[%dma_wait3A_323, %dma_wait3A_324, %add3A, %dma_wait3A_336, %dma_wait3A_337] : memref<200x8x32x8x128xf32, #tpu.memory_space<hbm>> -> memref<1x1x1x8x128xf32, #tpu.memory_space<hbm>>
    %dma_wait3A_339 = tpu.memref_squeeze %dma_wait3A_338 : memref<1x1x1x8x128xf32, #tpu.memory_space<hbm>> -> memref<8x128xf32, #tpu.memory_space<hbm>>
    %dma_wait3A_340 = arith.constant 32 : i32
    %dma_wait3A_341 = arith.constant 0 : i32
    %dma_wait3A_342 = tpu.memref_slice %arg7[%dma_wait3A_322, %dma_wait3A_340, %dma_wait3A_341] : memref<2x64x129xf32, #tpu.memory_space<vmem>> -> memref<1x8x128xf32, #tpu.memory_space<vmem>>
    %dma_wait3A_343 = tpu.memref_squeeze %dma_wait3A_342 : memref<1x8x128xf32, #tpu.memory_space<vmem>> -> memref<8x128xf32, #tpu.memory_space<vmem>>
    tpu.wait_dma2 semaphore(%dma_wait3A_335 : memref<!tpu.dma_semaphore, #tpu.memory_space<semaphore_mem>>) src(%dma_wait3A_343 : memref<8x128xf32, #tpu.memory_space<vmem>>) dst(%dma_wait3A_339 : memref<8x128xf32, #tpu.memory_space<hbm>>)
    %dma_wait3A_344 = arith.constant 1 : i32
    %dma_wait3A_345 = arith.constant 199 : i32
    %dma_wait3A_346 = arith.constant 5 : i32
    %dma_wait3A_347 = arith.constant 1 : i32
    %dma_wait3A_348 = arith.constant 40 : i32
    %dma_wait3A_349 = arith.constant 0 : i32
    %dma_wait3A_350 = tpu.memref_slice %arg7[%dma_wait3A_344, %dma_wait3A_348, %dma_wait3A_349] : memref<2x64x129xf32, #tpu.memory_space<vmem>> -> memref<1x8x128xf32, #tpu.memory_space<vmem>>
    %dma_wait3A_351 = tpu.memref_squeeze %dma_wait3A_350 : memref<1x8x128xf32, #tpu.memory_space<vmem>> -> memref<8x128xf32, #tpu.memory_space<vmem>>
    %dma_wait3A_352 = arith.constant 0 : i32
    %dma_wait3A_353 = arith.constant 0 : i32
    %dma_wait3A_354 = tpu.memref_slice %arg4[%dma_wait3A_345, %dma_wait3A_346, %add3A, %dma_wait3A_352, %dma_wait3A_353] : memref<200x8x32x8x128xf32, #tpu.memory_space<hbm>> -> memref<1x1x1x8x128xf32, #tpu.memory_space<hbm>>
    %dma_wait3A_355 = tpu.memref_squeeze %dma_wait3A_354 : memref<1x1x1x8x128xf32, #tpu.memory_space<hbm>> -> memref<8x128xf32, #tpu.memory_space<hbm>>
    %dma_wait3A_356 = tpu.memref_slice %arg9[%dma_wait3A_347] : memref<2x!tpu.dma_semaphore, #tpu.memory_space<semaphore_mem>> -> memref<1x!tpu.dma_semaphore, #tpu.memory_space<semaphore_mem>>
    %dma_wait3A_357 = tpu.memref_squeeze %dma_wait3A_356 : memref<1x!tpu.dma_semaphore, #tpu.memory_space<semaphore_mem>> -> memref<!tpu.dma_semaphore, #tpu.memory_space<semaphore_mem>>
    %dma_wait3A_358 = arith.constant 0 : i32
    %dma_wait3A_359 = arith.constant 0 : i32
    %dma_wait3A_360 = tpu.memref_slice %arg4[%dma_wait3A_345, %dma_wait3A_346, %add3A, %dma_wait3A_358, %dma_wait3A_359] : memref<200x8x32x8x128xf32, #tpu.memory_space<hbm>> -> memref<1x1x1x8x128xf32, #tpu.memory_space<hbm>>
    %dma_wait3A_361 = tpu.memref_squeeze %dma_wait3A_360 : memref<1x1x1x8x128xf32, #tpu.memory_space<hbm>> -> memref<8x128xf32, #tpu.memory_space<hbm>>
    %dma_wait3A_362 = arith.constant 40 : i32
    %dma_wait3A_363 = arith.constant 0 : i32
    %dma_wait3A_364 = tpu.memref_slice %arg7[%dma_wait3A_344, %dma_wait3A_362, %dma_wait3A_363] : memref<2x64x129xf32, #tpu.memory_space<vmem>> -> memref<1x8x128xf32, #tpu.memory_space<vmem>>
    %dma_wait3A_365 = tpu.memref_squeeze %dma_wait3A_364 : memref<1x8x128xf32, #tpu.memory_space<vmem>> -> memref<8x128xf32, #tpu.memory_space<vmem>>
    tpu.wait_dma2 semaphore(%dma_wait3A_357 : memref<!tpu.dma_semaphore, #tpu.memory_space<semaphore_mem>>) src(%dma_wait3A_365 : memref<8x128xf32, #tpu.memory_space<vmem>>) dst(%dma_wait3A_361 : memref<8x128xf32, #tpu.memory_space<hbm>>)
    %dma_wait3A_366 = arith.constant 1 : i32
    %dma_wait3A_367 = arith.constant 199 : i32
    %dma_wait3A_368 = arith.constant 6 : i32
    %dma_wait3A_369 = arith.constant 1 : i32
    %dma_wait3A_370 = arith.constant 48 : i32
    %dma_wait3A_371 = arith.constant 0 : i32
    %dma_wait3A_372 = tpu.memref_slice %arg7[%dma_wait3A_366, %dma_wait3A_370, %dma_wait3A_371] : memref<2x64x129xf32, #tpu.memory_space<vmem>> -> memref<1x8x128xf32, #tpu.memory_space<vmem>>
    %dma_wait3A_373 = tpu.memref_squeeze %dma_wait3A_372 : memref<1x8x128xf32, #tpu.memory_space<vmem>> -> memref<8x128xf32, #tpu.memory_space<vmem>>
    %dma_wait3A_374 = arith.constant 0 : i32
    %dma_wait3A_375 = arith.constant 0 : i32
    %dma_wait3A_376 = tpu.memref_slice %arg4[%dma_wait3A_367, %dma_wait3A_368, %add3A, %dma_wait3A_374, %dma_wait3A_375] : memref<200x8x32x8x128xf32, #tpu.memory_space<hbm>> -> memref<1x1x1x8x128xf32, #tpu.memory_space<hbm>>
    %dma_wait3A_377 = tpu.memref_squeeze %dma_wait3A_376 : memref<1x1x1x8x128xf32, #tpu.memory_space<hbm>> -> memref<8x128xf32, #tpu.memory_space<hbm>>
    %dma_wait3A_378 = tpu.memref_slice %arg9[%dma_wait3A_369] : memref<2x!tpu.dma_semaphore, #tpu.memory_space<semaphore_mem>> -> memref<1x!tpu.dma_semaphore, #tpu.memory_space<semaphore_mem>>
    %dma_wait3A_379 = tpu.memref_squeeze %dma_wait3A_378 : memref<1x!tpu.dma_semaphore, #tpu.memory_space<semaphore_mem>> -> memref<!tpu.dma_semaphore, #tpu.memory_space<semaphore_mem>>
    %dma_wait3A_380 = arith.constant 0 : i32
    %dma_wait3A_381 = arith.constant 0 : i32
    %dma_wait3A_382 = tpu.memref_slice %arg4[%dma_wait3A_367, %dma_wait3A_368, %add3A, %dma_wait3A_380, %dma_wait3A_381] : memref<200x8x32x8x128xf32, #tpu.memory_space<hbm>> -> memref<1x1x1x8x128xf32, #tpu.memory_space<hbm>>
    %dma_wait3A_383 = tpu.memref_squeeze %dma_wait3A_382 : memref<1x1x1x8x128xf32, #tpu.memory_space<hbm>> -> memref<8x128xf32, #tpu.memory_space<hbm>>
    %dma_wait3A_384 = arith.constant 48 : i32
    %dma_wait3A_385 = arith.constant 0 : i32
    %dma_wait3A_386 = tpu.memref_slice %arg7[%dma_wait3A_366, %dma_wait3A_384, %dma_wait3A_385] : memref<2x64x129xf32, #tpu.memory_space<vmem>> -> memref<1x8x128xf32, #tpu.memory_space<vmem>>
    %dma_wait3A_387 = tpu.memref_squeeze %dma_wait3A_386 : memref<1x8x128xf32, #tpu.memory_space<vmem>> -> memref<8x128xf32, #tpu.memory_space<vmem>>
    tpu.wait_dma2 semaphore(%dma_wait3A_379 : memref<!tpu.dma_semaphore, #tpu.memory_space<semaphore_mem>>) src(%dma_wait3A_387 : memref<8x128xf32, #tpu.memory_space<vmem>>) dst(%dma_wait3A_383 : memref<8x128xf32, #tpu.memory_space<hbm>>)
    %dma_wait3A_388 = arith.constant 1 : i32
    %dma_wait3A_389 = arith.constant 199 : i32
    %dma_wait3A_390 = arith.constant 7 : i32
    %dma_wait3A_391 = arith.constant 1 : i32
    %dma_wait3A_392 = arith.constant 56 : i32
    %dma_wait3A_393 = arith.constant 0 : i32
    %dma_wait3A_394 = tpu.memref_slice %arg7[%dma_wait3A_388, %dma_wait3A_392, %dma_wait3A_393] : memref<2x64x129xf32, #tpu.memory_space<vmem>> -> memref<1x8x128xf32, #tpu.memory_space<vmem>>
    %dma_wait3A_395 = tpu.memref_squeeze %dma_wait3A_394 : memref<1x8x128xf32, #tpu.memory_space<vmem>> -> memref<8x128xf32, #tpu.memory_space<vmem>>
    %dma_wait3A_396 = arith.constant 0 : i32
    %dma_wait3A_397 = arith.constant 0 : i32
    %dma_wait3A_398 = tpu.memref_slice %arg4[%dma_wait3A_389, %dma_wait3A_390, %add3A, %dma_wait3A_396, %dma_wait3A_397] : memref<200x8x32x8x128xf32, #tpu.memory_space<hbm>> -> memref<1x1x1x8x128xf32, #tpu.memory_space<hbm>>
    %dma_wait3A_399 = tpu.memref_squeeze %dma_wait3A_398 : memref<1x1x1x8x128xf32, #tpu.memory_space<hbm>> -> memref<8x128xf32, #tpu.memory_space<hbm>>
    %dma_wait3A_400 = tpu.memref_slice %arg9[%dma_wait3A_391] : memref<2x!tpu.dma_semaphore, #tpu.memory_space<semaphore_mem>> -> memref<1x!tpu.dma_semaphore, #tpu.memory_space<semaphore_mem>>
    %dma_wait3A_401 = tpu.memref_squeeze %dma_wait3A_400 : memref<1x!tpu.dma_semaphore, #tpu.memory_space<semaphore_mem>> -> memref<!tpu.dma_semaphore, #tpu.memory_space<semaphore_mem>>
    %dma_wait3A_402 = arith.constant 0 : i32
    %dma_wait3A_403 = arith.constant 0 : i32
    %dma_wait3A_404 = tpu.memref_slice %arg4[%dma_wait3A_389, %dma_wait3A_390, %add3A, %dma_wait3A_402, %dma_wait3A_403] : memref<200x8x32x8x128xf32, #tpu.memory_space<hbm>> -> memref<1x1x1x8x128xf32, #tpu.memory_space<hbm>>
    %dma_wait3A_405 = tpu.memref_squeeze %dma_wait3A_404 : memref<1x1x1x8x128xf32, #tpu.memory_space<hbm>> -> memref<8x128xf32, #tpu.memory_space<hbm>>
    %dma_wait3A_406 = arith.constant 56 : i32
    %dma_wait3A_407 = arith.constant 0 : i32
    %dma_wait3A_408 = tpu.memref_slice %arg7[%dma_wait3A_388, %dma_wait3A_406, %dma_wait3A_407] : memref<2x64x129xf32, #tpu.memory_space<vmem>> -> memref<1x8x128xf32, #tpu.memory_space<vmem>>
    %dma_wait3A_409 = tpu.memref_squeeze %dma_wait3A_408 : memref<1x8x128xf32, #tpu.memory_space<vmem>> -> memref<8x128xf32, #tpu.memory_space<vmem>>
    tpu.wait_dma2 semaphore(%dma_wait3A_401 : memref<!tpu.dma_semaphore, #tpu.memory_space<semaphore_mem>>) src(%dma_wait3A_409 : memref<8x128xf32, #tpu.memory_space<vmem>>) dst(%dma_wait3A_405 : memref<8x128xf32, #tpu.memory_space<hbm>>)
    return
  }
}

</mosaic_0001>

<sc_bundles>
// kernel: kernel.3.cloned.1.call-start
scs
__scs_entry_jumppad:
0x0: {  	(pc) =	sbr.rel $0x88, $3  }
0x1: {  	(tag) =	ssettag $0x0;
	lr =	simm.s32 $0x1  }
0x2: {  	[smem:$0x3F9F] =	sst lr;
	_ =	strace $0xD0000000  }
0x3: {  	_ = 	snop  }
0x4: {  	_ = 	snop  }
0x5: {  	_ = 	snop  }
0x6: {  	_ = 	snop  }
0x7: {  	_ = 	snop  }
__scs_overlays_trampoline_lowered:
0x8: {  	[smem:$0x3FAE] =	sst s0  }
0x9: {  	[smem:$0x3FAF] =	sst s1  }
0xa: {  	[smem:$0x3FB0] =	sst s2  }
0xb: {  	[smem:$0x3FB1] =	sst s3  }
0xc: {  	[smem:$0x3FB2] =	sst s4  }
0xd: {  	[smem:$0x3FB3] =	sst s5  }
0xe: {  	[smem:$0x3FB4] =	sst s6  }
0xf: {  	[smem:$0x3FB5] =	sst s7  }
0x10: {  	[smem:$0x3FB6] =	sst s8  }
0x11: {  	[smem:$0x3FB7] =	sst s9;
	s0 =	simm.s32 @!p0 $0x0  }
0x12: {  	s1 =	sld [smem:$0x3F9D];
	s0 =	simm.s32 @p0 $0x1  }
0x13: {  	[smem:$0x3FB8] =	sst s0;
	s0 =	simm.s32 @!p1 $0x0  }
0x14: {  	s2 =	sld [smem:$0x3F9C];
	s0 =	simm.s32 @p1 $0x1  }
0x15: {  	[smem:$0x3FB9] =	sst s0;
	s0 =	simm.s32 @!p2 $0x0  }
0x16: {  	s3 =	sld [smem:$0x3FDB];
	s0 =	simm.s32 @p2 $0x1  }
0x17: {  	s4 =	simm.s32 $0x1BF5;
	[smem:$0x3FBB] =	sst s0  }
0x18: {  	s0 =	sld [smem:$0x3F9E];
	_ =	swait.ge [sflag:s4], $0x0  }
0x19: {  	s7 =	sld [smem:$0x3F9F]  }
0x1a: {  	s8 =	sadd.s32 $0xFFFFE003, lr  }
0x1b: {  	s9 =	sadd.s32 $0xFFFFFEF7, lr;
	s5 =	simm.s32 $0xFFFFFFFF;
	p2 =	slt.u32 s8, $0xFFFFF086  }
0x1c: {  	p1 =	slt.u32 s9, $0xF7A;
	s5 =	simm.s32 @!p2 $0x0  }
0x1d: {  	s5 =	simm.s32 @p1 $0x1;
	p0 =	seq.s32 s7, s2  }
0x1e: {  	s7 =	smul.u32 @!p0 $0xF7A, s2;
	p2 =	seq.s32 @!p0 s5, $0x0  }
0x1f: {  	s9 =	smul.u32 $0xF7A, s1;
	s8 =	simm.s32 @!p0 $0x1BF5;
	p2 =	por !p2, p0  }
0x20: {  	[sflag:s8] =	ssyncset.s32 @!p0 $0xFFFFF086;
	s6 =	sadd.s32 @!p0 s3, s7;
	s7 =	simm.s32 @!p0 $0x108  }
0x21: {  	s3 =	sadd.s32 s3, s9;
	s6 =	sadd.s32 @!p0 $0x88, s6;
	s7 =	simm.s32 @p2 $0x1082  }
0x22: {  	[simem:s7], [sflag:s8] =	dma.local @!p0 [hbm:s6], $0xF7A  }
0x23: {  	s9 =	sor.u32 $0xD0000000, s2;
	s6 =	simm.s32 $0x108;
	_ =	swait.ge @!p0 [sflag:s8], $0x0  }
0x24: {  	s3 =	sadd.s32 $0x88, s3;
	s6 =	simm.s32 @!p1 $0x1082;
	[sflag:s4] =	ssyncset.s32 $0xFFFFF086  }
0x25: {  	[simem:s6], [sflag:s4] =	dma.local [hbm:s3], $0xF7A  }
0x26: {  	[smem:$0x3F9F] =	sst s1;
	(tag) =	ssettag s2;
	_ =	strace s9  }
0x27: {  	s1 =	sld [smem:$0x3FAF]  }
0x28: {  	s2 =	sld [smem:$0x3FB0]  }
0x29: {  	s4 =	sld [smem:$0x3FB2]  }
0x2a: {  	p0 =	seq.s32 s5, $0x0;
	s5 =	sld [smem:$0x3FB3]  }
0x2b: {  	s6 =	sld [smem:$0x3FB4]  }
0x2c: {  	s7 =	sld [smem:$0x3FB5]  }
0x2d: {  	s3 =	simm.s32 $0x108;
	s8 =	sld [smem:$0x3FB6]  }
0x2e: {  	s3 =	simm.s32 @!p0 $0x1082;
	s9 =	sld [smem:$0x3FB7]  }
0x2f: {  	lr =	sadd.s32 s0, s3;
	s0 =	sld [smem:$0x3FAE]  }
0x30: {  	s3 =	sld [smem:$0x3FB1]  }
0x31: {  	[smem:$0x3FBA] =	sst s10  }
0x32: {  	s10 =	sld [smem:$0x3FB8];
	_ =	sdelay $0x3  }
0x33: {  	p0 =	seq.s32 s10, $0x1;
	s10 =	sld [smem:$0x3FBA];
	_ =	sdelay $0x3  }
0x34: {  	[smem:$0x3FBA] =	sst s10  }
0x35: {  	s10 =	sld [smem:$0x3FB9];
	_ =	sdelay $0x3  }
0x36: {  	p1 =	seq.s32 s10, $0x1;
	s10 =	sld [smem:$0x3FBA];
	_ =	sdelay $0x3  }
0x37: {  	[smem:$0x3FBA] =	sst s10  }
0x38: {  	s10 =	sld [smem:$0x3FBB]  }
0x39: {  	_ = 	snop;
	(pc) =	sbr.ind lr, $3  }
0x3a: {  	_ = 	snop  }
0x3b: {  	_ = 	snop  }
0x3c: {  	p2 =	seq.s32 s10, $0x1;
	s10 =	sld [smem:$0x3FBA]  }
0x3d: {  	_ =	shalt  }
0x3e: {  	_ =	shalt  }
0x3f: {  	_ =	shalt  }
0x40: {  	_ =	shalt  }
0x41: {  	_ =	shalt  }
0x42: {  	_ =	shalt  }
0x43: {  	_ =	shalt  }
0x44: {  	_ =	shalt  }
0x45: {  	_ =	shalt  }
0x46: {  	_ =	shalt  }
0x47: {  	_ =	shalt  }
0x48: {  	_ =	shalt  }
0x49: {  	_ =	shalt  }
0x4a: {  	_ =	shalt  }
0x4b: {  	_ =	shalt  }
0x4c: {  	_ =	shalt  }
0x4d: {  	_ =	shalt  }
0x4e: {  	_ =	shalt  }
0x4f: {  	_ =	shalt  }
0x50: {  	_ =	shalt  }
0x51: {  	_ =	shalt  }
0x52: {  	_ =	shalt  }
0x53: {  	_ =	shalt  }
0x54: {  	_ =	shalt  }
0x55: {  	_ =	shalt  }
0x56: {  	_ =	shalt  }
0x57: {  	_ =	shalt  }
0x58: {  	_ =	shalt  }
0x59: {  	_ =	shalt  }
0x5a: {  	_ =	shalt  }
0x5b: {  	_ =	shalt  }
0x5c: {  	_ =	shalt  }
0x5d: {  	_ =	shalt  }
0x5e: {  	_ =	shalt  }
0x5f: {  	_ =	shalt  }
0x60: {  	_ =	shalt  }
0x61: {  	_ =	shalt  }
0x62: {  	_ =	shalt  }
0x63: {  	_ =	shalt  }
0x64: {  	_ =	shalt  }
0x65: {  	_ =	shalt  }
0x66: {  	_ =	shalt  }
0x67: {  	_ =	shalt  }
0x68: {  	_ =	shalt  }
0x69: {  	_ =	shalt  }
0x6a: {  	_ =	shalt  }
0x6b: {  	_ =	shalt  }
0x6c: {  	_ =	shalt  }
0x6d: {  	_ =	shalt  }
0x6e: {  	_ =	shalt  }
0x6f: {  	_ =	shalt  }
0x70: {  	_ =	shalt  }
0x71: {  	_ =	shalt  }
0x72: {  	_ =	shalt  }
0x73: {  	_ =	shalt  }
0x74: {  	_ =	shalt  }
0x75: {  	_ =	shalt  }
0x76: {  	_ =	shalt  }
0x77: {  	_ =	shalt  }
0x78: {  	_ =	shalt  }
0x79: {  	_ =	shalt  }
0x7a: {  	_ =	shalt  }
0x7b: {  	_ =	shalt  }
0x7c: {  	_ =	shalt  }
0x7d: {  	_ =	shalt  }
0x7e: {  	_ =	shalt  }
0x7f: {  	_ =	shalt  }
0x80: {  	_ =	shalt  }
0x81: {  	_ =	shalt  }
0x82: {  	_ =	shalt  }
0x83: {  	_ =	shalt  }
0x84: {  	_ =	shalt  }
0x85: {  	_ =	shalt  }
0x86: {  	_ =	shalt  }
0x87: {  	_ =	shalt  }
.Lfunc_end0:
.L_simem_size_0:
called_computation_lowered:
.L_overlay_start_0:
0x88: {  	s2 =	sld [smem:$0x3FD9]  }
0x89: {  	s3 =	sld [smem:$0x3FFE];
	_ =	sdelay $0x1  }
0x8a: {  	s1 =	srdreg.scid  }
0x8b: {  	s0 =	sand.u32 $0x1, s1  }
0x8c: {  	s17 =	sshll.u32 s0, $0xA;
	s2 =	sadd.s32 s3, s2  }
0x8d: {  	s2 =	sadd.s32 s2, s17  }
0x8e: {  	[smem:$0x3FC6] =	sst s2  }
0x8f: {  	_ = 	snop  }
0x90: {  	s2 =	sld [smem:$0x3FD0];
	(tm) =	ssettm $0x1  }
0x91: {  	s18 =	sld [smem:$0x3FFB];
	_ =	sdelay $0x3  }
0x92: {  	_ =	strace s18  }
0x93: {  	s3 =	sld [smem:$0x3FFC];
	_ =	sdelay $0x3  }
0x94: {  	_ =	strace s3  }
0x95: {  	s3 =	sld [smem:$0x3FFD];
	_ =	sdelay $0x3  }
0x96: {  	_ =	strace s3  }
0x97: {  	_ =	strace $0x8FFFFFFF  }
0x98: {  	s19 =	sld [smem:$0x3FDB];
	_ =	sdelay $0x1  }
0x99: {  	s4 =	simm.s32 $_scs_section_size  }
0x9a: {  	s5 =	simm.s32 $_size__tile_overlayer_lowered;
	s6 =	simm.s32 $_tile_overlayer_lowered  }
0x9b: {  	s22 =	simm.s32 $0x1BFF;
	s21 =	sshll.u32 s6, $0x1;
	s3 =	sadd.s32 s4, s19  }
0x9c: {  	s7 =	simm.s32 $0x0;
	s20 =	sshll.u32 s5, $0x1;
	s5 =	sadd.s32 s21, s3  }
0x9d: {  	[timem:s7], [sflag:s22] =	dma.local [hbm:s5], s20  }
0x9e: {  	_ =	swait.ge [sflag:s22], s20  }
0x9f: {  	s4 =	ssub.s32 $0x0, s20;
	[sflag:s22] =	ssyncset.done $0x0  }
0xa0: {  	[sflag:s22] =	ssyncadd.s32 s4;
	_ =	sdelay $0x1  }
0xa1: {  	s23 =	simm.s32 $0x1B8B  }
0xa2: {  	_ =	swait.ge [sflag:s23], $0x1  }
0xa3: {  	[sflag:s23] =	ssyncset.done $0x0  }
0xa4: {  	s25 =	simm.s32 $0x1B8E;
	s24 =	sld [smem:$0x3FFE];
	[sflag:s23] =	ssyncadd.s32 $0xFFFFFFFF  }
0xa5: {  	s26 =	simm.s32 $execute0_lowered;
	[smem:$0x3FD2] =	sst s25  }
0xa6: {  	s5 =	sshll.u32 s26, $0x1;
	_ =	strace $0x80000046;
	[dreg:$0x1] =	wrdreg $0xFFFFFFFF  }
0xa7: {  	s28 =	simm.s32 $_size_execute0_lowered;
	s3 =	sadd.s32 s3, s5;
	[dreg:$0x0] =	wrdreg $0x0  }
0xa8: {  	s5 =	sshll.u32 s28, $0x1;
	[dreg:$0x2] =	wrdreg s3  }
0xa9: {  	[dreg:$0x3] =	wrdreg s5  }
0xaa: {  	[dreg:$0x4] =	wrdreg $0xC0  }
0xab: {  	_ =	task [dreg:s7], $0x5FFFF  }
0xac: {  	[dreg:$0x1] =	wrdreg $0xFFFFFFFF  }
0xad: {  	[dreg:$0x0] =	wrdreg $0x60  }
0xae: {  	[dreg:$0x2] =	wrdreg s24  }
0xaf: {  	[dreg:$0x3] =	wrdreg s2  }
0xb0: {  	[dreg:$0x4] =	wrdreg $0x9  }
0xb1: {  	_ =	task.clear_ibuf [dreg:s7], $0x5FFFF;
	_ =	strace $0x90000046  }
0xb2: {  	s29 =	simm.s32 $0x9;
	_ =	strace $0x80000048  }
0xb3: {  	_ =	swait.ge [sflag:s29], $0x1  }
0xb4: {  	[sflag:s29] =	ssyncadd.s32 $0xFFFFFFFF  }
0xb5: {  	_ =	strace $0x90000048  }
0xb6: {  	_ =	sfence  }
0xb7: {  	s30 =	sld [smem:$0x0];
	_ =	sdelay $0x2  }
0xb8: {  	s31 =	sshll.u32 s1, $0xD;
	s1 =	sshrl.u32 s1, $0x2  }
0xb9: {  	s3 =	sand.u32 $0x4000, s31;
	s1 =	sadd.s32 s1, s30  }
0xba: {  	s0 =	sor.u32 s3, s0;
	s1 =	sshll.u32 s1, $0x11  }
0xbb: {  	s0 =	sor.u32 s1, s0  }
0xbc: {  	s0 =	sadd.s32 $0x8F2B, s0  }
0xbd: {  	[sflag:s0] =	ssyncadd.remote.s32 $0x1  }
0xbe: {  	_ =	sfence.sel $0xFFFF  }
0xbf: {  	[dreg:$0x0] =	wrdreg $0xFFFFFFFF;
	(pc) =	sbr.abs _section_cstart, $3  }
0xc0: {  	[dreg:$0x1] =	wrdreg $0xFFFFFFFF  }
0xc1: {  	_ =	task.clear_ibuf [dreg:s7], $0x2FFFF;
	_ =	strace $0x9FFFFFFF  }
0xc2: {  	(tm) =	ssettm $0x7FFFFFFF  }
0xc3: {  	_ =	shalt  }
tec
execute0_lowered:
.L_overlay_start_1:
0x0: {  	(tag) =	ssettag $0x1  }
0x1: {  	v6 =	vlaneseq.u32  }
0x2: {  	s0 =	rddreg [dreg:$0x0];
	s3 =	simm.s32 $0x0;
	v44 =	vmul.u32 $0x88, v6  }
0x3: {  	[smem:$0x7FF] =	sst s3  }
0x4: {  	s21 =	rddreg [dreg:$0x1];
	_ =	strace $0x80000047;
	v42 =	vor.u32 $0x2, v44;
	[tilespmem:$0x1FFD0] =	vst v44  }
0x5: {  	v58 =	vadd.s32 $0x1107, v44;
	[tilespmem:$0x1FDB0] =	vst v42  }
0x6: {  	v15 =	vadd.s32 $0x1987, v44;
	[tilespmem:$0x1FDC0] =	vst v58  }
0x7: {  	v6 =	vadd.s32 $0x1985, v44;
	[tilespmem:$0x1FDD0] =	vst v15  }
0x8: {  	v7 =	vor.u32 $0x6, v44;
	[tilespmem:$0x1FDF0] =	vst v6  }
0x9: {  	v37 =	vadd.s32 $0x886, v44;
	[tilespmem:$0x1FE00] =	vst v7  }
0xa: {  	v45 =	vadd.s32 $0x887, v44;
	[tilespmem:$0x1FE10] =	vst v37  }
0xb: {  	v33 =	vor.u32 $0x7, v44;
	[tilespmem:$0x1FE20] =	vst v45  }
0xc: {  	v30 =	vadd.s32 $0x1104, v44;
	[tilespmem:$0x1FE40] =	vst v33  }
0xd: {  	v23 =	vor.u32 $0x5, v44;
	[tilespmem:$0x1FE50] =	vst v30  }
0xe: {  	v32 =	vadd.s32 $0x884, v44;
	[tilespmem:$0x1FE60] =	vst v23  }
0xf: {  	v26 =	vadd.s32 $0x1984, v44;
	[tilespmem:$0x1FE70] =	vst v32  }
0x10: {  	v21 =	vadd.s32 $0x885, v44;
	[tilespmem:$0x1FE80] =	vst v26  }
0x11: {  	v24 =	vadd.s32 $0x1106, v44;
	[tilespmem:$0x1FE90] =	vst v21  }
0x12: {  	v43 =	vadd.s32 $0x1986, v44;
	[tilespmem:$0x1FEA0] =	vst v24  }
0x13: {  	v8 =	vadd.s32 $0x880, v44;
	[tilespmem:$0x1FEB0] =	vst v43  }
0x14: {  	v11 =	vor.u32 $0x1, v44;
	[tilespmem:$0x1FEC0] =	vst v8  }
0x15: {  	v13 =	vadd.s32 $0x881, v44;
	[tilespmem:$0x1FEE0] =	vst v11  }
0x16: {  	v0 =	vimm.s32 $0xEFCDAB89;
	v1 =	vimm.s32 $0x67452301;
	v14 =	vadd.s32 $0x1101, v44;
	[tilespmem:$0x1FEF0] =	vst v13  }
0x17: {  	v2 =	vimm.s32 $0xDCFE98BA;
	v3 =	vimm.s32 $0x54761032;
	v16 =	vadd.s32 $0x1981, v44;
	[tilespmem:$0x1FF00] =	vst v14  }
0x18: {  	v4 =	vimm.s32 $0xBA98FEDC;
	v5 =	vimm.s32 $0x32107654;
	v17 =	vadd.s32 $0x882, v44;
	[tilespmem:$0x1FF10] =	vst v16  }
0x19: {  	v0 =	vunpack.c.l.s4.s8 v0;
	v1 =	vunpack.c.l.s4.s8 v1;
	v19 =	vadd.s32 $0x1102, v44;
	[tilespmem:$0x1FF20] =	vst v17  }
0x1a: {  	v2 =	vunpack.c.l.s4.s8 v2;
	v3 =	vunpack.c.l.s4.s8 v3;
	v20 =	vadd.s32 $0x1982, v44;
	[tilespmem:$0x1FF30] =	vst v19  }
0x1b: {  	v4 =	vunpack.c.l.s4.s8 v4;
	v5 =	vunpack.c.l.s4.s8 v5;
	v22 =	vor.u32 $0x3, v44;
	[tilespmem:$0x1FF40] =	vst v20  }
0x1c: {  	s1 =	srdreg.scid;
	s2 =	stileid.u32;
	v0 =	vunpack.c.0.s8.s32 v0;
	v1 =	vunpack.c.0.s8.s32 v1;
	v25 =	vadd.s32 $0x883, v44;
	[tilespmem:$0x1FF50] =	vst v22  }
0x1d: {  	s29 =	simm.s32 $0x1;
	s30 =	simm.s32 $0xA400;
	s25 =	simm.s32 $0xE6F0;
	v28 =	vadd.s32 $0x1103, v44;
	v31 =	vadd.s32 $0x1983, v44;
	v9 =	vor.u32 $0x4, v44;
	[tilespmem:$0x1FF60] =	vst v25  }
0x1e: {  	s31 =	simm.s32 $0xE778;
	s22 =	simm.s32 $0x0;
	s1 =	sand.u32 $0x1, s1;
	[tilespmem:$0x1FF70] =	vst v28;
	v0 =	vcombine.low v1, v0;
	v1 =	vunpack.c.0.s8.s32 v2;
	v2 =	vunpack.c.0.s8.s32 v3  }
0x1f: {  	s2 =	sshll.u32 s2, $0x1;
	s4 =	sadd.s32 $0x19400, s0;
	s7 =	sadd.s32 $0x1000, s21;
	[tilespmem:$0x1FF80] =	vst v31;
	v3 =	vunpack.c.0.s8.s32 v4;
	v4 =	vunpack.c.0.s8.s32 v5;
	v5 =	vimm.s32 $0xFEDCBA98  }
0x20: {  	s8 =	sadd.s32 $0x2000, s21;
	s9 =	sadd.s32 $0x3000, s21;
	s10 =	sadd.s32 $0x4000, s21;
	v61 =	vadd.s32 $0x1100, v44;
	v27 =	vadd.s32 $0x1980, v44;
	[tilespmem:$0x1FF90] =	vst v9;
	v5 =	vunpack.c.l.s4.s8 v5  }
0x21: {  	s11 =	sadd.s32 $0x5000, s21;
	s12 =	sadd.s32 $0x6000, s21;
	s13 =	sadd.s32 $0x7000, s21;
	[tilespmem:$0x1FFB0] =	vst v27;
	v1 =	vcombine.low v2, v1;
	v2 =	vimm.s32 $0x76543210;
	v3 =	vcombine.low v4, v3  }
0x22: {  	s14 =	sadd.s32 $0x8000, s21;
	s15 =	sadd.s32 $0x9000, s21;
	s16 =	sadd.s32 $0xA000, s21;
	[tilespmem:$0x1FFC0] =	vst v61;
	v0 =	vand.u32 $0xF, v0;
	v4 =	vunpack.c.l.s4.s8 v2;
	v5 =	vunpack.c.0.s8.s32 v5  }
0x23: {  	vm0 =	vcmask $0x300;
	s17 =	sadd.s32 $0xB000, s21;
	s18 =	sadd.s32 $0xC000, s21;
	s2 =	sor.u32 s1, s2;
	[tilespmem:$0x1FE30] =	vst v0;
	v1 =	vand.u32 $0xF, v1;
	v2 =	vand.u32 $0xF, v3  }
0x24: {  	s19 =	sadd.s32 $0xD000, s21;
	s1 =	ssub.s32 $0x2, s1;
	s5 =	sshll.u32 s2, $0x4;
	v3 =	vunpack.c.0.s8.s32 v4;
	v4 =	vand.u32 $0xF, v5;
	v5 =	vimm.s32 $0x0;
	[tilespmem:$0x1FFE0] =	vst v2  }
0x25: {  	s20 =	sadd.s32 $0xE000, s21;
	s6 =	sshrl.u32 s1, $0x1;
	s0 =	sadd.s32 s5, s0;
	[tilespmem:$0x1FFF0] =	vst v1;
	v5 =	vsel vm0, $0x3, v5  }
0x26: {  	s21 =	sadd.s32 $0xF000, s21;
	s1 =	ssub.s32 s1, s6;
	s0 =	sadd.s32 $0x400, s0;
	v4 =	vcombine.low v4, v3;
	v3 =	vadd.s32 $0x1105, v44;
	[tilespmem:$0x1FED0] =	vst v5  }
0x27: {  	s6 =	sshll.u32 s2, $0x7;
	s28 =	smax.u32 s1, $0x1;
	[dreg:$0x3] =	wrdreg s0;
	[tilespmem:$0x1FDE0] =	vst v3  }
0x28: {  	s2 =	simm.s32 $0x2;
	[dreg:$0x4] =	wrdreg s28;
	s0 =	simm.s32 $0xC600;
	[tilespmem:$0x1FFA0] =	vst v4  }
.LBB2_1:
0x29: {  	[dreg:$0x5] =	wrdreg s22  }
0x2a: {  	s1 =	rddreg [dreg:$0x3]  }
0x2b: {  	s5 =	simm.s32 $0x80;
	s23 =	simm.s32 $0x1000;
	s24 =	simm.s32 $0x5  }
0x2c: {  	[tilespmem:s3], [sflag:$0x5] =	stream.strided.gather [hbm4b:s1+s5], $0x6400, s23, s5, $0x38;
	[tilespmem:$0xE800] =	vst v63  }
0x2d: {  	_ =	swait.ge [sflag:s24], $0x6400  }
0x2e: {  	[sflag:s24] =	ssyncset.done $0x0  }
0x2f: {  	s26 =	simm.s32 $0x6400;
	[sflag:s24] =	ssyncadd.s32 $0xFFFF9C00  }
0x30: {  	[tilespmem:s26], [sflag:$0x1] =	stream.indirect.gather [hbm4b:s4+s5], $0x40, s3, s5, $0xb8;
	[tilespmem:$0xE800] =	vst v63  }
0x31: {  	s28 =	simm.s32 $0x8400;
	s1 =	simm.s32 $0x0  }
0x32: {  	[tilespmem:s28], [sflag:$0x2] =	stream.indirect.gather [hbm4b:s4+s5], $0x40, s5, s5, $0xb8;
	[tilespmem:$0xE800] =	vst v63  }
.LBB2_2:
0x33: {  	_ =	swait.ge [sflag:s29], $0x2000  }
0x34: {  	p0 =	seq.s32 s1, $0x0;
	[sflag:s29] =	ssyncset.done $0x0  }
0x35: {  	s5 =	simm.s32 @!p0 $0x3;
	[sflag:s29] =	ssyncadd.s32 $0xFFFFE000  }
0x36: {  	_ =	swait.ge @!p0 [sflag:s5], $0x400  }
0x37: {  	[sflag:s5] =	ssyncset.done @!p0 $0x0  }
0x38: {  	[sflag:s5] =	ssyncadd.s32 @!p0 $0xFFFFFC00  }
0x39: {  	_ =	swait.ge @!p0 [sflag:s5], $0x400  }
0x3a: {  	[sflag:s5] =	ssyncset.done @!p0 $0x0  }
0x3b: {  	[sflag:s5] =	ssyncadd.s32 @!p0 $0xFFFFFC00  }
0x3c: {  	_ =	swait.ge @!p0 [sflag:s5], $0x400  }
0x3d: {  	[sflag:s5] =	ssyncset.done @!p0 $0x0  }
0x3e: {  	[sflag:s5] =	ssyncadd.s32 @!p0 $0xFFFFFC00  }
0x3f: {  	_ =	swait.ge @!p0 [sflag:s5], $0x400  }
0x40: {  	[sflag:s5] =	ssyncset.done @!p0 $0x0  }
0x41: {  	[sflag:s5] =	ssyncadd.s32 @!p0 $0xFFFFFC00  }
0x42: {  	_ =	swait.ge @!p0 [sflag:s5], $0x400  }
0x43: {  	[sflag:s5] =	ssyncset.done @!p0 $0x0  }
0x44: {  	[sflag:s5] =	ssyncadd.s32 @!p0 $0xFFFFFC00  }
0x45: {  	_ =	swait.ge @!p0 [sflag:s5], $0x400  }
0x46: {  	[sflag:s5] =	ssyncset.done @!p0 $0x0  }
0x47: {  	[sflag:s5] =	ssyncadd.s32 @!p0 $0xFFFFFC00  }
0x48: {  	_ =	swait.ge @!p0 [sflag:s5], $0x400  }
0x49: {  	[sflag:s5] =	ssyncset.done @!p0 $0x0  }
0x4a: {  	[sflag:s5] =	ssyncadd.s32 @!p0 $0xFFFFFC00  }
0x4b: {  	_ =	swait.ge @!p0 [sflag:s5], $0x400  }
0x4c: {  	[sflag:s5] =	ssyncset.done @!p0 $0x0  }
0x4d: {  	s23 =	simm.s32 $0x6600;
	[sflag:s5] =	ssyncadd.s32 @!p0 $0xFFFFFC00  }
0x4e: {  	v7 =	vld [tilespmem:s23+$0xFFFFFE40];
	_ =	sdelay $0x1  }
0x4f: {  	v23 =	vld [tilespmem:s23+$0x1C0]  }
0x50: {  	v24 =	vld [tilespmem:s23+$0x1D0]  }
0x51: {  	v17 =	vld [tilespmem:s23+$0xFFFFFE10]  }
0x52: {  	v62 =	vld [tilespmem:s23+$0x1E0];
	[tilespmem:$0x1FA90] =	vst v7  }
0x53: {  	v9 =	vld [tilespmem:s23+$0xFFFFFE50];
	_ =	sdelay $0x4  }
0x54: {  	v63 =	vld [tilespmem:s23+$0x1F0];
	[tilespmem:$0x1FAA0] =	vst v9  }
0x55: {  	v10 =	vld [tilespmem:s23+$0xFFFFFE80];
	_ =	sdelay $0x4  }
0x56: {  	[tilespmem:$0x1FAB0] =	vst v10  }
0x57: {  	v8 =	vld [tilespmem:s23+$0xFFFFFE90];
	_ =	sdelay $0x4  }
0x58: {  	[tilespmem:$0x1FAC0] =	vst v8  }
0x59: {  	v41 =	vld [tilespmem:s23+$0xFFFFFEC0];
	_ =	sdelay $0x4  }
0x5a: {  	[tilespmem:$0x1FAD0] =	vst v41  }
0x5b: {  	v36 =	vld [tilespmem:s23+$0xFFFFFED0];
	_ =	sdelay $0x4  }
0x5c: {  	[tilespmem:$0x1FAE0] =	vst v36  }
0x5d: {  	v52 =	vld [tilespmem:s23+$0xFFFFFF00];
	_ =	sdelay $0x4  }
0x5e: {  	[tilespmem:$0x1FB00] =	vst v52  }
0x5f: {  	v38 =	vld [tilespmem:s23+$0xFFFFFF10];
	_ =	sdelay $0x4  }
0x60: {  	[tilespmem:$0x1FB10] =	vst v38  }
0x61: {  	v21 =	vld [tilespmem:s23+$0xFFFFFF40];
	_ =	sdelay $0x4  }
0x62: {  	[tilespmem:$0x1FB30] =	vst v21  }
0x63: {  	v33 =	vld [tilespmem:s23+$0xFFFFFF50];
	_ =	sdelay $0x4  }
0x64: {  	[tilespmem:$0x1FB40] =	vst v33  }
0x65: {  	v34 =	vld [tilespmem:s23+$0xFFFFFF80];
	_ =	sdelay $0x4  }
0x66: {  	[tilespmem:$0x1FB60] =	vst v34  }
0x67: {  	v40 =	vld [tilespmem:s23+$0xFFFFFF90];
	_ =	sdelay $0x4  }
0x68: {  	[tilespmem:$0x1FB70] =	vst v40  }
0x69: {  	v35 =	vld [tilespmem:s23+$0xFFFFFFC0];
	_ =	sdelay $0x4  }
0x6a: {  	[tilespmem:$0x1FB90] =	vst v35  }
0x6b: {  	v47 =	vld [tilespmem:s23+$0xFFFFFFD0];
	_ =	sdelay $0x4  }
0x6c: {  	[tilespmem:$0x1FBA0] =	vst v47  }
0x6d: {  	v46 =	vld [tilespmem:s23+$0x0];
	_ =	sdelay $0x4  }
0x6e: {  	[tilespmem:$0x1FBC0] =	vst v46  }
0x6f: {  	v51 =	vld [tilespmem:s23+$0x10];
	_ =	sdelay $0x4  }
0x70: {  	[tilespmem:$0x1FBD0] =	vst v51  }
0x71: {  	v49 =	vld [tilespmem:s23+$0x40];
	_ =	sdelay $0x4  }
0x72: {  	[tilespmem:$0x1FBF0] =	vst v49  }
0x73: {  	v43 =	vld [tilespmem:s23+$0x50];
	_ =	sdelay $0x4  }
0x74: {  	[tilespmem:$0x1FC00] =	vst v43  }
0x75: {  	v30 =	vld [tilespmem:s23+$0x80];
	_ =	sdelay $0x4  }
0x76: {  	[tilespmem:$0x1FC20] =	vst v30  }
0x77: {  	v26 =	vld [tilespmem:s23+$0x90];
	_ =	sdelay $0x4  }
0x78: {  	[tilespmem:$0x1FC30] =	vst v26  }
0x79: {  	v32 =	vld [tilespmem:s23+$0xC0];
	_ =	sdelay $0x4  }
0x7a: {  	[tilespmem:$0x1FC60] =	vst v32  }
0x7b: {  	v25 =	vld [tilespmem:s23+$0xD0];
	_ =	sdelay $0x4  }
0x7c: {  	[tilespmem:$0x1FC70] =	vst v25  }
0x7d: {  	v29 =	vld [tilespmem:s23+$0x100];
	_ =	sdelay $0x4  }
0x7e: {  	[tilespmem:$0x1FCA0] =	vst v29  }
0x7f: {  	v48 =	vld [tilespmem:s23+$0x110];
	_ =	sdelay $0x2  }
0x80: {  	v3 =	vand.u32 $0x7FFFFFFF, v23;
	v6 =	vand.u32 $0x7FFFFFFF, v24  }
0x81: {  	v3 =	vadd.f32 v6, v3  }
0x82: {  	v6 =	vand.u32 $0x7FFFFFFF, v62;
	[tilespmem:$0x1FCB0] =	vst v48  }
0x83: {  	v3 =	vadd.f32 v6, v3;
	v37 =	vld [tilespmem:s23+$0x140]  }
0x84: {  	v6 =	vand.u32 $0x7FFFFFFF, v63  }
0x85: {  	v3 =	vadd.f32 v6, v3;
	_ =	sdelay $0x1  }
0x86: {  	v6 =	vperm.xlane v3, v0  }
0x87: {  	[tilespmem:$0x1FCE0] =	vst v37  }
0x88: {  	v3 =	vadd.f32 v3, v6;
	v6 =	vand.u32 $0x7FFFFFFF, v7;
	v7 =	vand.u32 $0x7FFFFFFF, v9;
	v9 =	vld [tilespmem:s23+$0x150];
	_ =	sdelay $0x4  }
0x89: {  	[tilespmem:$0x1FCF0] =	vst v9  }
0x8a: {  	v57 =	vld [tilespmem:s23+$0x180];
	_ =	sdelay $0x4  }
0x8b: {  	v10 =	vand.u32 $0x7FFFFFFF, v10;
	v12 =	vand.u32 $0x7FFFFFFF, v8;
	[tilespmem:$0x1FD20] =	vst v57  }
0x8c: {  	v54 =	vadd.f32 v7, v6;
	v7 =	vadd.f32 v12, v10;
	v10 =	vld [tilespmem:s23+$0x190];
	_ =	sdelay $0x4  }
0x8d: {  	[tilespmem:$0x1FD30] =	vst v10  }
0x8e: {  	v53 =	vld [tilespmem:s23+$0xFFFFFEE0];
	_ =	sdelay $0x1  }
0x8f: {  	v39 =	vld [tilespmem:s23+$0xFFFFFE00]  }
0x90: {  	v6 =	vand.u32 $0x7FFFFFFF, v41;
	v12 =	vand.u32 $0x7FFFFFFF, v36;
	v36 =	vld [tilespmem:s23+$0xFFFFFE20]  }
0x91: {  	v55 =	vadd.f32 v12, v6;
	v12 =	vand.u32 $0x7FFFFFFF, v38;
	v38 =	vld [tilespmem:s23+$0xFFFFFE60]  }
0x92: {  	v50 =	vld [tilespmem:s23+$0xFFFFFEA0];
	[tilespmem:$0x1FAF0] =	vst v53  }
0x93: {  	v22 =	vld [tilespmem:s23+$0xFFFFFF20];
	_ =	sdelay $0x4  }
0x94: {  	[tilespmem:$0x1FB20] =	vst v22  }
0x95: {  	v59 =	vld [tilespmem:s23+$0xFFFFFF60];
	_ =	sdelay $0x4  }
0x96: {  	[tilespmem:$0x1FB50] =	vst v59  }
0x97: {  	v60 =	vld [tilespmem:s23+$0xFFFFFFA0];
	_ =	sdelay $0x2  }
0x98: {  	v15 =	vperm.xlane v3, v1;
	_ =	sdelay $0x1  }
0x99: {  	v3 =	vadd.f32 v3, v15;
	v15 =	vand.u32 $0x7FFFFFFF, v21;
	v18 =	vand.u32 $0x7FFFFFFF, v33;
	[tilespmem:$0x1FB80] =	vst v60  }
0x9a: {  	v56 =	vadd.f32 v18, v15;
	v18 =	vand.u32 $0x7FFFFFFF, v51;
	v51 =	vld [tilespmem:s23+$0xFFFFFFE0];
	_ =	sdelay $0x3  }
0x9b: {  	v6 =	vand.u32 $0x7FFFFFFF, v52  }
0x9c: {  	v33 =	vadd.f32 v12, v6;
	v6 =	vand.u32 $0x7FFFFFFF, v34;
	v12 =	vand.u32 $0x7FFFFFFF, v40;
	[tilespmem:$0x1FBB0] =	vst v51  }
0x9d: {  	v40 =	vadd.f32 v12, v6;
	v12 =	vand.u32 $0x7FFFFFFF, v47;
	v47 =	vld [tilespmem:s23+$0x20];
	_ =	sdelay $0x4  }
0x9e: {  	v15 =	vand.u32 $0x7FFFFFFF, v46;
	[tilespmem:$0x1FBE0] =	vst v47  }
0x9f: {  	v46 =	vadd.f32 v18, v15;
	v18 =	vand.u32 $0x7FFFFFFF, v25;
	v25 =	vld [tilespmem:s23+$0x60];
	_ =	sdelay $0x4  }
0xa0: {  	v6 =	vand.u32 $0x7FFFFFFF, v35;
	[tilespmem:$0x1FC10] =	vst v25  }
0xa1: {  	v41 =	vadd.f32 v12, v6;
	v12 =	vand.u32 $0x7FFFFFFF, v43;
	v43 =	vmov v19;
	v19 =	vld [tilespmem:s23+$0xA0];
	_ =	sdelay $0x4  }
0xa2: {  	v6 =	vand.u32 $0x7FFFFFFF, v49;
	[tilespmem:$0x1FC40] =	vst v19  }
0xa3: {  	v49 =	vadd.f32 v12, v6;
	v6 =	vand.u32 $0x7FFFFFFF, v30;
	v30 =	vmov v13;
	v13 =	vld [tilespmem:s23+$0xE0];
	_ =	sdelay $0x4  }
0xa4: {  	[tilespmem:$0x1FC80] =	vst v13  }
0xa5: {  	v28 =	vld [tilespmem:s23+$0x120];
	_ =	sdelay $0x3  }
0xa6: {  	v21 =	vperm.xlane v3, v2  }
0xa7: {  	v15 =	vand.u32 $0x7FFFFFFF, v32;
	[tilespmem:$0x1FCC0] =	vst v28  }
0xa8: {  	v3 =	vadd.f32 v3, v21;
	v32 =	vmovc v14;
	v14 =	vadd.f32 v18, v15;
	v18 =	vand.u32 $0x7FFFFFFF, v9;
	v9 =	vld [tilespmem:s23+$0x160];
	_ =	sdelay $0x1  }
0xa9: {  	v21 =	vperm.xlane v3, v4;
	_ =	sdelay $0x1  }
0xaa: {  	v3 =	vadd.f32 v3, v21  }
0xab: {  	[tilespmem:$0x1FD00] =	vst v9  }
0xac: {  	v52 =	vadd.f32 $1.000000010e-07, v3;
	v8 =	vld [tilespmem:s23+$0x1A0];
	_ =	sdelay $0x1  }
0xad: {  	vm0 =	vgt.f32 v3, $1.000000000e+00;
	(erf) = vrcp.f32 v52;
	v12 =	vand.u32 $0x7FFFFFFF, v26  }
0xae: {  	v26 =	vmovc v11;
	v6 =	vadd.f32 v12, v6;
	v11 =	vand.u32 $0x7FFFFFFF, v29;
	v12 =	vand.u32 $0x7FFFFFFF, v48  }
0xaf: {  	v58 =	vmovc v45;
	v45 =	vmovc v31;
	v31 =	vadd.f32 v12, v11;
	v15 =	vand.u32 $0x7FFFFFFF, v37;
	v37 =	vand.u32 $0x7FFFFFFF, v17  }
0xb0: {  	v34 =	vadd.f32 v18, v15;
	v11 =	vand.u32 $0x7FFFFFFF, v57;
	v12 =	vand.u32 $0x7FFFFFFF, v10;
	[tilespmem:$0x1FD40] =	vst v8  }
0xb1: {  	v44 =	vmovc v20;
	v52 =	vadd.f32 v12, v11;
	v29 =	vand.u32 $0x7FFFFFFF, v39;
	v3 =	vand.u32 $0x7FFFFFFF, v36;
	v20 =	vld [tilespmem:s23+$0xFFFFFE30]  }
0xb2: {  	v12 =	vadd.f32 v37, v29;
	v37 =	vand.u32 $0x7FFFFFFF, v38;
	v29 =	vand.u32 $0x7FFFFFFF, v50;
	v21 =	vld [tilespmem:s23+$0xFFFFFE70]  }
0xb3: {  	v11 =	vadd.f32 v37, v54;
	v37 =	vand.u32 $0x7FFFFFFF, v53;
	v53 =	vand.u32 $0x7FFFFFFF, v22;
	v22 =	vld [tilespmem:s23+$0xFFFFFEB0]  }
0xb4: {  	v35 =	vmovc v16;
	v16 =	vadd.f32 v3, v12;
	v12 =	vadd.f32 v29, v7;
	v29 =	vand.u32 $0x7FFFFFFF, v59;
	v57 =	vld [tilespmem:s23+$0xFFFFFEF0]  }
0xb5: {  	v48 =	vmov v17;
	v17 =	vadd.f32 v37, v55;
	v15 =	vadd.f32 v29, v56;
	v56 =	vld [tilespmem:s23+$0xFFFFFF30]  }
0xb6: {  	v37 =	vand.u32 $0x7FFFFFFF, v60;
	v60 =	vand.u32 $0x7FFFFFFF, v51;
	v51 =	vand.u32 $0x7FFFFFFF, v8;
	v8 =	vld [tilespmem:s23+$0xB0]  }
0xb7: {  	v55 =	vld [tilespmem:s23+$0xFFFFFF70]  }
0xb8: {  	v54 =	vld [tilespmem:s23+$0xFFFFFFB0]  }
0xb9: {  	v40 =	vadd.f32 v37, v40;
	v29 =	vand.u32 $0x7FFFFFFF, v47;
	v37 =	vand.u32 $0x7FFFFFFF, v25;
	v25 =	vld [tilespmem:s23+$0xFFFFFFF0]  }
0xba: {  	v18 =	vadd.f32 v29, v46;
	v46 =	vadd.f32 v37, v49;
	v49 =	vld [tilespmem:s23+$0x30]  }
0xbb: {  	v33 =	vadd.f32 v53, v33;
	v3 =	vand.u32 $0x7FFFFFFF, v19;
	v37 =	vld [tilespmem:s23+$0x70];
	[tilespmem:$0x1FC50] =	vst v8  }
0xbc: {  	v41 =	vadd.f32 v60, v41;
	v19 =	vadd.f32 v3, v6;
	v47 =	vand.u32 $0x7FFFFFFF, v13;
	v53 =	vld [tilespmem:s23+$0xF0]  }
0xbd: {  	v13 =	vadd.f32 v47, v14;
	v14 =	vand.u32 $0x7FFFFFFF, v28;
	v3 =	vand.u32 $0x7FFFFFFF, v9  }
0xbe: {  	v31 =	vadd.f32 v14, v31;
	v10 =	vadd.f32 v3, v34  }
0xbf: {  	v34 =	vadd.f32 v51, v52;
	v3 =	vand.u32 $0x7FFFFFFF, v20;
	v6 =	vand.u32 $0x7FFFFFFF, v21  }
0xc0: {  	v28 =	vmovc v61;
	v60 =	vand.u32 $0x7FFFFFFF, v49;
	v61 =	vand.u32 $0x7FFFFFFF, v37;
	v14 =	vadd.f32 v3, v16  }
0xc1: {  	v16 =	vadd.f32 v6, v11;
	v11 =	vand.u32 $0x7FFFFFFF, v22;
	v3 =	vand.u32 $0x7FFFFFFF, v57;
	[tilespmem:$0x1FC90] =	vst v53  }
0xc2: {  	v6 =	vand.u32 $0x7FFFFFFF, v56;
	v18 =	vadd.f32 v60, v18;
	v12 =	vadd.f32 v11, v12;
	v59 =	vld [tilespmem:s23+$0x130]  }
0xc3: {  	v7 =	vadd.f32 v3, v17;
	v11 =	vadd.f32 v6, v33;
	v17 =	vand.u32 $0x7FFFFFFF, v55  }
0xc4: {  	v3 =	vand.u32 $0x7FFFFFFF, v25;
	v17 =	vadd.f32 v17, v15;
	v15 =	vand.u32 $0x7FFFFFFF, v54  }
0xc5: {  	v9 =	vadd.f32 v3, v41;
	v3 =	vand.u32 $0x7FFFFFFF, v8;
	v41 =	vadd.f32 v61, v46  }
0xc6: {  	v8 =	vadd.f32 v3, v19;
	v19 =	vand.u32 $0x7FFFFFFF, v53;
	v53 =	vperm.xlane v7, v0  }
0xc7: {  	v51 =	vperm.xlane v14, v0;
	v52 =	vperm.xlane v16, v0;
	v40 =	vadd.f32 v15, v40;
	[tilespmem:$0x1FCD0] =	vst v59  }
0xc8: {  	v13 =	vadd.f32 v19, v13;
	v7 =	vadd.f32 v7, v53;
	v19 =	vand.u32 $0x7FFFFFFF, v59;
	v6 =	vld [tilespmem:s23+$0x170]  }
0xc9: {  	v14 =	vadd.f32 v14, v51;
	v60 =	vperm.xlane v40, v0;
	v19 =	vadd.f32 v19, v31  }
0xca: {  	v16 =	vadd.f32 v16, v52;
	v52 =	vperm.xlane v13, v0;
	v29 =	vperm.xlane v7, v1  }
0xcb: {  	v31 =	vadd.f32 v40, v60;
	v60 =	vperm.xlane v14, v1;
	v53 =	vperm.xlane v19, v0  }
0xcc: {  	v13 =	vadd.f32 v13, v52;
	v59 =	vperm.xlane v17, v0;
	v7 =	vadd.f32 v7, v29  }
0xcd: {  	v61 =	vperm.xlane v18, v0;
	v14 =	vadd.f32 v14, v60;
	v19 =	vadd.f32 v19, v53;
	[tilespmem:$0x1FD10] =	vst v6  }
0xce: {  	v17 =	vadd.f32 v17, v59;
	v33 =	vand.u32 $0x7FFFFFFF, v6;
	v6 =	vperm.xlane v12, v0;
	v15 =	vld [tilespmem:s23+$0x1B0]  }
0xcf: {  	v29 =	vperm.xlane v14, v2;
	v10 =	vadd.f32 v33, v10;
	v60 =	vperm.xlane v19, v1  }
0xd0: {  	v33 =	vperm.xlane v17, v1;
	v6 =	vadd.f32 v12, v6;
	v12 =	vperm.xlane v11, v0  }
0xd1: {  	v51 =	vperm.xlane v41, v0;
	v14 =	vadd.f32 v14, v29;
	v19 =	vadd.f32 v19, v60  }
0xd2: {  	v17 =	vadd.f32 v17, v33;
	v11 =	vadd.f32 v11, v12;
	v12 =	vperm.xlane v9, v0  }
0xd3: {  	v47 =	vperm.xlane v14, v4;
	v29 =	vperm.xlane v19, v2;
	v3 =	vand.u32 $0x7FFFFFFF, v15  }
0xd4: {  	v9 =	vadd.f32 v9, v12;
	v12 =	vadd.f32 v18, v61;
	v18 =	vperm.xlane v8, v0  }
0xd5: {  	v14 =	vadd.f32 v14, v47;
	v61 =	vperm.xlane v6, v1;
	v3 =	vadd.f32 v3, v34  }
0xd6: {  	v34 =	vadd.f32 v41, v51;
	v8 =	vadd.f32 v8, v18;
	v18 =	vperm.xlane v10, v0  }
0xd7: {  	v51 =	vperm.xlane v31, v1;
	v19 =	vadd.f32 v19, v29;
	vm15 =	vgt.f32 v14, $1.000000000e+00  }
0xd8: {  	v14 =	vadd.f32 $1.000000010e-07, v14;
	v10 =	vadd.f32 v10, v18;
	v18 =	vperm.xlane v16, v1  }
0xd9: {  	v6 =	vadd.f32 v6, v61;
	v52 =	vperm.xlane v12, v1;
	v59 =	vperm.xlane v3, v0  }
0xda: {  	v53 =	vperm.xlane v34, v1;
	v16 =	vadd.f32 v16, v18;
	v18 =	vperm.xlane v11, v1  }
0xdb: {  	v31 =	vadd.f32 v31, v51;
	v51 =	vperm.xlane v7, v2;
	(erf) = vrcp.f32 v14  }
0xdc: {  	v12 =	vadd.f32 v12, v52;
	v11 =	vadd.f32 v11, v18;
	v18 =	vperm.xlane v9, v1  }
0xdd: {  	v33 =	vperm.xlane v6, v2;
	v52 =	vperm.xlane v17, v2;
	v3 =	vadd.f32 v3, v59  }
0xde: {  	v59 =	vperm.xlane v13, v1;
	v9 =	vadd.f32 v9, v18;
	v18 =	vperm.xlane v8, v1  }
0xdf: {  	v34 =	vadd.f32 v34, v53;
	v7 =	vadd.f32 v7, v51;
	v53 =	vperm.xlane v31, v2  }
0xe0: {  	v6 =	vadd.f32 v6, v33;
	v8 =	vadd.f32 v8, v18;
	v18 =	vperm.xlane v10, v1  }
0xe1: {  	v17 =	vadd.f32 v17, v52;
	v13 =	vadd.f32 v13, v59;
	v61 =	vperm.xlane v3, v1  }
0xe2: {  	v59 =	vperm.xlane v12, v2;
	v10 =	vadd.f32 v10, v18;
	v18 =	vperm.xlane v16, v2  }
0xe3: {  	v31 =	vadd.f32 v31, v53;
	v60 =	vperm.xlane v34, v2;
	v52 =	vperm.xlane v17, v4  }
0xe4: {  	v3 =	vadd.f32 v3, v61;
	v16 =	vadd.f32 v16, v18;
	v18 =	vperm.xlane v11, v2  }
0xe5: {  	v12 =	vadd.f32 v12, v59;
	v34 =	vadd.f32 v34, v60;
	v61 =	vperm.xlane v13, v2  }
0xe6: {  	v33 =	vperm.xlane v3, v2;
	v11 =	vadd.f32 v11, v18;
	v18 =	vperm.xlane v9, v2  }
0xe7: {  	v17 =	vadd.f32 v17, v52;
	v13 =	vadd.f32 v13, v61;
	v59 =	vperm.xlane v12, v4  }
0xe8: {  	v41 =	vadd.f32 v3, v33;
	v3 =	vpop (erf);
	v18 =	vadd.f32 v9, v18;
	v9 =	vperm.xlane v8, v2  }
0xe9: {  	v29 =	vperm.xlane v34, v4;
	v51 =	vnsel vm0, $0x3F800000, v3;
	v3 =	vperm.xlane v6, v4  }
0xea: {  	v12 =	vadd.f32 v12, v59;
	v8 =	vadd.f32 v8, v9;
	v9 =	vperm.xlane v10, v2  }
0xeb: {  	v46 =	vadd.f32 v34, v29;
	v6 =	vadd.f32 v6, v3;
	v3 =	vmul.f32 v51, v24  }
0xec: {  	v24 =	vperm.xlane v11, v4;
	v10 =	vadd.f32 v10, v9;
	v9 =	vperm.xlane v16, v4  }
0xed: {  	vm9 =	vgt.f32 v6, $1.000000000e+00;
	v6 =	vadd.f32 $1.000000010e-07, v6;
	v53 =	vperm.xlane v18, v4  }
0xee: {  	v24 =	vadd.f32 v11, v24;
	v16 =	vadd.f32 v16, v9;
	v9 =	vperm.xlane v7, v4  }
0xef: {  	v11 =	vmul.f32 v51, v62;
	v18 =	vadd.f32 v18, v53;
	v33 =	vperm.xlane v8, v4  }
0xf0: {  	v7 =	vadd.f32 v7, v9;
	vm1 =	vgt.f32 v16, $1.000000000e+00;
	v16 =	vadd.f32 $1.000000010e-07, v16  }
0xf1: {  	v14 =	vadd.f32 $1.000000010e-07, v24;
	v47 =	vadd.f32 v8, v33;
	v9 =	vperm.xlane v31, v4  }
0xf2: {  	(erf) = vrcp.f32 v16;
	vm7 =	vgt.f32 v7, $1.000000000e+00;
	v7 =	vadd.f32 $1.000000010e-07, v7  }
0xf3: {  	v9 =	vadd.f32 v31, v9;
	(erf) = vrcp.f32 v6;
	v6 =	vperm.xlane v19, v4  }
0xf4: {  	v8 =	vperm.xlane v13, v4;
	(erf) = vrcp.f32 v7;
	v7 =	vadd.f32 $1.000000010e-07, v17  }
0xf5: {  	v62 =	vadd.f32 v19, v6;
	(erf) = vrcp.f32 v14;
	v6 =	vadd.f32 $1.000000010e-07, v9  }
0xf6: {  	v13 =	vadd.f32 v13, v8;
	(erf) = vrcp.f32 v7;
	v7 =	vadd.f32 $1.000000010e-07, v18  }
0xf7: {  	v8 =	vadd.f32 $1.000000010e-07, v12;
	(erf) = vrcp.f32 v6;
	v6 =	vperm.xlane v10, v4  }
0xf8: {  	v14 =	vadd.f32 $1.000000010e-07, v46;
	(erf) = vrcp.f32 v7  }
0xf9: {  	v6 =	vadd.f32 v10, v6;
	(erf) = vrcp.f32 v8;
	v10 =	vadd.f32 $1.000000010e-07, v47  }
0xfa: {  	v7 =	vperm.xlane v41, v4;
	(erf) = vrcp.f32 v14  }
0xfb: {  	(erf) = vrcp.f32 v10;
	v10 =	vadd.f32 $1.000000010e-07, v62  }
0xfc: {  	v0 =	vld [tilespmem:$0x1FA90];
	v8 =	vadd.f32 v41, v7;
	v7 =	vadd.f32 $1.000000010e-07, v13;
	_ =	sdelay $0x1  }
0xfd: {  	vm5 =	vgt.f32 v9, $1.000000000e+00;
	v9 =	vpop (erf);
	(erf) = vrcp.f32 v7;
	v7 =	vadd.f32 $1.000000010e-07, v6  }
0xfe: {  	v14 =	vadd.f32 $1.000000010e-07, v8;
	(erf) = vrcp.f32 v10;
	v10 =	vpop (erf)  }
0xff: {  	(erf) = vrcp.f32 v7;
	v10 =	vnsel vm1, $0x3F800000, v10  }
0x100: {  	vm8 =	vgt.f32 v17, $1.000000000e+00;
	v17 =	vpop (erf);
	(erf) = vrcp.f32 v14;
	v14 =	vmul.f32 v10, v0;
	v0 =	vld [tilespmem:$0x1FAA0];
	_ =	sdelay $0x4  }
0x101: {  	vm4 =	vgt.f32 v18, $1.000000000e+00;
	v18 =	vmul.f32 v10, v0;
	v0 =	vld [tilespmem:$0x1FAB0];
	_ =	sdelay $0x3  }
0x102: {  	v17 =	vnsel vm9, $0x3F800000, v17  }
0x103: {  	vm12 =	vgt.f32 v13, $1.000000000e+00;
	v7 =	vnsel vm15, $0x3F800000, v9;
	v13 =	vmul.f32 v17, v0;
	v0 =	vld [tilespmem:$0x1FAC0]  }
0x104: {  	v40 =	vmul.f32 v51, v63;
	v9 =	vmul.f32 v7, v39  }
0x105: {  	vm3 =	vgt.f32 v12, $1.000000000e+00;
	v12 =	vmul.f32 v7, v48;
	v16 =	vmul.f32 v7, v36  }
0x106: {  	s24 =	simm.s32 $0xF;
	vm6 =	vgt.f32 v24, $1.000000000e+00;
	v7 =	vmul.f32 v7, v20;
	v19 =	vmul.f32 v10, v38  }
0x107: {  	v63 =	vld [tilespmem:$0x1FE40];
	v24 =	vmov s24;
	v10 =	vmul.f32 v10, v21;
	v21 =	vmul.f32 v17, v50  }
0x108: {  	v20 =	vmul.f32 v17, v0;
	v17 =	vmul.f32 v17, v22;
	v22 =	vshrl.u32 v24, $0x3  }
0x109: {  	v22 =	vshll.u32 v22, v5  }
0x10a: {  	v60 =	vld [tilespmem:$0x1FDC0];
	v22 =	vbroadcast v22, $0x0  }
0x10b: {  	s22 =	simm.s32 $0x0;
	v2 =	vld [tilespmem:$0x1FDD0]  }
0x10c: {  	v4 =	vld [tilespmem:$0x1FFD0];
	v24 =	vmov s22;
	v29 =	vadd.s32 v63, v22  }
0x10d: {  	v24 =	vshrl.u32 v24, $0x3  }
0x10e: {  	s26 =	simm.s32 $0x1;
	v23 =	vmul.f32 v51, v23;
	v24 =	vshll.u32 v24, v5;
	v33 =	vadd.s32 v58, v22  }
0x10f: {  	v50 =	vmov s26;
	s26 =	simm.s32 $0x5;
	v24 =	vbroadcast v24, $0x0;
	v38 =	vadd.s32 v60, v22  }
0x110: {  	[tilespmem:$0x1FD50] =	vst v15;
	vm0 =	vgt.f32 v47, $1.000000000e+00;
	v59 =	vmov s26;
	v22 =	vadd.s32 v2, v22  }
0x111: {  	s23 =	simm.s32 $0x3;
	v31 =	vshrl.u32 v50, $0x3;
	v47 =	vshrl.u32 v59, $0x3;
	v59 =	vadd.s32 v4, v24;
	[tilespmem:v29+s30+$0x0] =	vst.idx.msk $0xffff, v23  }
0x112: {  	v52 =	vmov s23;
	s23 =	simm.s32 $0x7;
	v61 =	vmov v58;
	v31 =	vshll.u32 v31, v5;
	v58 =	vld [tilespmem:$0x1FEC0]  }
0x113: {  	v39 =	vmov s23;
	[tilespmem:v33+s30+$0x0] =	vst.idx.msk $0xffff, v3;
	v3 =	vbroadcast v31, $0x0  }
0x114: {  	s26 =	simm.s32 $0x9;
	v23 =	vshrl.u32 v39, $0x3;
	[tilespmem:v38+s30+$0x0] =	vst.idx.msk $0xffff, v11  }
0x115: {  	[tilespmem:v22+s30+$0x0] =	vst.idx.msk $0xffff, v40;
	v22 =	vshll.u32 v23, v5;
	v23 =	vmov s26;
	v38 =	vadd.s32 v26, v3  }
0x116: {  	[tilespmem:v59+s30+$0x0] =	vst.idx.msk $0xffff, v9;
	v9 =	vshrl.u32 v23, $0x3;
	v23 =	vadd.s32 v30, v3  }
0x117: {  	v41 =	vshrl.u32 v52, $0x3;
	v52 =	vadd.s32 v58, v24  }
0x118: {  	v50 =	vadd.s32 v28, v24  }
0x119: {  	v24 =	vadd.s32 v27, v24  }
0x11a: {  	[tilespmem:v38+s30+$0x0] =	vst.idx.msk $0xffff, v14  }
0x11b: {  	[tilespmem:v23+s30+$0x0] =	vst.idx.msk $0xffff, v18  }
0x11c: {  	[tilespmem:v52+s30+$0x0] =	vst.idx.msk $0xffff, v12  }
0x11d: {  	[tilespmem:v50+s30+$0x0] =	vst.idx.msk $0xffff, v16  }
0x11e: {  	s24 =	simm.s32 $0x4;
	v52 =	vadd.s32 v32, v3;
	[tilespmem:v24+s30+$0x0] =	vst.idx.msk $0xffff, v7  }
0x11f: {  	v53 =	vmov s24;
	s24 =	simm.s32 $0x8;
	v0 =	vld [tilespmem:$0x1FAD0]  }
0x120: {  	v33 =	vmov s24  }
0x121: {  	vm2 =	vgt.f32 v46, $1.000000000e+00;
	v11 =	vshrl.u32 v33, $0x3  }
0x122: {  	v46 =	vshrl.u32 v53, $0x3;
	v11 =	vshll.u32 v11, v5;
	v53 =	vadd.s32 v35, v3;
	v24 =	vpop (erf)  }
0x123: {  	v3 =	vshll.u32 v9, v5;
	v9 =	vbroadcast v11, $0x0;
	v11 =	vnsel vm7, $0x3F800000, v24;
	[tilespmem:v52+s30+$0x0] =	vst.idx.msk $0xffff, v19  }
0x124: {  	v18 =	vmul.f32 v11, v0;
	v0 =	vld [tilespmem:$0x1FAE0];
	_ =	sdelay $0x2  }
0x125: {  	s22 =	simm.s32 $0x2  }
0x126: {  	v51 =	vmov s22  }
0x127: {  	vm14 =	vgt.f32 v6, $1.000000000e+00;
	v34 =	vshrl.u32 v51, $0x3;
	v6 =	vmul.f32 v11, v0;
	v0 =	vld [tilespmem:$0x1FAF0]  }
0x128: {  	v34 =	vshll.u32 v34, v5  }
0x129: {  	v12 =	vbroadcast v34, $0x0;
	_ =	sdelay $0x1  }
0x12a: {  	v14 =	vadd.s32 v42, v12;
	[tilespmem:v53+s30+$0x0] =	vst.idx.msk $0xffff, v10  }
0x12b: {  	v19 =	vmul.f32 v11, v0;
	v0 =	vld [tilespmem:$0x1FB00];
	_ =	sdelay $0x2  }
0x12c: {  	v23 =	vpop (erf)  }
0x12d: {  	v23 =	vnsel vm6, $0x3F800000, v23;
	v27 =	vld [tilespmem:$0x1FF20];
	[tilespmem:v14+s30+$0x0] =	vst.idx.msk $0xffff, v13  }
0x12e: {  	v29 =	vmul.f32 v23, v0;
	v0 =	vld [tilespmem:$0x1FB10];
	_ =	sdelay $0x4  }
0x12f: {  	v14 =	vmul.f32 v23, v0;
	v0 =	vld [tilespmem:$0x1FB20];
	_ =	sdelay $0x4  }
0x130: {  	v30 =	vmul.f32 v23, v0;
	v0 =	vld [tilespmem:$0x1FB30];
	_ =	sdelay $0x2  }
0x131: {  	v59 =	vpop (erf)  }
0x132: {  	v13 =	vnsel vm8, $0x3F800000, v59  }
0x133: {  	v38 =	vmul.f32 v13, v0;
	v0 =	vld [tilespmem:$0x1FB40];
	_ =	sdelay $0x3  }
0x134: {  	v10 =	vmul.f32 v11, v57;
	v11 =	vadd.s32 v27, v12  }
0x135: {  	v39 =	vmul.f32 v13, v0;
	v0 =	vld [tilespmem:$0x1FB50];
	_ =	sdelay $0x2  }
0x136: {  	v33 =	vld [tilespmem:$0x1FF50]  }
0x137: {  	v32 =	vld [tilespmem:$0x1FF60];
	[tilespmem:v11+s30+$0x0] =	vst.idx.msk $0xffff, v20  }
0x138: {  	v40 =	vmul.f32 v13, v0;
	v0 =	vld [tilespmem:$0x1FB60];
	_ =	sdelay $0x2  }
0x139: {  	v53 =	vpop (erf)  }
0x13a: {  	v20 =	vnsel vm5, $0x3F800000, v53  }
0x13b: {  	v24 =	vadd.s32 v43, v12;
	v43 =	vmul.f32 v20, v0;
	v0 =	vld [tilespmem:$0x1FB70];
	_ =	sdelay $0x2  }
0x13c: {  	s22 =	simm.s32 $0x6  }
0x13d: {  	v41 =	vshll.u32 v41, v5;
	v36 =	vmov s22;
	v1 =	vld [tilespmem:$0x1FF90]  }
0x13e: {  	v51 =	vshrl.u32 v36, $0x3;
	v12 =	vadd.s32 v44, v12;
	v44 =	vmul.f32 v20, v0;
	v0 =	vld [tilespmem:$0x1FB80]  }
0x13f: {  	v46 =	vshll.u32 v46, v5;
	v36 =	vshll.u32 v51, v5;
	v51 =	vbroadcast v41, $0x0  }
0x140: {  	v16 =	vbroadcast v46, $0x0;
	v7 =	vbroadcast v36, $0x0;
	v36 =	vld [tilespmem:$0x1FF70];
	[tilespmem:v24+s30+$0x0] =	vst.idx.msk $0xffff, v21  }
0x141: {  	v52 =	vld [tilespmem:$0x1FE70]  }
0x142: {  	v34 =	vadd.s32 v45, v51;
	v45 =	vadd.s32 v1, v16;
	v1 =	vld [tilespmem:$0x1FE80]  }
0x143: {  	v0 =	vmul.f32 v20, v0;
	v20 =	vmul.f32 v20, v54;
	v54 =	vld [tilespmem:$0x1FE50];
	_ =	sdelay $0x2  }
0x144: {  	v47 =	vshll.u32 v47, v5  }
0x145: {  	v46 =	vbroadcast v47, $0x0  }
0x146: {  	v21 =	vadd.s32 v52, v16;
	v47 =	vadd.s32 v54, v16;
	v16 =	vadd.s32 v1, v16;
	v1 =	vld [tilespmem:$0x1FB90];
	_ =	sdelay $0x2  }
0x147: {  	v23 =	vmul.f32 v23, v56;
	v56 =	vpop (erf)  }
0x148: {  	v24 =	vnsel vm4, $0x3F800000, v56  }
0x149: {  	v48 =	vmul.f32 v24, v1;
	v1 =	vld [tilespmem:$0x1FBA0];
	_ =	sdelay $0x3  }
0x14a: {  	[tilespmem:v12+s30+$0x0] =	vst.idx.msk $0xffff, v17  }
0x14b: {  	v26 =	vmul.f32 v24, v1;
	v1 =	vld [tilespmem:$0x1FBB0];
	_ =	sdelay $0x4  }
0x14c: {  	v15 =	vmul.f32 v24, v1;
	v1 =	vld [tilespmem:$0x1FE60];
	_ =	sdelay $0x4  }
0x14d: {  	v24 =	vmul.f32 v24, v25;
	v25 =	vadd.s32 v1, v46;
	v1 =	vld [tilespmem:$0x1FBC0];
	_ =	sdelay $0x2  }
0x14e: {  	v57 =	vpop (erf)  }
0x14f: {  	v12 =	vnsel vm3, $0x3F800000, v57  }
0x150: {  	v35 =	vmul.f32 v12, v1;
	v1 =	vld [tilespmem:$0x1FBD0];
	_ =	sdelay $0x4  }
0x151: {  	v11 =	vmul.f32 v13, v55;
	v55 =	vmul.f32 v12, v1;
	v1 =	vld [tilespmem:$0x1FBE0];
	_ =	sdelay $0x4  }
0x152: {  	v1 =	vmul.f32 v12, v1;
	_ =	sdelay $0x1  }
0x153: {  	[tilespmem:$0x1FD60] =	vst v1;
	v1 =	vmul.f32 v12, v49  }
0x154: {  	vm13 =	vgt.f32 v62, $1.000000000e+00;
	v62 =	vadd.s32 v33, v51  }
0x155: {  	[tilespmem:$0x1FD70] =	vst v1;
	v1 =	vld [tilespmem:$0x1FE90];
	_ =	sdelay $0x3  }
0x156: {  	[tilespmem:v62+s30+$0x0] =	vst.idx.msk $0xffff, v18  }
0x157: {  	v49 =	vadd.s32 v1, v46;
	v1 =	vld [tilespmem:$0x1FDE0];
	_ =	sdelay $0x4  }
0x158: {  	v18 =	vadd.s32 v1, v46;
	v1 =	vld [tilespmem:$0x1FDF0];
	_ =	sdelay $0x4  }
0x159: {  	v31 =	vadd.s32 v1, v46;
	v1 =	vld [tilespmem:$0x1FBF0];
	_ =	sdelay $0x2  }
0x15a: {  	v59 =	vpop (erf)  }
0x15b: {  	v62 =	vnsel vm2, $0x3F800000, v59  }
0x15c: {  	v1 =	vmul.f32 v62, v1;
	_ =	sdelay $0x1  }
0x15d: {  	[tilespmem:$0x1FD80] =	vst v1;
	v1 =	vld [tilespmem:$0x1FE00];
	_ =	sdelay $0x3  }
0x15e: {  	v41 =	vadd.s32 v32, v51  }
0x15f: {  	v13 =	vadd.s32 v36, v51;
	v51 =	vadd.s32 v1, v7;
	v1 =	vld [tilespmem:$0x1FE10];
	_ =	sdelay $0x3  }
0x160: {  	[tilespmem:v41+s30+$0x0] =	vst.idx.msk $0xffff, v6  }
0x161: {  	v53 =	vadd.s32 v1, v7;
	v1 =	vld [tilespmem:$0x1FC00];
	_ =	sdelay $0x4  }
0x162: {  	v12 =	vmul.f32 v62, v1;
	v1 =	vld [tilespmem:$0x1FC10];
	_ =	sdelay $0x4  }
0x163: {  	v1 =	vmul.f32 v62, v1;
	_ =	sdelay $0x1  }
0x164: {  	[tilespmem:$0x1FD90] =	vst v1;
	v1 =	vmul.f32 v62, v37;
	_ =	sdelay $0x1  }
0x165: {  	[tilespmem:$0x1FDA0] =	vst v1;
	v1 =	vld [tilespmem:$0x1FEA0];
	_ =	sdelay $0x4  }
0x166: {  	v41 =	vadd.s32 v1, v7;
	v1 =	vld [tilespmem:$0x1FEB0];
	[tilespmem:v13+s30+$0x0] =	vst.idx.msk $0xffff, v19  }
0x167: {  	[tilespmem:v45+s30+$0x0] =	vst.idx.msk $0xffff, v29  }
0x168: {  	[tilespmem:v34+s30+$0x0] =	vst.idx.msk $0xffff, v10  }
0x169: {  	[tilespmem:v21+s30+$0x0] =	vst.idx.msk $0xffff, v14  }
0x16a: {  	[tilespmem:v47+s30+$0x0] =	vst.idx.msk $0xffff, v30  }
0x16b: {  	[tilespmem:v16+s30+$0x0] =	vst.idx.msk $0xffff, v23  }
0x16c: {  	v7 =	vadd.s32 v1, v7;
	v1 =	vld [tilespmem:$0x1FC20];
	_ =	sdelay $0x2  }
0x16d: {  	v6 =	vpop (erf)  }
0x16e: {  	v6 =	vnsel vm0, $0x3F800000, v6;
	[tilespmem:v25+s30+$0x0] =	vst.idx.msk $0xffff, v38  }
0x16f: {  	v16 =	vmul.f32 v6, v1;
	v1 =	vld [tilespmem:$0x1FC30];
	_ =	sdelay $0x3  }
0x170: {  	[tilespmem:v49+s30+$0x0] =	vst.idx.msk $0xffff, v39  }
0x171: {  	v25 =	vmul.f32 v6, v1;
	v1 =	vld [tilespmem:$0x1FC40];
	_ =	sdelay $0x4  }
0x172: {  	v39 =	vmul.f32 v6, v1;
	v1 =	vld [tilespmem:$0x1FC50];
	_ =	sdelay $0x3  }
0x173: {  	[tilespmem:v18+s30+$0x0] =	vst.idx.msk $0xffff, v40  }
0x174: {  	v49 =	vmul.f32 v6, v1;
	v1 =	vld [tilespmem:$0x1FC60];
	_ =	sdelay $0x2  }
0x175: {  	v50 =	vpop (erf)  }
0x176: {  	v34 =	vnsel vm12, $0x3F800000, v50  }
0x177: {  	v40 =	vmul.f32 v34, v1;
	v1 =	vld [tilespmem:$0x1FC70];
	_ =	sdelay $0x1  }
0x178: {  	v22 =	vbroadcast v22, $0x0  }
0x179: {  	v62 =	vpop (erf)  }
0x17a: {  	v13 =	vadd.s32 v63, v22;
	v63 =	vpop (erf);
	[tilespmem:v31+s30+$0x0] =	vst.idx.msk $0xffff, v11  }
0x17b: {  	v45 =	vnsel vm14, $0x3F800000, v63;
	v63 =	vmul.f32 v34, v1;
	v1 =	vld [tilespmem:$0x1FC80];
	_ =	sdelay $0x4  }
0x17c: {  	v31 =	vmul.f32 v34, v1;
	v1 =	vld [tilespmem:$0x1FC90];
	_ =	sdelay $0x3  }
0x17d: {  	[tilespmem:v51+s30+$0x0] =	vst.idx.msk $0xffff, v43  }
0x17e: {  	v46 =	vmul.f32 v34, v1;
	v1 =	vld [tilespmem:$0x1FCA0];
	_ =	sdelay $0x3  }
0x17f: {  	v29 =	vnsel vm13, $0x3F800000, v62  }
0x180: {  	v17 =	vmul.f32 v29, v1;
	v1 =	vld [tilespmem:$0x1FCB0];
	_ =	sdelay $0x3  }
0x181: {  	[tilespmem:v53+s30+$0x0] =	vst.idx.msk $0xffff, v44  }
0x182: {  	v19 =	vadd.s32 v61, v22;
	v61 =	vmul.f32 v29, v1;
	v1 =	vld [tilespmem:$0x1FCC0];
	_ =	sdelay $0x4  }
0x183: {  	v59 =	vmul.f32 v29, v1;
	v1 =	vld [tilespmem:$0x1FCD0];
	[tilespmem:v41+s30+$0x0] =	vst.idx.msk $0xffff, v0  }
0x184: {  	v0 =	vld [tilespmem:$0x1FCE0];
	_ =	sdelay $0x2  }
0x185: {  	s24 =	simm.s32 $0x10  }
0x186: {  	v50 =	vmov s24  }
0x187: {  	v30 =	vshrl.u32 v50, $0x3;
	v50 =	vmul.f32 v45, v0;
	v0 =	vld [tilespmem:$0x1FCF0];
	_ =	sdelay $0x3  }
0x188: {  	[tilespmem:v7+s30+$0x0] =	vst.idx.msk $0xffff, v20  }
0x189: {  	v11 =	vmul.f32 v45, v0;
	v0 =	vld [tilespmem:$0x1FD00];
	_ =	sdelay $0x4  }
0x18a: {  	v47 =	vmul.f32 v45, v0;
	v0 =	vld [tilespmem:$0x1FD10];
	_ =	sdelay $0x3  }
0x18b: {  	[tilespmem:v13+s30+$0x0] =	vst.idx.msk $0xffff, v48  }
0x18c: {  	v6 =	vmul.f32 v45, v0;
	v0 =	vld [tilespmem:$0x1FD20];
	_ =	sdelay $0x2  }
0x18d: {  	vm15 =	vgt.f32 v8, $1.000000000e+00;
	v37 =	vpop (erf)  }
0x18e: {  	v14 =	vnsel vm15, $0x3F800000, v37  }
0x18f: {  	v7 =	vmul.f32 v14, v0;
	v0 =	vld [tilespmem:$0x1FD30];
	_ =	sdelay $0x3  }
0x190: {  	[tilespmem:v19+s30+$0x0] =	vst.idx.msk $0xffff, v26  }
0x191: {  	v10 =	vadd.s32 v60, v22;
	v22 =	vadd.s32 v2, v22;
	v2 =	vmul.f32 v14, v0;
	v0 =	vld [tilespmem:$0x1FD40];
	_ =	sdelay $0x1  }
0x192: {  	v56 =	vadd.s32 v4, v9;
	_ =	sdelay $0x2  }
0x193: {  	v51 =	vmul.f32 v29, v1;
	v1 =	vmul.f32 v14, v0;
	v0 =	vld [tilespmem:$0x1FD50];
	[tilespmem:v10+s30+$0x0] =	vst.idx.msk $0xffff, v15  }
0x194: {  	v13 =	vld [tilespmem:$0x1FFB0];
	[tilespmem:v22+s30+$0x0] =	vst.idx.msk $0xffff, v24  }
0x195: {  	v21 =	vadd.s32 v58, v9;
	v15 =	vld [tilespmem:$0x1FEE0];
	[tilespmem:v56+s30+$0x0] =	vst.idx.msk $0xffff, v35  }
0x196: {  	v26 =	vld [tilespmem:$0x1FEF0];
	_ =	sdelay $0x2  }
0x197: {  	s23 =	simm.s32 $0x12;
	v3 =	vbroadcast v3, $0x0  }
0x198: {  	v58 =	vmov s23;
	v23 =	vadd.s32 v28, v9;
	[tilespmem:v21+s30+$0x0] =	vst.idx.msk $0xffff, v55  }
0x199: {  	v9 =	vadd.s32 v13, v9;
	v13 =	vshrl.u32 v58, $0x3;
	v58 =	vadd.s32 v26, v3;
	v26 =	vld [tilespmem:$0x1FF00];
	_ =	sdelay $0x2  }
0x19a: {  	s26 =	simm.s32 $0x13  }
0x19b: {  	v60 =	vmov s26  }
0x19c: {  	v24 =	vshrl.u32 v60, $0x3;
	v60 =	vadd.s32 v26, v3;
	v26 =	vld [tilespmem:$0x1FD60];
	_ =	sdelay $0x4  }
0x19d: {  	[tilespmem:v23+s30+$0x0] =	vst.idx.msk $0xffff, v26  }
0x19e: {  	v26 =	vld [tilespmem:$0x1FF10];
	_ =	sdelay $0x4  }
0x19f: {  	v15 =	vadd.s32 v15, v3;
	v3 =	vadd.s32 v26, v3;
	v26 =	vld [tilespmem:$0x1FD70];
	_ =	sdelay $0x3  }
0x1a0: {  	s5 =	simm.s32 $0x14  }
0x1a1: {  	v38 =	vmov s5;
	[tilespmem:v9+s30+$0x0] =	vst.idx.msk $0xffff, v26  }
0x1a2: {  	v21 =	vshrl.u32 v38, $0x3;
	v38 =	vld [tilespmem:$0x1FD80];
	_ =	sdelay $0x3  }
0x1a3: {  	s23 =	simm.s32 $0x16  }
0x1a4: {  	v4 =	vmov s23;
	s23 =	simm.s32 $0x17;
	[tilespmem:v15+s30+$0x0] =	vst.idx.msk $0xffff, v38  }
0x1a5: {  	v18 =	vmov s23;
	s23 =	simm.s32 $0xA;
	[tilespmem:v58+s30+$0x0] =	vst.idx.msk $0xffff, v12  }
0x1a6: {  	v53 =	vmov s23;
	v41 =	vshrl.u32 v4, $0x3;
	v4 =	vld [tilespmem:$0x1FF30]  }
0x1a7: {  	v22 =	vshrl.u32 v53, $0x3  }
0x1a8: {  	v22 =	vshll.u32 v22, v5  }
0x1a9: {  	v22 =	vbroadcast v22, $0x0;
	_ =	sdelay $0x1  }
0x1aa: {  	v12 =	vadd.s32 v4, v22;
	v4 =	vld [tilespmem:$0x1FD90];
	_ =	sdelay $0x4  }
0x1ab: {  	[tilespmem:v60+s30+$0x0] =	vst.idx.msk $0xffff, v4  }
0x1ac: {  	s26 =	simm.s32 $0x18;
	v4 =	vld [tilespmem:$0x1FF40]  }
0x1ad: {  	v34 =	vmov s26;
	s26 =	simm.s32 $0xB  }
0x1ae: {  	v43 =	vmov s26;
	v9 =	vadd.s32 v42, v22  }
0x1af: {  	v26 =	vshll.u32 v13, v5;
	v13 =	vshrl.u32 v43, $0x3;
	v43 =	vadd.s32 v27, v22;
	_ =	sdelay $0x1  }
0x1b0: {  	v22 =	vadd.s32 v4, v22;
	v4 =	vld [tilespmem:$0x1FDA0]  }
0x1b1: {  	s22 =	simm.s32 $0x11  }
0x1b2: {  	v57 =	vmov s22;
	s22 =	simm.s32 $0x15;
	[tilespmem:v9+s30+$0x0] =	vst.idx.msk $0xffff, v16  }
0x1b3: {  	v62 =	vmov s22;
	s22 =	simm.s32 $0x19;
	v13 =	vshll.u32 v13, v5;
	[tilespmem:v43+s30+$0x0] =	vst.idx.msk $0xffff, v25  }
0x1b4: {  	v8 =	vmov s22;
	s22 =	simm.s32 $0xC;
	v44 =	vbroadcast v13, $0x0;
	[tilespmem:v12+s30+$0x0] =	vst.idx.msk $0xffff, v39  }
0x1b5: {  	v20 =	vmov s22;
	v10 =	vshrl.u32 v57, $0x3;
	[tilespmem:v3+s30+$0x0] =	vst.idx.msk $0xffff, v4  }
0x1b6: {  	v23 =	vshll.u32 v10, v5;
	v10 =	vshrl.u32 v62, $0x3;
	v3 =	vadd.s32 v33, v44;
	v4 =	vld [tilespmem:$0x1FF80]  }
0x1b7: {  	v15 =	vshll.u32 v10, v5;
	v10 =	vshrl.u32 v20, $0x3;
	v20 =	vadd.s32 v32, v44  }
0x1b8: {  	v25 =	vadd.s32 v36, v44;
	_ =	sdelay $0x1  }
0x1b9: {  	s23 =	simm.s32 $0xD;
	[tilespmem:v22+s30+$0x0] =	vst.idx.msk $0xffff, v49  }
0x1ba: {  	v48 =	vmov s23;
	v10 =	vshll.u32 v10, v5;
	v12 =	vadd.s32 v4, v44;
	v4 =	vld [tilespmem:$0x1FF90];
	[tilespmem:v3+s30+$0x0] =	vst.idx.msk $0xffff, v40  }
0x1bb: {  	v45 =	vbroadcast v10, $0x0;
	v10 =	vshrl.u32 v48, $0x3;
	[tilespmem:v20+s30+$0x0] =	vst.idx.msk $0xffff, v63  }
0x1bc: {  	v3 =	vshll.u32 v10, v5;
	[tilespmem:v25+s30+$0x0] =	vst.idx.msk $0xffff, v31  }
0x1bd: {  	v49 =	vbroadcast v3, $0x0;
	v3 =	vld [tilespmem:$0x1FE80];
	_ =	sdelay $0x2  }
0x1be: {  	v18 =	vshrl.u32 v18, $0x3  }
0x1bf: {  	v55 =	vshll.u32 v18, v5;
	v18 =	vadd.s32 v4, v45;
	[tilespmem:v12+s30+$0x0] =	vst.idx.msk $0xffff, v46  }
0x1c0: {  	v58 =	vadd.s32 v52, v45;
	v52 =	vadd.s32 v3, v45;
	v3 =	vld [tilespmem:$0x1FE60];
	_ =	sdelay $0x3  }
0x1c1: {  	v8 =	vshrl.u32 v8, $0x3;
	v19 =	vshll.u32 v30, v5;
	[tilespmem:v18+s30+$0x0] =	vst.idx.msk $0xffff, v17  }
0x1c2: {  	s28 =	simm.s32 $0x6A00;
	v24 =	vshll.u32 v24, v5;
	v9 =	vshrl.u32 v34, $0x3;
	v40 =	vadd.s32 v3, v49;
	v3 =	vld [tilespmem:$0x1FE90]  }
0x1c3: {  	s26 =	simm.s32 $0xE;
	v21 =	vshll.u32 v21, v5;
	v0 =	vmul.f32 v14, v0;
	v57 =	vshll.u32 v9, v5;
	v9 =	vld [tilespmem:s28+$0x1C0]  }
0x1c4: {  	v14 =	vmov s26;
	v13 =	vshll.u32 v41, v5;
	v41 =	vbroadcast v21, $0x0;
	v43 =	vld [tilespmem:s28+$0x1D0]  }
0x1c5: {  	v14 =	vshrl.u32 v14, $0x3;
	v32 =	vbroadcast v19, $0x0;
	v48 =	vbroadcast v24, $0x0;
	v10 =	vld [tilespmem:s28+$0xFFFFFE40]  }
0x1c6: {  	v62 =	vadd.s32 v54, v45;
	v54 =	vbroadcast v26, $0x0;
	v16 =	vshll.u32 v8, v5;
	v25 =	vld [tilespmem:s28+$0xFFFFFE10]  }
0x1c7: {  	s5 =	simm.s32 $0x20;
	s26 =	sshll.u32 s1, $0xA;
	v33 =	vshll.u32 v14, v5;
	v20 =	vbroadcast v23, $0x0;
	v46 =	vld [tilespmem:s28+$0x1E0];
	v39 =	vadd.s32 v3, v49  }
.LBB2_3:
0x1c8: {  	v3 =	vld [tilespmem:$0x1FDE0];
	_ =	sdelay $0x1  }
0x1c9: {  	[tilespmem:v58+s30+$0x0] =	vst.idx.msk $0xffff, v61;
	v5 =	vld [tilespmem:$0x1FE00]  }
0x1ca: {  	v30 =	vld [tilespmem:$0x1FE10];
	[tilespmem:v62+s30+$0x0] =	vst.idx.msk $0xffff, v59  }
0x1cb: {  	[tilespmem:v52+s30+$0x0] =	vst.idx.msk $0xffff, v51;
	v52 =	vld [tilespmem:$0x1FEA0]  }
0x1cc: {  	v22 =	vbroadcast v33, $0x0;
	v38 =	vld [tilespmem:$0x1FEB0];
	v8 =	vadd.s32 v3, v49;
	_ =	sdelay $0x1  }
0x1cd: {  	[tilespmem:v40+s30+$0x0] =	vst.idx.msk $0xffff, v50;
	v24 =	vadd.s32 v5, v22  }
0x1ce: {  	[tilespmem:$0x1F680] =	vst v25;
	v17 =	vand.u32 $0x7FFFFFFF, v25;
	v25 =	vadd.s32 v30, v22  }
0x1cf: {  	[tilespmem:v39+s30+$0x0] =	vst.idx.msk $0xffff, v11;
	v27 =	vadd.s32 v52, v22  }
0x1d0: {  	[tilespmem:v8+s30+$0x0] =	vst.idx.msk $0xffff, v47;
	v8 =	vadd.s32 v38, v22;
	_ =	sdelay $0x1  }
0x1d1: {  	[tilespmem:v24+s30+$0x0] =	vst.idx.msk $0xffff, v7  }
0x1d2: {  	[tilespmem:v25+s30+$0x0] =	vst.idx.msk $0xffff, v2  }
0x1d3: {  	[tilespmem:v27+s30+$0x0] =	vst.idx.msk $0xffff, v1  }
0x1d4: {  	[tilespmem:v8+s30+$0x0] =	vst.idx.msk $0xffff, v0;
	v0 =	vld [tilespmem:$0x1FFB0];
	_ =	sdelay $0x4  }
0x1d5: {  	v0 =	vadd.s32 v0, v32  }
0x1d6: {  	[tilespmem:$0x1F6E0] =	vst v0;
	v0 =	vld [tilespmem:$0x1FEE0];
	_ =	sdelay $0x4  }
0x1d7: {  	v0 =	vadd.s32 v0, v20  }
0x1d8: {  	[tilespmem:$0x1F6F0] =	vst v0;
	v0 =	vld [tilespmem:$0x1FEF0];
	_ =	sdelay $0x4  }
0x1d9: {  	v0 =	vadd.s32 v0, v20  }
0x1da: {  	[tilespmem:$0x1F720] =	vst v0;
	v0 =	vld [tilespmem:$0x1FF00];
	_ =	sdelay $0x4  }
0x1db: {  	v0 =	vadd.s32 v0, v20  }
0x1dc: {  	[tilespmem:$0x1F730] =	vst v0;
	v0 =	vld [tilespmem:$0x1FF10];
	_ =	sdelay $0x4  }
0x1dd: {  	v0 =	vadd.s32 v0, v20  }
0x1de: {  	[tilespmem:$0x1F760] =	vst v0;
	v0 =	vadd.s32 v42, v54  }
0x1df: {  	[tilespmem:$0x1F770] =	vst v0;
	v0 =	vld [tilespmem:$0x1FF20];
	_ =	sdelay $0x4  }
0x1e0: {  	v0 =	vadd.s32 v0, v54  }
0x1e1: {  	[tilespmem:$0x1F7A0] =	vst v0;
	v0 =	vld [tilespmem:$0x1FF30];
	_ =	sdelay $0x4  }
0x1e2: {  	v0 =	vadd.s32 v0, v54  }
0x1e3: {  	[tilespmem:$0x1F7B0] =	vst v0;
	v0 =	vld [tilespmem:$0x1FF40];
	_ =	sdelay $0x4  }
0x1e4: {  	v0 =	vadd.s32 v0, v54  }
0x1e5: {  	[tilespmem:$0x1F7E0] =	vst v0;
	v0 =	vld [tilespmem:$0x1FF50];
	_ =	sdelay $0x4  }
0x1e6: {  	v21 =	vld [tilespmem:s28+$0x1F0];
	v0 =	vadd.s32 v0, v48  }
0x1e7: {  	[tilespmem:$0x1F7F0] =	vst v0;
	v0 =	vld [tilespmem:$0x1FF60]  }
0x1e8: {  	v28 =	vld [tilespmem:s28+$0xFFFFFE50]  }
0x1e9: {  	v4 =	vld [tilespmem:$0x1FDF0]  }
0x1ea: {  	v12 =	vld [tilespmem:s28+$0xFFFFFE80]  }
0x1eb: {  	v63 =	vld [tilespmem:s28+$0xFFFFFE90]  }
0x1ec: {  	v14 =	vbroadcast v15, $0x0;
	v15 =	vld [tilespmem:s28+$0xFFFFFEC0];
	v0 =	vadd.s32 v0, v48  }
0x1ed: {  	[tilespmem:$0x1F820] =	vst v0;
	v0 =	vld [tilespmem:$0x1FF70]  }
0x1ee: {  	v34 =	vld [tilespmem:s28+$0xFFFFFED0]  }
0x1ef: {  	v31 =	vld [tilespmem:s28+$0xFFFFFF00]  }
0x1f0: {  	v36 =	vld [tilespmem:s28+$0xFFFFFE00]  }
0x1f1: {  	v44 =	vld [tilespmem:$0x1FED0];
	v18 =	vand.u32 $0x7FFFFFFF, v9;
	v19 =	vand.u32 $0x7FFFFFFF, v43  }
0x1f2: {  	v61 =	vld [tilespmem:s28+$0x60];
	v18 =	vadd.f32 v19, v18;
	v0 =	vadd.s32 v0, v48  }
0x1f3: {  	v19 =	vbroadcast v13, $0x0;
	v13 =	vand.u32 $0x7FFFFFFF, v46;
	[tilespmem:$0x1F830] =	vst v0;
	v0 =	vld [tilespmem:$0x1FF80]  }
0x1f4: {  	v62 =	vld [tilespmem:$0x1FEC0];
	v13 =	vadd.f32 v13, v18  }
0x1f5: {  	v51 =	vld [tilespmem:$0x1FE30];
	v11 =	vand.u32 $0x7FFFFFFF, v21  }
0x1f6: {  	v37 =	vadd.f32 v11, v13;
	v11 =	vld [tilespmem:s28+$0xFFFFFF40]  }
0x1f7: {  	v13 =	vld [tilespmem:s28+$0xFFFFFF50]  }
0x1f8: {  	v23 =	vadd.s32 v4, v49;
	v24 =	vld [tilespmem:s28+$0xFFFFFFD0];
	v0 =	vadd.s32 v0, v48  }
0x1f9: {  	[tilespmem:$0x1F860] =	vst v0;
	v0 =	vld [tilespmem:$0x1FF90]  }
0x1fa: {  	v26 =	vand.u32 $0x7FFFFFFF, v10;
	[tilespmem:$0x1F6D0] =	vst v28;
	v22 =	vand.u32 $0x7FFFFFFF, v28;
	v28 =	vld [tilespmem:s28+$0xFFFFFEA0]  }
0x1fb: {  	v29 =	vadd.f32 v22, v26;
	v26 =	vld [tilespmem:$0x1FFD0]  }
0x1fc: {  	[tilespmem:$0x1F700] =	vst v12;
	v1 =	vld [tilespmem:$0x1FFC0]  }
0x1fd: {  	v47 =	vld [tilespmem:s28+$0xFFFFFF60];
	[tilespmem:v23+s30+$0x0] =	vst.idx.msk $0xffff, v6;
	v2 =	vadd.s32 v62, v32  }
0x1fe: {  	v6 =	vand.u32 $0x7FFFFFFF, v12;
	v12 =	vld [tilespmem:s28+$0xFFFFFF10];
	[tilespmem:$0x1F6A0] =	vst v2;
	v0 =	vadd.s32 v0, v41  }
0x1ff: {  	[tilespmem:$0x1F870] =	vst v0;
	v0 =	vld [tilespmem:$0x1FE70]  }
0x200: {  	v2 =	vld [tilespmem:s28+$0xFFFFFF80];
	[tilespmem:$0x1F7D0] =	vst v13;
	v7 =	vadd.s32 v26, v32  }
0x201: {  	v23 =	vand.u32 $0x7FFFFFFF, v13;
	v13 =	vld [tilespmem:s28+$0xD0];
	[tilespmem:$0x1F690] =	vst v7;
	v1 =	vadd.s32 v1, v32  }
0x202: {  	v53 =	vbroadcast v16, $0x0;
	v16 =	vperm.xlane v37, v51;
	v7 =	vand.u32 $0x7FFFFFFF, v63;
	[tilespmem:$0x1F6B0] =	vst v1;
	v1 =	vld [tilespmem:$0x1FFF0]  }
0x203: {  	[tilespmem:$0x1F740] =	vst v15;
	v59 =	vadd.f32 v7, v6;
	v6 =	vand.u32 $0x7FFFFFFF, v15;
	v7 =	vand.u32 $0x7FFFFFFF, v34;
	v15 =	vld [tilespmem:s28+$0xFFFFFF90]  }
0x204: {  	[tilespmem:$0x1F710] =	vst v63;
	v33 =	vadd.f32 v7, v6;
	v7 =	vld [tilespmem:s28+$0xFFFFFFC0];
	v0 =	vadd.s32 v0, v41  }
0x205: {  	v16 =	vadd.f32 v37, v16;
	[tilespmem:$0x1F8A0] =	vst v0;
	v0 =	vld [tilespmem:$0x1FE50]  }
0x206: {  	[tilespmem:$0x1F780] =	vst v31;
	v8 =	vand.u32 $0x7FFFFFFF, v12;
	v6 =	vand.u32 $0x7FFFFFFF, v31;
	v31 =	vld [tilespmem:$0x1FFE0]  }
0x207: {  	[tilespmem:$0x1F7C0] =	vst v11;
	v35 =	vadd.f32 v8, v6;
	v6 =	vand.u32 $0x7FFFFFFF, v11;
	v11 =	vld [tilespmem:s28+$0x0];
	v22 =	vperm.xlane v16, v1  }
0x208: {  	[tilespmem:$0x1F850] =	vst v24;
	v8 =	vld [tilespmem:s28+$0x40]  }
0x209: {  	[tilespmem:$0x1F810] =	vst v15;
	v16 =	vadd.f32 v16, v22;
	v22 =	vand.u32 $0x7FFFFFFF, v15;
	v15 =	vld [tilespmem:$0x1FFA0]  }
0x20a: {  	[tilespmem:$0x1F800] =	vst v2;
	v20 =	vand.u32 $0x7FFFFFFF, v2;
	v2 =	vld [tilespmem:s28+$0x10];
	v0 =	vadd.s32 v0, v41  }
0x20b: {  	v6 =	vadd.f32 v23, v6;
	v23 =	vperm.xlane v16, v31;
	[tilespmem:$0x1F8B0] =	vst v0;
	v0 =	vld [tilespmem:$0x1FE80]  }
0x20c: {  	v24 =	vand.u32 $0x7FFFFFFF, v24;
	[tilespmem:$0x1F790] =	vst v12;
	v12 =	vld [tilespmem:s28+$0x50]  }
0x20d: {  	[tilespmem:$0x1F840] =	vst v7;
	v23 =	vadd.f32 v16, v23;
	v20 =	vadd.f32 v22, v20;
	v22 =	vand.u32 $0x7FFFFFFF, v7;
	v7 =	vld [tilespmem:s28+$0x80]  }
0x20e: {  	[tilespmem:$0x1F880] =	vst v11;
	v45 =	vadd.f32 v24, v22;
	v22 =	vand.u32 $0x7FFFFFFF, v11;
	v11 =	vld [tilespmem:s28+$0x90]  }
0x20f: {  	v25 =	vperm.xlane v23, v15;
	[tilespmem:$0x1F890] =	vst v2;
	v24 =	vand.u32 $0x7FFFFFFF, v2;
	v2 =	vld [tilespmem:s28+$0xC0]  }
0x210: {  	[tilespmem:$0x1F8C0] =	vst v8;
	v49 =	vadd.f32 v24, v22;
	v22 =	vand.u32 $0x7FFFFFFF, v8;
	v8 =	vld [tilespmem:s28+$0x100];
	v0 =	vadd.s32 v0, v41  }
0x211: {  	v23 =	vadd.f32 v23, v25;
	[tilespmem:$0x1F8E0] =	vst v0;
	v0 =	vld [tilespmem:$0x1FE60]  }
0x212: {  	[tilespmem:$0x1F750] =	vst v34;
	v27 =	vld [tilespmem:s28+$0xFFFFFE60]  }
0x213: {  	[tilespmem:$0x1F8D0] =	vst v12;
	v25 =	vadd.f32 $1.000000010e-07, v23;
	v24 =	vand.u32 $0x7FFFFFFF, v12;
	v12 =	vld [tilespmem:s28+$0x110]  }
0x214: {  	[tilespmem:$0x1F900] =	vst v7;
	v50 =	vadd.f32 v24, v22;
	v22 =	vand.u32 $0x7FFFFFFF, v7;
	v24 =	vand.u32 $0x7FFFFFFF, v11;
	v7 =	vld [tilespmem:s28+$0x140]  }
0x215: {  	[tilespmem:$0x1F910] =	vst v11;
	v11 =	vld [tilespmem:s28+$0x150];
	v56 =	vadd.f32 v24, v22;
	v24 =	vand.u32 $0x7FFFFFFF, v13;
	v22 =	vand.u32 $0x7FFFFFFF, v2  }
0x216: {  	[tilespmem:$0x1F980] =	vst v8;
	v60 =	vadd.f32 v24, v22;
	v22 =	vand.u32 $0x7FFFFFFF, v8;
	v8 =	vld [tilespmem:s28+$0x190];
	v0 =	vadd.s32 v0, v14  }
0x217: {  	(erf) = vrcp.f32 v25;
	[tilespmem:$0x1F8F0] =	vst v0;
	v0 =	vld [tilespmem:$0x1FE90]  }
0x218: {  	v40 =	vbroadcast v57, $0x0;
	s22 =	sadd.s32 $0xF, s24;
	[tilespmem:$0x1F940] =	vst v2;
	v2 =	vld [tilespmem:s28+$0x180];
	v24 =	vand.u32 $0x7FFFFFFF, v12  }
0x219: {  	v58 =	vand.u32 $0x7FFFFFFF, v27;
	v34 =	vld [tilespmem:s28+$0xFFFFFE20];
	[tilespmem:$0x1F950] =	vst v13;
	v63 =	vadd.f32 v24, v22;
	v24 =	vmov s22  }
0x21a: {  	v18 =	vbroadcast v55, $0x0;
	v29 =	vadd.f32 v58, v29;
	v13 =	vld [tilespmem:$0x1FE40];
	[tilespmem:$0x1F9D0] =	vst v7;
	v24 =	vshrl.u32 v24, $0x3  }
0x21b: {  	v58 =	vand.u32 $0x7FFFFFFF, v47;
	[tilespmem:$0x1F9E0] =	vst v11;
	v25 =	vand.u32 $0x7FFFFFFF, v11;
	v11 =	vld [tilespmem:$0x1FE20];
	v24 =	vshll.u32 v24, v44  }
0x21c: {  	v22 =	vand.u32 $0x7FFFFFFF, v7;
	v7 =	vld [tilespmem:$0x1FDC0];
	v37 =	vbroadcast v24, $0x0;
	[tilespmem:$0x1FA30] =	vst v8;
	v0 =	vadd.s32 v0, v14  }
0x21d: {  	v48 =	vld [tilespmem:s28+$0xFFFFFFA0];
	[tilespmem:$0x1F920] =	vst v0;
	v0 =	vadd.s32 v3, v14;
	v3 =	vadd.f32 v25, v22;
	v22 =	vand.u32 $0x7FFFFFFF, v2  }
0x21e: {  	v6 =	vadd.f32 v58, v6;
	[tilespmem:$0x1F930] =	vst v0;
	v0 =	vadd.s32 v4, v14;
	v14 =	vand.u32 $0x7FFFFFFF, v8;
	v8 =	vld [tilespmem:$0x1FDD0]  }
0x21f: {  	v32 =	vld [tilespmem:s28+$0xFFFFFEE0];
	vm0 =	vgt.f32 v23, $1.000000000e+00;
	v57 =	vadd.s32 v13, v37;
	[tilespmem:$0x1F960] =	vst v0;
	v0 =	vadd.s32 v5, v19  }
0x220: {  	v24 =	vand.u32 $0x7FFFFFFF, v36;
	v16 =	vadd.s32 v11, v37;
	v41 =	vld [tilespmem:s28+$0xFFFFFF20];
	[tilespmem:$0x1F970] =	vst v0;
	v0 =	vadd.f32 v14, v22;
	v22 =	vpop (erf)  }
0x221: {  	v55 =	vld [tilespmem:s28+$0x20];
	[tilespmem:$0x1FA20] =	vst v2;
	v2 =	vand.u32 $0x7FFFFFFF, v28;
	v4 =	vadd.s32 v7, v37;
	v42 =	vnsel vm0, $0x3F800000, v22  }
0x222: {  	[tilespmem:$0x1F6C0] =	vst v10;
	v54 =	vld [tilespmem:s28+$0xFFFFFFE0];
	v39 =	vand.u32 $0x7FFFFFFF, v48;
	v2 =	vadd.f32 v2, v59;
	v9 =	vmul.f32 v42, v9  }
0x223: {  	v58 =	vld [tilespmem:s28+$0xFFFFFE30];
	[tilespmem:$0x1F990] =	vst v12;
	v14 =	vadd.f32 v17, v24;
	v12 =	vmul.f32 v42, v43;
	v37 =	vadd.s32 v8, v37  }
0x224: {  	v5 =	vand.u32 $0x7FFFFFFF, v32;
	v17 =	vand.u32 $0x7FFFFFFF, v34;
	v43 =	vld [tilespmem:s28+$0xA0];
	[tilespmem:v57+s30+$0x0] =	vst.idx.msk $0xffff, v9;
	v9 =	vmul.f32 v42, v46  }
0x225: {  	v59 =	vld [tilespmem:s28+$0xE0];
	v5 =	vadd.f32 v5, v33;
	v10 =	vadd.f32 v17, v14;
	v14 =	vand.u32 $0x7FFFFFFF, v41;
	[tilespmem:v16+s30+$0x0] =	vst.idx.msk $0xffff, v12  }
0x226: {  	v21 =	vmul.f32 v42, v21;
	v42 =	vadd.f32 v39, v20;
	v16 =	vld [tilespmem:s28+$0x120];
	[tilespmem:v4+s30+$0x0] =	vst.idx.msk $0xffff, v9;
	v9 =	vand.u32 $0x7FFFFFFF, v55  }
0x227: {  	v57 =	vand.u32 $0x7FFFFFFF, v54;
	v12 =	vadd.f32 v14, v35;
	v14 =	vld [tilespmem:s28+$0x160];
	v46 =	vadd.f32 v9, v49  }
0x228: {  	v4 =	vld [tilespmem:s28+$0x1A0];
	v9 =	vadd.s32 v30, v19;
	[tilespmem:v37+s30+$0x0] =	vst.idx.msk $0xffff, v21;
	v37 =	vadd.f32 v57, v45;
	v21 =	vand.u32 $0x7FFFFFFF, v61  }
0x229: {  	[tilespmem:$0x1F9A0] =	vst v9;
	v57 =	vld [tilespmem:s28+$0xFFFFFE70];
	v9 =	vadd.s32 v52, v19;
	v33 =	vadd.f32 v21, v50;
	v21 =	vand.u32 $0x7FFFFFFF, v43  }
0x22a: {  	v45 =	vld [tilespmem:s28+$0xFFFFFFB0];
	[tilespmem:$0x1F9C0] =	vst v9;
	v9 =	vadd.s32 v38, v19;
	v35 =	vadd.f32 v21, v56;
	v21 =	vand.u32 $0x7FFFFFFF, v59  }
0x22b: {  	v56 =	vld [tilespmem:s28+$0xFFFFFEB0];
	[tilespmem:$0x1F9F0] =	vst v9;
	v19 =	vand.u32 $0x7FFFFFFF, v16;
	v9 =	vadd.s32 v13, v18;
	v60 =	vadd.f32 v21, v60  }
0x22c: {  	v50 =	vld [tilespmem:s28+$0xFFFFFEF0];
	[tilespmem:$0x1FA10] =	vst v9;
	v63 =	vadd.f32 v19, v63;
	v19 =	vand.u32 $0x7FFFFFFF, v14;
	v9 =	vadd.s32 v11, v18  }
0x22d: {  	v52 =	vld [tilespmem:s28+$0xFFFFFFF0];
	v21 =	vand.u32 $0x7FFFFFFF, v58;
	v22 =	vadd.f32 v19, v3;
	v19 =	vand.u32 $0x7FFFFFFF, v4  }
0x22e: {  	v49 =	vld [tilespmem:s28+$0xFFFFFF30];
	v3 =	vadd.s32 v7, v18;
	v10 =	vadd.f32 v21, v10;
	v20 =	vadd.f32 v19, v0  }
0x22f: {  	[tilespmem:$0x1FA40] =	vst v9;
	v19 =	vand.u32 $0x7FFFFFFF, v57;
	v0 =	vadd.s32 v8, v18;
	v9 =	vand.u32 $0x7FFFFFFF, v45  }
0x230: {  	v38 =	vld [tilespmem:s28+$0xFFFFFF70];
	[tilespmem:$0x1FA70] =	vst v0;
	v29 =	vadd.f32 v19, v29;
	v0 =	vadd.s32 v26, v40;
	v18 =	vand.u32 $0x7FFFFFFF, v56  }
0x231: {  	v21 =	vperm.xlane v10, v51;
	v19 =	vld [tilespmem:s28+$0x30];
	v26 =	vadd.f32 v18, v2;
	v18 =	vand.u32 $0x7FFFFFFF, v50  }
0x232: {  	v17 =	vperm.xlane v29, v51;
	v2 =	vadd.f32 v9, v42;
	v42 =	vand.u32 $0x7FFFFFFF, v52  }
0x233: {  	v23 =	vld [tilespmem:s28+$0x70];
	[tilespmem:$0x1F9B0] =	vst v16;
	v10 =	vadd.f32 v10, v21;
	v7 =	vadd.f32 v18, v5;
	v5 =	vand.u32 $0x7FFFFFFF, v49  }
0x234: {  	[tilespmem:$0x1FA60] =	vst v3;
	v37 =	vadd.f32 v42, v37;
	v16 =	vperm.xlane v26, v51;
	v3 =	vadd.f32 v5, v12  }
0x235: {  	v24 =	vld [tilespmem:s28+$0xB0];
	[tilespmem:$0x1FA00] =	vst v14;
	v5 =	vand.u32 $0x7FFFFFFF, v38;
	v12 =	vperm.xlane v2, v51;
	v17 =	vadd.f32 v29, v17  }
0x236: {  	v25 =	vld [tilespmem:s28+$0xF0];
	[tilespmem:$0x1FA80] =	vst v0;
	v30 =	vperm.xlane v7, v51;
	v6 =	vadd.f32 v5, v6;
	v0 =	vand.u32 $0x7FFFFFFF, v19  }
0x237: {  	[tilespmem:$0x1FA50] =	vst v4;
	v11 =	vperm.xlane v37, v51;
	v14 =	vperm.xlane v3, v51;
	v4 =	vadd.f32 v0, v46  }
0x238: {  	v39 =	vld [tilespmem:s28+$0x130];
	v0 =	vand.u32 $0x7FFFFFFF, v23;
	v16 =	vadd.f32 v26, v16;
	v2 =	vadd.f32 v2, v12  }
0x239: {  	v12 =	vperm.xlane v17, v1;
	v18 =	vperm.xlane v6, v51;
	v0 =	vadd.f32 v0, v33  }
0x23a: {  	v42 =	vld [tilespmem:s28+$0x170];
	v33 =	vand.u32 $0x7FFFFFFF, v24;
	v7 =	vadd.f32 v7, v30;
	v11 =	vadd.f32 v37, v11  }
0x23b: {  	v46 =	vld [tilespmem:s28+$0x1B0];
	v9 =	vperm.xlane v4, v51;
	v33 =	vadd.f32 v33, v35;
	v35 =	vand.u32 $0x7FFFFFFF, v25  }
0x23c: {  	v3 =	vadd.f32 v3, v14;
	v12 =	vadd.f32 v17, v12;
	v8 =	vperm.xlane v0, v51  }
0x23d: {  	v35 =	vadd.f32 v35, v60;
	v60 =	vand.u32 $0x7FFFFFFF, v39;
	v6 =	vadd.f32 v6, v18  }
0x23e: {  	v17 =	vperm.xlane v11, v1;
	v5 =	vperm.xlane v33, v51;
	v60 =	vadd.f32 v60, v63  }
0x23f: {  	v63 =	vand.u32 $0x7FFFFFFF, v42;
	v18 =	vadd.f32 v4, v9;
	v9 =	vperm.xlane v16, v1  }
0x240: {  	v13 =	vperm.xlane v35, v51;
	v22 =	vadd.f32 v63, v22;
	v63 =	vand.u32 $0x7FFFFFFF, v46  }
0x241: {  	v0 =	vadd.f32 v0, v8;
	v8 =	vperm.xlane v7, v1;
	v11 =	vadd.f32 v11, v17  }
0x242: {  	v21 =	vperm.xlane v60, v51;
	v20 =	vadd.f32 v63, v20;
	v63 =	vperm.xlane v10, v1  }
0x243: {  	v5 =	vadd.f32 v33, v5;
	v9 =	vadd.f32 v16, v9;
	v29 =	vperm.xlane v22, v51  }
0x244: {  	v4 =	vadd.f32 v35, v13;
	v16 =	vperm.xlane v0, v1;
	v7 =	vadd.f32 v7, v8  }
0x245: {  	v14 =	vperm.xlane v20, v51;
	v13 =	vadd.f32 v60, v21;
	v21 =	vperm.xlane v3, v1  }
0x246: {  	v10 =	vadd.f32 v10, v63;
	v51 =	vperm.xlane v6, v1;
	v26 =	vperm.xlane v5, v1  }
0x247: {  	v17 =	vperm.xlane v9, v31;
	v22 =	vadd.f32 v22, v29;
	v29 =	vperm.xlane v18, v1  }
0x248: {  	v8 =	vperm.xlane v4, v1;
	v0 =	vadd.f32 v0, v16;
	v16 =	vperm.xlane v7, v31  }
0x249: {  	v14 =	vadd.f32 v20, v14;
	v20 =	vperm.xlane v2, v1;
	v33 =	vperm.xlane v13, v1  }
0x24a: {  	v3 =	vadd.f32 v3, v21;
	v63 =	vperm.xlane v10, v31;
	v6 =	vadd.f32 v6, v51  }
0x24b: {  	v51 =	vperm.xlane v12, v31;
	v5 =	vadd.f32 v5, v26;
	v9 =	vadd.f32 v9, v17  }
0x24c: {  	v21 =	vperm.xlane v22, v1;
	v4 =	vadd.f32 v4, v8;
	v17 =	vperm.xlane v0, v31  }
0x24d: {  	v7 =	vadd.f32 v7, v16;
	v60 =	vperm.xlane v14, v1;
	v2 =	vadd.f32 v2, v20  }
0x24e: {  	v1 =	vadd.f32 v18, v29;
	v8 =	vadd.f32 v13, v33;
	v13 =	vperm.xlane v3, v31  }
0x24f: {  	v10 =	vadd.f32 v10, v63;
	v12 =	vadd.f32 v12, v51;
	v26 =	vperm.xlane v5, v31  }
0x250: {  	v63 =	vperm.xlane v9, v15;
	v20 =	vadd.f32 v22, v21;
	v21 =	vperm.xlane v6, v31  }
0x251: {  	v16 =	vperm.xlane v4, v31;
	v0 =	vadd.f32 v0, v17;
	v17 =	vperm.xlane v7, v15  }
0x252: {  	v14 =	vadd.f32 v14, v60;
	v22 =	vperm.xlane v2, v31;
	v60 =	vperm.xlane v11, v31  }
0x253: {  	v29 =	vperm.xlane v1, v31;
	v33 =	vperm.xlane v8, v31;
	v3 =	vadd.f32 v3, v13  }
0x254: {  	v37 =	vperm.xlane v10, v15;
	v5 =	vadd.f32 v5, v26;
	v9 =	vadd.f32 v9, v63  }
0x255: {  	v13 =	vperm.xlane v20, v31;
	v6 =	vadd.f32 v6, v21;
	v4 =	vadd.f32 v4, v16  }
0x256: {  	v21 =	vperm.xlane v12, v15;
	v7 =	vadd.f32 v7, v17;
	v2 =	vadd.f32 v2, v22  }
0x257: {  	v35 =	vperm.xlane v14, v31;
	v11 =	vadd.f32 v11, v60;
	v1 =	vadd.f32 v1, v29  }
0x258: {  	v8 =	vadd.f32 v8, v33;
	v16 =	vperm.xlane v3, v15;
	v10 =	vadd.f32 v10, v37  }
0x259: {  	v37 =	vperm.xlane v0, v15;
	v51 =	vperm.xlane v5, v15;
	vm9 =	vgt.f32 v9, $1.000000000e+00  }
0x25a: {  	v9 =	vadd.f32 $1.000000010e-07, v9;
	v13 =	vadd.f32 v20, v13;
	v20 =	vperm.xlane v6, v15  }
0x25b: {  	v12 =	vadd.f32 v12, v21;
	v17 =	vperm.xlane v4, v15;
	vm7 =	vgt.f32 v7, $1.000000000e+00  }
0x25c: {  	v7 =	vadd.f32 $1.000000010e-07, v7;
	v22 =	vperm.xlane v2, v15;
	v21 =	vperm.xlane v11, v15  }
0x25d: {  	v14 =	vadd.f32 v14, v35;
	v29 =	vperm.xlane v1, v15;
	v33 =	vperm.xlane v8, v15  }
0x25e: {  	v3 =	vadd.f32 v3, v16;
	vm12 =	vgt.f32 v10, $1.000000000e+00;
	v0 =	vadd.f32 v0, v37  }
0x25f: {  	v5 =	vadd.f32 v5, v51;
	v10 =	vadd.f32 $1.000000010e-07, v10;
	v16 =	vperm.xlane v13, v15  }
0x260: {  	v6 =	vadd.f32 v6, v20;
	vm10 =	vgt.f32 v12, $1.000000000e+00;
	v12 =	vadd.f32 $1.000000010e-07, v12  }
0x261: {  	v2 =	vadd.f32 v2, v22;
	v11 =	vadd.f32 v11, v21;
	(erf) = vrcp.f32 v10  }
0x262: {  	v1 =	vadd.f32 v1, v29;
	vm6 =	vgt.f32 v3, $1.000000000e+00;
	(erf) = vrcp.f32 v12  }
0x263: {  	v3 =	vadd.f32 $1.000000010e-07, v3;
	vm5 =	vgt.f32 v6, $1.000000000e+00;
	(erf) = vrcp.f32 v9  }
0x264: {  	v6 =	vadd.f32 $1.000000010e-07, v6;
	vm3 =	vgt.f32 v2, $1.000000000e+00;
	(erf) = vrcp.f32 v7  }
0x265: {  	v2 =	vadd.f32 $1.000000010e-07, v2;
	v10 =	vadd.f32 $1.000000010e-07, v11;
	(erf) = vrcp.f32 v3  }
0x266: {  	v12 =	vadd.f32 $1.000000010e-07, v1;
	vm13 =	vgt.f32 v1, $1.000000000e+00;
	v1 =	vld [tilespmem:$0x1FFC0];
	(erf) = vrcp.f32 v6  }
0x267: {  	v4 =	vadd.f32 v4, v17;
	v35 =	vperm.xlane v14, v15;
	(erf) = vrcp.f32 v2  }
0x268: {  	v8 =	vadd.f32 v8, v33;
	v15 =	vadd.f32 $1.000000010e-07, v0;
	(erf) = vrcp.f32 v10  }
0x269: {  	vm11 =	vgt.f32 v0, $1.000000000e+00;
	v9 =	vadd.f32 $1.000000010e-07, v5;
	(erf) = vrcp.f32 v12  }
0x26a: {  	v13 =	vadd.f32 v13, v16;
	v16 =	vadd.f32 $1.000000010e-07, v4;
	v0 =	vpop (erf);
	(erf) = vrcp.f32 v15  }
0x26b: {  	v7 =	vadd.f32 $1.000000010e-07, v8;
	v63 =	vadd.s32 v1, v40;
	v1 =	vpop (erf);
	(erf) = vrcp.f32 v9  }
0x26c: {  	vm4 =	vgt.f32 v4, $1.000000000e+00;
	v4 =	vpop (erf);
	(erf) = vrcp.f32 v16  }
0x26d: {  	v6 =	vpop (erf);
	(erf) = vrcp.f32 v7;
	v7 =	vld [tilespmem:$0x1F690]  }
0x26e: {  	vm2 =	vgt.f32 v8, $1.000000000e+00;
	v8 =	vld [tilespmem:$0x1F6A0]  }
0x26f: {  	vm8 =	vgt.f32 v5, $1.000000000e+00;
	v5 =	vld [tilespmem:$0x1F680];
	_ =	sdelay $0x2  }
0x270: {  	v14 =	vadd.f32 v14, v35;
	v0 =	vnsel vm12, $0x3F800000, v0  }
0x271: {  	v17 =	vadd.f32 $1.000000010e-07, v13;
	v2 =	vmul.f32 v0, v36  }
0x272: {  	v3 =	vadd.f32 $1.000000010e-07, v14;
	v5 =	vmul.f32 v0, v5  }
0x273: {  	[tilespmem:v7+s30+$0x0] =	vst.idx.msk $0xffff, v2;
	v7 =	vpop (erf);
	(erf) = vrcp.f32 v17  }
0x274: {  	[tilespmem:v8+s30+$0x0] =	vst.idx.msk $0xffff, v5;
	v5 =	vnsel vm6, $0x3F800000, v7;
	v7 =	vpop (erf);
	(erf) = vrcp.f32 v3;
	v3 =	vld [tilespmem:$0x1F6B0];
	_ =	sdelay $0x5  }
0x275: {  	v2 =	vmul.f32 v0, v34  }
0x276: {  	v10 =	vld [tilespmem:$0x1F6F0]  }
0x277: {  	[tilespmem:v3+s30+$0x0] =	vst.idx.msk $0xffff, v2;
	v2 =	vld [tilespmem:$0x1F6C0];
	_ =	sdelay $0x3  }
0x278: {  	v1 =	vnsel vm10, $0x3F800000, v1  }
0x279: {  	v18 =	vld [tilespmem:$0x1F7A0];
	v2 =	vmul.f32 v1, v2  }
0x27a: {  	v16 =	vld [tilespmem:$0x1F770]  }
0x27b: {  	[tilespmem:v10+s30+$0x0] =	vst.idx.msk $0xffff, v2;
	v2 =	vld [tilespmem:$0x1F700]  }
0x27c: {  	v10 =	vld [tilespmem:$0x1F710];
	_ =	sdelay $0x2  }
0x27d: {  	v4 =	vnsel vm9, $0x3F800000, v4  }
0x27e: {  	v2 =	vmul.f32 v4, v2  }
0x27f: {  	v12 =	vld [tilespmem:$0x1F720];
	v10 =	vmul.f32 v4, v10  }
0x280: {  	v3 =	vld [tilespmem:$0x1F6D0];
	[tilespmem:v16+s30+$0x0] =	vst.idx.msk $0xffff, v2  }
0x281: {  	[tilespmem:v18+s30+$0x0] =	vst.idx.msk $0xffff, v10;
	v18 =	vld [tilespmem:$0x1F7B0];
	_ =	sdelay $0x3  }
0x282: {  	v3 =	vmul.f32 v1, v3;
	_ =	sdelay $0x1  }
0x283: {  	[tilespmem:v12+s30+$0x0] =	vst.idx.msk $0xffff, v3;
	v3 =	vmul.f32 v4, v28;
	_ =	sdelay $0x1  }
0x284: {  	[tilespmem:v18+s30+$0x0] =	vst.idx.msk $0xffff, v3;
	v18 =	vld [tilespmem:$0x1F7D0];
	_ =	sdelay $0x3  }
0x285: {  	v9 =	vld [tilespmem:$0x1F6E0];
	v7 =	vnsel vm5, $0x3F800000, v7  }
0x286: {  	v21 =	vmul.f32 v7, v18;
	v18 =	vld [tilespmem:$0x1F7E0]  }
0x287: {  	vm1 =	vgt.f32 v13, $1.000000000e+00;
	v13 =	vld [tilespmem:$0x1F730];
	_ =	sdelay $0x3  }
0x288: {  	v0 =	vmul.f32 v0, v58  }
0x289: {  	v4 =	vmul.f32 v4, v56  }
0x28a: {  	[tilespmem:v9+s30+$0x0] =	vst.idx.msk $0xffff, v0;
	v0 =	vmul.f32 v1, v27  }
0x28b: {  	[tilespmem:v18+s30+$0x0] =	vst.idx.msk $0xffff, v4;
	v18 =	vld [tilespmem:$0x1F7F0]  }
0x28c: {  	[tilespmem:v13+s30+$0x0] =	vst.idx.msk $0xffff, v0;
	v0 =	vld [tilespmem:$0x1F740];
	_ =	sdelay $0x3  }
0x28d: {  	v6 =	vnsel vm7, $0x3F800000, v6  }
0x28e: {  	v0 =	vmul.f32 v6, v0;
	_ =	sdelay $0x1  }
0x28f: {  	[tilespmem:v18+s30+$0x0] =	vst.idx.msk $0xffff, v0;
	v18 =	vld [tilespmem:$0x1F810];
	_ =	sdelay $0x2  }
0x290: {  	v8 =	vpop (erf)  }
0x291: {  	v8 =	vnsel vm3, $0x3F800000, v8  }
0x292: {  	v26 =	vmul.f32 v8, v18;
	v18 =	vld [tilespmem:$0x1F820]  }
0x293: {  	v13 =	vld [tilespmem:$0x1F750];
	_ =	sdelay $0x1  }
0x294: {  	v0 =	vld [tilespmem:$0x1F800];
	_ =	sdelay $0x2  }
0x295: {  	v15 =	vld [tilespmem:$0x1F760];
	v13 =	vmul.f32 v6, v13  }
0x296: {  	v27 =	vmul.f32 v8, v45  }
0x297: {  	v0 =	vmul.f32 v8, v0;
	[tilespmem:v18+s30+$0x0] =	vst.idx.msk $0xffff, v13;
	v13 =	vmul.f32 v8, v48;
	v8 =	vmov s5;
	v18 =	vld [tilespmem:$0x1F830]  }
0x298: {  	v29 =	vshrl.u32 v8, $0x3;
	v8 =	vld [tilespmem:$0x1F860];
	_ =	sdelay $0x2  }
0x299: {  	v1 =	vmul.f32 v1, v57;
	_ =	sdelay $0x1  }
0x29a: {  	[tilespmem:v15+s30+$0x0] =	vst.idx.msk $0xffff, v1;
	v1 =	vmul.f32 v6, v32  }
0x29b: {  	v6 =	vmul.f32 v6, v50  }
0x29c: {  	[tilespmem:v18+s30+$0x0] =	vst.idx.msk $0xffff, v1  }
0x29d: {  	[tilespmem:v8+s30+$0x0] =	vst.idx.msk $0xffff, v6;
	v6 =	vld [tilespmem:$0x1F870]  }
0x29e: {  	v2 =	vld [tilespmem:$0x1F780];
	_ =	sdelay $0x4  }
0x29f: {  	v2 =	vmul.f32 v5, v2;
	_ =	sdelay $0x1  }
0x2a0: {  	[tilespmem:v6+s30+$0x0] =	vst.idx.msk $0xffff, v2;
	v2 =	vld [tilespmem:$0x1F880];
	_ =	sdelay $0x1  }
0x2a1: {  	v9 =	vpop (erf)  }
0x2a2: {  	vm14 =	vgt.f32 v11, $1.000000000e+00;
	v11 =	vpop (erf)  }
0x2a3: {  	v11 =	vnsel vm13, $0x3F800000, v11  }
0x2a4: {  	v32 =	vmul.f32 v11, v2;
	v2 =	vld [tilespmem:$0x1F890];
	_ =	sdelay $0x4  }
0x2a5: {  	v33 =	vmul.f32 v11, v2;
	v2 =	vld [tilespmem:$0x1F8A0]  }
0x2a6: {  	v16 =	vld [tilespmem:$0x1F790];
	_ =	sdelay $0x4  }
0x2a7: {  	v16 =	vmul.f32 v5, v16;
	_ =	sdelay $0x1  }
0x2a8: {  	[tilespmem:v2+s30+$0x0] =	vst.idx.msk $0xffff, v16;
	v2 =	vld [tilespmem:$0x1F8B0];
	_ =	sdelay $0x5  }
0x2a9: {  	v10 =	vmul.f32 v5, v41;
	_ =	sdelay $0x1  }
0x2aa: {  	[tilespmem:v2+s30+$0x0] =	vst.idx.msk $0xffff, v10;
	v2 =	vld [tilespmem:$0x1F8C0];
	_ =	sdelay $0x2  }
0x2ab: {  	v12 =	vpop (erf)  }
0x2ac: {  	v12 =	vnsel vm11, $0x3F800000, v12  }
0x2ad: {  	v10 =	vmul.f32 v12, v2;
	v2 =	vld [tilespmem:$0x1F8D0];
	_ =	sdelay $0x4  }
0x2ae: {  	v36 =	vmul.f32 v12, v2;
	v2 =	vld [tilespmem:$0x1F8E0];
	_ =	sdelay $0x5  }
0x2af: {  	v5 =	vmul.f32 v5, v49;
	_ =	sdelay $0x1  }
0x2b0: {  	[tilespmem:v2+s30+$0x0] =	vst.idx.msk $0xffff, v5;
	v2 =	vld [tilespmem:$0x1F8F0]  }
0x2b1: {  	v3 =	vld [tilespmem:$0x1F7C0];
	_ =	sdelay $0x4  }
0x2b2: {  	v3 =	vmul.f32 v7, v3;
	_ =	sdelay $0x1  }
0x2b3: {  	[tilespmem:v2+s30+$0x0] =	vst.idx.msk $0xffff, v3;
	v2 =	vld [tilespmem:$0x1F900];
	_ =	sdelay $0x2  }
0x2b4: {  	vm15 =	vgt.f32 v14, $1.000000000e+00;
	v14 =	vpop (erf)  }
0x2b5: {  	v14 =	vnsel vm8, $0x3F800000, v14  }
0x2b6: {  	v3 =	vmul.f32 v14, v2;
	v2 =	vld [tilespmem:$0x1F910];
	_ =	sdelay $0x3  }
0x2b7: {  	v4 =	vmul.f32 v7, v47  }
0x2b8: {  	v7 =	vmul.f32 v7, v38;
	v38 =	vmul.f32 v14, v2;
	v2 =	vld [tilespmem:$0x1F920];
	_ =	sdelay $0x7  }
0x2b9: {  	[tilespmem:v2+s30+$0x0] =	vst.idx.msk $0xffff, v21;
	v2 =	vld [tilespmem:$0x1F930];
	_ =	sdelay $0x7  }
0x2ba: {  	[tilespmem:v2+s30+$0x0] =	vst.idx.msk $0xffff, v4;
	v2 =	vld [tilespmem:$0x1F940];
	_ =	sdelay $0x2  }
0x2bb: {  	v15 =	vpop (erf)  }
0x2bc: {  	v15 =	vnsel vm4, $0x3F800000, v15  }
0x2bd: {  	v4 =	vmul.f32 v15, v2;
	v2 =	vld [tilespmem:$0x1F950];
	_ =	sdelay $0x4  }
0x2be: {  	v49 =	vmul.f32 v15, v2;
	v2 =	vld [tilespmem:$0x1F960];
	_ =	sdelay $0x7  }
0x2bf: {  	[tilespmem:v2+s30+$0x0] =	vst.idx.msk $0xffff, v7;
	v2 =	vld [tilespmem:$0x1F970];
	_ =	sdelay $0x7  }
0x2c0: {  	[tilespmem:v2+s30+$0x0] =	vst.idx.msk $0xffff, v0;
	v0 =	vld [tilespmem:$0x1F980];
	_ =	sdelay $0x2  }
0x2c1: {  	v17 =	vpop (erf)  }
0x2c2: {  	v17 =	vnsel vm2, $0x3F800000, v17  }
0x2c3: {  	v8 =	vmul.f32 v17, v0;
	v0 =	vld [tilespmem:$0x1F990];
	_ =	sdelay $0x4  }
0x2c4: {  	v5 =	vmul.f32 v12, v61;
	v61 =	vmul.f32 v17, v0;
	v0 =	vld [tilespmem:$0x1F9A0];
	_ =	sdelay $0x7  }
0x2c5: {  	[tilespmem:v0+s30+$0x0] =	vst.idx.msk $0xffff, v26;
	v0 =	vld [tilespmem:$0x1F9B0];
	_ =	sdelay $0x4  }
0x2c6: {  	v48 =	vmul.f32 v15, v59;
	v59 =	vmul.f32 v17, v0;
	v0 =	vld [tilespmem:$0x1F9C0];
	_ =	sdelay $0x7  }
0x2c7: {  	[tilespmem:v0+s30+$0x0] =	vst.idx.msk $0xffff, v13;
	v0 =	vld [tilespmem:$0x1F9D0];
	_ =	sdelay $0x2  }
0x2c8: {  	v20 =	vpop (erf)  }
0x2c9: {  	v20 =	vnsel vm1, $0x3F800000, v20  }
0x2ca: {  	v50 =	vmul.f32 v20, v0;
	v0 =	vld [tilespmem:$0x1F9E0];
	_ =	sdelay $0x3  }
0x2cb: {  	v19 =	vmul.f32 v11, v19  }
0x2cc: {  	v16 =	vmul.f32 v11, v55;
	v11 =	vmul.f32 v20, v0;
	v0 =	vld [tilespmem:$0x1F9F0];
	_ =	sdelay $0x7  }
0x2cd: {  	[tilespmem:v0+s30+$0x0] =	vst.idx.msk $0xffff, v27;
	v0 =	vld [tilespmem:$0x1FA00];
	_ =	sdelay $0x4  }
0x2ce: {  	v47 =	vmul.f32 v20, v0;
	v0 =	vld [tilespmem:$0x1FA10]  }
0x2cf: {  	v1 =	vld [tilespmem:$0x1F840];
	_ =	sdelay $0x3  }
0x2d0: {  	v9 =	vnsel vm14, $0x3F800000, v9  }
0x2d1: {  	v1 =	vmul.f32 v9, v1;
	_ =	sdelay $0x1  }
0x2d2: {  	[tilespmem:v0+s30+$0x0] =	vst.idx.msk $0xffff, v1;
	v0 =	vld [tilespmem:$0x1FA20];
	_ =	sdelay $0x2  }
0x2d3: {  	v22 =	vpop (erf)  }
0x2d4: {  	v22 =	vnsel vm15, $0x3F800000, v22  }
0x2d5: {  	v7 =	vmul.f32 v22, v0;
	v0 =	vld [tilespmem:$0x1FA30];
	_ =	sdelay $0x1  }
0x2d6: {  	v18 =	vld [tilespmem:$0x1F850];
	_ =	sdelay $0x1  }
0x2d7: {  	s23 =	sadd.s32 $0x1, s5  }
0x2d8: {  	v31 =	vmov s23;
	s23 =	sadd.s32 $0x2, s5;
	v2 =	vmul.f32 v22, v0;
	v0 =	vld [tilespmem:$0x1FA40]  }
0x2d9: {  	v30 =	vmul.f32 v9, v54;
	v54 =	vmov s23;
	v27 =	vld [tilespmem:$0x1FA60]  }
0x2da: {  	v28 =	vmul.f32 v9, v18;
	v9 =	vmul.f32 v9, v52;
	v52 =	vshrl.u32 v54, $0x3;
	v54 =	vld [tilespmem:$0x1FA70]  }
0x2db: {  	v56 =	vld [tilespmem:$0x1FA80];
	_ =	sdelay $0x2  }
0x2dc: {  	s23 =	sadd.s32 $0x3, s5  }
0x2dd: {  	v60 =	vadd.s32 v62, v40;
	v55 =	vmov s23;
	s23 =	sadd.s32 $0x4, s5  }
0x2de: {  	v37 =	vmov s23;
	s23 =	sadd.s32 $0x5, s5;
	[tilespmem:v0+s30+$0x0] =	vst.idx.msk $0xffff, v28  }
0x2df: {  	v18 =	vmov s23;
	s23 =	sadd.s32 $0x6, s5;
	[tilespmem:v27+s30+$0x0] =	vst.idx.msk $0xffff, v30;
	v27 =	vld [tilespmem:$0x1FFB0]  }
0x2e0: {  	v41 =	vmov s23;
	s23 =	sadd.s32 $0x7, s5;
	[tilespmem:v54+s30+$0x0] =	vst.idx.msk $0xffff, v9;
	v9 =	vld [tilespmem:$0x1FEE0]  }
0x2e1: {  	v57 =	vld [tilespmem:$0x1FEF0];
	[tilespmem:v56+s30+$0x0] =	vst.idx.msk $0xffff, v32;
	v21 =	vmul.f32 v14, v43;
	v43 =	vmov s23;
	s23 =	sadd.s32 $0x8, s5  }
0x2e2: {  	v6 =	vmul.f32 v20, v42;
	[tilespmem:v60+s30+$0x0] =	vst.idx.msk $0xffff, v33;
	v60 =	vld [tilespmem:$0x1FF00];
	v45 =	vmov s23;
	s23 =	sadd.s32 $0x9, s5  }
0x2e3: {  	[tilespmem:v63+s30+$0x0] =	vst.idx.msk $0xffff, v16;
	v16 =	vld [tilespmem:$0x1FF10];
	v12 =	vmul.f32 v12, v23;
	v23 =	vmul.f32 v14, v24;
	v24 =	vmov s23;
	s23 =	sadd.s32 $0xA, s24  }
0x2e4: {  	v42 =	vld [tilespmem:$0x1FDB0];
	v14 =	vmul.f32 v15, v25;
	v15 =	vmov s23;
	v27 =	vadd.s32 v27, v40  }
0x2e5: {  	v15 =	vshrl.u32 v15, $0x3;
	v9 =	vadd.s32 v9, v53  }
0x2e6: {  	v15 =	vshll.u32 v15, v44;
	v30 =	vadd.s32 v57, v53  }
0x2e7: {  	v32 =	vadd.s32 v60, v53;
	v15 =	vbroadcast v15, $0x0  }
0x2e8: {  	v16 =	vadd.s32 v16, v53  }
0x2e9: {  	[tilespmem:v27+s30+$0x0] =	vst.idx.msk $0xffff, v19;
	v19 =	vadd.s32 v42, v15  }
0x2ea: {  	[tilespmem:v9+s30+$0x0] =	vst.idx.msk $0xffff, v10  }
0x2eb: {  	[tilespmem:v30+s30+$0x0] =	vst.idx.msk $0xffff, v36  }
0x2ec: {  	s23 =	sadd.s32 $0xB, s24;
	[tilespmem:v32+s30+$0x0] =	vst.idx.msk $0xffff, v5  }
0x2ed: {  	v13 =	vmov s23;
	[tilespmem:v16+s30+$0x0] =	vst.idx.msk $0xffff, v12;
	v12 =	vld [tilespmem:$0x1FF50]  }
0x2ee: {  	v13 =	vshrl.u32 v13, $0x3;
	[tilespmem:v19+s30+$0x0] =	vst.idx.msk $0xffff, v3;
	v3 =	vld [tilespmem:$0x1FF60]  }
0x2ef: {  	v10 =	vshll.u32 v13, v44  }
0x2f0: {  	v10 =	vbroadcast v10, $0x0;
	_ =	sdelay $0x1  }
0x2f1: {  	v9 =	vld [tilespmem:$0x1FF20];
	v12 =	vadd.s32 v12, v10  }
0x2f2: {  	v13 =	vld [tilespmem:$0x1FF30];
	v3 =	vadd.s32 v3, v10;
	_ =	sdelay $0x2  }
0x2f3: {  	v5 =	vld [tilespmem:$0x1FF40]  }
0x2f4: {  	s23 =	sadd.s32 $0xC, s24;
	v9 =	vadd.s32 v9, v15;
	[tilespmem:v12+s30+$0x0] =	vst.idx.msk $0xffff, v4  }
0x2f5: {  	v51 =	vmul.f32 v17, v39;
	v17 =	vmov s23;
	v62 =	vadd.s32 v13, v15;
	[tilespmem:v3+s30+$0x0] =	vst.idx.msk $0xffff, v49;
	v3 =	vld [tilespmem:$0x1FE50]  }
0x2f6: {  	v13 =	vshrl.u32 v17, $0x3  }
0x2f7: {  	v17 =	vshll.u32 v13, v44  }
0x2f8: {  	v5 =	vadd.s32 v5, v15;
	v17 =	vbroadcast v17, $0x0  }
0x2f9: {  	[tilespmem:v9+s30+$0x0] =	vst.idx.msk $0xffff, v38;
	v9 =	vld [tilespmem:$0x1FF70]  }
0x2fa: {  	[tilespmem:v62+s30+$0x0] =	vst.idx.msk $0xffff, v21;
	v62 =	vadd.s32 v3, v17;
	v3 =	vld [tilespmem:$0x1FE80]  }
0x2fb: {  	v0 =	vld [tilespmem:$0x1FA50]  }
0x2fc: {  	v4 =	vld [tilespmem:$0x1FE70]  }
0x2fd: {  	v55 =	vshrl.u32 v55, $0x3;
	v58 =	vshrl.u32 v37, $0x3;
	v18 =	vshrl.u32 v18, $0x3;
	s23 =	sadd.s32 $0xD, s24;
	[tilespmem:v5+s30+$0x0] =	vst.idx.msk $0xffff, v23;
	v5 =	vld [tilespmem:$0x1FF90]  }
0x2fe: {  	v20 =	vmov s23;
	v15 =	vshll.u32 v18, v44;
	v18 =	vadd.s32 v9, v10;
	v9 =	vld [tilespmem:$0x1FF80]  }
0x2ff: {  	v28 =	vshll.u32 v52, v44;
	v16 =	vshrl.u32 v45, $0x3;
	v52 =	vadd.s32 v3, v17;
	v3 =	vld [tilespmem:$0x1FE60]  }
0x300: {  	v26 =	vshrl.u32 v31, $0x3;
	v57 =	vshll.u32 v16, v44;
	v16 =	vshrl.u32 v20, $0x3  }
0x301: {  	v31 =	vshll.u32 v58, v44;
	v58 =	vadd.s32 v4, v17;
	v4 =	vshll.u32 v16, v44  }
0x302: {  	v63 =	vshrl.u32 v43, $0x3;
	v26 =	vshll.u32 v26, v44;
	s23 =	sadd.s32 $0xE, s24;
	v49 =	vbroadcast v4, $0x0  }
0x303: {  	v25 =	vmov s23;
	v54 =	vbroadcast v28, $0x0;
	v5 =	vadd.s32 v5, v17  }
0x304: {  	p1 =	slt.u32 s5, $0x70;
	s28 =	sadd.s32 $0x400, s28;
	v1 =	vmul.f32 v22, v0;
	v10 =	vadd.s32 v9, v10;
	v40 =	vadd.s32 v3, v49;
	v3 =	vld [tilespmem:$0x1FE90]  }
.Ltmp0:
0x305: {  	v43 =	vld [tilespmem:s28+$0x1D0];
	v0 =	vmul.f32 v22, v46;
	v22 =	vshll.u32 v29, v44;
	v29 =	vshll.u32 v55, v44;
	(pc) =	sbr.rel @p1 .LBB2_3-.Ltmp0, $4  }
0x306: {  	v55 =	vshll.u32 v63, v44;
	v46 =	vld [tilespmem:s28+$0x1E0];
	v27 =	vshrl.u32 v41, $0x3;
	v41 =	vbroadcast v31, $0x0  }
0x307: {  	v32 =	vbroadcast v22, $0x0;
	v19 =	vshrl.u32 v24, $0x3;
	v12 =	vshrl.u32 v25, $0x3;
	v25 =	vld [tilespmem:s28+$0xFFFFFE10];
	[tilespmem:v18+s30+$0x0] =	vst.idx.msk $0xffff, v48  }
0x308: {  	v20 =	vbroadcast v26, $0x0;
	v13 =	vshll.u32 v27, v44;
	v33 =	vshll.u32 v12, v44;
	v9 =	vld [tilespmem:s28+$0x1C0];
	[tilespmem:v5+s30+$0x0] =	vst.idx.msk $0xffff, v8  }
0x309: {  	s24 =	smov.u32 s5;
	s5 =	sadd.s32 $0x10, s5;
	v16 =	vshll.u32 v19, v44;
	v48 =	vbroadcast v29, $0x0;
	[tilespmem:v10+s30+$0x0] =	vst.idx.msk $0xffff, v14;
	v10 =	vld [tilespmem:s28+$0xFFFFFE40];
	v39 =	vadd.s32 v3, v49  }
0x30a: {  	v5 =	vld [tilespmem:s28+$0x1F0];
	_ =	sdelay $0x4  }
0x30b: {  	[tilespmem:$0x1F0E0] =	vst v5  }
0x30c: {  	v8 =	vld [tilespmem:s28+$0xFFFFFE50];
	_ =	sdelay $0x4  }
0x30d: {  	[tilespmem:$0x1F110] =	vst v8  }
0x30e: {  	v24 =	vld [tilespmem:s28+$0xFFFFFE80];
	_ =	sdelay $0x4  }
0x30f: {  	[tilespmem:$0x1F130] =	vst v24  }
0x310: {  	v22 =	vld [tilespmem:s28+$0xFFFFFE90];
	_ =	sdelay $0x4  }
0x311: {  	[tilespmem:$0x1F140] =	vst v22  }
0x312: {  	v12 =	vld [tilespmem:s28+$0xFFFFFEC0];
	_ =	sdelay $0x4  }
0x313: {  	[tilespmem:$0x1F170] =	vst v12  }
0x314: {  	v56 =	vld [tilespmem:s28+$0xFFFFFED0];
	_ =	sdelay $0x4  }
0x315: {  	[tilespmem:$0x1F180] =	vst v56  }
0x316: {  	v36 =	vld [tilespmem:s28+$0xFFFFFF00];
	_ =	sdelay $0x4  }
0x317: {  	[tilespmem:$0x1F1B0] =	vst v36  }
0x318: {  	v14 =	vld [tilespmem:s28+$0xFFFFFF10];
	_ =	sdelay $0x4  }
0x319: {  	[tilespmem:$0x1F1C0] =	vst v14  }
0x31a: {  	v17 =	vld [tilespmem:s28+$0xFFFFFF40];
	_ =	sdelay $0x4  }
0x31b: {  	[tilespmem:$0x1F1F0] =	vst v17  }
0x31c: {  	v18 =	vld [tilespmem:s28+$0xFFFFFF50];
	_ =	sdelay $0x4  }
0x31d: {  	[tilespmem:$0x1F200] =	vst v18  }
0x31e: {  	v21 =	vld [tilespmem:s28+$0xFFFFFF80];
	_ =	sdelay $0x4  }
0x31f: {  	[tilespmem:$0x1F230] =	vst v21  }
0x320: {  	v45 =	vld [tilespmem:s28+$0xFFFFFF90];
	_ =	sdelay $0x4  }
0x321: {  	[tilespmem:$0x1F240] =	vst v45  }
0x322: {  	v63 =	vld [tilespmem:s28+$0xFFFFFFC0];
	_ =	sdelay $0x4  }
0x323: {  	[tilespmem:$0x1F270] =	vst v63  }
0x324: {  	v30 =	vld [tilespmem:s28+$0xFFFFFFD0];
	_ =	sdelay $0x4  }
0x325: {  	[tilespmem:$0x1F280] =	vst v30  }
0x326: {  	v60 =	vld [tilespmem:s28+$0x0];
	_ =	sdelay $0x4  }
0x327: {  	[tilespmem:$0x1F2B0] =	vst v60  }
0x328: {  	v27 =	vld [tilespmem:s28+$0x10];
	_ =	sdelay $0x4  }
0x329: {  	[tilespmem:$0x1F2C0] =	vst v27  }
0x32a: {  	v26 =	vld [tilespmem:s28+$0x40];
	_ =	sdelay $0x4  }
0x32b: {  	[tilespmem:$0x1F2F0] =	vst v26  }
0x32c: {  	v19 =	vld [tilespmem:s28+$0x50];
	_ =	sdelay $0x4  }
0x32d: {  	[tilespmem:$0x1F300] =	vst v19  }
0x32e: {  	v31 =	vld [tilespmem:s28+$0x80];
	_ =	sdelay $0x4  }
0x32f: {  	[tilespmem:$0x1F330] =	vst v31  }
0x330: {  	v28 =	vld [tilespmem:s28+$0x90];
	_ =	sdelay $0x4  }
0x331: {  	[tilespmem:$0x1F340] =	vst v28  }
0x332: {  	v53 =	vld [tilespmem:s28+$0xC0];
	_ =	sdelay $0x4  }
0x333: {  	[tilespmem:$0x1F370] =	vst v53  }
0x334: {  	v44 =	vld [tilespmem:s28+$0xD0];
	_ =	sdelay $0x4  }
0x335: {  	v4 =	vand.u32 $0x7FFFFFFF, v43;
	v3 =	vand.u32 $0x7FFFFFFF, v9;
	[tilespmem:$0x1F380] =	vst v44  }
0x336: {  	v3 =	vadd.f32 v4, v3;
	v38 =	vld [tilespmem:s28+$0x100]  }
0x337: {  	v4 =	vand.u32 $0x7FFFFFFF, v46  }
0x338: {  	v3 =	vadd.f32 v4, v3  }
0x339: {  	v4 =	vand.u32 $0x7FFFFFFF, v5  }
0x33a: {  	v3 =	vadd.f32 v4, v3;
	v4 =	vld [tilespmem:$0x1FE30]  }
0x33b: {  	[tilespmem:$0x1F3B0] =	vst v38  }
0x33c: {  	v37 =	vld [tilespmem:s28+$0x110];
	_ =	sdelay $0x2  }
0x33d: {  	v4 =	vperm.xlane v3, v4;
	_ =	sdelay $0x1  }
0x33e: {  	v3 =	vadd.f32 v3, v4;
	v4 =	vld [tilespmem:$0x1FFF0];
	[tilespmem:$0x1F3C0] =	vst v37  }
0x33f: {  	v5 =	vld [tilespmem:s28+$0x140];
	_ =	sdelay $0x3  }
0x340: {  	v4 =	vperm.xlane v3, v4  }
0x341: {  	[tilespmem:$0x1F3F0] =	vst v5  }
0x342: {  	v3 =	vadd.f32 v3, v4;
	v4 =	vld [tilespmem:s28+$0x150];
	_ =	sdelay $0x3  }
0x343: {  	v8 =	vand.u32 $0x7FFFFFFF, v8;
	v5 =	vand.u32 $0x7FFFFFFF, v10  }
0x344: {  	[tilespmem:$0x1F400] =	vst v4;
	v4 =	vadd.f32 v8, v5;
	_ =	sdelay $0x1  }
0x345: {  	[tilespmem:$0x1F060] =	vst v4  }
0x346: {  	v42 =	vld [tilespmem:s28+$0x180];
	_ =	sdelay $0x2  }
0x347: {  	v4 =	vld [tilespmem:$0x1FFE0]  }
0x348: {  	[tilespmem:$0x1F6C0] =	vst v10  }
0x349: {  	[tilespmem:$0x1F430] =	vst v42  }
0x34a: {  	v35 =	vld [tilespmem:s28+$0x190]  }
0x34b: {  	v5 =	vand.u32 $0x7FFFFFFF, v24;
	v8 =	vand.u32 $0x7FFFFFFF, v22  }
0x34c: {  	v10 =	vperm.xlane v3, v4;
	v4 =	vadd.f32 v8, v5;
	_ =	sdelay $0x1  }
0x34d: {  	[tilespmem:$0x1F070] =	vst v4  }
0x34e: {  	[tilespmem:$0x1F440] =	vst v35  }
0x34f: {  	v5 =	vld [tilespmem:s28+$0xFFFFFE00]  }
0x350: {  	v8 =	vand.u32 $0x7FFFFFFF, v12;
	v12 =	vand.u32 $0x7FFFFFFF, v56  }
0x351: {  	v4 =	vadd.f32 v12, v8;
	_ =	sdelay $0x1  }
0x352: {  	[tilespmem:$0x1F080] =	vst v4  }
0x353: {  	[tilespmem:$0x1F0F0] =	vst v5  }
0x354: {  	v34 =	vld [tilespmem:s28+$0xFFFFFE20];
	_ =	sdelay $0x4  }
0x355: {  	v3 =	vadd.f32 v3, v10;
	v8 =	vand.u32 $0x7FFFFFFF, v36;
	v10 =	vand.u32 $0x7FFFFFFF, v14;
	[tilespmem:$0x1F100] =	vst v34  }
0x356: {  	v4 =	vadd.f32 v10, v8;
	v29 =	vld [tilespmem:s28+$0xFFFFFE60]  }
0x357: {  	v14 =	vand.u32 $0x7FFFFFFF, v17;
	v17 =	vand.u32 $0x7FFFFFFF, v18  }
0x358: {  	[tilespmem:$0x1F090] =	vst v4;
	v4 =	vadd.f32 v17, v14;
	_ =	sdelay $0x1  }
0x359: {  	[tilespmem:$0x1F0A0] =	vst v4  }
0x35a: {  	[tilespmem:$0x1F120] =	vst v29  }
0x35b: {  	v24 =	vld [tilespmem:s28+$0xFFFFFEA0];
	_ =	sdelay $0x4  }
0x35c: {  	[tilespmem:$0x1F150] =	vst v24  }
0x35d: {  	v23 =	vld [tilespmem:s28+$0xFFFFFEE0]  }
0x35e: {  	v8 =	vand.u32 $0x7FFFFFFF, v21;
	v14 =	vand.u32 $0x7FFFFFFF, v45;
	v45 =	vld [tilespmem:$0x1FFA0]  }
0x35f: {  	v4 =	vadd.f32 v14, v8;
	_ =	sdelay $0x1  }
0x360: {  	[tilespmem:$0x1F0B0] =	vst v4  }
0x361: {  	[tilespmem:$0x1F190] =	vst v23  }
0x362: {  	v17 =	vperm.xlane v3, v45;
	v4 =	vld [tilespmem:s28+$0xFFFFFF20]  }
0x363: {  	v8 =	vand.u32 $0x7FFFFFFF, v63;
	v14 =	vand.u32 $0x7FFFFFFF, v30  }
0x364: {  	v56 =	vadd.f32 v14, v8;
	v8 =	vadd.f32 v3, v17;
	_ =	sdelay $0x1  }
0x365: {  	[tilespmem:$0x1F0D0] =	vst v8  }
0x366: {  	[tilespmem:$0x1F1D0] =	vst v4  }
0x367: {  	v18 =	vld [tilespmem:s28+$0xFFFFFF60];
	_ =	sdelay $0x4  }
0x368: {  	[tilespmem:$0x1F210] =	vst v18  }
0x369: {  	v14 =	vand.u32 $0x7FFFFFFF, v27;
	v22 =	vld [tilespmem:s28+$0xFFFFFFA0]  }
0x36a: {  	v27 =	vand.u32 $0x7FFFFFFF, v19;
	v3 =	vand.u32 $0x7FFFFFFF, v60;
	v17 =	vand.u32 $0x7FFFFFFF, v26  }
0x36b: {  	v63 =	vadd.f32 v14, v3;
	v3 =	vadd.f32 v27, v17;
	_ =	sdelay $0x1  }
0x36c: {  	[tilespmem:$0x1F0C0] =	vst v3  }
0x36d: {  	[tilespmem:$0x1F250] =	vst v22  }
0x36e: {  	v21 =	vld [tilespmem:s28+$0xFFFFFFE0];
	_ =	sdelay $0x4  }
0x36f: {  	[tilespmem:$0x1F290] =	vst v21  }
0x370: {  	v19 =	vld [tilespmem:s28+$0x20];
	_ =	sdelay $0x4  }
0x371: {  	[tilespmem:$0x1F2D0] =	vst v19  }
0x372: {  	v12 =	vld [tilespmem:s28+$0x60];
	_ =	sdelay $0x4  }
0x373: {  	[tilespmem:$0x1F310] =	vst v12  }
0x374: {  	v10 =	vld [tilespmem:s28+$0xA0];
	_ =	sdelay $0x4  }
0x375: {  	v3 =	vld [tilespmem:$0x1F3F0];
	[tilespmem:$0x1F350] =	vst v10  }
0x376: {  	v17 =	vand.u32 $0x7FFFFFFF, v28;
	v28 =	vadd.f32 $1.000000010e-07, v8;
	v8 =	vld [tilespmem:s28+$0xE0];
	_ =	sdelay $0x1  }
0x377: {  	v14 =	vand.u32 $0x7FFFFFFF, v31  }
0x378: {  	v36 =	vadd.f32 v17, v14;
	v14 =	vand.u32 $0x7FFFFFFF, v53;
	v17 =	vand.u32 $0x7FFFFFFF, v44  }
0x379: {  	v31 =	vand.u32 $0x7FFFFFFF, v37;
	v30 =	vadd.f32 v17, v14;
	v17 =	vand.u32 $0x7FFFFFFF, v38  }
0x37a: {  	v31 =	vadd.f32 v31, v17;
	v17 =	vand.u32 $0x7FFFFFFF, v3;
	v3 =	vld [tilespmem:$0x1F400];
	[tilespmem:$0x1F390] =	vst v8  }
0x37b: {  	v26 =	vld [tilespmem:s28+$0x120];
	_ =	sdelay $0x4  }
0x37c: {  	v37 =	vand.u32 $0x7FFFFFFF, v3;
	v3 =	vld [tilespmem:$0x1F060];
	[tilespmem:$0x1F3D0] =	vst v26  }
0x37d: {  	v44 =	vand.u32 $0x7FFFFFFF, v5;
	v5 =	vld [tilespmem:s28+$0x160]  }
0x37e: {  	v14 =	vand.u32 $0x7FFFFFFF, v25  }
0x37f: {  	v14 =	vadd.f32 v14, v44  }
0x380: {  	v37 =	vadd.f32 v37, v17;
	v17 =	vand.u32 $0x7FFFFFFF, v34  }
0x381: {  	v60 =	vadd.f32 v17, v14;
	v14 =	vand.u32 $0x7FFFFFFF, v29  }
0x382: {  	v53 =	vand.u32 $0x7FFFFFFF, v35;
	v35 =	vadd.f32 v14, v3;
	v3 =	vld [tilespmem:$0x1F070];
	[tilespmem:$0x1F410] =	vst v5  }
0x383: {  	v44 =	vld [tilespmem:s28+$0x1A0];
	_ =	sdelay $0x3  }
0x384: {  	v42 =	vand.u32 $0x7FFFFFFF, v42;
	v17 =	vand.u32 $0x7FFFFFFF, v24  }
0x385: {  	(erf) = vrcp.f32 v28;
	v28 =	vadd.f32 v53, v42;
	v53 =	vadd.f32 v17, v3;
	v3 =	vld [tilespmem:$0x1F080];
	[tilespmem:$0x1F450] =	vst v44  }
0x386: {  	v17 =	vand.u32 $0x7FFFFFFF, v23;
	v23 =	vld [tilespmem:s28+$0xFFFFFEB0]  }
0x387: {  	v14 =	vld [tilespmem:$0x1F090];
	_ =	sdelay $0x1  }
0x388: {  	v34 =	vld [tilespmem:s28+$0xFFFFFE30]  }
0x389: {  	v42 =	vld [tilespmem:s28+$0xFFFFFE70];
	[tilespmem:$0x1F680] =	vst v25  }
0x38a: {  	v27 =	vadd.f32 v17, v3;
	v3 =	vand.u32 $0x7FFFFFFF, v4;
	[tilespmem:$0x1F160] =	vst v23  }
0x38b: {  	v24 =	vadd.f32 v3, v14;
	v14 =	vld [tilespmem:s28+$0xFFFFFEF0];
	_ =	sdelay $0x1  }
0x38c: {  	v3 =	vld [tilespmem:$0x1F0A0];
	_ =	sdelay $0x2  }
0x38d: {  	[tilespmem:$0x1F1A0] =	vst v14  }
0x38e: {  	v4 =	vand.u32 $0x7FFFFFFF, v18;
	v17 =	vld [tilespmem:s28+$0xFFFFFF30]  }
0x38f: {  	v25 =	vadd.f32 v4, v3;
	v3 =	vld [tilespmem:$0x1F0B0];
	_ =	sdelay $0x3  }
0x390: {  	v18 =	vand.u32 $0x7FFFFFFF, v22;
	v4 =	vand.u32 $0x7FFFFFFF, v19;
	[tilespmem:$0x1F1E0] =	vst v17  }
0x391: {  	v19 =	vand.u32 $0x7FFFFFFF, v12;
	v18 =	vadd.f32 v18, v3;
	v3 =	vand.u32 $0x7FFFFFFF, v21;
	v12 =	vld [tilespmem:s28+$0xFFFFFF70]  }
0x392: {  	v56 =	vadd.f32 v3, v56;
	v3 =	vld [tilespmem:$0x1F0C0];
	_ =	sdelay $0x3  }
0x393: {  	[tilespmem:$0x1F220] =	vst v12  }
0x394: {  	v19 =	vadd.f32 v19, v3;
	v3 =	vand.u32 $0x7FFFFFFF, v10;
	v10 =	vld [tilespmem:s28+$0xFFFFFFB0];
	_ =	sdelay $0x4  }
0x395: {  	[tilespmem:$0x1F260] =	vst v10  }
0x396: {  	v38 =	vld [tilespmem:s28+$0xFFFFFFF0];
	_ =	sdelay $0x4  }
0x397: {  	[tilespmem:$0x1F2A0] =	vst v38  }
0x398: {  	v21 =	vadd.f32 v4, v63;
	v63 =	vadd.f32 v3, v36;
	v36 =	vld [tilespmem:s28+$0x30];
	_ =	sdelay $0x4  }
0x399: {  	[tilespmem:$0x1F2E0] =	vst v36  }
0x39a: {  	v3 =	vand.u32 $0x7FFFFFFF, v5;
	v5 =	vld [tilespmem:s28+$0x70];
	_ =	sdelay $0x4  }
0x39b: {  	v22 =	vand.u32 $0x7FFFFFFF, v34;
	[tilespmem:$0x1F320] =	vst v5  }
0x39c: {  	v60 =	vadd.f32 v22, v60;
	v22 =	vld [tilespmem:s28+$0xB0];
	_ =	sdelay $0x4  }
0x39d: {  	v4 =	vand.u32 $0x7FFFFFFF, v8;
	[tilespmem:$0x1F360] =	vst v22  }
0x39e: {  	v8 =	vadd.f32 v4, v30;
	v30 =	vld [tilespmem:s28+$0xF0];
	_ =	sdelay $0x4  }
0x39f: {  	v29 =	vand.u32 $0x7FFFFFFF, v26;
	[tilespmem:$0x1F3A0] =	vst v30  }
0x3a0: {  	v31 =	vadd.f32 v29, v31;
	v29 =	vld [tilespmem:s28+$0x130];
	_ =	sdelay $0x4  }
0x3a1: {  	v4 =	vand.u32 $0x7FFFFFFF, v44;
	[tilespmem:$0x1F3E0] =	vst v29  }
0x3a2: {  	v26 =	vadd.f32 v4, v28;
	v28 =	vld [tilespmem:s28+$0x170];
	_ =	sdelay $0x3  }
0x3a3: {  	v44 =	vadd.f32 v3, v37;
	v3 =	vand.u32 $0x7FFFFFFF, v42  }
0x3a4: {  	v37 =	vadd.f32 v3, v35;
	v35 =	vand.u32 $0x7FFFFFFF, v14;
	[tilespmem:$0x1F420] =	vst v28  }
0x3a5: {  	v35 =	vadd.f32 v35, v27;
	v27 =	vld [tilespmem:s28+$0x1B0];
	_ =	sdelay $0x3  }
0x3a6: {  	v4 =	vand.u32 $0x7FFFFFFF, v23  }
0x3a7: {  	v4 =	vadd.f32 v4, v53;
	v53 =	vand.u32 $0x7FFFFFFF, v17;
	[tilespmem:$0x1F460] =	vst v27  }
0x3a8: {  	v23 =	vadd.f32 v53, v24;
	v24 =	vand.u32 $0x7FFFFFFF, v10;
	[tilespmem:v58+s30+$0x0] =	vst.idx.msk $0xffff, v61  }
0x3a9: {  	v18 =	vadd.f32 v24, v18;
	v24 =	vand.u32 $0x7FFFFFFF, v38;
	v38 =	vld [tilespmem:$0x1FE30]  }
0x3aa: {  	v17 =	vadd.f32 v24, v56;
	v24 =	vand.u32 $0x7FFFFFFF, v5  }
0x3ab: {  	v19 =	vadd.f32 v24, v19;
	v24 =	vand.u32 $0x7FFFFFFF, v22  }
0x3ac: {  	v14 =	vadd.f32 v24, v63;
	v24 =	vand.u32 $0x7FFFFFFF, v29  }
0x3ad: {  	v24 =	vadd.f32 v24, v31;
	v31 =	vand.u32 $0x7FFFFFFF, v28  }
0x3ae: {  	v3 =	vand.u32 $0x7FFFFFFF, v12;
	v10 =	vadd.f32 v31, v44;
	v31 =	vperm.xlane v37, v38  }
0x3af: {  	v3 =	vadd.f32 v3, v25  }
0x3b0: {  	v25 =	vand.u32 $0x7FFFFFFF, v36;
	v5 =	vadd.f32 v37, v31;
	v31 =	vperm.xlane v35, v38  }
0x3b1: {  	v21 =	vadd.f32 v25, v21  }
0x3b2: {  	v25 =	vand.u32 $0x7FFFFFFF, v30;
	[tilespmem:v62+s30+$0x0] =	vst.idx.msk $0xffff, v59;
	v12 =	vadd.f32 v35, v31;
	v31 =	vperm.xlane v17, v38  }
0x3b3: {  	v8 =	vadd.f32 v25, v8;
	v22 =	vand.u32 $0x7FFFFFFF, v27;
	v25 =	vperm.xlane v60, v38;
	v35 =	vld [tilespmem:$0x1FFF0]  }
0x3b4: {  	v36 =	vperm.xlane v4, v38;
	v17 =	vadd.f32 v17, v31;
	v31 =	vperm.xlane v19, v38  }
0x3b5: {  	v26 =	vadd.f32 v22, v26;
	v44 =	vperm.xlane v23, v38;
	v53 =	vperm.xlane v3, v38  }
0x3b6: {  	v25 =	vadd.f32 v60, v25;
	v19 =	vadd.f32 v19, v31;
	v31 =	vperm.xlane v10, v38  }
0x3b7: {  	v4 =	vadd.f32 v4, v36;
	v36 =	vperm.xlane v18, v38;
	v37 =	vperm.xlane v21, v38  }
0x3b8: {  	v23 =	vadd.f32 v23, v44;
	v10 =	vadd.f32 v10, v31;
	v31 =	vperm.xlane v25, v35  }
0x3b9: {  	v44 =	vperm.xlane v14, v38;
	v21 =	vadd.f32 v21, v37;
	v22 =	vperm.xlane v5, v35  }
0x3ba: {  	v18 =	vadd.f32 v18, v36;
	v25 =	vadd.f32 v25, v31;
	v31 =	vperm.xlane v23, v35  }
0x3bb: {  	v56 =	vperm.xlane v24, v38;
	v5 =	vadd.f32 v5, v22;
	v22 =	vperm.xlane v21, v35  }
0x3bc: {  	v14 =	vadd.f32 v14, v44;
	v23 =	vadd.f32 v23, v31;
	v31 =	vperm.xlane v18, v35  }
0x3bd: {  	v3 =	vadd.f32 v3, v53;
	v53 =	vperm.xlane v8, v38;
	v21 =	vadd.f32 v21, v22;
	v22 =	vld [tilespmem:$0x1FFE0]  }
0x3be: {  	v24 =	vadd.f32 v24, v56;
	v18 =	vadd.f32 v18, v31;
	v31 =	vperm.xlane v14, v35  }
0x3bf: {  	v8 =	vadd.f32 v8, v53;
	v36 =	vperm.xlane v4, v35  }
0x3c0: {  	v37 =	vperm.xlane v12, v35;
	v14 =	vadd.f32 v14, v31;
	v31 =	vperm.xlane v24, v35  }
0x3c1: {  	v44 =	vperm.xlane v3, v35;
	v53 =	vperm.xlane v17, v35;
	v4 =	vadd.f32 v4, v36  }
0x3c2: {  	v12 =	vadd.f32 v12, v37;
	v24 =	vadd.f32 v24, v31;
	v31 =	vperm.xlane v5, v22  }
0x3c3: {  	v36 =	vperm.xlane v19, v35;
	v17 =	vadd.f32 v17, v53;
	[tilespmem:v52+s30+$0x0] =	vst.idx.msk $0xffff, v51  }
0x3c4: {  	v27 =	vld [tilespmem:$0x1F0D0];
	[tilespmem:v40+s30+$0x0] =	vst.idx.msk $0xffff, v50;
	v5 =	vadd.f32 v5, v31;
	v31 =	vperm.xlane v12, v22  }
0x3c5: {  	v3 =	vadd.f32 v3, v44;
	v44 =	vperm.xlane v10, v35;
	v58 =	vld [tilespmem:$0x1FDE0]  }
0x3c6: {  	v19 =	vadd.f32 v19, v36;
	v59 =	vld [tilespmem:$0x1FDF0];
	v12 =	vadd.f32 v12, v31;
	v31 =	vperm.xlane v17, v22  }
0x3c7: {  	v10 =	vadd.f32 v10, v44  }
0x3c8: {  	v17 =	vadd.f32 v17, v31;
	v31 =	vperm.xlane v19, v22  }
0x3c9: {  	v63 =	vperm.xlane v26, v38;
	v30 =	vperm.xlane v10, v22  }
0x3ca: {  	v19 =	vadd.f32 v19, v31;
	v31 =	vbroadcast v33, $0x0;
	v33 =	vadd.s32 v58, v49  }
0x3cb: {  	v26 =	vadd.f32 v26, v63;
	v10 =	vadd.f32 v10, v30;
	v30 =	vadd.s32 v59, v49;
	_ =	sdelay $0x1  }
0x3cc: {  	v37 =	vperm.xlane v8, v35;
	v53 =	vperm.xlane v26, v35;
	[tilespmem:v39+s30+$0x0] =	vst.idx.msk $0xffff, v11  }
0x3cd: {  	v60 =	vld [tilespmem:$0x1FE00]  }
0x3ce: {  	v8 =	vadd.f32 v8, v37;
	v26 =	vadd.f32 v26, v53;
	v61 =	vld [tilespmem:$0x1FE10];
	[tilespmem:v33+s30+$0x0] =	vst.idx.msk $0xffff, v47  }
0x3cf: {  	v37 =	vperm.xlane v4, v22;
	v53 =	vperm.xlane v3, v22;
	vm0 =	vgt.f32 v27, $1.000000000e+00;
	v27 =	vld [tilespmem:$0x1F0E0];
	[tilespmem:v30+s30+$0x0] =	vst.idx.msk $0xffff, v6  }
0x3d0: {  	v36 =	vperm.xlane v25, v22;
	v62 =	vld [tilespmem:$0x1FEA0]  }
0x3d1: {  	v44 =	vperm.xlane v23, v22;
	v4 =	vadd.f32 v4, v37;
	v3 =	vadd.f32 v3, v53  }
0x3d2: {  	v37 =	vperm.xlane v21, v22;
	v53 =	vperm.xlane v8, v22;
	v56 =	vadd.s32 v60, v31  }
0x3d3: {  	v25 =	vadd.f32 v25, v36;
	v23 =	vadd.f32 v23, v44;
	v51 =	vadd.s32 v61, v31  }
0x3d4: {  	v44 =	vperm.xlane v14, v22;
	v21 =	vadd.f32 v21, v37;
	v8 =	vadd.f32 v8, v53  }
0x3d5: {  	v37 =	vperm.xlane v26, v22;
	v53 =	vperm.xlane v25, v45;
	v6 =	vadd.s32 v62, v31  }
0x3d6: {  	v52 =	vpop (erf);
	v14 =	vadd.f32 v14, v44  }
0x3d7: {  	v11 =	vadd.f32 v26, v37;
	v26 =	vnsel vm0, $0x3F800000, v52;
	v25 =	vadd.f32 v25, v53;
	[tilespmem:v56+s30+$0x0] =	vst.idx.msk $0xffff, v7  }
0x3d8: {  	v9 =	vmul.f32 v26, v9;
	v43 =	vmul.f32 v26, v43;
	v29 =	vld [tilespmem:$0x1FED0];
	[tilespmem:v51+s30+$0x0] =	vst.idx.msk $0xffff, v2  }
0x3d9: {  	v44 =	vmul.f32 v26, v46;
	v52 =	vadd.f32 $1.000000010e-07, v25;
	v26 =	vmul.f32 v26, v27;
	v27 =	vld [tilespmem:$0x1FEB0]  }
0x3da: {  	s5 =	sadd.s32 $0xF, s24;
	[tilespmem:v6+s30+$0x0] =	vst.idx.msk $0xffff, v1  }
0x3db: {  	(erf) = vrcp.f32 v52;
	v30 =	vmov s5;
	v52 =	vld [tilespmem:$0x1FE40]  }
0x3dc: {  	v7 =	vshrl.u32 v30, $0x3;
	v30 =	vperm.xlane v12, v45;
	v51 =	vld [tilespmem:$0x1FE20]  }
0x3dd: {  	v50 =	vperm.xlane v5, v45;
	v7 =	vshll.u32 v7, v29;
	v47 =	vld [tilespmem:$0x1FDC0]  }
0x3de: {  	v2 =	vadd.f32 v12, v30;
	v7 =	vbroadcast v7, $0x0;
	v12 =	vadd.s32 v27, v31;
	v28 =	vld [tilespmem:$0x1FDD0]  }
0x3df: {  	v30 =	vperm.xlane v3, v45  }
0x3e0: {  	v5 =	vadd.f32 v5, v50;
	v6 =	vperm.xlane v17, v45;
	v1 =	vadd.s32 v52, v7  }
0x3e1: {  	vm1 =	vgt.f32 v25, $1.000000000e+00;
	v25 =	vadd.f32 v3, v30;
	v3 =	vadd.s32 v51, v7  }
0x3e2: {  	vm10 =	vgt.f32 v5, $1.000000000e+00;
	v17 =	vadd.f32 v17, v6;
	v6 =	vadd.s32 v47, v7  }
0x3e3: {  	[tilespmem:v12+s30+$0x0] =	vst.idx.msk $0xffff, v0;
	v0 =	vadd.f32 $1.000000010e-07, v5;
	v5 =	vperm.xlane v21, v45;
	v7 =	vadd.s32 v28, v7;
	_ =	sdelay $0x1  }
0x3e4: {  	v39 =	vld [tilespmem:$0x1FFD0];
	[tilespmem:v1+s30+$0x0] =	vst.idx.msk $0xffff, v9  }
0x3e5: {  	v33 =	vld [tilespmem:$0x1FEC0];
	[tilespmem:v3+s30+$0x0] =	vst.idx.msk $0xffff, v43  }
0x3e6: {  	v36 =	vperm.xlane v18, v22;
	v1 =	vadd.f32 v21, v5;
	v5 =	vpop (erf);
	[tilespmem:v6+s30+$0x0] =	vst.idx.msk $0xffff, v44  }
0x3e7: {  	v3 =	vnsel vm1, $0x3F800000, v5;
	v5 =	vld [tilespmem:$0x1F0F0];
	[tilespmem:v7+s30+$0x0] =	vst.idx.msk $0xffff, v26  }
0x3e8: {  	v18 =	vadd.f32 v18, v36;
	v6 =	vld [tilespmem:$0x1F680]  }
0x3e9: {  	v53 =	vperm.xlane v4, v45;
	v12 =	vadd.s32 v39, v32  }
0x3ea: {  	v31 =	vperm.xlane v18, v45;
	(erf) = vrcp.f32 v0;
	v0 =	vadd.s32 v33, v32  }
0x3eb: {  	v4 =	vadd.f32 v4, v53  }
0x3ec: {  	v18 =	vadd.f32 v18, v31;
	v31 =	vperm.xlane v14, v45;
	v5 =	vmul.f32 v3, v5  }
0x3ed: {  	v6 =	vmul.f32 v3, v6  }
0x3ee: {  	vm11 =	vgt.f32 v4, $1.000000000e+00;
	v4 =	vadd.f32 $1.000000010e-07, v4;
	v9 =	vadd.f32 v14, v31;
	v31 =	vld [tilespmem:$0x1FFC0];
	[tilespmem:v12+s30+$0x0] =	vst.idx.msk $0xffff, v5  }
0x3ef: {  	vm2 =	vgt.f32 v2, $1.000000000e+00;
	v7 =	vadd.f32 $1.000000010e-07, v2;
	v2 =	vperm.xlane v8, v45;
	[tilespmem:v0+s30+$0x0] =	vst.idx.msk $0xffff, v6  }
0x3f0: {  	(erf) = vrcp.f32 v4;
	v4 =	vld [tilespmem:$0x1FFB0]  }
0x3f1: {  	v8 =	vadd.f32 v8, v2;
	v2 =	vld [tilespmem:$0x1F100];
	_ =	sdelay $0x1  }
0x3f2: {  	v14 =	vadd.s32 v31, v32;
	_ =	sdelay $0x1  }
0x3f3: {  	v56 =	vperm.xlane v23, v45;
	v0 =	vadd.s32 v4, v32  }
0x3f4: {  	v2 =	vmul.f32 v3, v2  }
0x3f5: {  	v23 =	vadd.f32 v23, v56  }
0x3f6: {  	v5 =	vmul.f32 v3, v34;
	[tilespmem:v14+s30+$0x0] =	vst.idx.msk $0xffff, v2  }
0x3f7: {  	v3 =	vperm.xlane v10, v45;
	v2 =	vadd.f32 $1.000000010e-07, v23;
	v50 =	vld [tilespmem:$0x1FEE0]  }
0x3f8: {  	v36 =	vperm.xlane v24, v22;
	(erf) = vrcp.f32 v7;
	v44 =	vld [tilespmem:$0x1FEF0];
	[tilespmem:v0+s30+$0x0] =	vst.idx.msk $0xffff, v5  }
0x3f9: {  	v6 =	vadd.f32 v10, v3;
	v10 =	vpop (erf);
	(erf) = vrcp.f32 v2;
	v49 =	vld [tilespmem:$0x1FF00]  }
0x3fa: {  	v24 =	vadd.f32 v24, v36;
	v36 =	vld [tilespmem:$0x1FF10]  }
0x3fb: {  	v3 =	vld [tilespmem:$0x1F6C0];
	_ =	sdelay $0x3  }
0x3fc: {  	v0 =	vnsel vm10, $0x3F800000, v10  }
0x3fd: {  	v10 =	vmul.f32 v0, v3;
	v3 =	vld [tilespmem:$0x1F110]  }
0x3fe: {  	v32 =	vmov v4;
	v4 =	vperm.xlane v24, v45;
	_ =	sdelay $0x1  }
0x3ff: {  	v7 =	vadd.f32 v24, v4;
	v4 =	vperm.xlane v11, v45;
	_ =	sdelay $0x1  }
0x400: {  	v37 =	vadd.f32 v11, v4;
	v12 =	vadd.s32 v50, v20;
	v11 =	vmul.f32 v0, v3;
	v3 =	vld [tilespmem:$0x1F120]  }
0x401: {  	v4 =	vadd.s32 v44, v20  }
0x402: {  	v2 =	vadd.s32 v49, v20;
	_ =	sdelay $0x2  }
0x403: {  	v5 =	vadd.s32 v36, v20;
	v20 =	vld [tilespmem:$0x1FDB0];
	[tilespmem:v12+s30+$0x0] =	vst.idx.msk $0xffff, v10;
	v14 =	vmul.f32 v0, v3  }
0x404: {  	v40 =	vld [tilespmem:$0x1FF20];
	[tilespmem:v4+s30+$0x0] =	vst.idx.msk $0xffff, v11  }
0x405: {  	v43 =	vld [tilespmem:$0x1FF30];
	[tilespmem:v2+s30+$0x0] =	vst.idx.msk $0xffff, v14  }
0x406: {  	v3 =	vld [tilespmem:$0x1F130];
	_ =	sdelay $0x1  }
0x407: {  	v20 =	vadd.s32 v20, v54  }
0x408: {  	v63 =	vpop (erf);
	v10 =	vadd.f32 $1.000000010e-07, v25;
	v0 =	vmul.f32 v0, v42  }
0x409: {  	v4 =	vnsel vm11, $0x3F800000, v63  }
0x40a: {  	(erf) = vrcp.f32 v10;
	v63 =	vld [tilespmem:$0x1FF40];
	[tilespmem:v5+s30+$0x0] =	vst.idx.msk $0xffff, v0;
	v10 =	vmul.f32 v4, v3  }
0x40b: {  	v0 =	vld [tilespmem:$0x1F140]  }
0x40c: {  	v46 =	vld [tilespmem:$0x1FF50];
	[tilespmem:v20+s30+$0x0] =	vst.idx.msk $0xffff, v10  }
0x40d: {  	v3 =	vld [tilespmem:$0x1F150];
	_ =	sdelay $0x2  }
0x40e: {  	v12 =	vadd.s32 v40, v54  }
0x40f: {  	v11 =	vadd.s32 v43, v54  }
0x410: {  	v10 =	vmul.f32 v4, v3;
	v3 =	vld [tilespmem:$0x1F160]  }
0x411: {  	v0 =	vmul.f32 v4, v0;
	_ =	sdelay $0x1  }
0x412: {  	[tilespmem:v12+s30+$0x0] =	vst.idx.msk $0xffff, v0  }
0x413: {  	[tilespmem:v11+s30+$0x0] =	vst.idx.msk $0xffff, v10  }
0x414: {  	v4 =	vmul.f32 v4, v3;
	v3 =	vld [tilespmem:$0x1F170]  }
0x415: {  	v2 =	vadd.s32 v63, v54  }
0x416: {  	v5 =	vadd.s32 v46, v48  }
0x417: {  	v14 =	vpop (erf)  }
0x418: {  	v12 =	vbroadcast v13, $0x0;
	v13 =	vnsel vm2, $0x3F800000, v14  }
0x419: {  	v11 =	vmul.f32 v13, v3  }
0x41a: {  	[tilespmem:v2+s30+$0x0] =	vst.idx.msk $0xffff, v4  }
0x41b: {  	[tilespmem:v5+s30+$0x0] =	vst.idx.msk $0xffff, v11  }
0x41c: {  	v3 =	vld [tilespmem:$0x1F180];
	_ =	sdelay $0x1  }
0x41d: {  	v54 =	vld [tilespmem:$0x1FF60]  }
0x41e: {  	v53 =	vld [tilespmem:$0x1FF70]  }
0x41f: {  	v2 =	vbroadcast v57, $0x0;
	v57 =	vld [tilespmem:$0x1FF80]  }
0x420: {  	v34 =	vadd.f32 $1.000000010e-07, v18;
	v0 =	vbroadcast v15, $0x0;
	v15 =	vmul.f32 v13, v3;
	v3 =	vld [tilespmem:$0x1F190]  }
0x421: {  	v14 =	vadd.f32 $1.000000010e-07, v17;
	v56 =	vld [tilespmem:$0x1FF90]  }
0x422: {  	(erf) = vrcp.f32 v34;
	v10 =	vbroadcast v55, $0x0;
	v55 =	vld [tilespmem:$0x1FE50]  }
0x423: {  	(erf) = vrcp.f32 v14;
	v34 =	vld [tilespmem:$0x1FE80]  }
0x424: {  	v5 =	vadd.s32 v54, v48;
	v11 =	vadd.s32 v53, v48;
	v14 =	vadd.s32 v57, v48;
	v48 =	vld [tilespmem:$0x1FE70]  }
0x425: {  	v4 =	vbroadcast v16, $0x0;
	v16 =	vmul.f32 v13, v3;
	v3 =	vld [tilespmem:$0x1F1A0];
	_ =	sdelay $0x2  }
0x426: {  	vm13 =	vgt.f32 v18, $1.000000000e+00;
	vm14 =	vgt.f32 v17, $1.000000000e+00;
	v17 =	vadd.s32 v56, v41  }
0x427: {  	v20 =	vadd.s32 v55, v41;
	v21 =	vadd.s32 v34, v41;
	v18 =	vadd.s32 v48, v41;
	v41 =	vld [tilespmem:$0x1FE90]  }
0x428: {  	v13 =	vmul.f32 v13, v3;
	v3 =	vld [tilespmem:$0x1FE60];
	[tilespmem:v5+s30+$0x0] =	vst.idx.msk $0xffff, v15  }
0x429: {  	[tilespmem:v11+s30+$0x0] =	vst.idx.msk $0xffff, v16  }
0x42a: {  	v15 =	vld [tilespmem:$0x1F1B0];
	_ =	sdelay $0x2  }
0x42b: {  	vm3 =	vgt.f32 v23, $1.000000000e+00;
	v26 =	vpop (erf)  }
0x42c: {  	v5 =	vnsel vm3, $0x3F800000, v26  }
0x42d: {  	v15 =	vmul.f32 v5, v15  }
0x42e: {  	[tilespmem:v14+s30+$0x0] =	vst.idx.msk $0xffff, v13  }
0x42f: {  	[tilespmem:v17+s30+$0x0] =	vst.idx.msk $0xffff, v15  }
0x430: {  	v15 =	vld [tilespmem:$0x1F1C0]  }
0x431: {  	v16 =	vld [tilespmem:$0x1F1D0];
	_ =	sdelay $0x1  }
0x432: {  	v17 =	vld [tilespmem:$0x1F1E0];
	_ =	sdelay $0x1  }
0x433: {  	v15 =	vmul.f32 v5, v15  }
0x434: {  	v16 =	vmul.f32 v5, v16  }
0x435: {  	[tilespmem:v18+s30+$0x0] =	vst.idx.msk $0xffff, v15  }
0x436: {  	v5 =	vmul.f32 v5, v17;
	[tilespmem:v20+s30+$0x0] =	vst.idx.msk $0xffff, v16  }
0x437: {  	v20 =	vld [tilespmem:$0x1F1F0]  }
0x438: {  	[tilespmem:v21+s30+$0x0] =	vst.idx.msk $0xffff, v5  }
0x439: {  	v30 =	vperm.xlane v19, v45;
	v23 =	vadd.s32 v3, v0;
	v21 =	vld [tilespmem:$0x1F200]  }
0x43a: {  	vm12 =	vgt.f32 v25, $1.000000000e+00;
	v26 =	vpop (erf)  }
0x43b: {  	v19 =	vadd.f32 v19, v30;
	v24 =	vadd.s32 v41, v0;
	v15 =	vnsel vm12, $0x3F800000, v26  }
0x43c: {  	vm4 =	vgt.f32 v1, $1.000000000e+00;
	v1 =	vadd.f32 $1.000000010e-07, v1;
	v20 =	vmul.f32 v15, v20  }
0x43d: {  	v11 =	vadd.f32 $1.000000010e-07, v19  }
0x43e: {  	(erf) = vrcp.f32 v1;
	v16 =	vadd.f32 $1.000000010e-07, v9;
	v21 =	vmul.f32 v15, v21;
	[tilespmem:v23+s30+$0x0] =	vst.idx.msk $0xffff, v20  }
0x43f: {  	(erf) = vrcp.f32 v11;
	v23 =	vld [tilespmem:$0x1F210]  }
0x440: {  	(erf) = vrcp.f32 v16;
	v16 =	vld [tilespmem:$0x1F220];
	[tilespmem:v24+s30+$0x0] =	vst.idx.msk $0xffff, v21  }
0x441: {  	v25 =	vadd.s32 v58, v0;
	v21 =	vld [tilespmem:$0x1F230]  }
0x442: {  	v0 =	vadd.s32 v59, v0  }
0x443: {  	v1 =	vadd.s32 v60, v12;
	v5 =	vadd.f32 $1.000000010e-07, v7  }
0x444: {  	vm5 =	vgt.f32 v9, $1.000000000e+00;
	v26 =	vadd.f32 $1.000000010e-07, v8;
	v9 =	vpop (erf);
	v23 =	vmul.f32 v15, v23  }
0x445: {  	v9 =	vnsel vm13, $0x3F800000, v9;
	v15 =	vmul.f32 v15, v16  }
0x446: {  	(erf) = vrcp.f32 v26;
	v21 =	vmul.f32 v9, v21;
	[tilespmem:v25+s30+$0x0] =	vst.idx.msk $0xffff, v23  }
0x447: {  	(erf) = vrcp.f32 v5;
	v5 =	vpop (erf);
	v24 =	vld [tilespmem:$0x1F240];
	[tilespmem:v0+s30+$0x0] =	vst.idx.msk $0xffff, v15  }
0x448: {  	v0 =	vnsel vm14, $0x3F800000, v5;
	v5 =	vld [tilespmem:$0x1F250];
	[tilespmem:v1+s30+$0x0] =	vst.idx.msk $0xffff, v21  }
0x449: {  	vm8 =	vgt.f32 v8, $1.000000000e+00;
	v13 =	vadd.s32 v61, v12;
	v8 =	vld [tilespmem:$0x1F260];
	_ =	sdelay $0x1  }
0x44a: {  	v14 =	vadd.s32 v62, v12  }
0x44b: {  	v24 =	vmul.f32 v9, v24;
	_ =	sdelay $0x1  }
0x44c: {  	v5 =	vmul.f32 v9, v5;
	v8 =	vmul.f32 v9, v8;
	v9 =	vld [tilespmem:$0x1F270];
	[tilespmem:v13+s30+$0x0] =	vst.idx.msk $0xffff, v24  }
0x44d: {  	v13 =	vld [tilespmem:$0x1F280]  }
0x44e: {  	v15 =	vld [tilespmem:$0x1F290];
	[tilespmem:v14+s30+$0x0] =	vst.idx.msk $0xffff, v5  }
0x44f: {  	vm9 =	vgt.f32 v7, $1.000000000e+00;
	v12 =	vadd.s32 v27, v12;
	v7 =	vld [tilespmem:$0x1F2A0];
	_ =	sdelay $0x1  }
0x450: {  	v11 =	vadd.s32 v52, v10;
	_ =	sdelay $0x1  }
0x451: {  	v9 =	vmul.f32 v0, v9;
	v13 =	vmul.f32 v0, v13  }
0x452: {  	v15 =	vmul.f32 v0, v15;
	v0 =	vmul.f32 v0, v7;
	v7 =	vld [tilespmem:$0x1F2B0];
	[tilespmem:v12+s30+$0x0] =	vst.idx.msk $0xffff, v8  }
0x453: {  	v8 =	vld [tilespmem:$0x1F2C0]  }
0x454: {  	v12 =	vld [tilespmem:$0x1F2D0];
	[tilespmem:v11+s30+$0x0] =	vst.idx.msk $0xffff, v9  }
0x455: {  	v30 =	vadd.f32 $1.000000010e-07, v6;
	vm10 =	vgt.f32 v6, $1.000000000e+00;
	v17 =	vadd.s32 v51, v10;
	v6 =	vld [tilespmem:$0x1F2E0]  }
0x456: {  	vm15 =	vgt.f32 v19, $1.000000000e+00;
	v19 =	vadd.s32 v47, v10  }
0x457: {  	v10 =	vadd.s32 v28, v10;
	v1 =	vpop (erf)  }
0x458: {  	v18 =	vadd.s32 v39, v2;
	v1 =	vnsel vm4, $0x3F800000, v1  }
0x459: {  	v7 =	vmul.f32 v1, v7;
	v8 =	vmul.f32 v1, v8  }
0x45a: {  	v12 =	vmul.f32 v1, v12;
	v1 =	vmul.f32 v1, v6;
	v6 =	vld [tilespmem:$0x1F2F0];
	[tilespmem:v17+s30+$0x0] =	vst.idx.msk $0xffff, v13  }
0x45b: {  	v9 =	vld [tilespmem:$0x1F300];
	[tilespmem:v19+s30+$0x0] =	vst.idx.msk $0xffff, v15  }
0x45c: {  	s23 =	sadd.s32 $0xA, s24;
	v5 =	vpop (erf);
	v14 =	vld [tilespmem:$0x1F310];
	[tilespmem:v10+s30+$0x0] =	vst.idx.msk $0xffff, v0  }
0x45d: {  	v16 =	vadd.s32 v33, v2;
	v11 =	vmov s23;
	v13 =	vpop (erf);
	[tilespmem:v18+s30+$0x0] =	vst.idx.msk $0xffff, v7  }
0x45e: {  	v42 =	vadd.s32 v31, v2;
	v10 =	vshrl.u32 v11, $0x3;
	v11 =	vnsel vm5, $0x3F800000, v13;
	v13 =	vld [tilespmem:$0x1F320]  }
0x45f: {  	v2 =	vadd.s32 v32, v2;
	_ =	sdelay $0x1  }
0x460: {  	v5 =	vnsel vm15, $0x3F800000, v5;
	v0 =	vadd.s32 v50, v4  }
0x461: {  	[tilespmem:v16+s30+$0x0] =	vst.idx.msk $0xffff, v8;
	v6 =	vmul.f32 v5, v6;
	v9 =	vmul.f32 v5, v9  }
0x462: {  	v14 =	vmul.f32 v5, v14;
	v5 =	vmul.f32 v5, v13;
	v13 =	vld [tilespmem:$0x1F330];
	[tilespmem:v42+s30+$0x0] =	vst.idx.msk $0xffff, v12  }
0x463: {  	v7 =	vadd.s32 v44, v4;
	v16 =	vld [tilespmem:$0x1F340];
	[tilespmem:v2+s30+$0x0] =	vst.idx.msk $0xffff, v1  }
0x464: {  	v1 =	vld [tilespmem:$0x1FDB0]  }
0x465: {  	v8 =	vadd.s32 v49, v4  }
0x466: {  	v10 =	vshll.u32 v10, v29  }
0x467: {  	s22 =	sadd.s32 $0xB, s24;
	v10 =	vbroadcast v10, $0x0;
	[tilespmem:v0+s30+$0x0] =	vst.idx.msk $0xffff, v6  }
0x468: {  	v15 =	vmov s22;
	v4 =	vadd.s32 v36, v4;
	v6 =	vld [tilespmem:$0x1F350];
	[tilespmem:v7+s30+$0x0] =	vst.idx.msk $0xffff, v9  }
0x469: {  	v2 =	vshrl.u32 v15, $0x3;
	v9 =	vld [tilespmem:$0x1F360];
	v1 =	vadd.s32 v1, v10  }
0x46a: {  	v0 =	vadd.s32 v40, v10;
	v2 =	vshll.u32 v2, v29;
	[tilespmem:v8+s30+$0x0] =	vst.idx.msk $0xffff, v14  }
0x46b: {  	v7 =	vadd.s32 v43, v10;
	v2 =	vbroadcast v2, $0x0;
	v8 =	vadd.s32 v63, v10;
	v10 =	vld [tilespmem:$0x1F370]  }
0x46c: {  	v13 =	vmul.f32 v11, v13  }
0x46d: {  	s23 =	sadd.s32 $0xC, s24;
	v16 =	vmul.f32 v11, v16;
	[tilespmem:v4+s30+$0x0] =	vst.idx.msk $0xffff, v5;
	v4 =	vadd.s32 v46, v2  }
0x46e: {  	v12 =	vpop (erf);
	v6 =	vmul.f32 v11, v6;
	v9 =	vmul.f32 v11, v9;
	v11 =	vmov s23;
	[tilespmem:v1+s30+$0x0] =	vst.idx.msk $0xffff, v13  }
0x46f: {  	v12 =	vnsel vm8, $0x3F800000, v12;
	v5 =	vshrl.u32 v11, $0x3;
	v11 =	vld [tilespmem:$0x1F380];
	[tilespmem:v0+s30+$0x0] =	vst.idx.msk $0xffff, v16  }
0x470: {  	v10 =	vmul.f32 v12, v10;
	v13 =	vld [tilespmem:$0x1F390];
	[tilespmem:v7+s30+$0x0] =	vst.idx.msk $0xffff, v6  }
0x471: {  	v7 =	vld [tilespmem:$0x1F3A0];
	[tilespmem:v8+s30+$0x0] =	vst.idx.msk $0xffff, v9  }
0x472: {  	v5 =	vshll.u32 v5, v29;
	v1 =	vadd.s32 v54, v2;
	[tilespmem:v4+s30+$0x0] =	vst.idx.msk $0xffff, v10  }
0x473: {  	v5 =	vbroadcast v5, $0x0;
	v0 =	vadd.s32 v53, v2;
	v10 =	vld [tilespmem:$0x1F3B0]  }
0x474: {  	v2 =	vadd.s32 v57, v2  }
0x475: {  	s22 =	sadd.s32 $0xD, s24;
	v8 =	vadd.s32 v56, v5;
	v11 =	vmul.f32 v12, v11  }
0x476: {  	v14 =	vmov s22;
	v6 =	vpop (erf);
	v13 =	vmul.f32 v12, v13  }
0x477: {  	v9 =	vshrl.u32 v14, $0x3;
	v6 =	vnsel vm9, $0x3F800000, v6;
	v7 =	vmul.f32 v12, v7;
	[tilespmem:v1+s30+$0x0] =	vst.idx.msk $0xffff, v11  }
0x478: {  	v9 =	vshll.u32 v9, v29;
	v10 =	vmul.f32 v6, v10;
	v11 =	vld [tilespmem:$0x1F3C0];
	[tilespmem:v0+s30+$0x0] =	vst.idx.msk $0xffff, v13  }
0x479: {  	v9 =	vbroadcast v9, $0x0;
	v13 =	vld [tilespmem:$0x1F3D0];
	[tilespmem:v2+s30+$0x0] =	vst.idx.msk $0xffff, v7  }
0x47a: {  	(erf) = vrcp.f32 v30;
	v4 =	vadd.s32 v48, v5;
	[tilespmem:v8+s30+$0x0] =	vst.idx.msk $0xffff, v10  }
0x47b: {  	v2 =	vadd.s32 v3, v9;
	v3 =	vld [tilespmem:$0x1F3E0];
	_ =	sdelay $0x1  }
0x47c: {  	v11 =	vmul.f32 v6, v11;
	_ =	sdelay $0x1  }
0x47d: {  	v1 =	vadd.s32 v55, v5;
	[tilespmem:v4+s30+$0x0] =	vst.idx.msk $0xffff, v11  }
0x47e: {  	v13 =	vmul.f32 v6, v13;
	v6 =	vmul.f32 v6, v3;
	v3 =	vld [tilespmem:$0x1F3F0];
	_ =	sdelay $0x2  }
0x47f: {  	v0 =	vadd.s32 v34, v5;
	v5 =	vpop (erf)  }
0x480: {  	v5 =	vnsel vm10, $0x3F800000, v5;
	[tilespmem:v1+s30+$0x0] =	vst.idx.msk $0xffff, v13  }
0x481: {  	v20 =	vadd.f32 $1.000000010e-07, v37;
	v10 =	vmul.f32 v5, v3;
	v3 =	vld [tilespmem:$0x1F400];
	_ =	sdelay $0x1  }
0x482: {  	(erf) = vrcp.f32 v20;
	v8 =	vadd.s32 v41, v9;
	_ =	sdelay $0x1  }
0x483: {  	s23 =	sadd.s32 $0xE, s24;
	v4 =	vadd.s32 v58, v9  }
0x484: {  	v12 =	vmov s23;
	v1 =	vadd.s32 v59, v9;
	[tilespmem:v0+s30+$0x0] =	vst.idx.msk $0xffff, v6;
	v9 =	vmul.f32 v5, v3  }
0x485: {  	v12 =	vshrl.u32 v12, $0x3;
	v6 =	vld [tilespmem:$0x1F410];
	[tilespmem:v2+s30+$0x0] =	vst.idx.msk $0xffff, v10  }
0x486: {  	v7 =	vshll.u32 v12, v29;
	v10 =	vld [tilespmem:$0x1F420];
	[tilespmem:v8+s30+$0x0] =	vst.idx.msk $0xffff, v9  }
0x487: {  	v7 =	vbroadcast v7, $0x0;
	v9 =	vld [tilespmem:$0x1F430];
	_ =	sdelay $0x1  }
0x488: {  	v0 =	vadd.s32 v60, v7  }
0x489: {  	vm11 =	vgt.f32 v37, $1.000000000e+00;
	v3 =	vpop (erf);
	v6 =	vmul.f32 v5, v6  }
0x48a: {  	v3 =	vnsel vm11, $0x3F800000, v3;
	v5 =	vmul.f32 v5, v10  }
0x48b: {  	[tilespmem:v4+s30+$0x0] =	vst.idx.msk $0xffff, v6;
	v9 =	vmul.f32 v3, v9  }
0x48c: {  	v6 =	vld [tilespmem:$0x1F440];
	[tilespmem:v1+s30+$0x0] =	vst.idx.msk $0xffff, v5  }
0x48d: {  	v1 =	vld [tilespmem:$0x1F450];
	[tilespmem:v0+s30+$0x0] =	vst.idx.msk $0xffff, v9  }
0x48e: {  	v2 =	vadd.s32 v61, v7;
	v0 =	vld [tilespmem:$0x1F460]  }
0x48f: {  	v8 =	vadd.s32 v62, v7  }
0x490: {  	v4 =	vadd.s32 v27, v7  }
0x491: {  	v6 =	vmul.f32 v3, v6  }
0x492: {  	v1 =	vmul.f32 v3, v1  }
0x493: {  	p1 =	seq.s32 s1, $0x63;
	[tilespmem:v2+s30+$0x0] =	vst.idx.msk $0xffff, v6;
	v0 =	vmul.f32 v3, v0  }
0x494: {  	s26 =	sshrl.u32 @!p1 s26, $0x2;
	[tilespmem:v8+s30+$0x0] =	vst.idx.msk $0xffff, v1  }
0x495: {  	s5 =	sadd.s32 @!p1 $0x100, s26;
	s22 =	simm.s32 @!p1 $0x80;
	s24 =	simm.s32 @!p1 $0x6400;
	[tilespmem:v4+s30+$0x0] =	vst.idx.msk $0xffff, v0  }
0x496: {  	[tilespmem:s24], [sflag:$0x1] =	stream.indirect.gather @!p1 [hbm4b:s4+s22], $0x40, s5, s22, $0xb8;
	[tilespmem:$0xE800] =	vst v63  }
0x497: {  	s24 =	sshll.u32 s1, $0x10  }
0x498: {  	s22 =	rddreg [dreg:$0x1];
	s24 =	sor.u32 s6, s24  }
0x499: {  	s5 =	sadd.s32 s22, s24  }
0x49a: {  	[hbm4b:s5+s3] =	stream.linear.scatter [tilespmem:s30], [sflag:$0x3], $0x80, $0x38;
	[tilespmem:$0xE800] =	vst v63  }
0x49b: {  	s23 =	simm.s32 $0xA488;
	s22 =	sadd.s32 $0x10, s5  }
0x49c: {  	[hbm4b:s22+s3] =	stream.linear.scatter [tilespmem:s23], [sflag:$0x3], $0x80, $0x38;
	[tilespmem:$0xE800] =	vst v63  }
0x49d: {  	s22 =	sadd.s32 $0x20, s5;
	s23 =	simm.s32 $0xA510  }
0x49e: {  	[hbm4b:s22+s3] =	stream.linear.scatter [tilespmem:s23], [sflag:$0x3], $0x80, $0x38;
	[tilespmem:$0xE800] =	vst v63  }
0x49f: {  	s22 =	sadd.s32 $0x30, s5;
	s23 =	simm.s32 $0xA598  }
0x4a0: {  	[hbm4b:s22+s3] =	stream.linear.scatter [tilespmem:s23], [sflag:$0x3], $0x80, $0x38;
	[tilespmem:$0xE800] =	vst v63  }
0x4a1: {  	s22 =	sadd.s32 $0x40, s5;
	s23 =	simm.s32 $0xA620  }
0x4a2: {  	[hbm4b:s22+s3] =	stream.linear.scatter [tilespmem:s23], [sflag:$0x3], $0x80, $0x38;
	[tilespmem:$0xE800] =	vst v63  }
0x4a3: {  	s22 =	sadd.s32 $0x50, s5;
	s23 =	simm.s32 $0xA6A8  }
0x4a4: {  	[hbm4b:s22+s3] =	stream.linear.scatter [tilespmem:s23], [sflag:$0x3], $0x80, $0x38;
	[tilespmem:$0xE800] =	vst v63  }
0x4a5: {  	s22 =	sadd.s32 $0x60, s5;
	s23 =	simm.s32 $0xA730  }
0x4a6: {  	[hbm4b:s22+s3] =	stream.linear.scatter [tilespmem:s23], [sflag:$0x3], $0x80, $0x38;
	[tilespmem:$0xE800] =	vst v63  }
0x4a7: {  	s5 =	sadd.s32 $0x70, s5;
	s23 =	simm.s32 $0xA7B8  }
0x4a8: {  	[hbm4b:s5+s3] =	stream.linear.scatter [tilespmem:s23], [sflag:$0x3], $0x80, $0x38;
	[tilespmem:$0xE800] =	vst v63  }
0x4a9: {  	s5 =	sadd.s32 s24, s7;
	s23 =	simm.s32 $0xA840  }
0x4aa: {  	[hbm4b:s5+s3] =	stream.linear.scatter [tilespmem:s23], [sflag:$0x3], $0x80, $0x38;
	[tilespmem:$0xE800] =	vst v63  }
0x4ab: {  	s22 =	sadd.s32 $0x10, s5;
	s23 =	simm.s32 $0xA8C8  }
0x4ac: {  	[hbm4b:s22+s3] =	stream.linear.scatter [tilespmem:s23], [sflag:$0x3], $0x80, $0x38;
	[tilespmem:$0xE800] =	vst v63  }
0x4ad: {  	s22 =	sadd.s32 $0x20, s5;
	s23 =	simm.s32 $0xA950  }
0x4ae: {  	[hbm4b:s22+s3] =	stream.linear.scatter [tilespmem:s23], [sflag:$0x3], $0x80, $0x38;
	[tilespmem:$0xE800] =	vst v63  }
0x4af: {  	s22 =	sadd.s32 $0x30, s5;
	s23 =	simm.s32 $0xA9D8  }
0x4b0: {  	[hbm4b:s22+s3] =	stream.linear.scatter [tilespmem:s23], [sflag:$0x3], $0x80, $0x38;
	[tilespmem:$0xE800] =	vst v63  }
0x4b1: {  	s22 =	sadd.s32 $0x40, s5;
	s23 =	simm.s32 $0xAA60  }
0x4b2: {  	[hbm4b:s22+s3] =	stream.linear.scatter [tilespmem:s23], [sflag:$0x3], $0x80, $0x38;
	[tilespmem:$0xE800] =	vst v63  }
0x4b3: {  	s22 =	sadd.s32 $0x50, s5;
	s23 =	simm.s32 $0xAAE8  }
0x4b4: {  	[hbm4b:s22+s3] =	stream.linear.scatter [tilespmem:s23], [sflag:$0x3], $0x80, $0x38;
	[tilespmem:$0xE800] =	vst v63  }
0x4b5: {  	s22 =	sadd.s32 $0x60, s5;
	s23 =	simm.s32 $0xAB70  }
0x4b6: {  	[hbm4b:s22+s3] =	stream.linear.scatter [tilespmem:s23], [sflag:$0x3], $0x80, $0x38;
	[tilespmem:$0xE800] =	vst v63  }
0x4b7: {  	s5 =	sadd.s32 $0x70, s5;
	s23 =	simm.s32 $0xABF8  }
0x4b8: {  	[hbm4b:s5+s3] =	stream.linear.scatter [tilespmem:s23], [sflag:$0x3], $0x80, $0x38;
	[tilespmem:$0xE800] =	vst v63  }
0x4b9: {  	s5 =	sadd.s32 s24, s8;
	s23 =	simm.s32 $0xAC80  }
0x4ba: {  	[hbm4b:s5+s3] =	stream.linear.scatter [tilespmem:s23], [sflag:$0x3], $0x80, $0x38;
	[tilespmem:$0xE800] =	vst v63  }
0x4bb: {  	s22 =	sadd.s32 $0x10, s5;
	s23 =	simm.s32 $0xAD08  }
0x4bc: {  	[hbm4b:s22+s3] =	stream.linear.scatter [tilespmem:s23], [sflag:$0x3], $0x80, $0x38;
	[tilespmem:$0xE800] =	vst v63  }
0x4bd: {  	s22 =	sadd.s32 $0x20, s5;
	s23 =	simm.s32 $0xAD90  }
0x4be: {  	[hbm4b:s22+s3] =	stream.linear.scatter [tilespmem:s23], [sflag:$0x3], $0x80, $0x38;
	[tilespmem:$0xE800] =	vst v63  }
0x4bf: {  	s22 =	sadd.s32 $0x30, s5;
	s23 =	simm.s32 $0xAE18  }
0x4c0: {  	[hbm4b:s22+s3] =	stream.linear.scatter [tilespmem:s23], [sflag:$0x3], $0x80, $0x38;
	[tilespmem:$0xE800] =	vst v63  }
0x4c1: {  	s22 =	sadd.s32 $0x40, s5;
	s23 =	simm.s32 $0xAEA0  }
0x4c2: {  	[hbm4b:s22+s3] =	stream.linear.scatter [tilespmem:s23], [sflag:$0x3], $0x80, $0x38;
	[tilespmem:$0xE800] =	vst v63  }
0x4c3: {  	s22 =	sadd.s32 $0x50, s5;
	s23 =	simm.s32 $0xAF28  }
0x4c4: {  	[hbm4b:s22+s3] =	stream.linear.scatter [tilespmem:s23], [sflag:$0x3], $0x80, $0x38;
	[tilespmem:$0xE800] =	vst v63  }
0x4c5: {  	s22 =	sadd.s32 $0x60, s5;
	s23 =	simm.s32 $0xAFB0  }
0x4c6: {  	[hbm4b:s22+s3] =	stream.linear.scatter [tilespmem:s23], [sflag:$0x3], $0x80, $0x38;
	[tilespmem:$0xE800] =	vst v63  }
0x4c7: {  	s5 =	sadd.s32 $0x70, s5;
	s23 =	simm.s32 $0xB038  }
0x4c8: {  	[hbm4b:s5+s3] =	stream.linear.scatter [tilespmem:s23], [sflag:$0x3], $0x80, $0x38;
	[tilespmem:$0xE800] =	vst v63  }
0x4c9: {  	s5 =	sadd.s32 s24, s9;
	s23 =	simm.s32 $0xB0C0  }
0x4ca: {  	[hbm4b:s5+s3] =	stream.linear.scatter [tilespmem:s23], [sflag:$0x3], $0x80, $0x38;
	[tilespmem:$0xE800] =	vst v63  }
0x4cb: {  	s22 =	sadd.s32 $0x10, s5;
	s23 =	simm.s32 $0xB148  }
0x4cc: {  	[hbm4b:s22+s3] =	stream.linear.scatter [tilespmem:s23], [sflag:$0x3], $0x80, $0x38;
	[tilespmem:$0xE800] =	vst v63  }
0x4cd: {  	s22 =	sadd.s32 $0x20, s5;
	s23 =	simm.s32 $0xB1D0  }
0x4ce: {  	[hbm4b:s22+s3] =	stream.linear.scatter [tilespmem:s23], [sflag:$0x3], $0x80, $0x38;
	[tilespmem:$0xE800] =	vst v63  }
0x4cf: {  	s22 =	sadd.s32 $0x30, s5;
	s23 =	simm.s32 $0xB258  }
0x4d0: {  	[hbm4b:s22+s3] =	stream.linear.scatter [tilespmem:s23], [sflag:$0x3], $0x80, $0x38;
	[tilespmem:$0xE800] =	vst v63  }
0x4d1: {  	s22 =	sadd.s32 $0x40, s5;
	s23 =	simm.s32 $0xB2E0  }
0x4d2: {  	[hbm4b:s22+s3] =	stream.linear.scatter [tilespmem:s23], [sflag:$0x3], $0x80, $0x38;
	[tilespmem:$0xE800] =	vst v63  }
0x4d3: {  	s22 =	sadd.s32 $0x50, s5;
	s23 =	simm.s32 $0xB368  }
0x4d4: {  	[hbm4b:s22+s3] =	stream.linear.scatter [tilespmem:s23], [sflag:$0x3], $0x80, $0x38;
	[tilespmem:$0xE800] =	vst v63  }
0x4d5: {  	s22 =	sadd.s32 $0x60, s5;
	s23 =	simm.s32 $0xB3F0  }
0x4d6: {  	[hbm4b:s22+s3] =	stream.linear.scatter [tilespmem:s23], [sflag:$0x3], $0x80, $0x38;
	[tilespmem:$0xE800] =	vst v63  }
0x4d7: {  	s5 =	sadd.s32 $0x70, s5;
	s23 =	simm.s32 $0xB478  }
0x4d8: {  	[hbm4b:s5+s3] =	stream.linear.scatter [tilespmem:s23], [sflag:$0x3], $0x80, $0x38;
	[tilespmem:$0xE800] =	vst v63  }
0x4d9: {  	s5 =	sadd.s32 s24, s10;
	s23 =	simm.s32 $0xB500  }
0x4da: {  	[hbm4b:s5+s3] =	stream.linear.scatter [tilespmem:s23], [sflag:$0x3], $0x80, $0x38;
	[tilespmem:$0xE800] =	vst v63  }
0x4db: {  	s22 =	sadd.s32 $0x10, s5;
	s23 =	simm.s32 $0xB588  }
0x4dc: {  	[hbm4b:s22+s3] =	stream.linear.scatter [tilespmem:s23], [sflag:$0x3], $0x80, $0x38;
	[tilespmem:$0xE800] =	vst v63  }
0x4dd: {  	s22 =	sadd.s32 $0x20, s5;
	s23 =	simm.s32 $0xB610  }
0x4de: {  	[hbm4b:s22+s3] =	stream.linear.scatter [tilespmem:s23], [sflag:$0x3], $0x80, $0x38;
	[tilespmem:$0xE800] =	vst v63  }
0x4df: {  	s22 =	sadd.s32 $0x30, s5;
	s23 =	simm.s32 $0xB698  }
0x4e0: {  	[hbm4b:s22+s3] =	stream.linear.scatter [tilespmem:s23], [sflag:$0x3], $0x80, $0x38;
	[tilespmem:$0xE800] =	vst v63  }
0x4e1: {  	s22 =	sadd.s32 $0x40, s5;
	s23 =	simm.s32 $0xB720  }
0x4e2: {  	[hbm4b:s22+s3] =	stream.linear.scatter [tilespmem:s23], [sflag:$0x3], $0x80, $0x38;
	[tilespmem:$0xE800] =	vst v63  }
0x4e3: {  	s22 =	sadd.s32 $0x50, s5;
	s23 =	simm.s32 $0xB7A8  }
0x4e4: {  	[hbm4b:s22+s3] =	stream.linear.scatter [tilespmem:s23], [sflag:$0x3], $0x80, $0x38;
	[tilespmem:$0xE800] =	vst v63  }
0x4e5: {  	s22 =	sadd.s32 $0x60, s5;
	s23 =	simm.s32 $0xB830  }
0x4e6: {  	[hbm4b:s22+s3] =	stream.linear.scatter [tilespmem:s23], [sflag:$0x3], $0x80, $0x38;
	[tilespmem:$0xE800] =	vst v63  }
0x4e7: {  	s5 =	sadd.s32 $0x70, s5;
	s23 =	simm.s32 $0xB8B8  }
0x4e8: {  	[hbm4b:s5+s3] =	stream.linear.scatter [tilespmem:s23], [sflag:$0x3], $0x80, $0x38;
	[tilespmem:$0xE800] =	vst v63  }
0x4e9: {  	s5 =	sadd.s32 s24, s11;
	s23 =	simm.s32 $0xB940  }
0x4ea: {  	[hbm4b:s5+s3] =	stream.linear.scatter [tilespmem:s23], [sflag:$0x3], $0x80, $0x38;
	[tilespmem:$0xE800] =	vst v63  }
0x4eb: {  	s22 =	sadd.s32 $0x10, s5;
	s23 =	simm.s32 $0xB9C8  }
0x4ec: {  	[hbm4b:s22+s3] =	stream.linear.scatter [tilespmem:s23], [sflag:$0x3], $0x80, $0x38;
	[tilespmem:$0xE800] =	vst v63  }
0x4ed: {  	s22 =	sadd.s32 $0x20, s5;
	s23 =	simm.s32 $0xBA50  }
0x4ee: {  	[hbm4b:s22+s3] =	stream.linear.scatter [tilespmem:s23], [sflag:$0x3], $0x80, $0x38;
	[tilespmem:$0xE800] =	vst v63  }
0x4ef: {  	s22 =	sadd.s32 $0x30, s5;
	s23 =	simm.s32 $0xBAD8  }
0x4f0: {  	[hbm4b:s22+s3] =	stream.linear.scatter [tilespmem:s23], [sflag:$0x3], $0x80, $0x38;
	[tilespmem:$0xE800] =	vst v63  }
0x4f1: {  	s22 =	sadd.s32 $0x40, s5;
	s23 =	simm.s32 $0xBB60  }
0x4f2: {  	[hbm4b:s22+s3] =	stream.linear.scatter [tilespmem:s23], [sflag:$0x3], $0x80, $0x38;
	[tilespmem:$0xE800] =	vst v63  }
0x4f3: {  	s22 =	sadd.s32 $0x50, s5;
	s23 =	simm.s32 $0xBBE8  }
0x4f4: {  	[hbm4b:s22+s3] =	stream.linear.scatter [tilespmem:s23], [sflag:$0x3], $0x80, $0x38;
	[tilespmem:$0xE800] =	vst v63  }
0x4f5: {  	s22 =	sadd.s32 $0x60, s5;
	s23 =	simm.s32 $0xBC70  }
0x4f6: {  	[hbm4b:s22+s3] =	stream.linear.scatter [tilespmem:s23], [sflag:$0x3], $0x80, $0x38;
	[tilespmem:$0xE800] =	vst v63  }
0x4f7: {  	s5 =	sadd.s32 $0x70, s5;
	s23 =	simm.s32 $0xBCF8  }
0x4f8: {  	[hbm4b:s5+s3] =	stream.linear.scatter [tilespmem:s23], [sflag:$0x3], $0x80, $0x38;
	[tilespmem:$0xE800] =	vst v63  }
0x4f9: {  	s5 =	sadd.s32 s24, s12;
	s23 =	simm.s32 $0xBD80  }
0x4fa: {  	[hbm4b:s5+s3] =	stream.linear.scatter [tilespmem:s23], [sflag:$0x3], $0x80, $0x38;
	[tilespmem:$0xE800] =	vst v63  }
0x4fb: {  	s22 =	sadd.s32 $0x10, s5;
	s23 =	simm.s32 $0xBE08  }
0x4fc: {  	[hbm4b:s22+s3] =	stream.linear.scatter [tilespmem:s23], [sflag:$0x3], $0x80, $0x38;
	[tilespmem:$0xE800] =	vst v63  }
0x4fd: {  	s22 =	sadd.s32 $0x20, s5;
	s23 =	simm.s32 $0xBE90  }
0x4fe: {  	[hbm4b:s22+s3] =	stream.linear.scatter [tilespmem:s23], [sflag:$0x3], $0x80, $0x38;
	[tilespmem:$0xE800] =	vst v63  }
0x4ff: {  	s22 =	sadd.s32 $0x30, s5;
	s23 =	simm.s32 $0xBF18  }
0x500: {  	[hbm4b:s22+s3] =	stream.linear.scatter [tilespmem:s23], [sflag:$0x3], $0x80, $0x38;
	[tilespmem:$0xE800] =	vst v63  }
0x501: {  	s22 =	sadd.s32 $0x40, s5;
	s23 =	simm.s32 $0xBFA0  }
0x502: {  	[hbm4b:s22+s3] =	stream.linear.scatter [tilespmem:s23], [sflag:$0x3], $0x80, $0x38;
	[tilespmem:$0xE800] =	vst v63  }
0x503: {  	s22 =	sadd.s32 $0x50, s5;
	s23 =	simm.s32 $0xC028  }
0x504: {  	[hbm4b:s22+s3] =	stream.linear.scatter [tilespmem:s23], [sflag:$0x3], $0x80, $0x38;
	[tilespmem:$0xE800] =	vst v63  }
0x505: {  	s22 =	sadd.s32 $0x60, s5;
	s23 =	simm.s32 $0xC0B0  }
0x506: {  	[hbm4b:s22+s3] =	stream.linear.scatter [tilespmem:s23], [sflag:$0x3], $0x80, $0x38;
	[tilespmem:$0xE800] =	vst v63  }
0x507: {  	s5 =	sadd.s32 $0x70, s5;
	s23 =	simm.s32 $0xC138  }
0x508: {  	[hbm4b:s5+s3] =	stream.linear.scatter [tilespmem:s23], [sflag:$0x3], $0x80, $0x38;
	[tilespmem:$0xE800] =	vst v63  }
0x509: {  	s5 =	sadd.s32 s24, s13;
	s23 =	simm.s32 $0xC1C0  }
0x50a: {  	[hbm4b:s5+s3] =	stream.linear.scatter [tilespmem:s23], [sflag:$0x3], $0x80, $0x38;
	[tilespmem:$0xE800] =	vst v63  }
0x50b: {  	s22 =	sadd.s32 $0x10, s5;
	s23 =	simm.s32 $0xC248  }
0x50c: {  	[hbm4b:s22+s3] =	stream.linear.scatter [tilespmem:s23], [sflag:$0x3], $0x80, $0x38;
	[tilespmem:$0xE800] =	vst v63  }
0x50d: {  	s22 =	sadd.s32 $0x20, s5;
	s23 =	simm.s32 $0xC2D0  }
0x50e: {  	[hbm4b:s22+s3] =	stream.linear.scatter [tilespmem:s23], [sflag:$0x3], $0x80, $0x38;
	[tilespmem:$0xE800] =	vst v63  }
0x50f: {  	s22 =	sadd.s32 $0x30, s5;
	s23 =	simm.s32 $0xC358  }
0x510: {  	[hbm4b:s22+s3] =	stream.linear.scatter [tilespmem:s23], [sflag:$0x3], $0x80, $0x38;
	[tilespmem:$0xE800] =	vst v63  }
0x511: {  	s22 =	sadd.s32 $0x40, s5;
	s23 =	simm.s32 $0xC3E0  }
0x512: {  	[hbm4b:s22+s3] =	stream.linear.scatter [tilespmem:s23], [sflag:$0x3], $0x80, $0x38;
	[tilespmem:$0xE800] =	vst v63  }
0x513: {  	s22 =	sadd.s32 $0x50, s5;
	s23 =	simm.s32 $0xC468  }
0x514: {  	[hbm4b:s22+s3] =	stream.linear.scatter [tilespmem:s23], [sflag:$0x3], $0x80, $0x38;
	[tilespmem:$0xE800] =	vst v63  }
0x515: {  	s22 =	sadd.s32 $0x60, s5;
	s23 =	simm.s32 $0xC4F0  }
0x516: {  	[hbm4b:s22+s3] =	stream.linear.scatter [tilespmem:s23], [sflag:$0x3], $0x80, $0x38;
	[tilespmem:$0xE800] =	vst v63  }
0x517: {  	s5 =	sadd.s32 $0x70, s5;
	s23 =	simm.s32 $0xC578  }
0x518: {  	[hbm4b:s5+s3] =	stream.linear.scatter [tilespmem:s23], [sflag:$0x3], $0x80, $0x38;
	[tilespmem:$0xE800] =	vst v63  }
0x519: {  	_ =	swait.ge [sflag:s2], $0x2000  }
0x51a: {  	[sflag:s2] =	ssyncset.done $0x0  }
0x51b: {  	s5 =	simm.s32 @!p0 $0x4;
	[sflag:s2] =	ssyncadd.s32 $0xFFFFE000  }
0x51c: {  	_ =	swait.ge @!p0 [sflag:s5], $0x400  }
0x51d: {  	[sflag:s5] =	ssyncset.done @!p0 $0x0  }
0x51e: {  	[sflag:s5] =	ssyncadd.s32 @!p0 $0xFFFFFC00  }
0x51f: {  	_ =	swait.ge @!p0 [sflag:s5], $0x400  }
0x520: {  	[sflag:s5] =	ssyncset.done @!p0 $0x0  }
0x521: {  	[sflag:s5] =	ssyncadd.s32 @!p0 $0xFFFFFC00  }
0x522: {  	_ =	swait.ge @!p0 [sflag:s5], $0x400  }
0x523: {  	[sflag:s5] =	ssyncset.done @!p0 $0x0  }
0x524: {  	[sflag:s5] =	ssyncadd.s32 @!p0 $0xFFFFFC00  }
0x525: {  	_ =	swait.ge @!p0 [sflag:s5], $0x400  }
0x526: {  	[sflag:s5] =	ssyncset.done @!p0 $0x0  }
0x527: {  	[sflag:s5] =	ssyncadd.s32 @!p0 $0xFFFFFC00  }
0x528: {  	_ =	swait.ge @!p0 [sflag:s5], $0x400  }
0x529: {  	[sflag:s5] =	ssyncset.done @!p0 $0x0  }
0x52a: {  	[sflag:s5] =	ssyncadd.s32 @!p0 $0xFFFFFC00  }
0x52b: {  	_ =	swait.ge @!p0 [sflag:s5], $0x400  }
0x52c: {  	[sflag:s5] =	ssyncset.done @!p0 $0x0  }
0x52d: {  	[sflag:s5] =	ssyncadd.s32 @!p0 $0xFFFFFC00  }
0x52e: {  	_ =	swait.ge @!p0 [sflag:s5], $0x400  }
0x52f: {  	[sflag:s5] =	ssyncset.done @!p0 $0x0  }
0x530: {  	[sflag:s5] =	ssyncadd.s32 @!p0 $0xFFFFFC00  }
0x531: {  	_ =	swait.ge @!p0 [sflag:s5], $0x400  }
0x532: {  	[sflag:s5] =	ssyncset.done @!p0 $0x0  }
0x533: {  	s22 =	simm.s32 $0x87F0;
	[sflag:s5] =	ssyncadd.s32 @!p0 $0xFFFFFC00  }
0x534: {  	v19 =	vld [tilespmem:s22+$0xFFFFFFD0]  }
0x535: {  	v20 =	vld [tilespmem:s22+$0xFFFFFFE0]  }
0x536: {  	v51 =	vld [tilespmem:s22+$0xFFFFFC20]  }
0x537: {  	v62 =	vld [tilespmem:s22+$0xFFFFFFF0]  }
0x538: {  	v50 =	vld [tilespmem:s22+$0xFFFFFC50]  }
0x539: {  	v63 =	vld [tilespmem:s22+$0x0]  }
0x53a: {  	v21 =	vld [tilespmem:s22+$0xFFFFFC60]  }
0x53b: {  	v48 =	vld [tilespmem:s22+$0xFFFFFC90]  }
0x53c: {  	v6 =	vld [tilespmem:s22+$0xFFFFFD50]  }
0x53d: {  	v47 =	vld [tilespmem:s22+$0xFFFFFCA0]  }
0x53e: {  	v30 =	vld [tilespmem:s22+$0xFFFFFCD0]  }
0x53f: {  	v25 =	vld [tilespmem:s22+$0xFFFFFCE0]  }
0x540: {  	v28 =	vld [tilespmem:s22+$0xFFFFFD10]  }
0x541: {  	v27 =	vld [tilespmem:s22+$0xFFFFFD20];
	[tilespmem:$0x1F470] =	vst v6  }
0x542: {  	v24 =	vld [tilespmem:s22+$0xFFFFFD90];
	_ =	sdelay $0x4  }
0x543: {  	v26 =	vld [tilespmem:s22+$0xFFFFFD60];
	[tilespmem:$0x1F480] =	vst v24  }
0x544: {  	v31 =	vld [tilespmem:s22+$0xFFFFFDA0];
	_ =	sdelay $0x4  }
0x545: {  	[tilespmem:$0x1F490] =	vst v31  }
0x546: {  	v44 =	vld [tilespmem:s22+$0xFFFFFDD0];
	_ =	sdelay $0x4  }
0x547: {  	[tilespmem:$0x1F4A0] =	vst v44  }
0x548: {  	v46 =	vld [tilespmem:s22+$0xFFFFFDE0];
	_ =	sdelay $0x4  }
0x549: {  	[tilespmem:$0x1F4B0] =	vst v46  }
0x54a: {  	v12 =	vld [tilespmem:s22+$0xFFFFFE10];
	_ =	sdelay $0x4  }
0x54b: {  	[tilespmem:$0x1F4C0] =	vst v12  }
0x54c: {  	v15 =	vld [tilespmem:s22+$0xFFFFFE20];
	_ =	sdelay $0x4  }
0x54d: {  	[tilespmem:$0x1F4D0] =	vst v15  }
0x54e: {  	v52 =	vld [tilespmem:s22+$0xFFFFFE50];
	_ =	sdelay $0x4  }
0x54f: {  	[tilespmem:$0x1F4E0] =	vst v52  }
0x550: {  	v53 =	vld [tilespmem:s22+$0xFFFFFE60];
	_ =	sdelay $0x4  }
0x551: {  	[tilespmem:$0x1F4F0] =	vst v53  }
0x552: {  	v36 =	vld [tilespmem:s22+$0xFFFFFE90];
	_ =	sdelay $0x4  }
0x553: {  	[tilespmem:$0x1F510] =	vst v36  }
0x554: {  	v18 =	vld [tilespmem:s22+$0xFFFFFEA0];
	_ =	sdelay $0x4  }
0x555: {  	[tilespmem:$0x1F520] =	vst v18  }
0x556: {  	v17 =	vld [tilespmem:s22+$0xFFFFFED0];
	_ =	sdelay $0x4  }
0x557: {  	[tilespmem:$0x1F540] =	vst v17  }
0x558: {  	v49 =	vld [tilespmem:s22+$0xFFFFFEE0];
	_ =	sdelay $0x4  }
0x559: {  	[tilespmem:$0x1F550] =	vst v49  }
0x55a: {  	v14 =	vld [tilespmem:s22+$0xFFFFFF10];
	_ =	sdelay $0x4  }
0x55b: {  	[tilespmem:$0x1F570] =	vst v14  }
0x55c: {  	v16 =	vld [tilespmem:s22+$0xFFFFFF20];
	_ =	sdelay $0x4  }
0x55d: {  	[tilespmem:$0x1F580] =	vst v16  }
0x55e: {  	v8 =	vld [tilespmem:s22+$0xFFFFFF50];
	_ =	sdelay $0x4  }
0x55f: {  	[tilespmem:$0x1F5B0] =	vst v8  }
0x560: {  	v13 =	vld [tilespmem:s22+$0xFFFFFF60];
	_ =	sdelay $0x4  }
0x561: {  	[tilespmem:$0x1F5C0] =	vst v13  }
0x562: {  	v9 =	vld [tilespmem:s22+$0xFFFFFF90]  }
0x563: {  	v0 =	vand.u32 $0x7FFFFFFF, v19;
	v1 =	vand.u32 $0x7FFFFFFF, v20  }
0x564: {  	v0 =	vadd.f32 v1, v0  }
0x565: {  	v1 =	vand.u32 $0x7FFFFFFF, v62  }
0x566: {  	v0 =	vadd.f32 v1, v0  }
0x567: {  	v1 =	vand.u32 $0x7FFFFFFF, v63;
	[tilespmem:$0x1F5F0] =	vst v9  }
0x568: {  	v0 =	vadd.f32 v1, v0;
	v11 =	vld [tilespmem:s22+$0xFFFFFFA0];
	_ =	sdelay $0x1  }
0x569: {  	v1 =	vperm.xlane v0, v38;
	_ =	sdelay $0x1  }
0x56a: {  	v0 =	vadd.f32 v0, v1  }
0x56b: {  	[tilespmem:$0x1F600] =	vst v11  }
0x56c: {  	v5 =	vperm.xlane v0, v35;
	v60 =	vld [tilespmem:s22+$0xFFFFFC10]  }
0x56d: {  	v61 =	vld [tilespmem:s22+$0xFFFFFC30]  }
0x56e: {  	v0 =	vadd.f32 v0, v5;
	v59 =	vld [tilespmem:s22+$0xFFFFFC70]  }
0x56f: {  	v6 =	vand.u32 $0x7FFFFFFF, v6;
	v7 =	vand.u32 $0x7FFFFFFF, v26;
	v58 =	vld [tilespmem:s22+$0xFFFFFCB0]  }
0x570: {  	v56 =	vadd.f32 v7, v6;
	v6 =	vand.u32 $0x7FFFFFFF, v24;
	v10 =	vperm.xlane v0, v22;
	v24 =	vld [tilespmem:s22+$0xFFFFFCF0]  }
0x571: {  	v39 =	vld [tilespmem:s22+$0xFFFFFE70]  }
0x572: {  	v7 =	vand.u32 $0x7FFFFFFF, v31;
	v10 =	vadd.f32 v0, v10;
	v0 =	vand.u32 $0x7FFFFFFF, v44;
	v44 =	vld [tilespmem:s22+$0xFFFFFD30]  }
0x573: {  	v31 =	vadd.f32 v7, v6;
	v6 =	vand.u32 $0x7FFFFFFF, v46;
	v43 =	vld [tilespmem:s22+$0xFFFFFD70]  }
0x574: {  	v33 =	vadd.f32 v6, v0;
	v37 =	vld [tilespmem:s22+$0xFFFFFDB0]  }
0x575: {  	v7 =	vand.u32 $0x7FFFFFFF, v12;
	v12 =	vand.u32 $0x7FFFFFFF, v15;
	v6 =	vand.u32 $0x7FFFFFFF, v52;
	v52 =	vld [tilespmem:s22+$0xFFFFFDF0]  }
0x576: {  	v34 =	vadd.f32 v12, v7;
	v7 =	vand.u32 $0x7FFFFFFF, v53;
	v53 =	vld [tilespmem:s22+$0xFFFFFE30];
	[tilespmem:$0x1F500] =	vst v39  }
0x577: {  	v32 =	vmov v40;
	v40 =	vadd.f32 v7, v6;
	v6 =	vand.u32 $0x7FFFFFFF, v36;
	v36 =	vld [tilespmem:s22+$0xFFFFFEB0];
	_ =	sdelay $0x4  }
0x578: {  	[tilespmem:$0x1F530] =	vst v36  }
0x579: {  	v23 =	vld [tilespmem:s22+$0xFFFFFEF0];
	_ =	sdelay $0x4  }
0x57a: {  	v7 =	vand.u32 $0x7FFFFFFF, v18;
	[tilespmem:$0x1F560] =	vst v23  }
0x57b: {  	v41 =	vadd.f32 v7, v6;
	v6 =	vand.u32 $0x7FFFFFFF, v14;
	v14 =	vld [tilespmem:s22+$0xFFFFFF30];
	_ =	sdelay $0x1  }
0x57c: {  	v2 =	vand.u32 $0x7FFFFFFF, v21;
	v1 =	vand.u32 $0x7FFFFFFF, v50  }
0x57d: {  	v3 =	vand.u32 $0x7FFFFFFF, v48;
	v4 =	vand.u32 $0x7FFFFFFF, v47;
	v1 =	vadd.f32 v2, v1  }
0x57e: {  	v2 =	vadd.f32 v4, v3;
	v3 =	vand.u32 $0x7FFFFFFF, v30;
	v4 =	vand.u32 $0x7FFFFFFF, v25  }
0x57f: {  	v3 =	vadd.f32 v4, v3;
	v4 =	vand.u32 $0x7FFFFFFF, v28;
	v5 =	vand.u32 $0x7FFFFFFF, v27;
	[tilespmem:$0x1F590] =	vst v14  }
0x580: {  	v5 =	vadd.f32 v5, v4;
	v4 =	vld [tilespmem:s22+$0xFFFFFF70];
	_ =	sdelay $0x1  }
0x581: {  	v15 =	vperm.xlane v10, v45;
	_ =	sdelay $0x1  }
0x582: {  	v10 =	vadd.f32 v10, v15  }
0x583: {  	v15 =	vand.u32 $0x7FFFFFFF, v17;
	v18 =	vand.u32 $0x7FFFFFFF, v49;
	[tilespmem:$0x1F5D0] =	vst v4  }
0x584: {  	v12 =	vadd.f32 $1.000000010e-07, v10;
	v42 =	vadd.f32 v18, v15;
	v18 =	vand.u32 $0x7FFFFFFF, v13;
	v13 =	vld [tilespmem:s22+$0xFFFFFFB0]  }
0x585: {  	v57 =	vand.u32 $0x7FFFFFFF, v51;
	vm12 =	vgt.f32 v10, $1.000000000e+00  }
0x586: {  	(erf) = vrcp.f32 v12;
	v7 =	vand.u32 $0x7FFFFFFF, v16;
	v15 =	vand.u32 $0x7FFFFFFF, v8  }
0x587: {  	v8 =	vadd.f32 v7, v6;
	v6 =	vand.u32 $0x7FFFFFFF, v9;
	v7 =	vand.u32 $0x7FFFFFFF, v11  }
0x588: {  	v49 =	vadd.f32 v18, v15;
	v54 =	vadd.f32 v7, v6;
	v0 =	vand.u32 $0x7FFFFFFF, v60  }
0x589: {  	v10 =	vand.u32 $0x7FFFFFFF, v61;
	v55 =	vand.u32 $0x7FFFFFFF, v59;
	v7 =	vadd.f32 v57, v0;
	[tilespmem:$0x1F610] =	vst v13  }
0x58a: {  	v46 =	vadd.f32 v55, v1;
	v1 =	vand.u32 $0x7FFFFFFF, v58;
	v57 =	vand.u32 $0x7FFFFFFF, v44;
	v15 =	vld [tilespmem:s22+$0xFFFFFC40]  }
0x58b: {  	v55 =	vand.u32 $0x7FFFFFFF, v52;
	v6 =	vadd.f32 v1, v2;
	v2 =	vand.u32 $0x7FFFFFFF, v24;
	v16 =	vld [tilespmem:s22+$0xFFFFFC80]  }
0x58c: {  	v7 =	vadd.f32 v10, v7;
	v11 =	vadd.f32 v2, v3;
	v2 =	vand.u32 $0x7FFFFFFF, v43;
	v17 =	vld [tilespmem:s22+$0xFFFFFCC0]  }
0x58d: {  	v10 =	vadd.f32 v57, v5;
	v12 =	vadd.f32 v2, v56;
	v2 =	vand.u32 $0x7FFFFFFF, v37;
	v57 =	vld [tilespmem:s22+$0xFFFFFD00]  }
0x58e: {  	v33 =	vadd.f32 v55, v33;
	v9 =	vadd.f32 v2, v31;
	v0 =	vand.u32 $0x7FFFFFFF, v36;
	v56 =	vld [tilespmem:s22+$0xFFFFFD40]  }
0x58f: {  	v31 =	vand.u32 $0x7FFFFFFF, v39;
	v5 =	vadd.f32 v0, v41;
	v1 =	vand.u32 $0x7FFFFFFF, v4;
	v55 =	vld [tilespmem:s22+$0xFFFFFD80]  }
0x590: {  	v0 =	vand.u32 $0x7FFFFFFF, v14;
	v4 =	vadd.f32 v1, v49;
	v18 =	vld [tilespmem:s22+$0xFFFFFDC0];
	v1 =	vand.u32 $0x7FFFFFFF, v16  }
0x591: {  	v8 =	vadd.f32 v0, v8;
	v0 =	vand.u32 $0x7FFFFFFF, v13;
	v13 =	vadd.f32 v1, v46;
	v46 =	vld [tilespmem:s22+$0xFFFFFF40]  }
0x592: {  	v40 =	vadd.f32 v31, v40;
	v36 =	vand.u32 $0x7FFFFFFF, v23;
	v31 =	vld [tilespmem:s22+$0xFFFFFE00]  }
0x593: {  	v2 =	vand.u32 $0x7FFFFFFF, v53;
	v41 =	vadd.f32 v36, v42;
	v36 =	vld [tilespmem:s22+$0xFFFFFE40]  }
0x594: {  	v34 =	vadd.f32 v2, v34;
	v49 =	vld [tilespmem:s22+$0xFFFFFE80]  }
0x595: {  	v14 =	vadd.f32 v0, v54;
	v54 =	vld [tilespmem:s22+$0xFFFFFEC0];
	v0 =	vand.u32 $0x7FFFFFFF, v15;
	v42 =	vand.u32 $0x7FFFFFFF, v17  }
0x596: {  	v39 =	vld [tilespmem:s22+$0xFFFFFF00];
	v7 =	vadd.f32 v0, v7;
	v6 =	vadd.f32 v42, v6;
	v1 =	vand.u32 $0x7FFFFFFF, v56;
	[tilespmem:$0x1F5A0] =	vst v46  }
0x597: {  	v0 =	vand.u32 $0x7FFFFFFF, v57;
	v10 =	vadd.f32 v1, v10;
	v1 =	vand.u32 $0x7FFFFFFF, v55;
	v42 =	vld [tilespmem:s22+$0xFFFFFF80]  }
0x598: {  	v11 =	vadd.f32 v0, v11;
	v0 =	vand.u32 $0x7FFFFFFF, v31;
	v12 =	vadd.f32 v1, v12  }
0x599: {  	v1 =	vand.u32 $0x7FFFFFFF, v18;
	v3 =	vadd.f32 v0, v33;
	v33 =	vand.u32 $0x7FFFFFFF, v36  }
0x59a: {  	v0 =	vand.u32 $0x7FFFFFFF, v54;
	v9 =	vadd.f32 v1, v9;
	v33 =	vadd.f32 v33, v34  }
0x59b: {  	v34 =	vand.u32 $0x7FFFFFFF, v49;
	v2 =	vadd.f32 v0, v5;
	v1 =	vperm.xlane v6, v38  }
0x59c: {  	v5 =	vand.u32 $0x7FFFFFFF, v39;
	v34 =	vadd.f32 v34, v40;
	v40 =	vand.u32 $0x7FFFFFFF, v46;
	[tilespmem:$0x1F5E0] =	vst v42  }
0x59d: {  	v1 =	vadd.f32 v6, v1;
	v6 =	vperm.xlane v10, v38;
	v46 =	vand.u32 $0x7FFFFFFF, v42;
	v23 =	vld [tilespmem:s22+$0xFFFFFFC0]  }
0x59e: {  	v8 =	vadd.f32 v40, v8;
	v4 =	vadd.f32 v46, v4;
	v46 =	vperm.xlane v13, v38  }
0x59f: {  	v40 =	vperm.xlane v7, v38;
	v6 =	vadd.f32 v10, v6;
	v10 =	vperm.xlane v3, v38  }
0x5a0: {  	v5 =	vadd.f32 v5, v41;
	v13 =	vadd.f32 v13, v46;
	v46 =	vperm.xlane v33, v38  }
0x5a1: {  	v7 =	vadd.f32 v7, v40;
	v3 =	vadd.f32 v3, v10  }
0x5a2: {  	v10 =	vadd.f32 v33, v46;
	[tilespmem:$0x1F620] =	vst v23;
	v0 =	vand.u32 $0x7FFFFFFF, v23;
	v23 =	vperm.xlane v9, v38  }
0x5a3: {  	v46 =	vperm.xlane v8, v38;
	v0 =	vadd.f32 v0, v14;
	v14 =	vperm.xlane v11, v38  }
0x5a4: {  	v42 =	vperm.xlane v7, v35;
	v9 =	vadd.f32 v9, v23;
	v23 =	vperm.xlane v2, v38  }
0x5a5: {  	v8 =	vadd.f32 v8, v46;
	v11 =	vadd.f32 v11, v14;
	v14 =	vperm.xlane v12, v38  }
0x5a6: {  	v46 =	vperm.xlane v13, v35;
	v2 =	vadd.f32 v2, v23;
	v23 =	vperm.xlane v4, v38  }
0x5a7: {  	v7 =	vadd.f32 v7, v42;
	v12 =	vadd.f32 v12, v14;
	v14 =	vperm.xlane v34, v38  }
0x5a8: {  	v13 =	vadd.f32 v13, v46;
	v42 =	vperm.xlane v8, v35;
	v4 =	vadd.f32 v4, v23  }
0x5a9: {  	v23 =	vperm.xlane v11, v35;
	v14 =	vadd.f32 v34, v14;
	v34 =	vperm.xlane v5, v38  }
0x5aa: {  	v8 =	vadd.f32 v8, v42;
	v38 =	vperm.xlane v0, v38;
	v46 =	vperm.xlane v12, v35  }
0x5ab: {  	v11 =	vadd.f32 v11, v23;
	v23 =	vperm.xlane v9, v35;
	v5 =	vadd.f32 v5, v34  }
0x5ac: {  	v0 =	vadd.f32 v0, v38;
	v34 =	vperm.xlane v1, v35;
	v38 =	vperm.xlane v6, v35  }
0x5ad: {  	v12 =	vadd.f32 v12, v46;
	v46 =	vperm.xlane v14, v35;
	v9 =	vadd.f32 v9, v23  }
0x5ae: {  	v23 =	vperm.xlane v2, v35;
	v1 =	vadd.f32 v1, v34;
	v6 =	vadd.f32 v6, v38  }
0x5af: {  	v38 =	vperm.xlane v3, v35;
	v34 =	vperm.xlane v10, v35;
	v14 =	vadd.f32 v14, v46  }
0x5b0: {  	v46 =	vperm.xlane v4, v35;
	v2 =	vadd.f32 v2, v23;
	v23 =	vperm.xlane v7, v22  }
0x5b1: {  	v3 =	vadd.f32 v3, v38;
	v38 =	vperm.xlane v5, v35;
	v10 =	vadd.f32 v10, v34  }
0x5b2: {  	v34 =	vperm.xlane v0, v35;
	v4 =	vadd.f32 v4, v46;
	v46 =	vperm.xlane v1, v22  }
0x5b3: {  	v7 =	vadd.f32 v7, v23;
	v23 =	vperm.xlane v11, v22;
	v5 =	vadd.f32 v5, v38  }
0x5b4: {  	v38 =	vperm.xlane v13, v22;
	v0 =	vadd.f32 v0, v34;
	v1 =	vadd.f32 v1, v46  }
0x5b5: {  	v34 =	vperm.xlane v12, v22;
	v46 =	vperm.xlane v9, v22;
	v11 =	vadd.f32 v11, v23  }
0x5b6: {  	v23 =	vperm.xlane v3, v22;
	v13 =	vadd.f32 v13, v38;
	v38 =	vperm.xlane v6, v22  }
0x5b7: {  	v12 =	vadd.f32 v12, v34;
	v34 =	vadd.f32 v9, v46;
	v9 =	vperm.xlane v14, v22  }
0x5b8: {  	v46 =	vperm.xlane v8, v22;
	v33 =	vadd.f32 v3, v23;
	v3 =	vperm.xlane v2, v22  }
0x5b9: {  	v35 =	vperm.xlane v11, v45;
	v6 =	vadd.f32 v6, v38;
	v38 =	vperm.xlane v10, v22  }
0x5ba: {  	v14 =	vadd.f32 v14, v9;
	v9 =	vperm.xlane v5, v22;
	v8 =	vadd.f32 v8, v46  }
0x5bb: {  	v23 =	vperm.xlane v13, v45;
	v46 =	vperm.xlane v34, v45;
	v2 =	vadd.f32 v2, v3  }
0x5bc: {  	v3 =	vperm.xlane v4, v22;
	v22 =	vperm.xlane v0, v22;
	v11 =	vadd.f32 v11, v35  }
0x5bd: {  	v10 =	vadd.f32 v10, v38;
	v5 =	vadd.f32 v5, v9;
	v9 =	vperm.xlane v7, v45  }
0x5be: {  	v13 =	vadd.f32 v13, v23;
	v38 =	vperm.xlane v12, v45;
	v34 =	vadd.f32 v34, v46  }
0x5bf: {  	v23 =	vperm.xlane v33, v45;
	v4 =	vadd.f32 v4, v3;
	v0 =	vadd.f32 v0, v22  }
0x5c0: {  	v46 =	vperm.xlane v2, v45;
	vm7 =	vgt.f32 v11, $1.000000000e+00;
	v7 =	vadd.f32 v7, v9  }
0x5c1: {  	v12 =	vadd.f32 v12, v38;
	v33 =	vadd.f32 v33, v23;
	v35 =	vperm.xlane v10, v45  }
0x5c2: {  	v38 =	vperm.xlane v14, v45;
	vm14 =	vgt.f32 v13, $1.000000000e+00;
	v13 =	vadd.f32 $1.000000010e-07, v13;
	v3 =	vpop (erf)  }
0x5c3: {  	v2 =	vadd.f32 v2, v46;
	v9 =	vnsel vm12, $0x3F800000, v3;
	v3 =	vperm.xlane v1, v45  }
0x5c4: {  	vm13 =	vgt.f32 v7, $1.000000000e+00;
	v7 =	vadd.f32 $1.000000010e-07, v7;
	v10 =	vadd.f32 v10, v35  }
0x5c5: {  	v1 =	vadd.f32 v1, v3;
	v3 =	vmul.f32 v9, v20;
	v20 =	vperm.xlane v6, v45  }
0x5c6: {  	(erf) = vrcp.f32 v7;
	v7 =	vadd.f32 $1.000000010e-07, v11;
	v11 =	vperm.xlane v5, v45  }
0x5c7: {  	v6 =	vadd.f32 v6, v20;
	vm9 =	vgt.f32 v1, $1.000000000e+00;
	v1 =	vadd.f32 $1.000000010e-07, v1  }
0x5c8: {  	v14 =	vadd.f32 v14, v38;
	(erf) = vrcp.f32 v13;
	v20 =	vmul.f32 v9, v62  }
0x5c9: {  	(erf) = vrcp.f32 v1;
	v1 =	vperm.xlane v8, v45;
	v13 =	vadd.f32 $1.000000010e-07, v6  }
0x5ca: {  	v5 =	vadd.f32 v5, v11;
	(erf) = vrcp.f32 v7;
	v7 =	vadd.f32 $1.000000010e-07, v12  }
0x5cb: {  	v62 =	vadd.f32 v8, v1;
	(erf) = vrcp.f32 v13;
	v1 =	vadd.f32 $1.000000010e-07, v34  }
0x5cc: {  	vm6 =	vgt.f32 v6, $1.000000000e+00;
	v6 =	vadd.f32 $1.000000010e-07, v33;
	(erf) = vrcp.f32 v7  }
0x5cd: {  	v7 =	vadd.f32 $1.000000010e-07, v10;
	(erf) = vrcp.f32 v1;
	v1 =	vperm.xlane v4, v45  }
0x5ce: {  	v11 =	vadd.f32 $1.000000010e-07, v14;
	(erf) = vrcp.f32 v6;
	v6 =	vperm.xlane v0, v45  }
0x5cf: {  	v1 =	vadd.f32 v4, v1;
	(erf) = vrcp.f32 v7;
	v4 =	vadd.f32 $1.000000010e-07, v2  }
0x5d0: {  	v23 =	vadd.f32 v0, v6;
	(erf) = vrcp.f32 v11  }
0x5d1: {  	v0 =	vadd.f32 $1.000000010e-07, v5;
	(erf) = vrcp.f32 v4;
	v4 =	vadd.f32 $1.000000010e-07, v62  }
0x5d2: {  	vm8 =	vgt.f32 v12, $1.000000000e+00  }
0x5d3: {  	vm1 =	vgt.f32 v2, $1.000000000e+00;
	(erf) = vrcp.f32 v0;
	v0 =	vadd.f32 $1.000000010e-07, v1  }
0x5d4: {  	vm3 =	vgt.f32 v10, $1.000000000e+00;
	vm15 =	vgt.f32 v14, $1.000000000e+00;
	v6 =	vpop (erf);
	(erf) = vrcp.f32 v4  }
0x5d5: {  	v10 =	vadd.f32 $1.000000010e-07, v23;
	v4 =	vpop (erf);
	(erf) = vrcp.f32 v0;
	v0 =	vnsel vm13, $0x3F800000, v6  }
0x5d6: {  	vm12 =	vgt.f32 v5, $1.000000000e+00;
	v6 =	vmul.f32 v0, v60;
	v7 =	vmul.f32 v0, v51  }
0x5d7: {  	v11 =	vmul.f32 v0, v61;
	v4 =	vnsel vm14, $0x3F800000, v4;
	v12 =	vpop (erf);
	(erf) = vrcp.f32 v10  }
0x5d8: {  	s23 =	simm.s32 $0xF;
	v2 =	vmul.f32 v4, v50;
	v10 =	vnsel vm9, $0x3F800000, v12;
	v12 =	vmul.f32 v4, v21  }
0x5d9: {  	v46 =	vld [tilespmem:$0x1FE40];
	v13 =	vmul.f32 v4, v59;
	v4 =	vmul.f32 v4, v16;
	v16 =	vmov s23  }
0x5da: {  	v8 =	vld [tilespmem:$0x1FE20];
	v0 =	vmul.f32 v0, v15;
	v5 =	vmul.f32 v10, v48;
	v16 =	vshrl.u32 v16, $0x3  }
0x5db: {  	s22 =	simm.s32 $0x0;
	v14 =	vmul.f32 v10, v47;
	v15 =	vmul.f32 v10, v58;
	v16 =	vshll.u32 v16, v29  }
0x5dc: {  	s23 =	simm.s32 $0x1;
	v10 =	vmul.f32 v10, v17;
	v17 =	vmov s22;
	s22 =	simm.s32 $0x2;
	v16 =	vbroadcast v16, $0x0  }
0x5dd: {  	vm5 =	vgt.f32 v34, $1.000000000e+00;
	v47 =	vmov s23;
	s23 =	simm.s32 $0x3;
	v48 =	vmov s22  }
0x5de: {  	v50 =	vmov s23;
	v34 =	vshrl.u32 v48, $0x3;
	v48 =	vadd.s32 v46, v16  }
0x5df: {  	v61 =	vld [tilespmem:$0x1FDC0];
	v40 =	vshrl.u32 v50, $0x3;
	v50 =	vadd.s32 v8, v16  }
0x5e0: {  	v19 =	vmul.f32 v9, v19;
	v9 =	vmul.f32 v9, v63;
	v63 =	vld [tilespmem:$0x1FDD0];
	_ =	sdelay $0x1  }
0x5e1: {  	s22 =	simm.s32 $0x5  }
0x5e2: {  	vm4 =	vgt.f32 v33, $1.000000000e+00;
	v38 =	vld [tilespmem:$0x1FFD0];
	v17 =	vshrl.u32 v17, $0x3;
	v58 =	vmov s22;
	[tilespmem:v48+s0+$0x0] =	vst.idx.msk $0xffff, v19  }
0x5e3: {  	v33 =	vshrl.u32 v47, $0x3;
	v47 =	vshrl.u32 v58, $0x3;
	v22 =	vadd.s32 v61, v16;
	v58 =	vld [tilespmem:$0x1FEC0];
	[tilespmem:v50+s0+$0x0] =	vst.idx.msk $0xffff, v3  }
0x5e4: {  	v17 =	vshll.u32 v17, v29;
	v16 =	vadd.s32 v63, v16;
	v60 =	vld [tilespmem:$0x1FFC0]  }
0x5e5: {  	s23 =	simm.s32 $0x6;
	v17 =	vbroadcast v17, $0x0  }
0x5e6: {  	v59 =	vmov s23  }
0x5e7: {  	s22 =	simm.s32 $0x7;
	v21 =	vshrl.u32 v59, $0x3;
	v59 =	vadd.s32 v38, v17  }
0x5e8: {  	v35 =	vmov s22;
	[tilespmem:v22+s0+$0x0] =	vst.idx.msk $0xffff, v20;
	v48 =	vadd.s32 v58, v17  }
0x5e9: {  	v19 =	vshrl.u32 v35, $0x3;
	v45 =	vld [tilespmem:$0x1FFB0];
	[tilespmem:v16+s0+$0x0] =	vst.idx.msk $0xffff, v9;
	v50 =	vadd.s32 v60, v17  }
0x5ea: {  	s23 =	simm.s32 $0x8;
	v9 =	vshll.u32 v19, v29;
	v19 =	vld [tilespmem:$0x1FEE0]  }
0x5eb: {  	v42 =	vmov s23;
	s22 =	simm.s32 $0x9  }
0x5ec: {  	v33 =	vshll.u32 v33, v29;
	v20 =	vshrl.u32 v42, $0x3;
	v16 =	vmov s22;
	[tilespmem:v59+s0+$0x0] =	vst.idx.msk $0xffff, v6  }
0x5ed: {  	v3 =	vbroadcast v33, $0x0;
	v6 =	vshrl.u32 v16, $0x3;
	v16 =	vshll.u32 v20, v29;
	v20 =	vld [tilespmem:$0x1FEF0];
	[tilespmem:v48+s0+$0x0] =	vst.idx.msk $0xffff, v7  }
0x5ee: {  	v17 =	vadd.s32 v45, v17;
	v48 =	vld [tilespmem:$0x1FF00];
	[tilespmem:v50+s0+$0x0] =	vst.idx.msk $0xffff, v11  }
0x5ef: {  	v19 =	vadd.s32 v19, v3;
	v59 =	vld [tilespmem:$0x1FF10];
	_ =	sdelay $0x2  }
0x5f0: {  	s28 =	simm.s32 $0x4  }
0x5f1: {  	v51 =	vmov s28;
	v20 =	vadd.s32 v20, v3;
	[tilespmem:v17+s0+$0x0] =	vst.idx.msk $0xffff, v0  }
0x5f2: {  	v41 =	vshrl.u32 v51, $0x3;
	[tilespmem:v19+s0+$0x0] =	vst.idx.msk $0xffff, v2;
	v51 =	vadd.s32 v48, v3;
	v35 =	vadd.s32 v59, v3;
	v3 =	vpop (erf)  }
0x5f3: {  	v2 =	vnsel vm7, $0x3F800000, v3;
	v3 =	vld [tilespmem:$0x1FDB0];
	_ =	sdelay $0x1  }
0x5f4: {  	v34 =	vshll.u32 v34, v29  }
0x5f5: {  	v7 =	vbroadcast v34, $0x0;
	_ =	sdelay $0x1  }
0x5f6: {  	v0 =	vshll.u32 v6, v29;
	v6 =	vbroadcast v16, $0x0;
	v16 =	vadd.s32 v3, v7  }
0x5f7: {  	[tilespmem:v20+s0+$0x0] =	vst.idx.msk $0xffff, v12  }
0x5f8: {  	[tilespmem:v51+s0+$0x0] =	vst.idx.msk $0xffff, v13  }
0x5f9: {  	[tilespmem:v35+s0+$0x0] =	vst.idx.msk $0xffff, v4;
	v4 =	vadd.s32 v32, v7  }
0x5fa: {  	v41 =	vshll.u32 v41, v29;
	v47 =	vshll.u32 v47, v29;
	v42 =	vld [tilespmem:$0x1FF30]  }
0x5fb: {  	v40 =	vshll.u32 v40, v29;
	v11 =	vbroadcast v41, $0x0;
	v41 =	vbroadcast v47, $0x0;
	v13 =	vpop (erf);
	v47 =	vld [tilespmem:$0x1FF40];
	[tilespmem:v16+s0+$0x0] =	vst.idx.msk $0xffff, v5  }
0x5fc: {  	v34 =	vbroadcast v40, $0x0;
	v13 =	vnsel vm6, $0x3F800000, v13;
	v40 =	vld [tilespmem:$0x1F470]  }
0x5fd: {  	v20 =	vmul.f32 v13, v28;
	v35 =	vld [tilespmem:$0x1FF50]  }
0x5fe: {  	v28 =	vpop (erf);
	v16 =	vmul.f32 v13, v27;
	v27 =	vmul.f32 v13, v44;
	v44 =	vld [tilespmem:$0x1FF60];
	[tilespmem:v4+s0+$0x0] =	vst.idx.msk $0xffff, v14  }
0x5ff: {  	vm14 =	vgt.f32 v1, $1.000000000e+00;
	v1 =	vmul.f32 v2, v25;
	v5 =	vnsel vm8, $0x3F800000, v28;
	v48 =	vld [tilespmem:$0x1FF80]  }
0x600: {  	v26 =	vmul.f32 v5, v26;
	v4 =	vmul.f32 v5, v55;
	v55 =	vld [tilespmem:$0x1F490]  }
0x601: {  	v51 =	vmul.f32 v5, v43;
	v25 =	vmul.f32 v5, v40;
	v5 =	vld [tilespmem:$0x1FF70]  }
0x602: {  	v33 =	vshll.u32 v21, v29;
	v19 =	vadd.s32 v42, v7;
	v50 =	vld [tilespmem:$0x1F480]  }
0x603: {  	v17 =	vbroadcast v33, $0x0;
	v12 =	vmul.f32 v2, v24;
	v45 =	vpop (erf)  }
0x604: {  	v3 =	vbroadcast v0, $0x0;
	v0 =	vmul.f32 v2, v30;
	v14 =	vnsel vm5, $0x3F800000, v45  }
0x605: {  	v21 =	vmul.f32 v14, v37;
	v28 =	vadd.s32 v35, v34;
	v30 =	vadd.s32 v44, v34  }
0x606: {  	v33 =	vadd.s32 v48, v34;
	v24 =	vmul.f32 v14, v55;
	v5 =	vadd.s32 v5, v34  }
0x607: {  	v34 =	vmul.f32 v14, v50;
	v14 =	vmul.f32 v14, v18;
	v18 =	vld [tilespmem:$0x1FF90];
	[tilespmem:v19+s0+$0x0] =	vst.idx.msk $0xffff, v15  }
0x608: {  	v7 =	vadd.s32 v47, v7;
	v59 =	vld [tilespmem:$0x1F4A0]  }
0x609: {  	vm13 =	vgt.f32 v62, $1.000000000e+00;
	v62 =	vld [tilespmem:$0x1F4B0];
	_ =	sdelay $0x1  }
0x60a: {  	v13 =	vmul.f32 v13, v56;
	v56 =	vpop (erf);
	v15 =	vld [tilespmem:$0x1FE70]  }
0x60b: {  	v2 =	vmul.f32 v2, v57;
	v19 =	vnsel vm4, $0x3F800000, v56;
	v22 =	vld [tilespmem:$0x1FE50]  }
0x60c: {  	v57 =	vld [tilespmem:$0x1FE80];
	[tilespmem:v7+s0+$0x0] =	vst.idx.msk $0xffff, v10;
	v44 =	vmul.f32 v19, v52;
	v40 =	vmul.f32 v19, v59  }
0x60d: {  	v43 =	vmul.f32 v19, v62;
	v19 =	vmul.f32 v19, v31;
	v31 =	vld [tilespmem:$0x1F4D0];
	_ =	sdelay $0x2  }
0x60e: {  	v45 =	vld [tilespmem:$0x1F4C0];
	v37 =	vadd.s32 v22, v11;
	v22 =	vpop (erf)  }
0x60f: {  	v7 =	vnsel vm3, $0x3F800000, v22  }
0x610: {  	v31 =	vmul.f32 v7, v31;
	_ =	sdelay $0x1  }
0x611: {  	[tilespmem:$0x1F630] =	vst v31;
	v31 =	vmul.f32 v7, v53  }
0x612: {  	v22 =	vmul.f32 v7, v45;
	v7 =	vmul.f32 v7, v36  }
0x613: {  	[tilespmem:$0x1F640] =	vst v31  }
0x614: {  	v10 =	vld [tilespmem:$0x1FE60];
	[tilespmem:$0x1F650] =	vst v7  }
0x615: {  	v7 =	vld [tilespmem:$0x1FE90];
	[tilespmem:v28+s0+$0x0] =	vst.idx.msk $0xffff, v0  }
0x616: {  	v0 =	vld [tilespmem:$0x1FDE0]  }
0x617: {  	v28 =	vld [tilespmem:$0x1FDF0]  }
0x618: {  	v31 =	vld [tilespmem:$0x1F4E0];
	_ =	sdelay $0x2  }
0x619: {  	v48 =	vpop (erf)  }
0x61a: {  	v10 =	vadd.s32 v10, v41;
	v36 =	vnsel vm15, $0x3F800000, v48;
	v7 =	vadd.s32 v7, v41  }
0x61b: {  	v0 =	vadd.s32 v0, v41;
	v28 =	vadd.s32 v28, v41;
	v41 =	vmul.f32 v36, v31;
	v31 =	vld [tilespmem:$0x1FE00];
	_ =	sdelay $0x4  }
0x61c: {  	v45 =	vadd.s32 v31, v17;
	v31 =	vld [tilespmem:$0x1FE10];
	[tilespmem:v30+s0+$0x0] =	vst.idx.msk $0xffff, v1  }
0x61d: {  	v52 =	vld [tilespmem:$0x1F500];
	_ =	sdelay $0x3  }
0x61e: {  	v18 =	vadd.s32 v18, v11;
	v53 =	vmul.f32 v36, v49  }
0x61f: {  	vm15 =	vgt.f32 v23, $1.000000000e+00;
	v23 =	vmul.f32 v36, v52  }
0x620: {  	v15 =	vadd.s32 v15, v11;
	v50 =	vld [tilespmem:$0x1F4F0];
	[tilespmem:$0x1F670] =	vst v53  }
0x621: {  	v55 =	vld [tilespmem:$0x1FEA0];
	[tilespmem:$0x1F660] =	vst v23  }
0x622: {  	v11 =	vadd.s32 v57, v11;
	v56 =	vld [tilespmem:$0x1FEB0];
	[tilespmem:v5+s0+$0x0] =	vst.idx.msk $0xffff, v12  }
0x623: {  	[tilespmem:v18+s0+$0x0] =	vst.idx.msk $0xffff, v20  }
0x624: {  	[tilespmem:v33+s0+$0x0] =	vst.idx.msk $0xffff, v2  }
0x625: {  	[tilespmem:v15+s0+$0x0] =	vst.idx.msk $0xffff, v16  }
0x626: {  	v9 =	vbroadcast v9, $0x0;
	[tilespmem:v37+s0+$0x0] =	vst.idx.msk $0xffff, v27  }
0x627: {  	[tilespmem:v11+s0+$0x0] =	vst.idx.msk $0xffff, v13  }
0x628: {  	v12 =	vadd.s32 v8, v9;
	v8 =	vld [tilespmem:$0x1F510];
	_ =	sdelay $0x2  }
0x629: {  	v1 =	vpop (erf)  }
0x62a: {  	v1 =	vnsel vm1, $0x3F800000, v1;
	[tilespmem:v10+s0+$0x0] =	vst.idx.msk $0xffff, v25  }
0x62b: {  	v11 =	vmul.f32 v1, v8;
	v8 =	vld [tilespmem:$0x1F520];
	[tilespmem:v7+s0+$0x0] =	vst.idx.msk $0xffff, v26  }
0x62c: {  	v7 =	vld [tilespmem:$0x1F530];
	[tilespmem:v0+s0+$0x0] =	vst.idx.msk $0xffff, v51  }
0x62d: {  	v0 =	vld [tilespmem:$0x1F540];
	_ =	sdelay $0x2  }
0x62e: {  	v57 =	vpop (erf);
	v5 =	vadd.s32 v46, v9;
	v2 =	vadd.s32 v61, v9;
	v33 =	vadd.s32 v63, v9  }
0x62f: {  	v9 =	vnsel vm12, $0x3F800000, v57;
	v25 =	vmul.f32 v1, v8;
	v26 =	vmul.f32 v1, v7  }
0x630: {  	v1 =	vmul.f32 v1, v54;
	v54 =	vmul.f32 v9, v0;
	v0 =	vld [tilespmem:$0x1F550];
	_ =	sdelay $0x2  }
0x631: {  	v59 =	vpop (erf)  }
0x632: {  	v62 =	vpop (erf);
	[tilespmem:v28+s0+$0x0] =	vst.idx.msk $0xffff, v4  }
0x633: {  	v20 =	vnsel vm14, $0x3F800000, v62;
	v62 =	vmul.f32 v9, v0;
	v0 =	vld [tilespmem:$0x1F560];
	_ =	sdelay $0x3  }
0x634: {  	[tilespmem:v45+s0+$0x0] =	vst.idx.msk $0xffff, v34  }
0x635: {  	v4 =	vmul.f32 v9, v0;
	v0 =	vld [tilespmem:$0x1F570];
	_ =	sdelay $0x3  }
0x636: {  	v48 =	vadd.s32 v31, v17;
	v18 =	vnsel vm13, $0x3F800000, v59;
	v63 =	vpop (erf)  }
0x637: {  	v15 =	vnsel vm15, $0x3F800000, v63;
	v63 =	vmul.f32 v18, v0;
	v0 =	vld [tilespmem:$0x1F580];
	_ =	sdelay $0x3  }
0x638: {  	[tilespmem:v48+s0+$0x0] =	vst.idx.msk $0xffff, v24  }
0x639: {  	v61 =	vmul.f32 v18, v0;
	v0 =	vld [tilespmem:$0x1F590];
	_ =	sdelay $0x3  }
0x63a: {  	v49 =	vadd.s32 v55, v17  }
0x63b: {  	v13 =	vadd.s32 v58, v6;
	v58 =	vadd.s32 v60, v6;
	v60 =	vmul.f32 v18, v0;
	v0 =	vld [tilespmem:$0x1F5A0];
	_ =	sdelay $0x3  }
0x63c: {  	[tilespmem:v49+s0+$0x0] =	vst.idx.msk $0xffff, v21  }
0x63d: {  	v30 =	vmul.f32 v36, v50;
	v36 =	vmul.f32 v18, v0;
	v0 =	vld [tilespmem:$0x1F5B0];
	_ =	sdelay $0x3  }
0x63e: {  	v17 =	vadd.s32 v56, v17  }
0x63f: {  	v16 =	vmul.f32 v20, v0;
	v0 =	vld [tilespmem:$0x1F5C0];
	_ =	sdelay $0x3  }
0x640: {  	[tilespmem:v17+s0+$0x0] =	vst.idx.msk $0xffff, v14  }
0x641: {  	v57 =	vmul.f32 v20, v0;
	v0 =	vld [tilespmem:$0x1F5D0];
	_ =	sdelay $0x4  }
0x642: {  	v56 =	vmul.f32 v20, v0;
	v0 =	vld [tilespmem:$0x1F5E0];
	_ =	sdelay $0x3  }
0x643: {  	[tilespmem:v5+s0+$0x0] =	vst.idx.msk $0xffff, v40  }
0x644: {  	v28 =	vmul.f32 v9, v39;
	v9 =	vmul.f32 v20, v0;
	v0 =	vld [tilespmem:$0x1F5F0];
	_ =	sdelay $0x4  }
0x645: {  	v53 =	vmul.f32 v15, v0;
	v0 =	vld [tilespmem:$0x1F600];
	_ =	sdelay $0x3  }
0x646: {  	[tilespmem:v12+s0+$0x0] =	vst.idx.msk $0xffff, v43  }
0x647: {  	v7 =	vmul.f32 v15, v0;
	v0 =	vld [tilespmem:$0x1F610];
	_ =	sdelay $0x4  }
0x648: {  	v31 =	vmul.f32 v15, v0;
	v0 =	vld [tilespmem:$0x1F620];
	[tilespmem:v2+s0+$0x0] =	vst.idx.msk $0xffff, v44  }
0x649: {  	v8 =	vld [tilespmem:$0x1FFB0];
	_ =	sdelay $0x3  }
0x64a: {  	v37 =	vadd.s32 v38, v6;
	[tilespmem:v33+s0+$0x0] =	vst.idx.msk $0xffff, v19  }
0x64b: {  	v6 =	vadd.s32 v8, v6;
	v8 =	vld [tilespmem:$0x1FEE0];
	_ =	sdelay $0x3  }
0x64c: {  	[tilespmem:v37+s0+$0x0] =	vst.idx.msk $0xffff, v22  }
0x64d: {  	v19 =	vadd.s32 v8, v3;
	v8 =	vld [tilespmem:$0x1FEF0];
	_ =	sdelay $0x4  }
0x64e: {  	v51 =	vadd.s32 v8, v3;
	v8 =	vld [tilespmem:$0x1F630];
	_ =	sdelay $0x4  }
0x64f: {  	[tilespmem:v13+s0+$0x0] =	vst.idx.msk $0xffff, v8  }
0x650: {  	v8 =	vld [tilespmem:$0x1FF00];
	_ =	sdelay $0x2  }
0x651: {  	s23 =	simm.s32 $0x13  }
0x652: {  	v55 =	vmov s23  }
0x653: {  	v20 =	vshrl.u32 v55, $0x3;
	v55 =	vadd.s32 v8, v3;
	v8 =	vld [tilespmem:$0x1F640];
	_ =	sdelay $0x4  }
0x654: {  	[tilespmem:v58+s0+$0x0] =	vst.idx.msk $0xffff, v8  }
0x655: {  	v8 =	vld [tilespmem:$0x1FF10];
	_ =	sdelay $0x4  }
0x656: {  	v3 =	vadd.s32 v8, v3;
	v8 =	vld [tilespmem:$0x1F650];
	_ =	sdelay $0x4  }
0x657: {  	s23 =	simm.s32 $0x16;
	[tilespmem:v6+s0+$0x0] =	vst.idx.msk $0xffff, v8  }
0x658: {  	v38 =	vmov s23;
	s23 =	simm.s32 $0x18;
	v37 =	vld [tilespmem:$0x1FDB0];
	[tilespmem:v19+s0+$0x0] =	vst.idx.msk $0xffff, v41  }
0x659: {  	v39 =	vmov s23;
	s23 =	simm.s32 $0xA;
	[tilespmem:v51+s0+$0x0] =	vst.idx.msk $0xffff, v30  }
0x65a: {  	v18 =	vmov s23;
	v22 =	vld [tilespmem:$0x1F660]  }
0x65b: {  	s28 =	simm.s32 $0x10;
	s22 =	simm.s32 $0x12;
	v18 =	vshrl.u32 v18, $0x3  }
0x65c: {  	v23 =	vmov s28;
	v27 =	vmov s22;
	s22 =	simm.s32 $0x15;
	v18 =	vshll.u32 v18, v29  }
0x65d: {  	s5 =	simm.s32 $0x11;
	v50 =	vshrl.u32 v23, $0x3;
	v59 =	vmov s22;
	s22 =	simm.s32 $0x17;
	v18 =	vbroadcast v18, $0x0  }
0x65e: {  	v23 =	vmov s5;
	v10 =	vmov s22;
	v17 =	vshrl.u32 v27, $0x3  }
0x65f: {  	v12 =	vshrl.u32 v23, $0x3;
	v6 =	vshll.u32 v17, v29;
	v17 =	vadd.s32 v37, v18;
	[tilespmem:v55+s0+$0x0] =	vst.idx.msk $0xffff, v22  }
0x660: {  	v24 =	vshll.u32 v12, v29;
	v12 =	vshrl.u32 v59, $0x3;
	v59 =	vshrl.u32 v10, $0x3;
	v10 =	vld [tilespmem:$0x1F670];
	_ =	sdelay $0x3  }
0x661: {  	s22 =	simm.s32 $0x19;
	[tilespmem:v17+s0+$0x0] =	vst.idx.msk $0xffff, v11  }
0x662: {  	v46 =	vmov s22;
	s22 =	simm.s32 $0xB;
	v27 =	vadd.s32 v32, v18;
	[tilespmem:v3+s0+$0x0] =	vst.idx.msk $0xffff, v10  }
0x663: {  	v49 =	vmov s22;
	v10 =	vld [tilespmem:$0x1FF60]  }
0x664: {  	v21 =	vshrl.u32 v49, $0x3  }
0x665: {  	v21 =	vshll.u32 v21, v29  }
0x666: {  	v21 =	vbroadcast v21, $0x0;
	s23 =	simm.s32 $0xC;
	v2 =	vshll.u32 v50, v29  }
0x667: {  	v14 =	vmov s23;
	v50 =	vshll.u32 v12, v29;
	v8 =	vadd.s32 v42, v18;
	[tilespmem:v27+s0+$0x0] =	vst.idx.msk $0xffff, v25  }
0x668: {  	v12 =	vshrl.u32 v14, $0x3;
	v18 =	vadd.s32 v47, v18;
	v14 =	vadd.s32 v10, v21;
	v10 =	vld [tilespmem:$0x1FF70];
	_ =	sdelay $0x2  }
0x669: {  	v3 =	vadd.s32 v35, v21  }
0x66a: {  	v19 =	vshrl.u32 v38, $0x3;
	v17 =	vshll.u32 v12, v29;
	[tilespmem:v8+s0+$0x0] =	vst.idx.msk $0xffff, v26  }
0x66b: {  	v12 =	vshll.u32 v19, v29;
	v19 =	vadd.s32 v10, v21;
	v10 =	vld [tilespmem:$0x1FF80];
	[tilespmem:v18+s0+$0x0] =	vst.idx.msk $0xffff, v1  }
0x66c: {  	v1 =	vld [tilespmem:$0x1FF90];
	_ =	sdelay $0x1  }
0x66d: {  	[tilespmem:v3+s0+$0x0] =	vst.idx.msk $0xffff, v54  }
0x66e: {  	v17 =	vbroadcast v17, $0x0;
	v8 =	vshrl.u32 v46, $0x3;
	v3 =	vld [tilespmem:$0x1FE70];
	[tilespmem:v14+s0+$0x0] =	vst.idx.msk $0xffff, v62  }
0x66f: {  	v51 =	vshll.u32 v8, v29;
	v8 =	vld [tilespmem:$0x1FE50];
	v21 =	vadd.s32 v10, v21;
	[tilespmem:v19+s0+$0x0] =	vst.idx.msk $0xffff, v4  }
0x670: {  	v30 =	vbroadcast v2, $0x0;
	v1 =	vadd.s32 v1, v17;
	v2 =	vld [tilespmem:$0x1FE80];
	_ =	sdelay $0x1  }
0x671: {  	s22 =	simm.s32 $0xD  }
0x672: {  	s5 =	simm.s32 $0x14;
	v5 =	vmov s22  }
0x673: {  	v52 =	vmov s5;
	v5 =	vshrl.u32 v5, $0x3;
	[tilespmem:v21+s0+$0x0] =	vst.idx.msk $0xffff, v28  }
0x674: {  	v20 =	vshll.u32 v20, v29;
	v13 =	vshrl.u32 v52, $0x3;
	v62 =	vadd.s32 v2, v17;
	v2 =	vld [tilespmem:$0x1FE60];
	[tilespmem:v1+s0+$0x0] =	vst.idx.msk $0xffff, v63  }
0x675: {  	s5 =	simm.s32 $0x8BF0;
	s23 =	simm.s32 $0xE;
	v48 =	vshll.u32 v59, v29;
	v0 =	vmul.f32 v15, v0;
	v13 =	vshll.u32 v13, v29;
	v1 =	vld [tilespmem:$0x1FE90]  }
0x676: {  	v45 =	vld [tilespmem:s5+$0xFFFFFFF0];
	v15 =	vmov s23;
	v41 =	vbroadcast v13, $0x0;
	v11 =	vshrl.u32 v39, $0x3  }
0x677: {  	v58 =	vld [tilespmem:s5+$0xFFFFFFD0];
	v46 =	vbroadcast v20, $0x0;
	v43 =	vadd.s32 v3, v17;
	v3 =	vshll.u32 v5, v29  }
0x678: {  	v39 =	vld [tilespmem:s5+$0xFFFFFC20];
	v59 =	vshll.u32 v11, v29;
	v54 =	vbroadcast v6, $0x0;
	v55 =	vbroadcast v3, $0x0  }
0x679: {  	v26 =	vld [tilespmem:s5+$0xFFFFFFE0];
	v19 =	vbroadcast v24, $0x0;
	v5 =	vshrl.u32 v15, $0x3;
	v40 =	vadd.s32 v8, v17  }
0x67a: {  	s22 =	simm.s32 $0x20;
	v10 =	vld [tilespmem:s5+$0xFFFFFC50];
	v49 =	vshll.u32 v5, v29;
	v47 =	vadd.s32 v2, v55;
	v44 =	vadd.s32 v1, v55  }
.LBB2_5:
0x67b: {  	v3 =	vld [tilespmem:$0x1FDE0]  }
0x67c: {  	v11 =	vld [tilespmem:$0x1FE00]  }
0x67d: {  	v8 =	vld [tilespmem:$0x1FDF0]  }
0x67e: {  	v15 =	vld [tilespmem:$0x1FE10]  }
0x67f: {  	v2 =	vbroadcast v49, $0x0;
	v29 =	vld [tilespmem:$0x1FEA0]  }
0x680: {  	v52 =	vld [tilespmem:$0x1FEB0];
	v4 =	vand.u32 $0x7FFFFFFF, v58;
	v5 =	vand.u32 $0x7FFFFFFF, v26;
	v1 =	vadd.s32 v3, v55  }
0x681: {  	v4 =	vadd.f32 v5, v4;
	v5 =	vadd.s32 v11, v2  }
0x682: {  	v6 =	vadd.s32 v8, v55  }
0x683: {  	[tilespmem:v47+s0+$0x0] =	vst.idx.msk $0xffff, v16;
	v16 =	vadd.s32 v15, v2  }
0x684: {  	v18 =	vld [tilespmem:s5+$0x0];
	[tilespmem:v44+s0+$0x0] =	vst.idx.msk $0xffff, v57;
	v21 =	vadd.s32 v29, v2  }
0x685: {  	v24 =	vld [tilespmem:s5+$0xFFFFFC60];
	[tilespmem:v1+s0+$0x0] =	vst.idx.msk $0xffff, v56;
	v1 =	vadd.s32 v52, v2  }
0x686: {  	v22 =	vld [tilespmem:s5+$0xFFFFFC90];
	[tilespmem:v5+s0+$0x0] =	vst.idx.msk $0xffff, v53  }
0x687: {  	v28 =	vld [tilespmem:$0x1FFD0];
	[tilespmem:v6+s0+$0x0] =	vst.idx.msk $0xffff, v9  }
0x688: {  	v25 =	vld [tilespmem:s5+$0xFFFFFCA0];
	[tilespmem:v16+s0+$0x0] =	vst.idx.msk $0xffff, v7  }
0x689: {  	v6 =	vld [tilespmem:s5+$0xFFFFFD20];
	[tilespmem:v21+s0+$0x0] =	vst.idx.msk $0xffff, v31  }
0x68a: {  	[tilespmem:v1+s0+$0x0] =	vst.idx.msk $0xffff, v0;
	v1 =	vld [tilespmem:$0x1FEE0]  }
0x68b: {  	v17 =	vbroadcast v12, $0x0;
	v23 =	vld [tilespmem:s5+$0xFFFFFCD0];
	v12 =	vand.u32 $0x7FFFFFFF, v45;
	v20 =	vand.u32 $0x7FFFFFFF, v10  }
0x68c: {  	v4 =	vadd.f32 v12, v4;
	v2 =	vand.u32 $0x7FFFFFFF, v24;
	v5 =	vadd.s32 v28, v30;
	v53 =	vld [tilespmem:$0x1FE30]  }
0x68d: {  	v27 =	vld [tilespmem:s5+$0xFFFFFCE0];
	v20 =	vadd.f32 v2, v20;
	v2 =	vand.u32 $0x7FFFFFFF, v22;
	[tilespmem:$0x1EC60] =	vst v5;
	v5 =	vand.u32 $0x7FFFFFFF, v25  }
0x68e: {  	[tilespmem:$0x1ECD0] =	vst v22;
	v12 =	vand.u32 $0x7FFFFFFF, v18;
	v22 =	vadd.f32 v5, v2;
	v5 =	vld [tilespmem:$0x1FFC0]  }
0x68f: {  	v4 =	vadd.f32 v12, v4;
	v7 =	vld [tilespmem:$0x1FEC0];
	[tilespmem:$0x1ED60] =	vst v6;
	v1 =	vadd.s32 v1, v19  }
0x690: {  	[tilespmem:$0x1ECC0] =	vst v1;
	v1 =	vand.u32 $0x7FFFFFFF, v6;
	v6 =	vld [tilespmem:$0x1FFF0]  }
0x691: {  	v9 =	vperm.xlane v4, v53;
	_ =	sdelay $0x1  }
0x692: {  	[tilespmem:$0x1ECA0] =	vst v24;
	v5 =	vadd.s32 v5, v30;
	v4 =	vadd.f32 v4, v9  }
0x693: {  	v2 =	vand.u32 $0x7FFFFFFF, v23;
	v0 =	vld [tilespmem:$0x1FFB0];
	v7 =	vadd.s32 v7, v30;
	[tilespmem:$0x1EC80] =	vst v5;
	v5 =	vand.u32 $0x7FFFFFFF, v27  }
0x694: {  	v24 =	vld [tilespmem:s5+$0xFFFFFD10];
	[tilespmem:$0x1EC70] =	vst v7;
	v7 =	vadd.f32 v5, v2;
	v2 =	vperm.xlane v4, v6;
	_ =	sdelay $0x1  }
0x695: {  	v2 =	vadd.f32 v4, v2;
	v4 =	vld [tilespmem:$0x1FF10]  }
0x696: {  	v31 =	vld [tilespmem:$0x1FFE0]  }
0x697: {  	v0 =	vadd.s32 v0, v30  }
0x698: {  	v42 =	vld [tilespmem:s5+$0xFFFFFD60];
	[tilespmem:$0x1ECB0] =	vst v0;
	v0 =	vand.u32 $0x7FFFFFFF, v24  }
0x699: {  	v33 =	vadd.f32 v1, v0;
	v1 =	vld [tilespmem:$0x1FF00]  }
0x69a: {  	v12 =	vld [tilespmem:s5+$0xFFFFFD50];
	v4 =	vadd.s32 v4, v19  }
0x69b: {  	v16 =	vld [tilespmem:s5+$0xFFFFFD90];
	[tilespmem:$0x1ED30] =	vst v4;
	v4 =	vperm.xlane v2, v31  }
0x69c: {  	[tilespmem:$0x1ED50] =	vst v24;
	v24 =	vld [tilespmem:s5+$0xFFFFFDA0]  }
0x69d: {  	v2 =	vadd.f32 v2, v4;
	v4 =	vld [tilespmem:$0x1FF40]  }
0x69e: {  	[tilespmem:v43+s0+$0x0] =	vst.idx.msk $0xffff, v61;
	v43 =	vld [tilespmem:s5+$0xFFFFFDD0];
	v1 =	vadd.s32 v1, v19  }
0x69f: {  	v5 =	vld [tilespmem:$0x1FEF0];
	v0 =	vand.u32 $0x7FFFFFFF, v12;
	[tilespmem:$0x1ED00] =	vst v1;
	v1 =	vand.u32 $0x7FFFFFFF, v42  }
0x6a0: {  	[tilespmem:$0x1ED90] =	vst v12;
	v9 =	vld [tilespmem:s5+$0xFFFFFE10];
	v34 =	vadd.f32 v1, v0;
	v1 =	vadd.s32 v37, v54  }
0x6a1: {  	v12 =	vld [tilespmem:s5+$0xFFFFFDE0];
	v0 =	vand.u32 $0x7FFFFFFF, v16;
	[tilespmem:$0x1ED40] =	vst v1;
	v1 =	vand.u32 $0x7FFFFFFF, v24  }
0x6a2: {  	v38 =	vadd.f32 v1, v0;
	v1 =	vld [tilespmem:$0x1FF30];
	v4 =	vadd.s32 v4, v54  }
0x6a3: {  	[tilespmem:$0x1EDB0] =	vst v4;
	v4 =	vld [tilespmem:$0x1FF50]  }
0x6a4: {  	v5 =	vadd.s32 v5, v19;
	v19 =	vld [tilespmem:s5+$0xFFFFFE20];
	_ =	sdelay $0x2  }
0x6a5: {  	v1 =	vadd.s32 v1, v54  }
0x6a6: {  	v0 =	vand.u32 $0x7FFFFFFF, v43;
	[tilespmem:$0x1ED80] =	vst v1;
	v1 =	vand.u32 $0x7FFFFFFF, v12;
	v4 =	vadd.s32 v4, v46  }
0x6a7: {  	v1 =	vadd.f32 v1, v0;
	v0 =	vand.u32 $0x7FFFFFFF, v9;
	[tilespmem:$0x1EDC0] =	vst v4;
	v4 =	vand.u32 $0x7FFFFFFF, v19  }
0x6a8: {  	v4 =	vadd.f32 v4, v0;
	v0 =	vld [tilespmem:$0x1FF70];
	_ =	sdelay $0x4  }
0x6a9: {  	v0 =	vadd.s32 v0, v46  }
0x6aa: {  	[tilespmem:$0x1EE00] =	vst v0;
	v0 =	vld [tilespmem:$0x1FF80];
	_ =	sdelay $0x4  }
0x6ab: {  	v0 =	vadd.s32 v0, v46  }
0x6ac: {  	[tilespmem:$0x1EE30] =	vst v0;
	v0 =	vld [tilespmem:$0x1FF90]  }
0x6ad: {  	[tilespmem:v40+s0+$0x0] =	vst.idx.msk $0xffff, v60  }
0x6ae: {  	[tilespmem:v62+s0+$0x0] =	vst.idx.msk $0xffff, v36  }
0x6af: {  	[tilespmem:$0x1EC90] =	vst v10  }
0x6b0: {  	v35 =	vld [tilespmem:s5+$0xFFFFFC30];
	[tilespmem:$0x1ECE0] =	vst v25  }
0x6b1: {  	v44 =	vld [tilespmem:s5+$0xFFFFFE60];
	[tilespmem:$0x1ED10] =	vst v23;
	v0 =	vadd.s32 v0, v41  }
0x6b2: {  	[tilespmem:$0x1EE40] =	vst v0;
	v0 =	vld [tilespmem:$0x1FE70]  }
0x6b3: {  	[tilespmem:$0x1ECF0] =	vst v5;
	v5 =	vld [tilespmem:$0x1FF20]  }
0x6b4: {  	v32 =	vld [tilespmem:$0x1FED0];
	[tilespmem:$0x1ED20] =	vst v27  }
0x6b5: {  	[tilespmem:$0x1EDD0] =	vst v16;
	v16 =	vld [tilespmem:s5+$0xFFFFFE50]  }
0x6b6: {  	[tilespmem:$0x1EEA0] =	vst v44;
	v27 =	vld [tilespmem:$0x1FFA0]  }
0x6b7: {  	v25 =	vld [tilespmem:s5+$0xFFFFFF20];
	[tilespmem:$0x1EDE0] =	vst v24;
	v0 =	vadd.s32 v0, v41  }
0x6b8: {  	v5 =	vadd.s32 v5, v54;
	[tilespmem:$0x1EE70] =	vst v0;
	v0 =	vld [tilespmem:$0x1FE50]  }
0x6b9: {  	v24 =	vld [tilespmem:s5+$0xFFFFFEA0];
	[tilespmem:$0x1ED70] =	vst v5  }
0x6ba: {  	[tilespmem:$0x1EE90] =	vst v16;
	v47 =	vand.u32 $0x7FFFFFFF, v16;
	v16 =	vld [tilespmem:s5+$0xFFFFFF10]  }
0x6bb: {  	[tilespmem:$0x1EE60] =	vst v19;
	v5 =	vperm.xlane v2, v27;
	v19 =	vld [tilespmem:s5+$0xFFFFFED0]  }
0x6bc: {  	[tilespmem:$0x1EE20] =	vst v12;
	v12 =	vld [tilespmem:s5+$0xFFFFFE90]  }
0x6bd: {  	[tilespmem:$0x1EE50] =	vst v9;
	v9 =	vld [tilespmem:$0x1FF60];
	v2 =	vadd.f32 v2, v5;
	v0 =	vadd.s32 v0, v41  }
0x6be: {  	[tilespmem:$0x1EE80] =	vst v0;
	v0 =	vld [tilespmem:$0x1FE80]  }
0x6bf: {  	v36 =	vld [tilespmem:s5+$0xFFFFFC70];
	[tilespmem:$0x1EEE0] =	vst v24;
	v49 =	vand.u32 $0x7FFFFFFF, v24;
	v24 =	vadd.f32 $1.000000010e-07, v2  }
0x6c0: {  	v13 =	vbroadcast v50, $0x0;
	v50 =	vbroadcast v51, $0x0;
	[tilespmem:$0x1EF10] =	vst v19;
	v51 =	vand.u32 $0x7FFFFFFF, v19;
	v19 =	vld [tilespmem:s5+$0xFFFFFF60]  }
0x6c1: {  	v21 =	vld [tilespmem:$0x1FE40];
	[tilespmem:$0x1EF60] =	vst v25;
	(erf) = vrcp.f32 v24  }
0x6c2: {  	v10 =	vbroadcast v48, $0x0;
	[tilespmem:$0x1EED0] =	vst v12;
	v48 =	vand.u32 $0x7FFFFFFF, v12;
	v12 =	vld [tilespmem:s5+$0xFFFFFF50];
	v9 =	vadd.s32 v9, v46  }
0x6c3: {  	s23 =	sadd.s32 $0xF, s28;
	v55 =	vand.u32 $0x7FFFFFFF, v16;
	[tilespmem:$0x1EDF0] =	vst v9;
	v9 =	vld [tilespmem:s5+$0xFFFFFEE0];
	v24 =	vand.u32 $0x7FFFFFFF, v25;
	v0 =	vadd.s32 v0, v41  }
0x6c4: {  	v23 =	vand.u32 $0x7FFFFFFF, v44;
	v44 =	vadd.f32 v24, v55;
	v24 =	vmov s23;
	[tilespmem:$0x1EEB0] =	vst v0;
	v0 =	vld [tilespmem:$0x1FE60]  }
0x6c5: {  	v24 =	vshrl.u32 v24, $0x3;
	[tilespmem:$0x1EFB0] =	vst v19;
	v25 =	vand.u32 $0x7FFFFFFF, v19;
	v19 =	vld [tilespmem:$0x1FE20]  }
0x6c6: {  	v62 =	vld [tilespmem:s5+$0xFFFFFD30];
	v24 =	vshll.u32 v24, v32  }
0x6c7: {  	[tilespmem:$0x1EDA0] =	vst v42;
	v30 =	vld [tilespmem:s5+$0xFFFFFC10];
	v37 =	vbroadcast v24, $0x0  }
0x6c8: {  	v40 =	vbroadcast v59, $0x0;
	[tilespmem:$0x1EF20] =	vst v9;
	v54 =	vand.u32 $0x7FFFFFFF, v9;
	v9 =	vld [tilespmem:s5+$0xFFFFFF90]  }
0x6c9: {  	[tilespmem:$0x1EF50] =	vst v16;
	v16 =	vld [tilespmem:s5+$0xFFFFFFA0];
	v5 =	vadd.f32 v23, v47;
	v47 =	vadd.s32 v21, v37;
	v0 =	vadd.s32 v0, v13  }
0x6ca: {  	vm0 =	vgt.f32 v2, $1.000000000e+00;
	v56 =	vand.u32 $0x7FFFFFFF, v12;
	v61 =	vpop (erf);
	v2 =	vadd.s32 v19, v37;
	[tilespmem:$0x1EEC0] =	vst v0;
	v0 =	vld [tilespmem:$0x1FE90]  }
0x6cb: {  	[tilespmem:$0x1EE10] =	vst v43;
	v42 =	vadd.f32 v49, v48;
	v48 =	vld [tilespmem:s5+$0xFFFFFD70];
	v59 =	vadd.f32 v25, v56;
	v56 =	vnsel vm0, $0x3F800000, v61  }
0x6cc: {  	[tilespmem:$0x1EFA0] =	vst v12;
	v12 =	vld [tilespmem:$0x1FDD0];
	v58 =	vmul.f32 v56, v58  }
0x6cd: {  	[tilespmem:$0x1EFF0] =	vst v9;
	v43 =	vadd.f32 v54, v51;
	v54 =	vld [tilespmem:s5+$0xFFFFFDF0];
	v26 =	vmul.f32 v56, v26  }
0x6ce: {  	v57 =	vand.u32 $0x7FFFFFFF, v9;
	v9 =	vld [tilespmem:$0x1FDC0];
	[tilespmem:v47+s0+$0x0] =	vst.idx.msk $0xffff, v58  }
0x6cf: {  	v14 =	vand.u32 $0x7FFFFFFF, v39;
	v49 =	vand.u32 $0x7FFFFFFF, v36;
	v51 =	vld [tilespmem:s5+$0xFFFFFDB0];
	[tilespmem:v2+s0+$0x0] =	vst.idx.msk $0xffff, v26;
	v0 =	vadd.s32 v0, v13  }
0x6d0: {  	v20 =	vadd.f32 v49, v20;
	v24 =	vand.u32 $0x7FFFFFFF, v30;
	v58 =	vld [tilespmem:s5+$0xFFFFFEF0];
	[tilespmem:$0x1EEF0] =	vst v0;
	v0 =	vadd.s32 v3, v13  }
0x6d1: {  	v49 =	vand.u32 $0x7FFFFFFF, v48;
	v46 =	vld [tilespmem:s5+$0xFFFFFCF0];
	v47 =	vmul.f32 v56, v45;
	[tilespmem:$0x1EF00] =	vst v0;
	v0 =	vadd.s32 v8, v13  }
0x6d2: {  	v2 =	vmul.f32 v56, v18;
	v41 =	vld [tilespmem:s5+$0xFFFFFCB0];
	v13 =	vand.u32 $0x7FFFFFFF, v16;
	[tilespmem:$0x1EF30] =	vst v0;
	v0 =	vadd.s32 v11, v17  }
0x6d3: {  	v18 =	vand.u32 $0x7FFFFFFF, v54;
	v63 =	vadd.f32 v13, v57;
	v57 =	vld [tilespmem:s5+$0xFFFFFE30];
	[tilespmem:$0x1EF40] =	vst v0;
	v0 =	vadd.s32 v9, v37  }
0x6d4: {  	v60 =	vld [tilespmem:s5+$0xFFFFFE70];
	v45 =	vand.u32 $0x7FFFFFFF, v51;
	v1 =	vadd.f32 v18, v1;
	v8 =	vadd.s32 v12, v37  }
0x6d5: {  	v61 =	vld [tilespmem:s5+$0xFFFFFEB0];
	v18 =	vand.u32 $0x7FFFFFFF, v58;
	v13 =	vadd.f32 v14, v24;
	v11 =	vand.u32 $0x7FFFFFFF, v62  }
0x6d6: {  	v3 =	vand.u32 $0x7FFFFFFF, v46;
	v14 =	vand.u32 $0x7FFFFFFF, v35;
	v26 =	vadd.f32 v11, v33;
	v11 =	vld [tilespmem:s5+$0xFFFFFF70]  }
0x6d7: {  	v55 =	vand.u32 $0x7FFFFFFF, v41;
	v3 =	vadd.f32 v3, v7;
	v37 =	vadd.f32 v14, v13;
	v13 =	vld [tilespmem:s5+$0xFFFFFF30]  }
0x6d8: {  	v7 =	vadd.f32 v49, v34;
	v56 =	vand.u32 $0x7FFFFFFF, v57;
	[tilespmem:v0+s0+$0x0] =	vst.idx.msk $0xffff, v47;
	v0 =	vadd.f32 v45, v38;
	v38 =	vld [tilespmem:s5+$0xFFFFFC40]  }
0x6d9: {  	v14 =	vadd.f32 v56, v4;
	v4 =	vand.u32 $0x7FFFFFFF, v60;
	[tilespmem:v8+s0+$0x0] =	vst.idx.msk $0xffff, v2;
	v2 =	vld [tilespmem:s5+$0xFFFFFFB0];
	v8 =	vadd.s32 v15, v17  }
0x6da: {  	[tilespmem:$0x1F000] =	vst v16;
	v49 =	vld [tilespmem:s5+$0xFFFFFD00];
	v15 =	vadd.f32 v4, v5;
	v5 =	vand.u32 $0x7FFFFFFF, v61;
	v4 =	vadd.s32 v29, v17  }
0x6db: {  	v22 =	vadd.f32 v55, v22;
	v56 =	vld [tilespmem:s5+$0xFFFFFC80];
	[tilespmem:$0x1EF90] =	vst v4;
	v16 =	vadd.f32 v5, v42;
	v4 =	vadd.s32 v52, v17  }
0x6dc: {  	v47 =	vld [tilespmem:s5+$0xFFFFFD40];
	v42 =	vadd.f32 v18, v43;
	v17 =	vand.u32 $0x7FFFFFFF, v13;
	[tilespmem:$0x1EFC0] =	vst v4;
	v4 =	vadd.s32 v21, v10  }
0x6dd: {  	v55 =	vld [tilespmem:s5+$0xFFFFFCC0];
	v33 =	vadd.f32 v17, v44;
	v17 =	vand.u32 $0x7FFFFFFF, v11;
	[tilespmem:$0x1EFE0] =	vst v4;
	v4 =	vadd.s32 v19, v10  }
0x6de: {  	[tilespmem:$0x1EF70] =	vst v8;
	v44 =	vld [tilespmem:s5+$0xFFFFFD80];
	v59 =	vadd.f32 v17, v59;
	v18 =	vand.u32 $0x7FFFFFFF, v38;
	v17 =	vand.u32 $0x7FFFFFFF, v2  }
0x6df: {  	[tilespmem:$0x1F020] =	vst v2;
	v2 =	vadd.s32 v9, v10;
	v37 =	vadd.f32 v18, v37;
	v18 =	vand.u32 $0x7FFFFFFF, v49  }
0x6e0: {  	v43 =	vld [tilespmem:s5+$0xFFFFFDC0];
	[tilespmem:$0x1F030] =	vst v2;
	v63 =	vadd.f32 v17, v63;
	v17 =	vand.u32 $0x7FFFFFFF, v56;
	v2 =	vadd.s32 v12, v10  }
0x6e1: {  	v23 =	vld [tilespmem:s5+$0xFFFFFE00];
	[tilespmem:$0x1F010] =	vst v4;
	v4 =	vadd.f32 v18, v3;
	v3 =	vand.u32 $0x7FFFFFFF, v47;
	v34 =	vadd.f32 v17, v20  }
0x6e2: {  	[tilespmem:$0x1F040] =	vst v2;
	v17 =	vand.u32 $0x7FFFFFFF, v55;
	v2 =	vadd.s32 v28, v40;
	v21 =	vperm.xlane v37, v53  }
0x6e3: {  	v24 =	vld [tilespmem:s5+$0xFFFFFE80];
	[tilespmem:$0x1F050] =	vst v2;
	v8 =	vadd.f32 v17, v22;
	v2 =	vadd.f32 v3, v26;
	v3 =	vand.u32 $0x7FFFFFFF, v44  }
0x6e4: {  	v22 =	vld [tilespmem:s5+$0xFFFFFE40];
	v17 =	vperm.xlane v4, v53;
	v20 =	vperm.xlane v34, v53;
	v7 =	vadd.f32 v3, v7  }
0x6e5: {  	v26 =	vld [tilespmem:s5+$0xFFFFFEC0];
	v3 =	vand.u32 $0x7FFFFFFF, v43;
	v21 =	vadd.f32 v37, v21;
	v18 =	vperm.xlane v8, v53  }
0x6e6: {  	[tilespmem:$0x1EF80] =	vst v13;
	v13 =	vperm.xlane v2, v53;
	v28 =	vadd.f32 v3, v0;
	v0 =	vand.u32 $0x7FFFFFFF, v23  }
0x6e7: {  	v25 =	vld [tilespmem:s5+$0xFFFFFF00];
	v4 =	vadd.f32 v4, v17;
	v12 =	vperm.xlane v7, v53;
	v1 =	vadd.f32 v0, v1  }
0x6e8: {  	v0 =	vand.u32 $0x7FFFFFFF, v24;
	v20 =	vadd.f32 v34, v20;
	v17 =	vperm.xlane v21, v6  }
0x6e9: {  	[tilespmem:$0x1EFD0] =	vst v11;
	v52 =	vld [tilespmem:s5+$0xFFFFFF40];
	v11 =	vperm.xlane v28, v53;
	v0 =	vadd.f32 v0, v15;
	v2 =	vadd.f32 v2, v13  }
0x6ea: {  	v19 =	vand.u32 $0x7FFFFFFF, v22;
	v10 =	vperm.xlane v1, v53;
	v15 =	vand.u32 $0x7FFFFFFF, v26  }
0x6eb: {  	v29 =	vld [tilespmem:s5+$0xFFFFFF80];
	v7 =	vadd.f32 v7, v12;
	v12 =	vperm.xlane v20, v6;
	v17 =	vadd.f32 v21, v17  }
0x6ec: {  	v45 =	vld [tilespmem:s5+$0xFFFFFFC0];
	v14 =	vadd.f32 v19, v14;
	v15 =	vadd.f32 v15, v16;
	v16 =	vand.u32 $0x7FFFFFFF, v25  }
0x6ed: {  	v19 =	vperm.xlane v0, v53;
	v11 =	vadd.f32 v28, v11;
	v16 =	vadd.f32 v16, v42  }
0x6ee: {  	v42 =	vand.u32 $0x7FFFFFFF, v52;
	v1 =	vadd.f32 v1, v10;
	v12 =	vadd.f32 v20, v12  }
0x6ef: {  	v9 =	vperm.xlane v14, v53;
	v5 =	vperm.xlane v15, v53;
	v33 =	vadd.f32 v42, v33  }
0x6f0: {  	v42 =	vand.u32 $0x7FFFFFFF, v29;
	v0 =	vadd.f32 v0, v19;
	v21 =	vperm.xlane v11, v6  }
0x6f1: {  	v3 =	vperm.xlane v16, v53;
	v42 =	vadd.f32 v42, v59;
	v59 =	vand.u32 $0x7FFFFFFF, v45  }
0x6f2: {  	v20 =	vperm.xlane v1, v6;
	v59 =	vadd.f32 v59, v63;
	v63 =	vadd.f32 v8, v18  }
0x6f3: {  	v37 =	vperm.xlane v33, v53;
	v9 =	vadd.f32 v14, v9;
	v5 =	vadd.f32 v15, v5  }
0x6f4: {  	v8 =	vperm.xlane v4, v6;
	v15 =	vperm.xlane v2, v6;
	v11 =	vadd.f32 v11, v21  }
0x6f5: {  	v18 =	vperm.xlane v42, v53;
	v3 =	vadd.f32 v16, v3;
	v1 =	vadd.f32 v1, v20  }
0x6f6: {  	v13 =	vperm.xlane v59, v53;
	v10 =	vperm.xlane v63, v6;
	v14 =	vadd.f32 v33, v37  }
0x6f7: {  	v28 =	vperm.xlane v9, v6;
	v33 =	vperm.xlane v5, v6;
	v4 =	vadd.f32 v4, v8  }
0x6f8: {  	v2 =	vadd.f32 v2, v15;
	v21 =	vperm.xlane v11, v31;
	v16 =	vadd.f32 v42, v18  }
0x6f9: {  	v18 =	vperm.xlane v7, v6;
	v8 =	vperm.xlane v3, v6;
	v13 =	vadd.f32 v59, v13  }
0x6fa: {  	v19 =	vadd.f32 v63, v10;
	v10 =	vperm.xlane v0, v6;
	v63 =	vperm.xlane v14, v6  }
0x6fb: {  	v59 =	vperm.xlane v17, v31;
	v9 =	vadd.f32 v9, v28;
	v5 =	vadd.f32 v5, v33  }
0x6fc: {  	v11 =	vadd.f32 v11, v21;
	v15 =	vperm.xlane v16, v6;
	v7 =	vadd.f32 v7, v18  }
0x6fd: {  	v18 =	vperm.xlane v12, v31;
	v3 =	vadd.f32 v3, v8;
	v53 =	vperm.xlane v13, v6  }
0x6fe: {  	v20 =	vperm.xlane v19, v31;
	v0 =	vadd.f32 v0, v10;
	v10 =	vperm.xlane v4, v31  }
0x6ff: {  	v8 =	vadd.f32 v14, v63;
	v14 =	vperm.xlane v2, v31;
	v28 =	vperm.xlane v9, v31  }
0x700: {  	v33 =	vperm.xlane v5, v31;
	v21 =	vperm.xlane v11, v27  }
0x701: {  	v15 =	vadd.f32 v16, v15;
	v16 =	vadd.f32 v17, v59;
	v17 =	vperm.xlane v7, v31  }
0x702: {  	v12 =	vadd.f32 v12, v18;
	v18 =	vperm.xlane v1, v31;
	v13 =	vadd.f32 v13, v53  }
0x703: {  	v6 =	vadd.f32 v19, v20;
	v20 =	vperm.xlane v0, v31;
	v4 =	vadd.f32 v4, v10  }
0x704: {  	v10 =	vperm.xlane v3, v31;
	v2 =	vadd.f32 v2, v14;
	v9 =	vadd.f32 v9, v28  }
0x705: {  	v34 =	vperm.xlane v8, v31;
	v5 =	vadd.f32 v5, v33;
	v11 =	vadd.f32 v11, v21  }
0x706: {  	v14 =	vperm.xlane v15, v31;
	v42 =	vperm.xlane v16, v27;
	v7 =	vadd.f32 v7, v17  }
0x707: {  	v17 =	vperm.xlane v12, v27;
	v1 =	vadd.f32 v1, v18;
	v37 =	vperm.xlane v13, v31  }
0x708: {  	v18 =	vperm.xlane v6, v27;
	v0 =	vadd.f32 v0, v20;
	v20 =	vperm.xlane v4, v27  }
0x709: {  	v3 =	vadd.f32 v3, v10;
	v8 =	vadd.f32 v8, v34;
	v10 =	vperm.xlane v2, v27  }
0x70a: {  	v31 =	vperm.xlane v9, v27;
	vm3 =	vgt.f32 v11, $1.000000000e+00;
	v11 =	vadd.f32 $1.000000010e-07, v11  }
0x70b: {  	v33 =	vperm.xlane v5, v27;
	v14 =	vadd.f32 v15, v14;
	v15 =	vadd.f32 v16, v42  }
0x70c: {  	v16 =	vperm.xlane v7, v27;
	v12 =	vadd.f32 v12, v17;
	v17 =	vperm.xlane v1, v27  }
0x70d: {  	v6 =	vadd.f32 v6, v18;
	v18 =	vperm.xlane v0, v27;
	v4 =	vadd.f32 v4, v20  }
0x70e: {  	v20 =	vperm.xlane v3, v27;
	v2 =	vadd.f32 v2, v10;
	v10 =	vperm.xlane v14, v27  }
0x70f: {  	v9 =	vadd.f32 v9, v31;
	vm12 =	vgt.f32 v15, $1.000000000e+00;
	v7 =	vadd.f32 v7, v16  }
0x710: {  	vm10 =	vgt.f32 v12, $1.000000000e+00;
	v10 =	vadd.f32 v14, v10;
	v14 =	vadd.f32 $1.000000010e-07, v15  }
0x711: {  	v1 =	vadd.f32 v1, v17;
	v12 =	vadd.f32 $1.000000010e-07, v12;
	vm9 =	vgt.f32 v6, $1.000000000e+00  }
0x712: {  	v0 =	vadd.f32 v0, v18;
	v6 =	vadd.f32 $1.000000010e-07, v6;
	(erf) = vrcp.f32 v14  }
0x713: {  	vm7 =	vgt.f32 v4, $1.000000000e+00;
	v4 =	vadd.f32 $1.000000010e-07, v4;
	(erf) = vrcp.f32 v12  }
0x714: {  	vm6 =	vgt.f32 v2, $1.000000000e+00;
	v2 =	vadd.f32 $1.000000010e-07, v2;
	(erf) = vrcp.f32 v6  }
0x715: {  	vm5 =	vgt.f32 v7, $1.000000000e+00;
	v7 =	vadd.f32 $1.000000010e-07, v7;
	(erf) = vrcp.f32 v4  }
0x716: {  	v15 =	vadd.f32 $1.000000010e-07, v0;
	vm11 =	vgt.f32 v0, $1.000000000e+00;
	v0 =	vld [tilespmem:$0x1FEC0];
	(erf) = vrcp.f32 v2  }
0x717: {  	v34 =	vperm.xlane v8, v27;
	v14 =	vadd.f32 $1.000000010e-07, v1;
	v2 =	vld [tilespmem:$0x1FFC0];
	(erf) = vrcp.f32 v7  }
0x718: {  	v5 =	vadd.f32 v5, v33;
	v12 =	vadd.f32 $1.000000010e-07, v9;
	(erf) = vrcp.f32 v11  }
0x719: {  	v3 =	vadd.f32 v3, v20;
	(erf) = vrcp.f32 v14  }
0x71a: {  	v8 =	vadd.f32 v8, v34;
	v6 =	vadd.f32 $1.000000010e-07, v5;
	(erf) = vrcp.f32 v12  }
0x71b: {  	v16 =	vadd.f32 $1.000000010e-07, v3;
	v59 =	vadd.s32 v0, v40;
	v0 =	vpop (erf);
	(erf) = vrcp.f32 v15  }
0x71c: {  	v4 =	vadd.f32 $1.000000010e-07, v8;
	v63 =	vadd.s32 v2, v40;
	v2 =	vpop (erf);
	(erf) = vrcp.f32 v6  }
0x71d: {  	vm8 =	vgt.f32 v5, $1.000000000e+00;
	v5 =	vpop (erf);
	(erf) = vrcp.f32 v16  }
0x71e: {  	v7 =	vpop (erf);
	(erf) = vrcp.f32 v4;
	v4 =	vld [tilespmem:$0x1EC60]  }
0x71f: {  	v13 =	vadd.f32 v13, v37;
	vm2 =	vgt.f32 v8, $1.000000000e+00;
	v8 =	vld [tilespmem:$0x1EC70];
	_ =	sdelay $0x1  }
0x720: {  	v37 =	vperm.xlane v13, v27;
	_ =	sdelay $0x1  }
0x721: {  	v13 =	vadd.f32 v13, v37;
	v0 =	vnsel vm12, $0x3F800000, v0  }
0x722: {  	vm4 =	vgt.f32 v3, $1.000000000e+00;
	v17 =	vadd.f32 $1.000000010e-07, v10;
	v3 =	vmul.f32 v0, v30  }
0x723: {  	vm14 =	vgt.f32 v1, $1.000000000e+00;
	v1 =	vadd.f32 $1.000000010e-07, v13;
	v6 =	vmul.f32 v0, v39  }
0x724: {  	[tilespmem:v4+s0+$0x0] =	vst.idx.msk $0xffff, v3;
	v4 =	vnsel vm7, $0x3F800000, v7;
	v7 =	vpop (erf);
	(erf) = vrcp.f32 v17  }
0x725: {  	[tilespmem:v8+s0+$0x0] =	vst.idx.msk $0xffff, v6;
	v6 =	vnsel vm6, $0x3F800000, v7;
	v7 =	vpop (erf);
	(erf) = vrcp.f32 v1;
	v1 =	vld [tilespmem:$0x1EC80];
	_ =	sdelay $0x5  }
0x726: {  	v3 =	vmul.f32 v0, v35  }
0x727: {  	vm1 =	vgt.f32 v10, $1.000000000e+00;
	v10 =	vld [tilespmem:$0x1ECC0]  }
0x728: {  	[tilespmem:v1+s0+$0x0] =	vst.idx.msk $0xffff, v3;
	v1 =	vld [tilespmem:$0x1EC90];
	_ =	sdelay $0x1  }
0x729: {  	v19 =	vld [tilespmem:$0x1ED80]  }
0x72a: {  	v18 =	vld [tilespmem:$0x1ED70]  }
0x72b: {  	v12 =	vld [tilespmem:$0x1ECF0];
	v2 =	vnsel vm10, $0x3F800000, v2  }
0x72c: {  	v16 =	vld [tilespmem:$0x1ED40];
	v1 =	vmul.f32 v2, v1  }
0x72d: {  	v3 =	vld [tilespmem:$0x1ECA0]  }
0x72e: {  	[tilespmem:v10+s0+$0x0] =	vst.idx.msk $0xffff, v1;
	v1 =	vld [tilespmem:$0x1ECD0]  }
0x72f: {  	v10 =	vld [tilespmem:$0x1ECE0];
	_ =	sdelay $0x2  }
0x730: {  	v5 =	vnsel vm9, $0x3F800000, v5;
	v3 =	vmul.f32 v2, v3  }
0x731: {  	v1 =	vmul.f32 v5, v1  }
0x732: {  	[tilespmem:v12+s0+$0x0] =	vst.idx.msk $0xffff, v3;
	v10 =	vmul.f32 v5, v10  }
0x733: {  	v3 =	vmul.f32 v5, v41;
	[tilespmem:v16+s0+$0x0] =	vst.idx.msk $0xffff, v1  }
0x734: {  	[tilespmem:v18+s0+$0x0] =	vst.idx.msk $0xffff, v10  }
0x735: {  	[tilespmem:v19+s0+$0x0] =	vst.idx.msk $0xffff, v3;
	v19 =	vld [tilespmem:$0x1EDA0];
	_ =	sdelay $0x3  }
0x736: {  	vm13 =	vgt.f32 v9, $1.000000000e+00;
	v9 =	vld [tilespmem:$0x1ECB0];
	v7 =	vnsel vm5, $0x3F800000, v7  }
0x737: {  	v20 =	vmul.f32 v7, v19;
	v19 =	vld [tilespmem:$0x1EDB0]  }
0x738: {  	vm15 =	vgt.f32 v13, $1.000000000e+00;
	v13 =	vld [tilespmem:$0x1ED00];
	_ =	sdelay $0x3  }
0x739: {  	v0 =	vmul.f32 v0, v38  }
0x73a: {  	v5 =	vmul.f32 v5, v55  }
0x73b: {  	[tilespmem:v9+s0+$0x0] =	vst.idx.msk $0xffff, v0;
	v0 =	vmul.f32 v2, v36  }
0x73c: {  	[tilespmem:v19+s0+$0x0] =	vst.idx.msk $0xffff, v5;
	v19 =	vld [tilespmem:$0x1EDC0]  }
0x73d: {  	[tilespmem:v13+s0+$0x0] =	vst.idx.msk $0xffff, v0;
	v0 =	vld [tilespmem:$0x1ED10];
	_ =	sdelay $0x4  }
0x73e: {  	v0 =	vmul.f32 v4, v0;
	_ =	sdelay $0x1  }
0x73f: {  	[tilespmem:v19+s0+$0x0] =	vst.idx.msk $0xffff, v0;
	v19 =	vld [tilespmem:$0x1EDE0];
	_ =	sdelay $0x2  }
0x740: {  	v8 =	vpop (erf)  }
0x741: {  	v8 =	vnsel vm3, $0x3F800000, v8  }
0x742: {  	v28 =	vmul.f32 v8, v19;
	v19 =	vld [tilespmem:$0x1EDF0]  }
0x743: {  	v13 =	vld [tilespmem:$0x1ED20];
	_ =	sdelay $0x4  }
0x744: {  	v15 =	vld [tilespmem:$0x1ED30];
	v13 =	vmul.f32 v4, v13;
	_ =	sdelay $0x1  }
0x745: {  	[tilespmem:v19+s0+$0x0] =	vst.idx.msk $0xffff, v13;
	v19 =	vld [tilespmem:$0x1EE00];
	_ =	sdelay $0x3  }
0x746: {  	v2 =	vmul.f32 v2, v56;
	v13 =	vmov s22  }
0x747: {  	v33 =	vshrl.u32 v13, $0x3;
	v13 =	vld [tilespmem:$0x1EE30]  }
0x748: {  	[tilespmem:v15+s0+$0x0] =	vst.idx.msk $0xffff, v2;
	v2 =	vmul.f32 v4, v46;
	_ =	sdelay $0x1  }
0x749: {  	[tilespmem:v19+s0+$0x0] =	vst.idx.msk $0xffff, v2;
	v2 =	vld [tilespmem:$0x1EE10]  }
0x74a: {  	v19 =	vld [tilespmem:$0x1EE20];
	_ =	sdelay $0x1  }
0x74b: {  	v9 =	vpop (erf);
	v4 =	vmul.f32 v4, v49  }
0x74c: {  	v9 =	vnsel vm14, $0x3F800000, v9  }
0x74d: {  	v23 =	vmul.f32 v9, v23;
	[tilespmem:v13+s0+$0x0] =	vst.idx.msk $0xffff, v4;
	v4 =	vmul.f32 v9, v54  }
0x74e: {  	v2 =	vmul.f32 v9, v2;
	v31 =	vmul.f32 v9, v19;
	v9 =	vld [tilespmem:$0x1EE40]  }
0x74f: {  	v1 =	vld [tilespmem:$0x1ED50];
	_ =	sdelay $0x4  }
0x750: {  	v1 =	vmul.f32 v6, v1;
	_ =	sdelay $0x1  }
0x751: {  	[tilespmem:v9+s0+$0x0] =	vst.idx.msk $0xffff, v1;
	v9 =	vld [tilespmem:$0x1EE60];
	_ =	sdelay $0x2  }
0x752: {  	v11 =	vpop (erf)  }
0x753: {  	v11 =	vnsel vm13, $0x3F800000, v11  }
0x754: {  	v35 =	vmul.f32 v11, v9;
	v9 =	vld [tilespmem:$0x1EE70]  }
0x755: {  	v16 =	vld [tilespmem:$0x1ED60];
	_ =	sdelay $0x4  }
0x756: {  	v16 =	vmul.f32 v6, v16;
	_ =	sdelay $0x1  }
0x757: {  	[tilespmem:v9+s0+$0x0] =	vst.idx.msk $0xffff, v16;
	v9 =	vld [tilespmem:$0x1EE80];
	_ =	sdelay $0x5  }
0x758: {  	v10 =	vmul.f32 v6, v62;
	_ =	sdelay $0x1  }
0x759: {  	[tilespmem:v9+s0+$0x0] =	vst.idx.msk $0xffff, v10;
	v9 =	vld [tilespmem:$0x1EE90];
	_ =	sdelay $0x2  }
0x75a: {  	v12 =	vpop (erf)  }
0x75b: {  	v12 =	vnsel vm11, $0x3F800000, v12  }
0x75c: {  	v10 =	vmul.f32 v12, v9;
	v9 =	vld [tilespmem:$0x1EEA0];
	_ =	sdelay $0x4  }
0x75d: {  	v41 =	vmul.f32 v12, v9;
	v9 =	vld [tilespmem:$0x1EEB0];
	_ =	sdelay $0x5  }
0x75e: {  	v6 =	vmul.f32 v6, v47;
	_ =	sdelay $0x1  }
0x75f: {  	[tilespmem:v9+s0+$0x0] =	vst.idx.msk $0xffff, v6;
	v6 =	vld [tilespmem:$0x1EEC0]  }
0x760: {  	v3 =	vld [tilespmem:$0x1ED90];
	_ =	sdelay $0x4  }
0x761: {  	v3 =	vmul.f32 v7, v3;
	_ =	sdelay $0x1  }
0x762: {  	[tilespmem:v6+s0+$0x0] =	vst.idx.msk $0xffff, v3;
	v6 =	vld [tilespmem:$0x1EEE0];
	_ =	sdelay $0x2  }
0x763: {  	v14 =	vpop (erf)  }
0x764: {  	v14 =	vnsel vm8, $0x3F800000, v14;
	v5 =	vmul.f32 v7, v48  }
0x765: {  	v7 =	vmul.f32 v7, v44;
	v44 =	vmul.f32 v14, v6;
	v6 =	vld [tilespmem:$0x1EEF0];
	_ =	sdelay $0x7  }
0x766: {  	[tilespmem:v6+s0+$0x0] =	vst.idx.msk $0xffff, v20;
	v6 =	vld [tilespmem:$0x1EF00];
	_ =	sdelay $0x7  }
0x767: {  	[tilespmem:v6+s0+$0x0] =	vst.idx.msk $0xffff, v5;
	v6 =	vld [tilespmem:$0x1EF20];
	_ =	sdelay $0x2  }
0x768: {  	v15 =	vpop (erf)  }
0x769: {  	v15 =	vnsel vm4, $0x3F800000, v15  }
0x76a: {  	v47 =	vmul.f32 v15, v6;
	v6 =	vld [tilespmem:$0x1EF30];
	_ =	sdelay $0x7  }
0x76b: {  	[tilespmem:v6+s0+$0x0] =	vst.idx.msk $0xffff, v7;
	v6 =	vld [tilespmem:$0x1EF40]  }
0x76c: {  	v0 =	vld [tilespmem:$0x1EDD0];
	_ =	sdelay $0x4  }
0x76d: {  	v0 =	vmul.f32 v8, v0;
	_ =	sdelay $0x1  }
0x76e: {  	[tilespmem:v6+s0+$0x0] =	vst.idx.msk $0xffff, v0;
	v0 =	vld [tilespmem:$0x1EF50];
	_ =	sdelay $0x2  }
0x76f: {  	v17 =	vpop (erf)  }
0x770: {  	v17 =	vnsel vm2, $0x3F800000, v17  }
0x771: {  	v6 =	vmul.f32 v17, v0;
	v0 =	vld [tilespmem:$0x1EF60];
	_ =	sdelay $0x4  }
0x772: {  	v20 =	vmul.f32 v14, v61;
	v61 =	vmul.f32 v17, v0;
	v0 =	vld [tilespmem:$0x1EF70];
	_ =	sdelay $0x7  }
0x773: {  	[tilespmem:v0+s0+$0x0] =	vst.idx.msk $0xffff, v28;
	v0 =	vld [tilespmem:$0x1EF80];
	_ =	sdelay $0x3  }
0x774: {  	v30 =	vmul.f32 v8, v51;
	v8 =	vmul.f32 v8, v43  }
0x775: {  	v43 =	vmul.f32 v12, v60;
	v60 =	vmul.f32 v17, v0;
	v0 =	vld [tilespmem:$0x1EF90];
	_ =	sdelay $0x7  }
0x776: {  	[tilespmem:v0+s0+$0x0] =	vst.idx.msk $0xffff, v30;
	v0 =	vld [tilespmem:$0x1EFA0];
	_ =	sdelay $0x2  }
0x777: {  	v18 =	vpop (erf)  }
0x778: {  	v18 =	vnsel vm1, $0x3F800000, v18  }
0x779: {  	v16 =	vmul.f32 v18, v0;
	v0 =	vld [tilespmem:$0x1EFB0];
	_ =	sdelay $0x4  }
0x77a: {  	v38 =	vmul.f32 v11, v57;
	v57 =	vmul.f32 v18, v0;
	v0 =	vld [tilespmem:$0x1EFC0];
	_ =	sdelay $0x7  }
0x77b: {  	[tilespmem:v0+s0+$0x0] =	vst.idx.msk $0xffff, v8;
	v0 =	vld [tilespmem:$0x1EFD0];
	_ =	sdelay $0x4  }
0x77c: {  	v56 =	vmul.f32 v18, v0;
	v0 =	vld [tilespmem:$0x1EFE0];
	_ =	sdelay $0x7  }
0x77d: {  	[tilespmem:v0+s0+$0x0] =	vst.idx.msk $0xffff, v2;
	v0 =	vld [tilespmem:$0x1EFF0];
	_ =	sdelay $0x2  }
0x77e: {  	v62 =	vpop (erf)  }
0x77f: {  	v21 =	vnsel vm15, $0x3F800000, v62  }
0x780: {  	v53 =	vmul.f32 v21, v0;
	v0 =	vld [tilespmem:$0x1F000];
	_ =	sdelay $0x4  }
0x781: {  	v7 =	vmul.f32 v21, v0;
	v0 =	vld [tilespmem:$0x1F010]  }
0x782: {  	v27 =	vld [tilespmem:$0x1F030]  }
0x783: {  	v28 =	vld [tilespmem:$0x1F040];
	_ =	sdelay $0x5  }
0x784: {  	[tilespmem:v0+s0+$0x0] =	vst.idx.msk $0xffff, v31  }
0x785: {  	[tilespmem:v27+s0+$0x0] =	vst.idx.msk $0xffff, v4  }
0x786: {  	[tilespmem:v28+s0+$0x0] =	vst.idx.msk $0xffff, v23;
	v28 =	vld [tilespmem:$0x1F050]  }
0x787: {  	v1 =	vld [tilespmem:$0x1EE50];
	_ =	sdelay $0x2  }
0x788: {  	s23 =	sadd.s32 $0x1, s22  }
0x789: {  	v34 =	vmov s23  }
0x78a: {  	v19 =	vshll.u32 v33, v32;
	v33 =	vshrl.u32 v34, $0x3;
	v34 =	vld [tilespmem:$0x1FEE0];
	v1 =	vmul.f32 v11, v1  }
0x78b: {  	s23 =	sadd.s32 $0x2, s22;
	v3 =	vld [tilespmem:$0x1EED0]  }
0x78c: {  	v37 =	vmov s23;
	s23 =	sadd.s32 $0x3, s22;
	[tilespmem:v28+s0+$0x0] =	vst.idx.msk $0xffff, v1;
	v1 =	vld [tilespmem:$0x1FEF0]  }
0x78d: {  	v11 =	vmul.f32 v11, v22;
	v22 =	vmov s23;
	s23 =	sadd.s32 $0x4, s22  }
0x78e: {  	v42 =	vmov s23;
	s23 =	sadd.s32 $0x5, s22;
	v5 =	vld [tilespmem:$0x1EF10]  }
0x78f: {  	v12 =	vmul.f32 v12, v24;
	v24 =	vmov s23;
	s23 =	sadd.s32 $0x6, s22;
	v4 =	vld [tilespmem:$0x1FFB0]  }
0x790: {  	v46 =	vmov s23;
	s23 =	sadd.s32 $0x7, s22;
	v3 =	vmul.f32 v14, v3;
	v23 =	vadd.s32 v34, v50  }
0x791: {  	v14 =	vmul.f32 v14, v26;
	v26 =	vmov s23;
	s23 =	sadd.s32 $0x8, s22;
	v1 =	vadd.s32 v1, v50  }
0x792: {  	v49 =	vmul.f32 v15, v58;
	v9 =	vmul.f32 v18, v29;
	v29 =	vld [tilespmem:$0x1FF00];
	v48 =	vmov s23;
	s23 =	sadd.s32 $0x9, s22  }
0x793: {  	v13 =	vmul.f32 v15, v25;
	v5 =	vmul.f32 v15, v5;
	v15 =	vmov s23;
	s23 =	sadd.s32 $0xA, s28;
	v30 =	vld [tilespmem:$0x1FF10]  }
0x794: {  	v25 =	vmov s23;
	v27 =	vshrl.u32 v37, $0x3;
	v37 =	vld [tilespmem:$0x1FDB0];
	v4 =	vadd.s32 v4, v40  }
0x795: {  	v25 =	vshrl.u32 v25, $0x3;
	[tilespmem:v23+s0+$0x0] =	vst.idx.msk $0xffff, v10;
	v10 =	vld [tilespmem:$0x1FF20]  }
0x796: {  	v25 =	vshll.u32 v25, v32;
	[tilespmem:v1+s0+$0x0] =	vst.idx.msk $0xffff, v41;
	v1 =	vld [tilespmem:$0x1FF30]  }
0x797: {  	v29 =	vadd.s32 v29, v50;
	v25 =	vbroadcast v25, $0x0;
	[tilespmem:v59+s0+$0x0] =	vst.idx.msk $0xffff, v35  }
0x798: {  	v30 =	vadd.s32 v30, v50;
	[tilespmem:v63+s0+$0x0] =	vst.idx.msk $0xffff, v38  }
0x799: {  	[tilespmem:v4+s0+$0x0] =	vst.idx.msk $0xffff, v11;
	v4 =	vadd.s32 v37, v25  }
0x79a: {  	v10 =	vadd.s32 v10, v25  }
0x79b: {  	s23 =	sadd.s32 $0xB, s28;
	v1 =	vadd.s32 v1, v25  }
0x79c: {  	v36 =	vmul.f32 v17, v52;
	v17 =	vmov s23;
	s23 =	sadd.s32 $0xC, s28;
	[tilespmem:v29+s0+$0x0] =	vst.idx.msk $0xffff, v43  }
0x79d: {  	v8 =	vmov s23;
	[tilespmem:v30+s0+$0x0] =	vst.idx.msk $0xffff, v12;
	v12 =	vld [tilespmem:$0x1FF50]  }
0x79e: {  	v8 =	vshrl.u32 v8, $0x3;
	v11 =	vshrl.u32 v17, $0x3;
	[tilespmem:v4+s0+$0x0] =	vst.idx.msk $0xffff, v3;
	v3 =	vld [tilespmem:$0x1FF60]  }
0x79f: {  	v11 =	vshll.u32 v11, v32;
	v4 =	vshll.u32 v8, v32;
	v8 =	vld [tilespmem:$0x1FF70];
	[tilespmem:v10+s0+$0x0] =	vst.idx.msk $0xffff, v44  }
0x7a0: {  	v11 =	vbroadcast v11, $0x0;
	[tilespmem:v1+s0+$0x0] =	vst.idx.msk $0xffff, v20;
	v1 =	vld [tilespmem:$0x1FF80]  }
0x7a1: {  	v24 =	vshrl.u32 v24, $0x3  }
0x7a2: {  	v50 =	vshll.u32 v24, v32;
	v24 =	vadd.s32 v12, v11  }
0x7a3: {  	v3 =	vadd.s32 v3, v11  }
0x7a4: {  	v8 =	vadd.s32 v8, v11  }
0x7a5: {  	v1 =	vadd.s32 v1, v11;
	_ =	sdelay $0x1  }
0x7a6: {  	s23 =	sadd.s32 $0xD, s28;
	v0 =	vld [tilespmem:$0x1F020];
	v28 =	vshrl.u32 v42, $0x3;
	[tilespmem:v24+s0+$0x0] =	vst.idx.msk $0xffff, v5  }
0x7a7: {  	v2 =	vmov s23;
	v35 =	vshll.u32 v28, v32;
	v28 =	vld [tilespmem:$0x1FF40];
	[tilespmem:v3+s0+$0x0] =	vst.idx.msk $0xffff, v47  }
0x7a8: {  	v2 =	vshrl.u32 v2, $0x3;
	[tilespmem:v8+s0+$0x0] =	vst.idx.msk $0xffff, v49;
	v11 =	vld [tilespmem:$0x1FF90]  }
0x7a9: {  	v22 =	vshrl.u32 v22, $0x3;
	v2 =	vshll.u32 v2, v32;
	[tilespmem:v1+s0+$0x0] =	vst.idx.msk $0xffff, v13;
	v1 =	vld [tilespmem:$0x1FE60]  }
0x7aa: {  	v22 =	vshll.u32 v22, v32;
	v55 =	vbroadcast v2, $0x0;
	v27 =	vshll.u32 v27, v32  }
0x7ab: {  	v26 =	vshrl.u32 v26, $0x3;
	s23 =	sadd.s32 $0xE, s28;
	v2 =	vld [tilespmem:$0x1FE80];
	v54 =	vbroadcast v27, $0x0;
	v31 =	vmul.f32 v21, v0  }
0x7ac: {  	v18 =	vmov s23;
	v0 =	vmul.f32 v21, v45;
	v4 =	vbroadcast v4, $0x0;
	v5 =	vld [tilespmem:$0x1FE70]  }
0x7ad: {  	v21 =	vshll.u32 v33, v32;
	v17 =	vshrl.u32 v46, $0x3;
	v25 =	vadd.s32 v28, v25;
	v3 =	vld [tilespmem:$0x1FE50]  }
0x7ae: {  	p0 =	slt.u32 s22, $0x70;
	s5 =	sadd.s32 $0x400, s5;
	v10 =	vshrl.u32 v15, $0x3;
	v11 =	vadd.s32 v11, v4;
	v47 =	vadd.s32 v1, v55;
	v1 =	vld [tilespmem:$0x1FE90]  }
.Ltmp1:
0x7af: {  	v39 =	vld [tilespmem:s5+$0xFFFFFC20];
	v46 =	vbroadcast v22, $0x0;
	v51 =	vshll.u32 v10, v32;
	v41 =	vbroadcast v35, $0x0;
	(pc) =	sbr.rel @p0 .LBB2_5-.Ltmp1, $4  }
0x7b0: {  	v58 =	vld [tilespmem:s5+$0xFFFFFFD0];
	v62 =	vadd.s32 v2, v4;
	v30 =	vbroadcast v19, $0x0;
	v28 =	vshrl.u32 v48, $0x3  }
0x7b1: {  	v45 =	vld [tilespmem:s5+$0xFFFFFFF0];
	v48 =	vshll.u32 v26, v32;
	v59 =	vshll.u32 v28, v32;
	v12 =	vshll.u32 v17, v32  }
0x7b2: {  	v10 =	vld [tilespmem:s5+$0xFFFFFC50];
	[tilespmem:v25+s0+$0x0] =	vst.idx.msk $0xffff, v14;
	v43 =	vadd.s32 v5, v4;
	v5 =	vshrl.u32 v18, $0x3;
	v40 =	vadd.s32 v3, v4  }
0x7b3: {  	s28 =	smov.u32 s22;
	s22 =	sadd.s32 $0x10, s22;
	v19 =	vbroadcast v21, $0x0;
	v26 =	vld [tilespmem:s5+$0xFFFFFFE0];
	v49 =	vshll.u32 v5, v32;
	[tilespmem:v11+s0+$0x0] =	vst.idx.msk $0xffff, v6;
	v44 =	vadd.s32 v1, v55  }
0x7b4: {  	v3 =	vld [tilespmem:s5+$0x0];
	_ =	sdelay $0x4  }
0x7b5: {  	[tilespmem:$0x1E8D0] =	vst v3  }
0x7b6: {  	v5 =	vld [tilespmem:s5+$0xFFFFFC60];
	_ =	sdelay $0x4  }
0x7b7: {  	[tilespmem:$0x1E910] =	vst v5  }
0x7b8: {  	v20 =	vld [tilespmem:s5+$0xFFFFFC90];
	_ =	sdelay $0x4  }
0x7b9: {  	[tilespmem:$0x1E930] =	vst v20  }
0x7ba: {  	v6 =	vld [tilespmem:s5+$0xFFFFFCA0];
	_ =	sdelay $0x4  }
0x7bb: {  	[tilespmem:$0x1E940] =	vst v6  }
0x7bc: {  	v8 =	vld [tilespmem:s5+$0xFFFFFCD0];
	_ =	sdelay $0x4  }
0x7bd: {  	[tilespmem:$0x1E960] =	vst v8  }
0x7be: {  	v38 =	vld [tilespmem:s5+$0xFFFFFCE0];
	_ =	sdelay $0x4  }
0x7bf: {  	[tilespmem:$0x1E970] =	vst v38  }
0x7c0: {  	v63 =	vld [tilespmem:s5+$0xFFFFFD10];
	_ =	sdelay $0x4  }
0x7c1: {  	[tilespmem:$0x1E9A0] =	vst v63  }
0x7c2: {  	v29 =	vld [tilespmem:s5+$0xFFFFFD20];
	_ =	sdelay $0x4  }
0x7c3: {  	[tilespmem:$0x1E9B0] =	vst v29  }
0x7c4: {  	v11 =	vld [tilespmem:s5+$0xFFFFFD50];
	_ =	sdelay $0x4  }
0x7c5: {  	[tilespmem:$0x1E9E0] =	vst v11  }
0x7c6: {  	v25 =	vld [tilespmem:s5+$0xFFFFFD60];
	_ =	sdelay $0x4  }
0x7c7: {  	[tilespmem:$0x1E9F0] =	vst v25  }
0x7c8: {  	v23 =	vld [tilespmem:s5+$0xFFFFFD90];
	_ =	sdelay $0x4  }
0x7c9: {  	[tilespmem:$0x1EA20] =	vst v23  }
0x7ca: {  	v22 =	vld [tilespmem:s5+$0xFFFFFDA0];
	_ =	sdelay $0x4  }
0x7cb: {  	[tilespmem:$0x1EA30] =	vst v22  }
0x7cc: {  	v13 =	vld [tilespmem:s5+$0xFFFFFDD0];
	_ =	sdelay $0x4  }
0x7cd: {  	[tilespmem:$0x1EA60] =	vst v13  }
0x7ce: {  	v32 =	vld [tilespmem:s5+$0xFFFFFDE0];
	_ =	sdelay $0x4  }
0x7cf: {  	[tilespmem:$0x1EA70] =	vst v32  }
0x7d0: {  	v42 =	vld [tilespmem:s5+$0xFFFFFE10];
	_ =	sdelay $0x4  }
0x7d1: {  	[tilespmem:$0x1EAA0] =	vst v42  }
0x7d2: {  	v17 =	vld [tilespmem:s5+$0xFFFFFE20];
	_ =	sdelay $0x4  }
0x7d3: {  	[tilespmem:$0x1EAB0] =	vst v17  }
0x7d4: {  	v14 =	vld [tilespmem:s5+$0xFFFFFE50];
	_ =	sdelay $0x4  }
0x7d5: {  	[tilespmem:$0x1EAE0] =	vst v14  }
0x7d6: {  	v15 =	vld [tilespmem:s5+$0xFFFFFE60];
	_ =	sdelay $0x4  }
0x7d7: {  	[tilespmem:$0x1EAF0] =	vst v15  }
0x7d8: {  	v28 =	vld [tilespmem:s5+$0xFFFFFE90];
	_ =	sdelay $0x4  }
0x7d9: {  	[tilespmem:$0x1EB20] =	vst v28  }
0x7da: {  	v24 =	vld [tilespmem:s5+$0xFFFFFEA0];
	_ =	sdelay $0x4  }
0x7db: {  	[tilespmem:$0x1EB30] =	vst v24  }
0x7dc: {  	v52 =	vld [tilespmem:s5+$0xFFFFFED0];
	_ =	sdelay $0x4  }
0x7dd: {  	[tilespmem:$0x1EB60] =	vst v52  }
0x7de: {  	v34 =	vld [tilespmem:s5+$0xFFFFFEE0];
	_ =	sdelay $0x4  }
0x7df: {  	[tilespmem:$0x1EB70] =	vst v34  }
0x7e0: {  	v1 =	vand.u32 $0x7FFFFFFF, v58;
	v2 =	vand.u32 $0x7FFFFFFF, v26;
	v4 =	vld [tilespmem:s5+$0xFFFFFF10]  }
0x7e1: {  	v1 =	vadd.f32 v2, v1  }
0x7e2: {  	v2 =	vand.u32 $0x7FFFFFFF, v45  }
0x7e3: {  	v1 =	vadd.f32 v2, v1  }
0x7e4: {  	v2 =	vand.u32 $0x7FFFFFFF, v3  }
0x7e5: {  	v1 =	vadd.f32 v2, v1;
	v2 =	vld [tilespmem:$0x1FE30];
	[tilespmem:$0x1EBA0] =	vst v4  }
0x7e6: {  	v37 =	vld [tilespmem:s5+$0xFFFFFF20];
	_ =	sdelay $0x4  }
0x7e7: {  	v2 =	vperm.xlane v1, v2;
	[tilespmem:$0x1EBB0] =	vst v37  }
0x7e8: {  	v35 =	vld [tilespmem:s5+$0xFFFFFF50]  }
0x7e9: {  	v1 =	vadd.f32 v1, v2;
	v2 =	vld [tilespmem:$0x1FFF0];
	_ =	sdelay $0x3  }
0x7ea: {  	[tilespmem:$0x1EBE0] =	vst v35  }
0x7eb: {  	v2 =	vperm.xlane v1, v2;
	v33 =	vld [tilespmem:s5+$0xFFFFFF60]  }
0x7ec: {  	v3 =	vand.u32 $0x7FFFFFFF, v10;
	v5 =	vand.u32 $0x7FFFFFFF, v5  }
0x7ed: {  	v1 =	vadd.f32 v1, v2;
	v2 =	vadd.f32 v5, v3;
	_ =	sdelay $0x1  }
0x7ee: {  	[tilespmem:$0x1E880] =	vst v2  }
0x7ef: {  	[tilespmem:$0x1EBF0] =	vst v33  }
0x7f0: {  	v27 =	vld [tilespmem:s5+$0xFFFFFF90]  }
0x7f1: {  	v3 =	vld [tilespmem:$0x1FFE0];
	_ =	sdelay $0x3  }
0x7f2: {  	[tilespmem:$0x1EC20] =	vst v27  }
0x7f3: {  	v5 =	vand.u32 $0x7FFFFFFF, v6;
	v6 =	vperm.xlane v1, v3;
	v3 =	vld [tilespmem:s5+$0xFFFFFFA0]  }
0x7f4: {  	v2 =	vand.u32 $0x7FFFFFFF, v20  }
0x7f5: {  	v2 =	vadd.f32 v5, v2;
	_ =	sdelay $0x1  }
0x7f6: {  	[tilespmem:$0x1E890] =	vst v2  }
0x7f7: {  	[tilespmem:$0x1EC30] =	vst v3  }
0x7f8: {  	v5 =	vld [tilespmem:s5+$0xFFFFFC10]  }
0x7f9: {  	v2 =	vand.u32 $0x7FFFFFFF, v8;
	v8 =	vand.u32 $0x7FFFFFFF, v38  }
0x7fa: {  	v2 =	vadd.f32 v8, v2;
	_ =	sdelay $0x1  }
0x7fb: {  	[tilespmem:$0x1E8A0] =	vst v2  }
0x7fc: {  	[tilespmem:$0x1E8E0] =	vst v5  }
0x7fd: {  	v21 =	vld [tilespmem:s5+$0xFFFFFC30];
	_ =	sdelay $0x3  }
0x7fe: {  	[tilespmem:$0x1EC90] =	vst v10  }
0x7ff: {  	[tilespmem:$0x1E900] =	vst v21  }
0x800: {  	v1 =	vadd.f32 v1, v6;
	v6 =	vand.u32 $0x7FFFFFFF, v29;
	v20 =	vld [tilespmem:s5+$0xFFFFFC70]  }
0x801: {  	v2 =	vand.u32 $0x7FFFFFFF, v63;
	v10 =	vand.u32 $0x7FFFFFFF, v11;
	v11 =	vand.u32 $0x7FFFFFFF, v25  }
0x802: {  	v38 =	vadd.f32 v6, v2;
	v2 =	vadd.f32 v11, v10;
	_ =	sdelay $0x1  }
0x803: {  	[tilespmem:$0x1E8B0] =	vst v2  }
0x804: {  	[tilespmem:$0x1E920] =	vst v20  }
0x805: {  	v18 =	vld [tilespmem:s5+$0xFFFFFCB0];
	_ =	sdelay $0x4  }
0x806: {  	[tilespmem:$0x1E950] =	vst v18  }
0x807: {  	v29 =	vld [tilespmem:s5+$0xFFFFFCF0]  }
0x808: {  	v8 =	vld [tilespmem:$0x1FFA0];
	_ =	sdelay $0x3  }
0x809: {  	v6 =	vand.u32 $0x7FFFFFFF, v22;
	v2 =	vand.u32 $0x7FFFFFFF, v23;
	[tilespmem:$0x1E980] =	vst v29  }
0x80a: {  	v11 =	vperm.xlane v1, v8;
	v23 =	vadd.f32 v6, v2;
	v2 =	vld [tilespmem:s5+$0xFFFFFD30];
	_ =	sdelay $0x1  }
0x80b: {  	v8 =	vadd.f32 v1, v11;
	_ =	sdelay $0x1  }
0x80c: {  	[tilespmem:$0x1E8C0] =	vst v8  }
0x80d: {  	[tilespmem:$0x1E9C0] =	vst v2  }
0x80e: {  	v22 =	vld [tilespmem:s5+$0xFFFFFD70];
	_ =	sdelay $0x4  }
0x80f: {  	v6 =	vand.u32 $0x7FFFFFFF, v13;
	v13 =	vand.u32 $0x7FFFFFFF, v32;
	[tilespmem:$0x1EA00] =	vst v22  }
0x810: {  	v32 =	vadd.f32 v13, v6;
	v13 =	vand.u32 $0x7FFFFFFF, v14;
	v14 =	vand.u32 $0x7FFFFFFF, v15;
	v15 =	vld [tilespmem:s5+$0xFFFFFDB0];
	_ =	sdelay $0x4  }
0x811: {  	[tilespmem:$0x1EA40] =	vst v15  }
0x812: {  	v6 =	vld [tilespmem:s5+$0xFFFFFDF0];
	_ =	sdelay $0x4  }
0x813: {  	[tilespmem:$0x1EA80] =	vst v6  }
0x814: {  	v10 =	vld [tilespmem:s5+$0xFFFFFE30];
	_ =	sdelay $0x4  }
0x815: {  	[tilespmem:$0x1EAC0] =	vst v10  }
0x816: {  	v25 =	vadd.f32 v14, v13;
	v14 =	vand.u32 $0x7FFFFFFF, v24;
	v24 =	vadd.f32 $1.000000010e-07, v8;
	v8 =	vld [tilespmem:s5+$0xFFFFFE70];
	_ =	sdelay $0x4  }
0x817: {  	v1 =	vand.u32 $0x7FFFFFFF, v42;
	v11 =	vand.u32 $0x7FFFFFFF, v17;
	[tilespmem:$0x1EB00] =	vst v8  }
0x818: {  	v17 =	vadd.f32 v11, v1;
	v11 =	vld [tilespmem:s5+$0xFFFFFEB0];
	_ =	sdelay $0x4  }
0x819: {  	[tilespmem:$0x1EB40] =	vst v11  }
0x81a: {  	v63 =	vand.u32 $0x7FFFFFFF, v5;
	v5 =	vld [tilespmem:s5+$0xFFFFFEF0];
	_ =	sdelay $0x3  }
0x81b: {  	v13 =	vand.u32 $0x7FFFFFFF, v28  }
0x81c: {  	v28 =	vadd.f32 v14, v13;
	v13 =	vand.u32 $0x7FFFFFFF, v52;
	v14 =	vand.u32 $0x7FFFFFFF, v34;
	[tilespmem:$0x1EB80] =	vst v5  }
0x81d: {  	v34 =	vadd.f32 v14, v13;
	v14 =	vand.u32 $0x7FFFFFFF, v4;
	v4 =	vld [tilespmem:s5+$0xFFFFFF30];
	_ =	sdelay $0x4  }
0x81e: {  	v1 =	vld [tilespmem:$0x1E880];
	(erf) = vrcp.f32 v24;
	v13 =	vand.u32 $0x7FFFFFFF, v39;
	v24 =	vand.u32 $0x7FFFFFFF, v37;
	[tilespmem:$0x1EBC0] =	vst v4  }
0x81f: {  	v42 =	vadd.f32 v24, v14;
	v24 =	vand.u32 $0x7FFFFFFF, v33;
	v33 =	vand.u32 $0x7FFFFFFF, v3;
	v3 =	vld [tilespmem:s5+$0xFFFFFF70]  }
0x820: {  	v13 =	vadd.f32 v13, v63;
	v14 =	vand.u32 $0x7FFFFFFF, v35  }
0x821: {  	v52 =	vand.u32 $0x7FFFFFFF, v27;
	v24 =	vadd.f32 v24, v14;
	v14 =	vand.u32 $0x7FFFFFFF, v21  }
0x822: {  	v37 =	vadd.f32 v33, v52;
	v33 =	vadd.f32 v14, v13;
	v13 =	vand.u32 $0x7FFFFFFF, v20  }
0x823: {  	v14 =	vand.u32 $0x7FFFFFFF, v18;
	v18 =	vadd.f32 v13, v1;
	v1 =	vld [tilespmem:$0x1E890]  }
0x824: {  	[tilespmem:$0x1EC00] =	vst v3  }
0x825: {  	v27 =	vld [tilespmem:s5+$0xFFFFFFB0];
	_ =	sdelay $0x2  }
0x826: {  	v21 =	vadd.f32 v14, v1;
	v1 =	vld [tilespmem:$0x1E8A0];
	_ =	sdelay $0x1  }
0x827: {  	[tilespmem:$0x1EC40] =	vst v27  }
0x828: {  	v63 =	vld [tilespmem:s5+$0xFFFFFC40]  }
0x829: {  	v14 =	vand.u32 $0x7FFFFFFF, v29;
	v52 =	vld [tilespmem:s5+$0xFFFFFC80];
	[tilespmem:$0x1E8F0] =	vst v39  }
0x82a: {  	v14 =	vadd.f32 v14, v1;
	v1 =	vand.u32 $0x7FFFFFFF, v2;
	v35 =	vld [tilespmem:s5+$0xFFFFFD00]  }
0x82b: {  	v38 =	vadd.f32 v1, v38;
	v1 =	vld [tilespmem:$0x1E8B0];
	_ =	sdelay $0x3  }
0x82c: {  	v2 =	vand.u32 $0x7FFFFFFF, v22;
	v39 =	vld [tilespmem:s5+$0xFFFFFCC0];
	[tilespmem:$0x1E990] =	vst v35  }
0x82d: {  	v29 =	vadd.f32 v2, v1;
	v1 =	vand.u32 $0x7FFFFFFF, v6;
	v6 =	vld [tilespmem:s5+$0xFFFFFD40];
	_ =	sdelay $0x4  }
0x82e: {  	v2 =	vand.u32 $0x7FFFFFFF, v15;
	[tilespmem:$0x1E9D0] =	vst v6  }
0x82f: {  	v23 =	vadd.f32 v2, v23;
	v2 =	vand.u32 $0x7FFFFFFF, v10;
	v10 =	vld [tilespmem:s5+$0xFFFFFD80];
	_ =	sdelay $0x4  }
0x830: {  	[tilespmem:$0x1EA10] =	vst v10  }
0x831: {  	v13 =	vadd.f32 v1, v32;
	v1 =	vand.u32 $0x7FFFFFFF, v11;
	v11 =	vld [tilespmem:s5+$0xFFFFFDC0];
	_ =	sdelay $0x4  }
0x832: {  	v15 =	vadd.f32 v2, v17;
	v2 =	vand.u32 $0x7FFFFFFF, v8;
	[tilespmem:$0x1EA50] =	vst v11  }
0x833: {  	v17 =	vadd.f32 v2, v25;
	v2 =	vand.u32 $0x7FFFFFFF, v5;
	v5 =	vld [tilespmem:s5+$0xFFFFFE00];
	_ =	sdelay $0x4  }
0x834: {  	[tilespmem:$0x1EA90] =	vst v5  }
0x835: {  	v32 =	vadd.f32 v2, v34;
	v34 =	vld [tilespmem:s5+$0xFFFFFE40];
	_ =	sdelay $0x4  }
0x836: {  	v25 =	vadd.f32 v1, v28;
	v28 =	vand.u32 $0x7FFFFFFF, v4;
	[tilespmem:$0x1EAD0] =	vst v34  }
0x837: {  	v42 =	vadd.f32 v28, v42;
	v28 =	vld [tilespmem:s5+$0xFFFFFE80];
	_ =	sdelay $0x4  }
0x838: {  	[tilespmem:$0x1EB10] =	vst v28  }
0x839: {  	v4 =	vld [tilespmem:s5+$0xFFFFFEC0];
	_ =	sdelay $0x4  }
0x83a: {  	[tilespmem:$0x1EB50] =	vst v4  }
0x83b: {  	v1 =	vand.u32 $0x7FFFFFFF, v3;
	v3 =	vld [tilespmem:s5+$0xFFFFFF00];
	_ =	sdelay $0x3  }
0x83c: {  	v22 =	vadd.f32 v1, v24;
	v1 =	vand.u32 $0x7FFFFFFF, v52  }
0x83d: {  	v1 =	vadd.f32 v1, v18;
	v18 =	vand.u32 $0x7FFFFFFF, v35;
	[tilespmem:$0x1EB90] =	vst v3  }
0x83e: {  	v8 =	vadd.f32 v18, v14;
	v14 =	vld [tilespmem:s5+$0xFFFFFF40];
	_ =	sdelay $0x4  }
0x83f: {  	[tilespmem:$0x1EBD0] =	vst v14  }
0x840: {  	v24 =	vld [tilespmem:s5+$0xFFFFFF80];
	_ =	sdelay $0x3  }
0x841: {  	v18 =	vand.u32 $0x7FFFFFFF, v6  }
0x842: {  	v6 =	vadd.f32 v18, v38;
	v18 =	vand.u32 $0x7FFFFFFF, v11;
	[tilespmem:$0x1EC10] =	vst v24  }
0x843: {  	v11 =	vadd.f32 v18, v23;
	v23 =	vld [tilespmem:s5+$0xFFFFFFC0];
	_ =	sdelay $0x1  }
0x844: {  	v2 =	vand.u32 $0x7FFFFFFF, v27  }
0x845: {  	v27 =	vadd.f32 v2, v37;
	v2 =	vand.u32 $0x7FFFFFFF, v39  }
0x846: {  	v2 =	vadd.f32 v2, v21;
	v21 =	vand.u32 $0x7FFFFFFF, v10  }
0x847: {  	v10 =	vadd.f32 v21, v29;
	v18 =	vand.u32 $0x7FFFFFFF, v5;
	[tilespmem:$0x1EC50] =	vst v23  }
0x848: {  	v13 =	vadd.f32 v18, v13;
	v21 =	vand.u32 $0x7FFFFFFF, v34;
	v18 =	vand.u32 $0x7FFFFFFF, v28;
	[tilespmem:v43+s0+$0x0] =	vst.idx.msk $0xffff, v61  }
0x849: {  	v15 =	vadd.f32 v21, v15;
	v17 =	vadd.f32 v18, v17;
	v18 =	vand.u32 $0x7FFFFFFF, v4;
	[tilespmem:v40+s0+$0x0] =	vst.idx.msk $0xffff, v60  }
0x84a: {  	v21 =	vand.u32 $0x7FFFFFFF, v3;
	v3 =	vadd.f32 v18, v25;
	v18 =	vand.u32 $0x7FFFFFFF, v14;
	v14 =	vld [tilespmem:$0x1FE30];
	_ =	sdelay $0x1  }
0x84b: {  	v37 =	vand.u32 $0x7FFFFFFF, v63  }
0x84c: {  	v20 =	vadd.f32 v37, v33;
	_ =	sdelay $0x1  }
0x84d: {  	v4 =	vadd.f32 v21, v32;
	v34 =	vand.u32 $0x7FFFFFFF, v24;
	v21 =	vperm.xlane v20, v14  }
0x84e: {  	v5 =	vadd.f32 v34, v22;
	v22 =	vmov v14  }
0x84f: {  	v20 =	vadd.f32 v20, v21;
	v21 =	vperm.xlane v2, v22;
	_ =	sdelay $0x1  }
0x850: {  	v2 =	vadd.f32 v2, v21;
	v21 =	vperm.xlane v10, v22  }
0x851: {  	v38 =	vand.u32 $0x7FFFFFFF, v23;
	[tilespmem:v62+s0+$0x0] =	vst.idx.msk $0xffff, v36;
	v35 =	vperm.xlane v1, v14  }
0x852: {  	v60 =	vperm.xlane v8, v22;
	v10 =	vadd.f32 v10, v21;
	v21 =	vperm.xlane v15, v22  }
0x853: {  	v29 =	vld [tilespmem:$0x1FFF0];
	v14 =	vadd.f32 v38, v27;
	v61 =	vperm.xlane v6, v22;
	v62 =	vperm.xlane v11, v22  }
0x854: {  	v32 =	vperm.xlane v13, v22;
	v15 =	vadd.f32 v15, v21;
	v21 =	vperm.xlane v4, v22  }
0x855: {  	v18 =	vadd.f32 v18, v42;
	v33 =	vperm.xlane v17, v22;
	v34 =	vperm.xlane v3, v22  }
0x856: {  	v43 =	vperm.xlane v5, v22;
	v4 =	vadd.f32 v4, v21;
	v21 =	vperm.xlane v14, v22  }
0x857: {  	v1 =	vadd.f32 v1, v35;
	v35 =	vperm.xlane v18, v22;
	v11 =	vadd.f32 v11, v62  }
0x858: {  	v8 =	vadd.f32 v8, v60;
	v14 =	vadd.f32 v14, v21;
	v21 =	vperm.xlane v2, v29  }
0x859: {  	v6 =	vadd.f32 v6, v61;
	v17 =	vadd.f32 v17, v33;
	v33 =	vperm.xlane v11, v29  }
0x85a: {  	v13 =	vadd.f32 v13, v32;
	v2 =	vadd.f32 v2, v21;
	v21 =	vperm.xlane v10, v29  }
0x85b: {  	v3 =	vadd.f32 v3, v34;
	v11 =	vadd.f32 v11, v33;
	v33 =	vld [tilespmem:$0x1FFE0];
	[tilespmem:v47+s0+$0x0] =	vst.idx.msk $0xffff, v16  }
0x85c: {  	v16 =	vld [tilespmem:$0x1E8C0];
	[tilespmem:v44+s0+$0x0] =	vst.idx.msk $0xffff, v57;
	v10 =	vadd.f32 v10, v21;
	v21 =	vperm.xlane v15, v29  }
0x85d: {  	v5 =	vadd.f32 v5, v43;
	v18 =	vadd.f32 v18, v35;
	v34 =	vperm.xlane v13, v29;
	v57 =	vld [tilespmem:$0x1FDE0]  }
0x85e: {  	v60 =	vperm.xlane v20, v29;
	v47 =	vld [tilespmem:$0x1FDF0];
	v15 =	vadd.f32 v15, v21;
	v21 =	vperm.xlane v4, v29  }
0x85f: {  	v62 =	vperm.xlane v8, v29;
	v32 =	vperm.xlane v6, v29;
	v13 =	vadd.f32 v13, v34  }
0x860: {  	v35 =	vperm.xlane v17, v29;
	v4 =	vadd.f32 v4, v21;
	v21 =	vperm.xlane v14, v29  }
0x861: {  	v20 =	vadd.f32 v20, v60;
	vm0 =	vgt.f32 v16, $1.000000000e+00;
	v16 =	vperm.xlane v13, v33  }
0x862: {  	v60 =	vperm.xlane v3, v29;
	v14 =	vadd.f32 v14, v21;
	v21 =	vperm.xlane v2, v33  }
0x863: {  	v25 =	vadd.s32 v57, v55;
	v13 =	vadd.f32 v13, v16;
	v16 =	vadd.s32 v47, v55;
	v55 =	vld [tilespmem:$0x1FE00]  }
0x864: {  	v6 =	vadd.f32 v6, v32;
	v37 =	vld [tilespmem:$0x1FE10];
	v2 =	vadd.f32 v2, v21;
	v21 =	vperm.xlane v10, v33  }
0x865: {  	v8 =	vadd.f32 v8, v62;
	v62 =	vperm.xlane v5, v29;
	v3 =	vadd.f32 v3, v60  }
0x866: {  	v60 =	vperm.xlane v6, v33;
	v10 =	vadd.f32 v10, v21;
	v21 =	vbroadcast v49, $0x0  }
0x867: {  	v5 =	vadd.f32 v5, v62;
	v62 =	vperm.xlane v15, v33  }
0x868: {  	v17 =	vadd.f32 v17, v35;
	v6 =	vadd.f32 v6, v60;
	v60 =	vadd.s32 v55, v21  }
0x869: {  	v35 =	vperm.xlane v8, v33;
	v15 =	vadd.f32 v15, v62;
	v62 =	vadd.s32 v37, v21;
	_ =	sdelay $0x1  }
0x86a: {  	v61 =	vperm.xlane v1, v29;
	v8 =	vadd.f32 v8, v35;
	v35 =	vld [tilespmem:$0x1FFA0];
	[tilespmem:v25+s0+$0x0] =	vst.idx.msk $0xffff, v56  }
0x86b: {  	[tilespmem:v16+s0+$0x0] =	vst.idx.msk $0xffff, v9  }
0x86c: {  	v1 =	vadd.f32 v1, v61;
	v61 =	vperm.xlane v18, v29;
	v42 =	vld [tilespmem:$0x1FDB0];
	[tilespmem:v60+s0+$0x0] =	vst.idx.msk $0xffff, v53  }
0x86d: {  	v53 =	vld [tilespmem:$0x1FED0];
	[tilespmem:v62+s0+$0x0] =	vst.idx.msk $0xffff, v7  }
0x86e: {  	v18 =	vadd.f32 v18, v61;
	v24 =	vld [tilespmem:$0x1FEA0]  }
0x86f: {  	s22 =	sadd.s32 $0xF, s28  }
0x870: {  	v38 =	vperm.xlane v18, v33;
	v25 =	vmov s22;
	v43 =	vld [tilespmem:$0x1FEB0]  }
0x871: {  	v9 =	vshrl.u32 v25, $0x3  }
0x872: {  	v16 =	vadd.f32 v18, v38;
	v18 =	vpop (erf);
	v9 =	vshll.u32 v9, v53  }
0x873: {  	v7 =	vbroadcast v9, $0x0;
	v9 =	vnsel vm0, $0x3F800000, v18;
	v18 =	vadd.s32 v24, v21;
	_ =	sdelay $0x1  }
0x874: {  	v32 =	vperm.xlane v20, v33;
	v21 =	vadd.s32 v43, v21  }
0x875: {  	v34 =	vperm.xlane v1, v33  }
0x876: {  	v20 =	vadd.f32 v20, v32;
	v25 =	vperm.xlane v5, v33;
	v60 =	vperm.xlane v2, v35  }
0x877: {  	v61 =	vperm.xlane v11, v33;
	v1 =	vadd.f32 v1, v34;
	[tilespmem:v18+s0+$0x0] =	vst.idx.msk $0xffff, v31  }
0x878: {  	v5 =	vadd.f32 v5, v25;
	v49 =	vperm.xlane v20, v35;
	v2 =	vadd.f32 v2, v60;
	v18 =	vld [tilespmem:$0x1E8D0]  }
0x879: {  	v25 =	vmul.f32 v9, v58;
	v58 =	vperm.xlane v14, v33;
	v60 =	vld [tilespmem:$0x1FE40];
	[tilespmem:v21+s0+$0x0] =	vst.idx.msk $0xffff, v0  }
0x87a: {  	v56 =	vperm.xlane v1, v35;
	v27 =	vmul.f32 v9, v45;
	v45 =	vld [tilespmem:$0x1FE20]  }
0x87b: {  	v20 =	vadd.f32 v20, v49;
	v62 =	vperm.xlane v6, v35;
	v14 =	vadd.f32 v14, v58;
	v58 =	vld [tilespmem:$0x1FDC0]  }
0x87c: {  	v11 =	vadd.f32 v11, v61;
	v1 =	vadd.f32 v1, v56  }
0x87d: {  	v49 =	vadd.f32 $1.000000010e-07, v20;
	v36 =	vadd.f32 v6, v62;
	v26 =	vmul.f32 v9, v26  }
0x87e: {  	v9 =	vmul.f32 v9, v18;
	v18 =	vadd.f32 $1.000000010e-07, v1;
	v6 =	vadd.s32 v60, v7  }
0x87f: {  	v61 =	vperm.xlane v17, v33;
	(erf) = vrcp.f32 v49;
	v0 =	vadd.s32 v45, v7  }
0x880: {  	v32 =	vperm.xlane v3, v33;
	(erf) = vrcp.f32 v18;
	v18 =	vadd.s32 v58, v7  }
0x881: {  	v17 =	vadd.f32 v17, v61;
	v61 =	vperm.xlane v8, v35;
	v34 =	vperm.xlane v4, v33  }
0x882: {  	v3 =	vadd.f32 v3, v32;
	v49 =	vld [tilespmem:$0x1FDD0]  }
0x883: {  	v32 =	vadd.f32 v8, v61;
	v4 =	vadd.f32 v4, v34;
	v44 =	vld [tilespmem:$0x1FFD0];
	[tilespmem:v6+s0+$0x0] =	vst.idx.msk $0xffff, v25  }
0x884: {  	v34 =	vperm.xlane v15, v35;
	v8 =	vperm.xlane v10, v35;
	[tilespmem:v0+s0+$0x0] =	vst.idx.msk $0xffff, v26  }
0x885: {  	v61 =	vld [tilespmem:$0x1FEC0];
	[tilespmem:v18+s0+$0x0] =	vst.idx.msk $0xffff, v27  }
0x886: {  	v40 =	vadd.f32 v10, v8;
	v8 =	vadd.f32 v15, v34;
	v15 =	vld [tilespmem:$0x1E8E0]  }
0x887: {  	v7 =	vadd.s32 v49, v7  }
0x888: {  	v10 =	vadd.s32 v44, v30  }
0x889: {  	vm5 =	vgt.f32 v20, $1.000000000e+00;
	v6 =	vpop (erf)  }
0x88a: {  	v0 =	vnsel vm5, $0x3F800000, v6  }
0x88b: {  	v15 =	vmul.f32 v0, v15  }
0x88c: {  	v18 =	vperm.xlane v3, v35;
	[tilespmem:v7+s0+$0x0] =	vst.idx.msk $0xffff, v9  }
0x88d: {  	v34 =	vld [tilespmem:$0x1FFC0];
	[tilespmem:v10+s0+$0x0] =	vst.idx.msk $0xffff, v15  }
0x88e: {  	v9 =	vadd.f32 v3, v18;
	v3 =	vld [tilespmem:$0x1E8F0];
	_ =	sdelay $0x1  }
0x88f: {  	v6 =	vadd.s32 v61, v30;
	_ =	sdelay $0x2  }
0x890: {  	v3 =	vmul.f32 v0, v3  }
0x891: {  	v27 =	vld [tilespmem:$0x1FFB0]  }
0x892: {  	v21 =	vperm.xlane v13, v35;
	[tilespmem:v6+s0+$0x0] =	vst.idx.msk $0xffff, v3  }
0x893: {  	v20 =	vperm.xlane v11, v35;
	v6 =	vld [tilespmem:$0x1E900]  }
0x894: {  	vm2 =	vgt.f32 v1, $1.000000000e+00;
	v1 =	vadd.f32 v13, v21;
	v13 =	vperm.xlane v17, v35  }
0x895: {  	v11 =	vadd.f32 v11, v20;
	v20 =	vadd.f32 $1.000000010e-07, v2;
	v7 =	vadd.s32 v34, v30  }
0x896: {  	vm1 =	vgt.f32 v2, $1.000000000e+00;
	v2 =	vadd.f32 v17, v13;
	v13 =	vadd.s32 v27, v30;
	_ =	sdelay $0x1  }
0x897: {  	v17 =	vmul.f32 v0, v6  }
0x898: {  	vm6 =	vgt.f32 v32, $1.000000000e+00;
	v3 =	vadd.f32 $1.000000010e-07, v32;
	v32 =	vld [tilespmem:$0x1FEE0];
	v0 =	vmul.f32 v0, v63  }
0x899: {  	[tilespmem:v7+s0+$0x0] =	vst.idx.msk $0xffff, v17  }
0x89a: {  	v15 =	vperm.xlane v16, v35;
	v26 =	vld [tilespmem:$0x1FEF0];
	[tilespmem:v13+s0+$0x0] =	vst.idx.msk $0xffff, v0  }
0x89b: {  	v10 =	vperm.xlane v4, v35;
	v0 =	vld [tilespmem:$0x1EC90];
	_ =	sdelay $0x1  }
0x89c: {  	v10 =	vadd.f32 v4, v10;
	v4 =	vadd.s32 v32, v19  }
0x89d: {  	v6 =	vadd.f32 v16, v15;
	v15 =	vpop (erf)  }
0x89e: {  	v15 =	vnsel vm2, $0x3F800000, v15  }
0x89f: {  	(erf) = vrcp.f32 v20;
	v0 =	vmul.f32 v15, v0  }
0x8a0: {  	(erf) = vrcp.f32 v3;
	v38 =	vld [tilespmem:$0x1FF00]  }
0x8a1: {  	v3 =	vperm.xlane v5, v35;
	v17 =	vperm.xlane v14, v35;
	v56 =	vld [tilespmem:$0x1FF10];
	[tilespmem:v4+s0+$0x0] =	vst.idx.msk $0xffff, v0  }
0x8a2: {  	v0 =	vld [tilespmem:$0x1E910]  }
0x8a3: {  	v7 =	vadd.f32 v5, v3;
	v3 =	vadd.f32 v14, v17;
	v14 =	vld [tilespmem:$0x1E920]  }
0x8a4: {  	v16 =	vadd.s32 v26, v19  }
0x8a5: {  	v13 =	vadd.s32 v38, v19;
	_ =	sdelay $0x1  }
0x8a6: {  	v0 =	vmul.f32 v15, v0  }
0x8a7: {  	v14 =	vmul.f32 v15, v14  }
0x8a8: {  	v15 =	vmul.f32 v15, v52;
	v52 =	vld [tilespmem:$0x1FF20];
	[tilespmem:v16+s0+$0x0] =	vst.idx.msk $0xffff, v0  }
0x8a9: {  	v18 =	vadd.f32 $1.000000010e-07, v36;
	v62 =	vld [tilespmem:$0x1FF30];
	[tilespmem:v13+s0+$0x0] =	vst.idx.msk $0xffff, v14  }
0x8aa: {  	v14 =	vld [tilespmem:$0x1E930]  }
0x8ab: {  	v5 =	vadd.s32 v56, v19  }
0x8ac: {  	v4 =	vadd.s32 v42, v54  }
0x8ad: {  	(erf) = vrcp.f32 v18;
	v18 =	vpop (erf)  }
0x8ae: {  	v0 =	vnsel vm1, $0x3F800000, v18  }
0x8af: {  	v14 =	vmul.f32 v0, v14  }
0x8b0: {  	v63 =	vld [tilespmem:$0x1FF40];
	[tilespmem:v5+s0+$0x0] =	vst.idx.msk $0xffff, v15  }
0x8b1: {  	v5 =	vld [tilespmem:$0x1E940];
	[tilespmem:v4+s0+$0x0] =	vst.idx.msk $0xffff, v14  }
0x8b2: {  	v4 =	vld [tilespmem:$0x1E950]  }
0x8b3: {  	v17 =	vadd.s32 v52, v54  }
0x8b4: {  	v16 =	vadd.s32 v62, v54  }
0x8b5: {  	v13 =	vadd.s32 v63, v54  }
0x8b6: {  	v5 =	vmul.f32 v0, v5  }
0x8b7: {  	v4 =	vmul.f32 v0, v4  }
0x8b8: {  	v54 =	vld [tilespmem:$0x1FF50];
	[tilespmem:v17+s0+$0x0] =	vst.idx.msk $0xffff, v5;
	v0 =	vmul.f32 v0, v39  }
0x8b9: {  	v25 =	vld [tilespmem:$0x1FF60];
	[tilespmem:v16+s0+$0x0] =	vst.idx.msk $0xffff, v4  }
0x8ba: {  	v28 =	vld [tilespmem:$0x1FF70];
	[tilespmem:v13+s0+$0x0] =	vst.idx.msk $0xffff, v0  }
0x8bb: {  	v18 =	vadd.f32 $1.000000010e-07, v40;
	v15 =	vadd.f32 $1.000000010e-07, v1;
	v0 =	vld [tilespmem:$0x1E960]  }
0x8bc: {  	v19 =	vadd.f32 $1.000000010e-07, v11;
	v13 =	vld [tilespmem:$0x1E970]  }
0x8bd: {  	(erf) = vrcp.f32 v18;
	v16 =	vld [tilespmem:$0x1E980]  }
0x8be: {  	(erf) = vrcp.f32 v19;
	v14 =	vadd.s32 v54, v46;
	v17 =	vld [tilespmem:$0x1E990]  }
0x8bf: {  	(erf) = vrcp.f32 v15;
	v15 =	vpop (erf);
	v5 =	vadd.s32 v25, v46;
	v31 =	vld [tilespmem:$0x1FF80]  }
0x8c0: {  	v4 =	vnsel vm6, $0x3F800000, v15;
	v15 =	vadd.s32 v28, v46  }
0x8c1: {  	v0 =	vmul.f32 v4, v0  }
0x8c2: {  	v13 =	vmul.f32 v4, v13  }
0x8c3: {  	v16 =	vmul.f32 v4, v16;
	[tilespmem:v14+s0+$0x0] =	vst.idx.msk $0xffff, v0  }
0x8c4: {  	v4 =	vmul.f32 v4, v17;
	v17 =	vadd.s32 v31, v46;
	v46 =	vld [tilespmem:$0x1FF90];
	[tilespmem:v5+s0+$0x0] =	vst.idx.msk $0xffff, v13  }
0x8c5: {  	v30 =	vld [tilespmem:$0x1FE70];
	[tilespmem:v15+s0+$0x0] =	vst.idx.msk $0xffff, v16  }
0x8c6: {  	v5 =	vbroadcast v48, $0x0;
	v48 =	vld [tilespmem:$0x1FE50]  }
0x8c7: {  	v0 =	vbroadcast v50, $0x0;
	v50 =	vld [tilespmem:$0x1FE80]  }
0x8c8: {  	v21 =	vld [tilespmem:$0x1E9A0]  }
0x8c9: {  	v15 =	vbroadcast v51, $0x0;
	v51 =	vld [tilespmem:$0x1FE60];
	[tilespmem:v17+s0+$0x0] =	vst.idx.msk $0xffff, v4  }
0x8ca: {  	vm9 =	vgt.f32 v11, $1.000000000e+00;
	v11 =	vld [tilespmem:$0x1E9B0]  }
0x8cb: {  	v14 =	vadd.s32 v46, v41  }
0x8cc: {  	vm7 =	vgt.f32 v36, $1.000000000e+00;
	v19 =	vpop (erf);
	v18 =	vadd.s32 v30, v41  }
0x8cd: {  	v16 =	vnsel vm7, $0x3F800000, v19  }
0x8ce: {  	v21 =	vmul.f32 v16, v21  }
0x8cf: {  	v11 =	vmul.f32 v16, v11  }
0x8d0: {  	v13 =	vbroadcast v59, $0x0;
	v59 =	vld [tilespmem:$0x1FE90];
	[tilespmem:v14+s0+$0x0] =	vst.idx.msk $0xffff, v21  }
0x8d1: {  	v21 =	vld [tilespmem:$0x1E9C0];
	[tilespmem:v18+s0+$0x0] =	vst.idx.msk $0xffff, v11  }
0x8d2: {  	v11 =	vld [tilespmem:$0x1E9D0]  }
0x8d3: {  	v19 =	vadd.s32 v48, v41  }
0x8d4: {  	v20 =	vadd.s32 v50, v41;
	_ =	sdelay $0x1  }
0x8d5: {  	v21 =	vmul.f32 v16, v21  }
0x8d6: {  	v11 =	vmul.f32 v16, v11  }
0x8d7: {  	[tilespmem:v19+s0+$0x0] =	vst.idx.msk $0xffff, v21  }
0x8d8: {  	v18 =	vld [tilespmem:$0x1E9E0];
	[tilespmem:v20+s0+$0x0] =	vst.idx.msk $0xffff, v11  }
0x8d9: {  	v19 =	vld [tilespmem:$0x1E9F0]  }
0x8da: {  	v23 =	vadd.s32 v51, v0  }
0x8db: {  	vm8 =	vgt.f32 v40, $1.000000000e+00;
	v17 =	vpop (erf);
	v4 =	vadd.s32 v59, v0  }
0x8dc: {  	v14 =	vnsel vm8, $0x3F800000, v17  }
0x8dd: {  	v18 =	vmul.f32 v14, v18  }
0x8de: {  	v12 =	vbroadcast v12, $0x0;
	v19 =	vmul.f32 v14, v19  }
0x8df: {  	[tilespmem:v23+s0+$0x0] =	vst.idx.msk $0xffff, v18  }
0x8e0: {  	vm10 =	vgt.f32 v1, $1.000000000e+00;
	v1 =	vadd.s32 v55, v12;
	v20 =	vld [tilespmem:$0x1EA00];
	[tilespmem:v4+s0+$0x0] =	vst.idx.msk $0xffff, v19  }
0x8e1: {  	v11 =	vadd.s32 v37, v12;
	v18 =	vadd.s32 v24, v12;
	v4 =	vadd.s32 v43, v12;
	v12 =	vld [tilespmem:$0x1EA10]  }
0x8e2: {  	v17 =	vadd.s32 v57, v0  }
0x8e3: {  	v0 =	vadd.s32 v47, v0;
	_ =	sdelay $0x1  }
0x8e4: {  	v20 =	vmul.f32 v14, v20  }
0x8e5: {  	v16 =	vadd.f32 $1.000000010e-07, v8;
	v12 =	vmul.f32 v14, v12  }
0x8e6: {  	v14 =	vadd.f32 $1.000000010e-07, v2;
	[tilespmem:v17+s0+$0x0] =	vst.idx.msk $0xffff, v20  }
0x8e7: {  	(erf) = vrcp.f32 v16;
	v17 =	vld [tilespmem:$0x1EA20];
	[tilespmem:v0+s0+$0x0] =	vst.idx.msk $0xffff, v12  }
0x8e8: {  	(erf) = vrcp.f32 v14;
	v14 =	vld [tilespmem:$0x1EA30];
	_ =	sdelay $0x1  }
0x8e9: {  	v16 =	vpop (erf)  }
0x8ea: {  	v16 =	vnsel vm9, $0x3F800000, v16  }
0x8eb: {  	v17 =	vmul.f32 v16, v17  }
0x8ec: {  	v14 =	vmul.f32 v16, v14  }
0x8ed: {  	[tilespmem:v1+s0+$0x0] =	vst.idx.msk $0xffff, v17  }
0x8ee: {  	[tilespmem:v11+s0+$0x0] =	vst.idx.msk $0xffff, v14  }
0x8ef: {  	v12 =	vpop (erf);
	v11 =	vld [tilespmem:$0x1EA40]  }
0x8f0: {  	v1 =	vnsel vm10, $0x3F800000, v12;
	v12 =	vld [tilespmem:$0x1EA50];
	_ =	sdelay $0x3  }
0x8f1: {  	v11 =	vmul.f32 v16, v11  }
0x8f2: {  	v12 =	vmul.f32 v16, v12  }
0x8f3: {  	vm11 =	vgt.f32 v9, $1.000000000e+00;
	v9 =	vadd.f32 $1.000000010e-07, v9;
	[tilespmem:v18+s0+$0x0] =	vst.idx.msk $0xffff, v11  }
0x8f4: {  	v11 =	vld [tilespmem:$0x1EA60];
	[tilespmem:v4+s0+$0x0] =	vst.idx.msk $0xffff, v12  }
0x8f5: {  	vm12 =	vgt.f32 v10, $1.000000000e+00;
	(erf) = vrcp.f32 v9;
	v9 =	vadd.f32 $1.000000010e-07, v10;
	v10 =	vld [tilespmem:$0x1EA70]  }
0x8f6: {  	vm4 =	vgt.f32 v8, $1.000000000e+00;
	v8 =	vadd.s32 v60, v5  }
0x8f7: {  	v0 =	vadd.s32 v45, v5;
	_ =	sdelay $0x1  }
0x8f8: {  	v11 =	vmul.f32 v1, v11  }
0x8f9: {  	v10 =	vmul.f32 v1, v10  }
0x8fa: {  	[tilespmem:v8+s0+$0x0] =	vst.idx.msk $0xffff, v11  }
0x8fb: {  	v11 =	vld [tilespmem:$0x1EA80];
	[tilespmem:v0+s0+$0x0] =	vst.idx.msk $0xffff, v10  }
0x8fc: {  	vm13 =	vgt.f32 v6, $1.000000000e+00;
	v0 =	vadd.f32 $1.000000010e-07, v6;
	v6 =	vld [tilespmem:$0x1EA90]  }
0x8fd: {  	vm3 =	vgt.f32 v2, $1.000000000e+00;
	v2 =	vadd.s32 v58, v5  }
0x8fe: {  	v5 =	vadd.s32 v49, v5;
	_ =	sdelay $0x1  }
0x8ff: {  	v11 =	vmul.f32 v1, v11  }
0x900: {  	v1 =	vmul.f32 v1, v6  }
0x901: {  	[tilespmem:v2+s0+$0x0] =	vst.idx.msk $0xffff, v11  }
0x902: {  	v4 =	vpop (erf);
	(erf) = vrcp.f32 v9;
	v9 =	vld [tilespmem:$0x1EAA0];
	[tilespmem:v5+s0+$0x0] =	vst.idx.msk $0xffff, v1  }
0x903: {  	(erf) = vrcp.f32 v0;
	v0 =	vld [tilespmem:$0x1EAB0]  }
0x904: {  	v14 =	vadd.s32 v44, v13  }
0x905: {  	v8 =	vadd.s32 v61, v13  }
0x906: {  	v4 =	vnsel vm4, $0x3F800000, v4  }
0x907: {  	v9 =	vmul.f32 v4, v9  }
0x908: {  	v0 =	vmul.f32 v4, v0  }
0x909: {  	[tilespmem:v14+s0+$0x0] =	vst.idx.msk $0xffff, v9  }
0x90a: {  	v5 =	vpop (erf);
	[tilespmem:v8+s0+$0x0] =	vst.idx.msk $0xffff, v0  }
0x90b: {  	v0 =	vnsel vm3, $0x3F800000, v5;
	v5 =	vld [tilespmem:$0x1EAC0];
	_ =	sdelay $0x1  }
0x90c: {  	v2 =	vadd.s32 v34, v13;
	_ =	sdelay $0x2  }
0x90d: {  	v5 =	vmul.f32 v4, v5;
	_ =	sdelay $0x1  }
0x90e: {  	v8 =	vld [tilespmem:$0x1EAD0];
	[tilespmem:v2+s0+$0x0] =	vst.idx.msk $0xffff, v5  }
0x90f: {  	v5 =	vld [tilespmem:$0x1EAE0]  }
0x910: {  	v1 =	vadd.s32 v27, v13  }
0x911: {  	v9 =	vadd.s32 v32, v15;
	_ =	sdelay $0x1  }
0x912: {  	v4 =	vmul.f32 v4, v8  }
0x913: {  	v5 =	vmul.f32 v0, v5  }
0x914: {  	[tilespmem:v1+s0+$0x0] =	vst.idx.msk $0xffff, v4  }
0x915: {  	v11 =	vld [tilespmem:$0x1EAF0];
	[tilespmem:v9+s0+$0x0] =	vst.idx.msk $0xffff, v5  }
0x916: {  	v9 =	vld [tilespmem:$0x1EB00]  }
0x917: {  	v8 =	vadd.s32 v26, v15  }
0x918: {  	v10 =	vadd.s32 v38, v15  }
0x919: {  	v6 =	vadd.f32 $1.000000010e-07, v7  }
0x91a: {  	s23 =	sadd.s32 $0xA, s28;
	v11 =	vmul.f32 v0, v11  }
0x91b: {  	(erf) = vrcp.f32 v6;
	v6 =	vmov s23;
	v9 =	vmul.f32 v0, v9  }
0x91c: {  	v6 =	vshrl.u32 v6, $0x3;
	[tilespmem:v8+s0+$0x0] =	vst.idx.msk $0xffff, v11  }
0x91d: {  	v6 =	vshll.u32 v6, v53;
	v11 =	vld [tilespmem:$0x1EB10];
	[tilespmem:v10+s0+$0x0] =	vst.idx.msk $0xffff, v9  }
0x91e: {  	v6 =	vbroadcast v6, $0x0;
	v9 =	vld [tilespmem:$0x1EB20]  }
0x91f: {  	v4 =	vadd.s32 v56, v15;
	v10 =	vld [tilespmem:$0x1EB30]  }
0x920: {  	v5 =	vadd.s32 v42, v6  }
0x921: {  	v12 =	vadd.s32 v52, v6;
	v2 =	vpop (erf)  }
0x922: {  	v1 =	vnsel vm11, $0x3F800000, v2;
	v0 =	vmul.f32 v0, v11  }
0x923: {  	v9 =	vmul.f32 v1, v9  }
0x924: {  	[tilespmem:v4+s0+$0x0] =	vst.idx.msk $0xffff, v0;
	v10 =	vmul.f32 v1, v10  }
0x925: {  	[tilespmem:v5+s0+$0x0] =	vst.idx.msk $0xffff, v9  }
0x926: {  	v5 =	vld [tilespmem:$0x1EB40];
	[tilespmem:v12+s0+$0x0] =	vst.idx.msk $0xffff, v10  }
0x927: {  	v10 =	vld [tilespmem:$0x1EB50]  }
0x928: {  	v11 =	vadd.s32 v62, v6  }
0x929: {  	v6 =	vadd.s32 v63, v6  }
0x92a: {  	s22 =	sadd.s32 $0xB, s28  }
0x92b: {  	v2 =	vmov s22;
	v5 =	vmul.f32 v1, v5  }
0x92c: {  	v2 =	vshrl.u32 v2, $0x3;
	v1 =	vmul.f32 v1, v10  }
0x92d: {  	v2 =	vshll.u32 v2, v53;
	[tilespmem:v11+s0+$0x0] =	vst.idx.msk $0xffff, v5  }
0x92e: {  	v2 =	vbroadcast v2, $0x0;
	v5 =	vld [tilespmem:$0x1EB60];
	[tilespmem:v6+s0+$0x0] =	vst.idx.msk $0xffff, v1  }
0x92f: {  	v1 =	vld [tilespmem:$0x1EB70]  }
0x930: {  	v4 =	vadd.s32 v54, v2  }
0x931: {  	v8 =	vpop (erf);
	v9 =	vadd.s32 v25, v2  }
0x932: {  	v8 =	vnsel vm12, $0x3F800000, v8  }
0x933: {  	v5 =	vmul.f32 v8, v5  }
0x934: {  	v1 =	vmul.f32 v8, v1  }
0x935: {  	[tilespmem:v4+s0+$0x0] =	vst.idx.msk $0xffff, v5  }
0x936: {  	v6 =	vpop (erf);
	[tilespmem:v9+s0+$0x0] =	vst.idx.msk $0xffff, v1  }
0x937: {  	v1 =	vnsel vm13, $0x3F800000, v6;
	v6 =	vld [tilespmem:$0x1EB80]  }
0x938: {  	vm14 =	vgt.f32 v7, $1.000000000e+00;
	v7 =	vld [tilespmem:$0x1EB90]  }
0x939: {  	v11 =	vadd.s32 v28, v2  }
0x93a: {  	v2 =	vadd.s32 v31, v2  }
0x93b: {  	s23 =	sadd.s32 $0xC, s28  }
0x93c: {  	v0 =	vmov s23;
	v6 =	vmul.f32 v8, v6  }
0x93d: {  	v0 =	vshrl.u32 v0, $0x3;
	v7 =	vmul.f32 v8, v7  }
0x93e: {  	v0 =	vshll.u32 v0, v53;
	[tilespmem:v11+s0+$0x0] =	vst.idx.msk $0xffff, v6  }
0x93f: {  	v0 =	vbroadcast v0, $0x0;
	v9 =	vld [tilespmem:$0x1EBA0];
	[tilespmem:v2+s0+$0x0] =	vst.idx.msk $0xffff, v7  }
0x940: {  	v7 =	vld [tilespmem:$0x1EBB0]  }
0x941: {  	v5 =	vadd.s32 v46, v0  }
0x942: {  	v8 =	vadd.s32 v30, v0;
	_ =	sdelay $0x1  }
0x943: {  	v9 =	vmul.f32 v1, v9  }
0x944: {  	v7 =	vmul.f32 v1, v7  }
0x945: {  	[tilespmem:v5+s0+$0x0] =	vst.idx.msk $0xffff, v9  }
0x946: {  	v10 =	vadd.f32 $1.000000010e-07, v3;
	v9 =	vld [tilespmem:$0x1EBC0];
	[tilespmem:v8+s0+$0x0] =	vst.idx.msk $0xffff, v7  }
0x947: {  	v7 =	vld [tilespmem:$0x1EBD0]  }
0x948: {  	(erf) = vrcp.f32 v10;
	v10 =	vadd.s32 v48, v0  }
0x949: {  	v0 =	vadd.s32 v50, v0  }
0x94a: {  	s22 =	sadd.s32 $0xD, s28  }
0x94b: {  	v4 =	vmov s22;
	v9 =	vmul.f32 v1, v9  }
0x94c: {  	v4 =	vshrl.u32 v4, $0x3;
	v1 =	vmul.f32 v1, v7  }
0x94d: {  	v4 =	vshll.u32 v4, v53;
	[tilespmem:v10+s0+$0x0] =	vst.idx.msk $0xffff, v9  }
0x94e: {  	v4 =	vbroadcast v4, $0x0;
	v8 =	vld [tilespmem:$0x1EBE0];
	[tilespmem:v0+s0+$0x0] =	vst.idx.msk $0xffff, v1  }
0x94f: {  	v0 =	vld [tilespmem:$0x1EBF0]  }
0x950: {  	v5 =	vadd.s32 v51, v4  }
0x951: {  	v11 =	vadd.s32 v59, v4;
	v6 =	vpop (erf)  }
0x952: {  	v2 =	vnsel vm14, $0x3F800000, v6  }
0x953: {  	v8 =	vmul.f32 v2, v8  }
0x954: {  	v0 =	vmul.f32 v2, v0  }
0x955: {  	[tilespmem:v5+s0+$0x0] =	vst.idx.msk $0xffff, v8  }
0x956: {  	vm15 =	vgt.f32 v3, $1.000000000e+00;
	v3 =	vpop (erf);
	v5 =	vld [tilespmem:$0x1EC00];
	[tilespmem:v11+s0+$0x0] =	vst.idx.msk $0xffff, v0  }
0x957: {  	v0 =	vnsel vm15, $0x3F800000, v3;
	v3 =	vld [tilespmem:$0x1EC10]  }
0x958: {  	v7 =	vadd.s32 v57, v4  }
0x959: {  	v4 =	vadd.s32 v47, v4  }
0x95a: {  	s23 =	sadd.s32 $0xE, s28  }
0x95b: {  	v6 =	vmov s23;
	v5 =	vmul.f32 v2, v5  }
0x95c: {  	v6 =	vshrl.u32 v6, $0x3;
	v2 =	vmul.f32 v2, v3  }
0x95d: {  	v6 =	vshll.u32 v6, v53;
	[tilespmem:v7+s0+$0x0] =	vst.idx.msk $0xffff, v5  }
0x95e: {  	v6 =	vbroadcast v6, $0x0;
	v5 =	vld [tilespmem:$0x1EC20];
	[tilespmem:v4+s0+$0x0] =	vst.idx.msk $0xffff, v2  }
0x95f: {  	v2 =	vld [tilespmem:$0x1EC30]  }
0x960: {  	v1 =	vadd.s32 v55, v6  }
0x961: {  	v8 =	vadd.s32 v37, v6;
	_ =	sdelay $0x1  }
0x962: {  	v5 =	vmul.f32 v0, v5  }
0x963: {  	v2 =	vmul.f32 v0, v2  }
0x964: {  	[tilespmem:v1+s0+$0x0] =	vst.idx.msk $0xffff, v5  }
0x965: {  	v1 =	vld [tilespmem:$0x1EC40];
	[tilespmem:v8+s0+$0x0] =	vst.idx.msk $0xffff, v2  }
0x966: {  	v2 =	vld [tilespmem:$0x1EC50]  }
0x967: {  	v3 =	vadd.s32 v24, v6  }
0x968: {  	v6 =	vadd.s32 v43, v6;
	_ =	sdelay $0x1  }
0x969: {  	v1 =	vmul.f32 v0, v1  }
0x96a: {  	v0 =	vmul.f32 v0, v2  }
0x96b: {  	[tilespmem:v3+s0+$0x0] =	vst.idx.msk $0xffff, v1  }
0x96c: {  	s5 =	sadd.s32 @!p1 $0x180, s26;
	s22 =	simm.s32 @!p1 $0x80;
	s23 =	simm.s32 @!p1 $0x8400;
	[tilespmem:v6+s0+$0x0] =	vst.idx.msk $0xffff, v0  }
0x96d: {  	[tilespmem:s23], [sflag:$0x2] =	stream.indirect.gather @!p1 [hbm4b:s4+s22], $0x40, s5, s22, $0xb8;
	[tilespmem:$0xE800] =	vst v63  }
0x96e: {  	s5 =	sadd.s32 s24, s14  }
0x96f: {  	[hbm4b:s5+s3] =	stream.linear.scatter [tilespmem:s0], [sflag:$0x4], $0x80, $0x38;
	[tilespmem:$0xE800] =	vst v63  }
0x970: {  	s28 =	simm.s32 $0xC688;
	s26 =	sadd.s32 $0x10, s5  }
0x971: {  	[hbm4b:s26+s3] =	stream.linear.scatter [tilespmem:s28], [sflag:$0x4], $0x80, $0x38;
	[tilespmem:$0xE800] =	vst v63  }
0x972: {  	s26 =	sadd.s32 $0x20, s5;
	s28 =	simm.s32 $0xC710  }
0x973: {  	[hbm4b:s26+s3] =	stream.linear.scatter [tilespmem:s28], [sflag:$0x4], $0x80, $0x38;
	[tilespmem:$0xE800] =	vst v63  }
0x974: {  	s26 =	sadd.s32 $0x30, s5;
	s28 =	simm.s32 $0xC798  }
0x975: {  	[hbm4b:s26+s3] =	stream.linear.scatter [tilespmem:s28], [sflag:$0x4], $0x80, $0x38;
	[tilespmem:$0xE800] =	vst v63  }
0x976: {  	s26 =	sadd.s32 $0x40, s5;
	s28 =	simm.s32 $0xC820  }
0x977: {  	[hbm4b:s26+s3] =	stream.linear.scatter [tilespmem:s28], [sflag:$0x4], $0x80, $0x38;
	[tilespmem:$0xE800] =	vst v63  }
0x978: {  	s26 =	sadd.s32 $0x50, s5;
	s28 =	simm.s32 $0xC8A8  }
0x979: {  	[hbm4b:s26+s3] =	stream.linear.scatter [tilespmem:s28], [sflag:$0x4], $0x80, $0x38;
	[tilespmem:$0xE800] =	vst v63  }
0x97a: {  	s23 =	sadd.s32 $0x60, s5;
	s26 =	simm.s32 $0xC930  }
0x97b: {  	[hbm4b:s23+s3] =	stream.linear.scatter [tilespmem:s26], [sflag:$0x4], $0x80, $0x38;
	[tilespmem:$0xE800] =	vst v63  }
0x97c: {  	s5 =	sadd.s32 $0x70, s5;
	s28 =	simm.s32 $0xC9B8  }
0x97d: {  	[hbm4b:s5+s3] =	stream.linear.scatter [tilespmem:s28], [sflag:$0x4], $0x80, $0x38;
	[tilespmem:$0xE800] =	vst v63  }
0x97e: {  	s23 =	simm.s32 $0xCA40;
	s5 =	sadd.s32 s24, s15  }
0x97f: {  	[hbm4b:s5+s3] =	stream.linear.scatter [tilespmem:s23], [sflag:$0x4], $0x80, $0x38;
	[tilespmem:$0xE800] =	vst v63  }
0x980: {  	s28 =	simm.s32 $0xCAC8;
	s26 =	sadd.s32 $0x10, s5  }
0x981: {  	[hbm4b:s26+s3] =	stream.linear.scatter [tilespmem:s28], [sflag:$0x4], $0x80, $0x38;
	[tilespmem:$0xE800] =	vst v63  }
0x982: {  	s26 =	sadd.s32 $0x20, s5;
	s28 =	simm.s32 $0xCB50  }
0x983: {  	[hbm4b:s26+s3] =	stream.linear.scatter [tilespmem:s28], [sflag:$0x4], $0x80, $0x38;
	[tilespmem:$0xE800] =	vst v63  }
0x984: {  	s26 =	sadd.s32 $0x30, s5;
	s28 =	simm.s32 $0xCBD8  }
0x985: {  	[hbm4b:s26+s3] =	stream.linear.scatter [tilespmem:s28], [sflag:$0x4], $0x80, $0x38;
	[tilespmem:$0xE800] =	vst v63  }
0x986: {  	s26 =	sadd.s32 $0x40, s5;
	s28 =	simm.s32 $0xCC60  }
0x987: {  	[hbm4b:s26+s3] =	stream.linear.scatter [tilespmem:s28], [sflag:$0x4], $0x80, $0x38;
	[tilespmem:$0xE800] =	vst v63  }
0x988: {  	s26 =	sadd.s32 $0x50, s5;
	s28 =	simm.s32 $0xCCE8  }
0x989: {  	[hbm4b:s26+s3] =	stream.linear.scatter [tilespmem:s28], [sflag:$0x4], $0x80, $0x38;
	[tilespmem:$0xE800] =	vst v63  }
0x98a: {  	s23 =	sadd.s32 $0x60, s5;
	s26 =	simm.s32 $0xCD70  }
0x98b: {  	[hbm4b:s23+s3] =	stream.linear.scatter [tilespmem:s26], [sflag:$0x4], $0x80, $0x38;
	[tilespmem:$0xE800] =	vst v63  }
0x98c: {  	s5 =	sadd.s32 $0x70, s5;
	s28 =	simm.s32 $0xCDF8  }
0x98d: {  	[hbm4b:s5+s3] =	stream.linear.scatter [tilespmem:s28], [sflag:$0x4], $0x80, $0x38;
	[tilespmem:$0xE800] =	vst v63  }
0x98e: {  	s23 =	simm.s32 $0xCE80;
	s5 =	sadd.s32 s24, s16  }
0x98f: {  	[hbm4b:s5+s3] =	stream.linear.scatter [tilespmem:s23], [sflag:$0x4], $0x80, $0x38;
	[tilespmem:$0xE800] =	vst v63  }
0x990: {  	s28 =	simm.s32 $0xCF08;
	s26 =	sadd.s32 $0x10, s5  }
0x991: {  	[hbm4b:s26+s3] =	stream.linear.scatter [tilespmem:s28], [sflag:$0x4], $0x80, $0x38;
	[tilespmem:$0xE800] =	vst v63  }
0x992: {  	s26 =	sadd.s32 $0x20, s5;
	s28 =	simm.s32 $0xCF90  }
0x993: {  	[hbm4b:s26+s3] =	stream.linear.scatter [tilespmem:s28], [sflag:$0x4], $0x80, $0x38;
	[tilespmem:$0xE800] =	vst v63  }
0x994: {  	s26 =	sadd.s32 $0x30, s5;
	s28 =	simm.s32 $0xD018  }
0x995: {  	[hbm4b:s26+s3] =	stream.linear.scatter [tilespmem:s28], [sflag:$0x4], $0x80, $0x38;
	[tilespmem:$0xE800] =	vst v63  }
0x996: {  	s26 =	sadd.s32 $0x40, s5;
	s28 =	simm.s32 $0xD0A0  }
0x997: {  	[hbm4b:s26+s3] =	stream.linear.scatter [tilespmem:s28], [sflag:$0x4], $0x80, $0x38;
	[tilespmem:$0xE800] =	vst v63  }
0x998: {  	s26 =	sadd.s32 $0x50, s5;
	s28 =	simm.s32 $0xD128  }
0x999: {  	[hbm4b:s26+s3] =	stream.linear.scatter [tilespmem:s28], [sflag:$0x4], $0x80, $0x38;
	[tilespmem:$0xE800] =	vst v63  }
0x99a: {  	s23 =	sadd.s32 $0x60, s5;
	s26 =	simm.s32 $0xD1B0  }
0x99b: {  	[hbm4b:s23+s3] =	stream.linear.scatter [tilespmem:s26], [sflag:$0x4], $0x80, $0x38;
	[tilespmem:$0xE800] =	vst v63  }
0x99c: {  	s5 =	sadd.s32 $0x70, s5;
	s28 =	simm.s32 $0xD238  }
0x99d: {  	[hbm4b:s5+s3] =	stream.linear.scatter [tilespmem:s28], [sflag:$0x4], $0x80, $0x38;
	[tilespmem:$0xE800] =	vst v63  }
0x99e: {  	s23 =	simm.s32 $0xD2C0;
	s5 =	sadd.s32 s24, s17  }
0x99f: {  	[hbm4b:s5+s3] =	stream.linear.scatter [tilespmem:s23], [sflag:$0x4], $0x80, $0x38;
	[tilespmem:$0xE800] =	vst v63  }
0x9a0: {  	s28 =	simm.s32 $0xD348;
	s26 =	sadd.s32 $0x10, s5  }
0x9a1: {  	[hbm4b:s26+s3] =	stream.linear.scatter [tilespmem:s28], [sflag:$0x4], $0x80, $0x38;
	[tilespmem:$0xE800] =	vst v63  }
0x9a2: {  	s26 =	sadd.s32 $0x20, s5;
	s28 =	simm.s32 $0xD3D0  }
0x9a3: {  	[hbm4b:s26+s3] =	stream.linear.scatter [tilespmem:s28], [sflag:$0x4], $0x80, $0x38;
	[tilespmem:$0xE800] =	vst v63  }
0x9a4: {  	s26 =	sadd.s32 $0x30, s5;
	s28 =	simm.s32 $0xD458  }
0x9a5: {  	[hbm4b:s26+s3] =	stream.linear.scatter [tilespmem:s28], [sflag:$0x4], $0x80, $0x38;
	[tilespmem:$0xE800] =	vst v63  }
0x9a6: {  	s26 =	sadd.s32 $0x40, s5;
	s28 =	simm.s32 $0xD4E0  }
0x9a7: {  	[hbm4b:s26+s3] =	stream.linear.scatter [tilespmem:s28], [sflag:$0x4], $0x80, $0x38;
	[tilespmem:$0xE800] =	vst v63  }
0x9a8: {  	s26 =	sadd.s32 $0x50, s5;
	s28 =	simm.s32 $0xD568  }
0x9a9: {  	[hbm4b:s26+s3] =	stream.linear.scatter [tilespmem:s28], [sflag:$0x4], $0x80, $0x38;
	[tilespmem:$0xE800] =	vst v63  }
0x9aa: {  	s23 =	sadd.s32 $0x60, s5;
	s26 =	simm.s32 $0xD5F0  }
0x9ab: {  	[hbm4b:s23+s3] =	stream.linear.scatter [tilespmem:s26], [sflag:$0x4], $0x80, $0x38;
	[tilespmem:$0xE800] =	vst v63  }
0x9ac: {  	s5 =	sadd.s32 $0x70, s5;
	s28 =	simm.s32 $0xD678  }
0x9ad: {  	[hbm4b:s5+s3] =	stream.linear.scatter [tilespmem:s28], [sflag:$0x4], $0x80, $0x38;
	[tilespmem:$0xE800] =	vst v63  }
0x9ae: {  	s23 =	simm.s32 $0xD700;
	s5 =	sadd.s32 s24, s18  }
0x9af: {  	[hbm4b:s5+s3] =	stream.linear.scatter [tilespmem:s23], [sflag:$0x4], $0x80, $0x38;
	[tilespmem:$0xE800] =	vst v63  }
0x9b0: {  	s28 =	simm.s32 $0xD788;
	s26 =	sadd.s32 $0x10, s5  }
0x9b1: {  	[hbm4b:s26+s3] =	stream.linear.scatter [tilespmem:s28], [sflag:$0x4], $0x80, $0x38;
	[tilespmem:$0xE800] =	vst v63  }
0x9b2: {  	s26 =	sadd.s32 $0x20, s5;
	s28 =	simm.s32 $0xD810  }
0x9b3: {  	[hbm4b:s26+s3] =	stream.linear.scatter [tilespmem:s28], [sflag:$0x4], $0x80, $0x38;
	[tilespmem:$0xE800] =	vst v63  }
0x9b4: {  	s26 =	sadd.s32 $0x30, s5;
	s28 =	simm.s32 $0xD898  }
0x9b5: {  	[hbm4b:s26+s3] =	stream.linear.scatter [tilespmem:s28], [sflag:$0x4], $0x80, $0x38;
	[tilespmem:$0xE800] =	vst v63  }
0x9b6: {  	s26 =	sadd.s32 $0x40, s5;
	s28 =	simm.s32 $0xD920  }
0x9b7: {  	[hbm4b:s26+s3] =	stream.linear.scatter [tilespmem:s28], [sflag:$0x4], $0x80, $0x38;
	[tilespmem:$0xE800] =	vst v63  }
0x9b8: {  	s26 =	sadd.s32 $0x50, s5;
	s28 =	simm.s32 $0xD9A8  }
0x9b9: {  	[hbm4b:s26+s3] =	stream.linear.scatter [tilespmem:s28], [sflag:$0x4], $0x80, $0x38;
	[tilespmem:$0xE800] =	vst v63  }
0x9ba: {  	s23 =	sadd.s32 $0x60, s5;
	s26 =	simm.s32 $0xDA30  }
0x9bb: {  	[hbm4b:s23+s3] =	stream.linear.scatter [tilespmem:s26], [sflag:$0x4], $0x80, $0x38;
	[tilespmem:$0xE800] =	vst v63  }
0x9bc: {  	s5 =	sadd.s32 $0x70, s5;
	s28 =	simm.s32 $0xDAB8  }
0x9bd: {  	[hbm4b:s5+s3] =	stream.linear.scatter [tilespmem:s28], [sflag:$0x4], $0x80, $0x38;
	[tilespmem:$0xE800] =	vst v63  }
0x9be: {  	s23 =	simm.s32 $0xDB40;
	s5 =	sadd.s32 s24, s19  }
0x9bf: {  	[hbm4b:s5+s3] =	stream.linear.scatter [tilespmem:s23], [sflag:$0x4], $0x80, $0x38;
	[tilespmem:$0xE800] =	vst v63  }
0x9c0: {  	s28 =	simm.s32 $0xDBC8;
	s26 =	sadd.s32 $0x10, s5  }
0x9c1: {  	[hbm4b:s26+s3] =	stream.linear.scatter [tilespmem:s28], [sflag:$0x4], $0x80, $0x38;
	[tilespmem:$0xE800] =	vst v63  }
0x9c2: {  	s26 =	sadd.s32 $0x20, s5;
	s28 =	simm.s32 $0xDC50  }
0x9c3: {  	[hbm4b:s26+s3] =	stream.linear.scatter [tilespmem:s28], [sflag:$0x4], $0x80, $0x38;
	[tilespmem:$0xE800] =	vst v63  }
0x9c4: {  	s26 =	sadd.s32 $0x30, s5;
	s28 =	simm.s32 $0xDCD8  }
0x9c5: {  	[hbm4b:s26+s3] =	stream.linear.scatter [tilespmem:s28], [sflag:$0x4], $0x80, $0x38;
	[tilespmem:$0xE800] =	vst v63  }
0x9c6: {  	s26 =	sadd.s32 $0x40, s5;
	s28 =	simm.s32 $0xDD60  }
0x9c7: {  	[hbm4b:s26+s3] =	stream.linear.scatter [tilespmem:s28], [sflag:$0x4], $0x80, $0x38;
	[tilespmem:$0xE800] =	vst v63  }
0x9c8: {  	s26 =	sadd.s32 $0x50, s5;
	s28 =	simm.s32 $0xDDE8  }
0x9c9: {  	[hbm4b:s26+s3] =	stream.linear.scatter [tilespmem:s28], [sflag:$0x4], $0x80, $0x38;
	[tilespmem:$0xE800] =	vst v63  }
0x9ca: {  	s23 =	sadd.s32 $0x60, s5;
	s26 =	simm.s32 $0xDE70  }
0x9cb: {  	[hbm4b:s23+s3] =	stream.linear.scatter [tilespmem:s26], [sflag:$0x4], $0x80, $0x38;
	[tilespmem:$0xE800] =	vst v63  }
0x9cc: {  	s5 =	sadd.s32 $0x70, s5;
	s28 =	simm.s32 $0xDEF8  }
0x9cd: {  	[hbm4b:s5+s3] =	stream.linear.scatter [tilespmem:s28], [sflag:$0x4], $0x80, $0x38;
	[tilespmem:$0xE800] =	vst v63  }
0x9ce: {  	s23 =	simm.s32 $0xDF80;
	s5 =	sadd.s32 s24, s20  }
0x9cf: {  	[hbm4b:s5+s3] =	stream.linear.scatter [tilespmem:s23], [sflag:$0x4], $0x80, $0x38;
	[tilespmem:$0xE800] =	vst v63  }
0x9d0: {  	s28 =	simm.s32 $0xE008;
	s26 =	sadd.s32 $0x10, s5  }
0x9d1: {  	[hbm4b:s26+s3] =	stream.linear.scatter [tilespmem:s28], [sflag:$0x4], $0x80, $0x38;
	[tilespmem:$0xE800] =	vst v63  }
0x9d2: {  	s26 =	sadd.s32 $0x20, s5;
	s28 =	simm.s32 $0xE090  }
0x9d3: {  	[hbm4b:s26+s3] =	stream.linear.scatter [tilespmem:s28], [sflag:$0x4], $0x80, $0x38;
	[tilespmem:$0xE800] =	vst v63  }
0x9d4: {  	s26 =	sadd.s32 $0x30, s5;
	s28 =	simm.s32 $0xE118  }
0x9d5: {  	[hbm4b:s26+s3] =	stream.linear.scatter [tilespmem:s28], [sflag:$0x4], $0x80, $0x38;
	[tilespmem:$0xE800] =	vst v63  }
0x9d6: {  	s26 =	sadd.s32 $0x40, s5;
	s28 =	simm.s32 $0xE1A0  }
0x9d7: {  	[hbm4b:s26+s3] =	stream.linear.scatter [tilespmem:s28], [sflag:$0x4], $0x80, $0x38;
	[tilespmem:$0xE800] =	vst v63  }
0x9d8: {  	s26 =	sadd.s32 $0x50, s5;
	s28 =	simm.s32 $0xE228  }
0x9d9: {  	[hbm4b:s26+s3] =	stream.linear.scatter [tilespmem:s28], [sflag:$0x4], $0x80, $0x38;
	[tilespmem:$0xE800] =	vst v63  }
0x9da: {  	s26 =	sadd.s32 $0x60, s5;
	s28 =	simm.s32 $0xE2B0  }
0x9db: {  	[hbm4b:s26+s3] =	stream.linear.scatter [tilespmem:s28], [sflag:$0x4], $0x80, $0x38;
	[tilespmem:$0xE800] =	vst v63  }
0x9dc: {  	s5 =	sadd.s32 $0x70, s5;
	s26 =	simm.s32 $0xE338  }
0x9dd: {  	[hbm4b:s5+s3] =	stream.linear.scatter [tilespmem:s26], [sflag:$0x4], $0x80, $0x38;
	[tilespmem:$0xE800] =	vst v63  }
0x9de: {  	s28 =	simm.s32 $0xE3C0;
	s5 =	sadd.s32 s24, s21  }
0x9df: {  	[hbm4b:s5+s3] =	stream.linear.scatter [tilespmem:s28], [sflag:$0x4], $0x80, $0x38;
	[tilespmem:$0xE800] =	vst v63  }
0x9e0: {  	s24 =	simm.s32 $0xE448;
	s23 =	sadd.s32 $0x10, s5  }
0x9e1: {  	[hbm4b:s23+s3] =	stream.linear.scatter [tilespmem:s24], [sflag:$0x4], $0x80, $0x38;
	[tilespmem:$0xE800] =	vst v63  }
0x9e2: {  	s26 =	sadd.s32 $0x20, s5;
	s28 =	simm.s32 $0xE4D0  }
0x9e3: {  	[hbm4b:s26+s3] =	stream.linear.scatter [tilespmem:s28], [sflag:$0x4], $0x80, $0x38;
	[tilespmem:$0xE800] =	vst v63  }
0x9e4: {  	s23 =	sadd.s32 $0x30, s5;
	s24 =	simm.s32 $0xE558  }
0x9e5: {  	[hbm4b:s23+s3] =	stream.linear.scatter [tilespmem:s24], [sflag:$0x4], $0x80, $0x38;
	[tilespmem:$0xE800] =	vst v63  }
0x9e6: {  	s1 =	sadd.s32 $0x1, s1;
	s26 =	sadd.s32 $0x40, s5;
	s28 =	simm.s32 $0xE5E0  }
0x9e7: {  	[hbm4b:s26+s3] =	stream.linear.scatter [tilespmem:s28], [sflag:$0x4], $0x80, $0x38;
	[tilespmem:$0xE800] =	vst v63  }
0x9e8: {  	p0 =	sne.s32 s1, $0x64;
	s24 =	sadd.s32 $0x50, s5;
	s26 =	simm.s32 $0xE668  }
0x9e9: {  	[hbm4b:s24+s3] =	stream.linear.scatter [tilespmem:s26], [sflag:$0x4], $0x80, $0x38;
	[tilespmem:$0xE800] =	vst v63  }
.Ltmp2:
0x9ea: {  	_ = 	snop;
	(pc) =	sbr.rel @p0 .LBB2_2-.Ltmp2, $4  }
0x9eb: {  	s28 =	sadd.s32 $0x60, s5  }
0x9ec: {  	v19 =	vmov v62;
	v20 =	vmov v63;
	[hbm4b:s28+s3] =	stream.linear.scatter [tilespmem:s25], [sflag:$0x4], $0x80, $0x38;
	[tilespmem:$0xE800] =	vst v63  }
0x9ed: {  	v16 =	vmovc v56;
	v61 =	vmovc v34;
	v13 =	vmov v26;
	v14 =	vmov v38;
	v11 =	vmov v32;
	s5 =	sadd.s32 $0x70, s5  }
0x9ee: {  	v4 =	vmovc v35;
	v5 =	vmovc v53;
	v2 =	vmov v33;
	v1 =	vmov v29;
	v0 =	vmov v22;
	[hbm4b:s5+s3] =	stream.linear.scatter [tilespmem:s31], [sflag:$0x4], $0x80, $0x38;
	[tilespmem:$0xE800] =	vst v63  }
0x9ef: {  	s1 =	simm.s32 $0x3  }
0x9f0: {  	_ =	swait.ge [sflag:s1], $0x400  }
0x9f1: {  	[sflag:s1] =	ssyncset.done $0x0  }
0x9f2: {  	[sflag:s1] =	ssyncadd.s32 $0xFFFFFC00  }
0x9f3: {  	_ =	swait.ge [sflag:s1], $0x400  }
0x9f4: {  	[sflag:s1] =	ssyncset.done $0x0  }
0x9f5: {  	[sflag:s1] =	ssyncadd.s32 $0xFFFFFC00  }
0x9f6: {  	_ =	swait.ge [sflag:s1], $0x400  }
0x9f7: {  	[sflag:s1] =	ssyncset.done $0x0  }
0x9f8: {  	[sflag:s1] =	ssyncadd.s32 $0xFFFFFC00  }
0x9f9: {  	_ =	swait.ge [sflag:s1], $0x400  }
0x9fa: {  	[sflag:s1] =	ssyncset.done $0x0  }
0x9fb: {  	[sflag:s1] =	ssyncadd.s32 $0xFFFFFC00  }
0x9fc: {  	_ =	swait.ge [sflag:s1], $0x400  }
0x9fd: {  	[sflag:s1] =	ssyncset.done $0x0  }
0x9fe: {  	[sflag:s1] =	ssyncadd.s32 $0xFFFFFC00  }
0x9ff: {  	_ =	swait.ge [sflag:s1], $0x400  }
0xa00: {  	[sflag:s1] =	ssyncset.done $0x0  }
0xa01: {  	[sflag:s1] =	ssyncadd.s32 $0xFFFFFC00  }
0xa02: {  	_ =	swait.ge [sflag:s1], $0x400  }
0xa03: {  	[sflag:s1] =	ssyncset.done $0x0  }
0xa04: {  	[sflag:s1] =	ssyncadd.s32 $0xFFFFFC00  }
0xa05: {  	_ =	swait.ge [sflag:s1], $0x400  }
0xa06: {  	[sflag:s1] =	ssyncset.done $0x0  }
0xa07: {  	s5 =	simm.s32 $0x4;
	[sflag:s1] =	ssyncadd.s32 $0xFFFFFC00  }
0xa08: {  	_ =	swait.ge [sflag:s5], $0x400  }
0xa09: {  	[sflag:s5] =	ssyncset.done $0x0  }
0xa0a: {  	[sflag:s5] =	ssyncadd.s32 $0xFFFFFC00  }
0xa0b: {  	_ =	swait.ge [sflag:s5], $0x400  }
0xa0c: {  	[sflag:s5] =	ssyncset.done $0x0  }
0xa0d: {  	[sflag:s5] =	ssyncadd.s32 $0xFFFFFC00  }
0xa0e: {  	_ =	swait.ge [sflag:s5], $0x400  }
0xa0f: {  	[sflag:s5] =	ssyncset.done $0x0  }
0xa10: {  	[sflag:s5] =	ssyncadd.s32 $0xFFFFFC00  }
0xa11: {  	_ =	swait.ge [sflag:s5], $0x400  }
0xa12: {  	[sflag:s5] =	ssyncset.done $0x0  }
0xa13: {  	[sflag:s5] =	ssyncadd.s32 $0xFFFFFC00  }
0xa14: {  	_ =	swait.ge [sflag:s5], $0x400  }
0xa15: {  	[sflag:s5] =	ssyncset.done $0x0  }
0xa16: {  	[sflag:s5] =	ssyncadd.s32 $0xFFFFFC00  }
0xa17: {  	_ =	swait.ge [sflag:s5], $0x400  }
0xa18: {  	[sflag:s5] =	ssyncset.done $0x0  }
0xa19: {  	[sflag:s5] =	ssyncadd.s32 $0xFFFFFC00  }
0xa1a: {  	_ =	swait.ge [sflag:s5], $0x400  }
0xa1b: {  	[sflag:s5] =	ssyncset.done $0x0  }
0xa1c: {  	[sflag:s5] =	ssyncadd.s32 $0xFFFFFC00  }
0xa1d: {  	_ =	swait.ge [sflag:s5], $0x400  }
0xa1e: {  	s22 =	rddreg [dreg:$0x5]  }
0xa1f: {  	s28 =	rddreg [dreg:$0x4];
	s22 =	sadd.s32 $0x1, s22  }
0xa20: {  	p0 =	sne.s32 s22, s28  }
.Ltmp3:
0xa21: {  	_ = 	snop;
	(pc) =	sbr.rel @p0 .LBB2_1-.Ltmp3, $3  }
0xa22: {  	_ =	sdelay $0x1  }
0xa23: {  	[sflag:s5] =	ssyncset.done $0x0  }
0xa24: {  	[sflag:s5] =	ssyncadd.s32 $0xFFFFFC00  }
0xa25: {  	_ =	sfence.sel $0x180000  }
0xa26: {  	[bflag:$0x0] =	sbarrier.arrive $0xFFFF  }
0xa27: {  	_ =	strace $0x90000047  }
0xa28: {  	s0 =	stileid.u32;
	[bflag:$0x2] =	sbarrier.arrive $0xFFFF  }
0xa29: {  	p0 =	sne.s32 s0, $0x0;
	s0 =	rddreg [dreg:$0x2]  }
0xa2a: {  	s0 =	sadd.s32 @!p0 $0x100000, s0  }
0xa2b: {  	[sflag:s0] =	ssyncadd.tile.s32 @!p0 $0x1;
	_ =	shalt  }
.Lfunc_end2:
_tile_overlayer_lowered:
.L_overlay_start_2:
0xa2c: {  	(tag) =	ssettag $0x2  }
0xa2d: {  	s0 =	rddreg [dreg:$0x0];
	s2 =	stileid.u32  }
0xa2e: {  	s1 =	rddreg [dreg:$0x1];
	p0 =	sne.s32 s2, $0x0  }
0xa2f: {  	s3 =	rddreg [dreg:$0x2];
	[bflag:$0x3] =	sbarrier.arrive $0xFFFF;
	s2 =	simm.s32 @!p0 $0x1C05  }
0xa30: {  	[timem:s3], [sflag:s2] =	dma.local @!p0 [hbm:s0], s1  }
0xa31: {  	s0 =	simm.s32 @!p0 $0x5  }
0xa32: {  	_ =	swait.ge @!p0 [sflag:s0], s1  }
0xa33: {  	s1 =	ssub.s32 @!p0 $0x0, s1;
	[sflag:s0] =	ssyncset.done @!p0 $0x0  }
0xa34: {  	[sflag:s0] =	ssyncadd.s32 @!p0 s1  }
0xa35: {  	[bflag:$0x3] =	sbarrier.arrive $0xFFFF  }
0xa36: {  	_ =	shalt  }

</sc_bundles>
